<compile_context>
chip_gen: v7x
topology: tpu7x:2x2x1
jax: 0.10.2.dev20260603
libtpu: 0.0.44.dev20260713+nightly
codegen_flags: <defaults>
</compile_context>

<pallas_src>
import functools

import jax
import jax.numpy as jnp
from jax import lax
from jax.experimental import pallas as pl
from jax.experimental.pallas import tpu as pltpu
from jax.experimental.pallas import tpu_sc as plsc

N = 10000
E = 320000
D_IN = 512
C = 64
G = 16
P = 50000

NC = 2
NS = 16
NW = NC * NS

ECH = 125
EW = E // NW
NCH = EW // ECH

PPAD = 52000
PCH = PPAD // (NW * ECH)
PW = PPAD // NW

ROWS_S = N // NS

CW = 8

_mesh = plsc.VectorSubcoreMesh(core_axis_name="c", subcore_axis_name="s",
                               num_cores=NC, num_subcores=NS)
_sc_params = pltpu.CompilerParams(use_tc_tiling_on_sc=False)



@functools.partial(
    pl.kernel,
    out_type=jax.ShapeDtypeStruct((NC, N, C), jnp.float32),
    mesh=_mesh,
    compiler_params=_sc_params,
    scratch_types=[
        pltpu.VMEM((NCH + 2, ECH), jnp.int32),
        pltpu.VMEM((NCH, ECH), jnp.int32),
        [pltpu.VMEM((ECH, C), jnp.float32)] * 8,
        pltpu.VMEM_SHARED((N, C), jnp.float32),
        [pltpu.SemaphoreType.DMA] * 8,
        [pltpu.SemaphoreType.DMA] * 8,
    ],
)
def _sc_agg(h_hbm, src_hbm, dst_hbm, zeros_hbm, out_hbm,
            src_v, dst_v, rows, acc, gsem, ssem):
    c = lax.axis_index("c")
    s = lax.axis_index("s")
    wid = c * NS + s
    pltpu.sync_copy(src_hbm.at[wid], src_v)
    pltpu.sync_copy(dst_hbm.at[wid], dst_v)
    pltpu.sync_copy(zeros_hbm.at[pl.ds(s * ROWS_S, ROWS_S)],
                    acc.at[pl.ds(s * ROWS_S, ROWS_S)])
    plsc.subcore_barrier()

    def body(jj, carry):
        j0 = 8 * jj
        for b in range(8):
            pltpu.async_copy(h_hbm.at[src_v.at[j0 + b]], rows[b], gsem[b])
        for b in range(8):
            pltpu.make_async_copy(h_hbm.at[src_v.at[j0 + b]], rows[b],
                                  gsem[b]).wait()
        for b in range(8):
            pltpu.async_copy(rows[b], acc.at[dst_v.at[j0 + b]], ssem[b],
                             add=True)
        for b in range(8):
            pltpu.make_async_copy(rows[b], acc.at[dst_v.at[j0 + b]],
                                  ssem[b]).wait()
        return carry

    lax.fori_loop(0, NCH // 8, body, 0)
    plsc.subcore_barrier()
    pltpu.sync_copy(acc.at[pl.ds(s * ROWS_S, ROWS_S)],
                    out_hbm.at[c, pl.ds(s * ROWS_S, ROWS_S)])


@functools.partial(
    pl.kernel,
    out_type=jax.ShapeDtypeStruct((NC, N, CW), jnp.float32),
    mesh=_mesh,
    compiler_params=_sc_params,
    scratch_types=[
        pltpu.VMEM((NCH, ECH), jnp.int32),
        pltpu.VMEM((ECH, CW), jnp.float32),
        pltpu.VMEM_SHARED((N, CW), jnp.float32),
    ],
)
def _sc_cnt(dst_hbm, ones_hbm, zeros_hbm, out_hbm, dst_v, ones_v, acc):
    c = lax.axis_index("c")
    s = lax.axis_index("s")
    wid = c * NS + s
    pltpu.sync_copy(dst_hbm.at[wid], dst_v)
    pltpu.sync_copy(ones_hbm, ones_v)
    pltpu.sync_copy(zeros_hbm.at[pl.ds(s * ROWS_S, ROWS_S)],
                    acc.at[pl.ds(s * ROWS_S, ROWS_S)])
    plsc.subcore_barrier()

    def body(j, carry):
        pltpu.sync_copy(ones_v, acc.at[dst_v.at[j]], add=True)
        return carry

    lax.fori_loop(0, NCH, body, 0)
    plsc.subcore_barrier()
    pltpu.sync_copy(acc.at[pl.ds(s * ROWS_S, ROWS_S)],
                    out_hbm.at[c, pl.ds(s * ROWS_S, ROWS_S)])


@functools.partial(
    pl.kernel,
    out_type=(jax.ShapeDtypeStruct((PPAD, C), jnp.float32),
              jax.ShapeDtypeStruct((PPAD, C), jnp.float32),
              jax.ShapeDtypeStruct((PPAD, CW), jnp.float32)),
    mesh=_mesh,
    compiler_params=_sc_params,
    scratch_types=[
        pltpu.VMEM((PCH, ECH), jnp.int32),
        pltpu.VMEM((PCH, ECH), jnp.int32),
        pltpu.VMEM((ECH, C), jnp.float32),
        pltpu.VMEM((ECH, C), jnp.float32),
        pltpu.VMEM((ECH, C), jnp.float32),
        pltpu.VMEM((ECH, C), jnp.float32),
        pltpu.VMEM((ECH, CW), jnp.float32),
        pltpu.VMEM((ECH, CW), jnp.float32),
        [pltpu.SemaphoreType.DMA] * 6,
        [pltpu.SemaphoreType.DMA] * 6,
    ],
)
def _sc_pairs(h_hbm, bat_hbm, si_hbm, di_hbm, s_out, d_out, b_out,
              si_v, di_v, s_a, s_b, d_a, d_b, g_a, g_b, gsem, csem):
    c = lax.axis_index("c")
    s = lax.axis_index("s")
    wid = c * NS + s
    base = wid * PW
    pltpu.sync_copy(si_hbm.at[wid], si_v)
    pltpu.sync_copy(di_hbm.at[wid], di_v)

    bufs = ((s_a, d_a, g_a), (s_b, d_b, g_b))

    def fire_gathers(j, pb):
        b3 = bufs[pb]
        pltpu.async_copy(h_hbm.at[si_v.at[j]], b3[0], gsem[3 * pb + 0])
        pltpu.async_copy(h_hbm.at[di_v.at[j]], b3[1], gsem[3 * pb + 1])
        pltpu.async_copy(bat_hbm.at[si_v.at[j]], b3[2], gsem[3 * pb + 2])

    def wait_gathers(j, pb):
        b3 = bufs[pb]
        pltpu.make_async_copy(h_hbm.at[si_v.at[j]], b3[0], gsem[3 * pb + 0]).wait()
        pltpu.make_async_copy(h_hbm.at[di_v.at[j]], b3[1], gsem[3 * pb + 1]).wait()
        pltpu.make_async_copy(bat_hbm.at[si_v.at[j]], b3[2], gsem[3 * pb + 2]).wait()

    def fire_copyouts(j, pb):
        b3 = bufs[pb]
        o = pl.ds(base + j * ECH, ECH)
        pltpu.async_copy(b3[0], s_out.at[o], csem[3 * pb + 0])
        pltpu.async_copy(b3[1], d_out.at[o], csem[3 * pb + 1])
        pltpu.async_copy(b3[2], b_out.at[o], csem[3 * pb + 2])

    def wait_copyouts(j, pb):
        b3 = bufs[pb]
        o = pl.ds(base + j * ECH, ECH)
        pltpu.make_async_copy(b3[0], s_out.at[o], csem[3 * pb + 0]).wait()
        pltpu.make_async_copy(b3[1], d_out.at[o], csem[3 * pb + 1]).wait()
        pltpu.make_async_copy(b3[2], b_out.at[o], csem[3 * pb + 2]).wait()

    fire_gathers(0, 0)

    def body(jj, carry):
        j0 = 2 * jj
        j1 = j0 + 1
        wait_gathers(j0, 0)
        fire_gathers(j1, 1)
        fire_copyouts(j0, 0)
        wait_gathers(j1, 1)
        wait_copyouts(j0, 0)
        fire_gathers(j1 + 1, 0)
        fire_copyouts(j1, 1)
        wait_copyouts(j1, 1)
        return carry

    lax.fori_loop(0, PCH // 2, body, 0)
    wait_gathers(PCH - 1, 0)
    fire_copyouts(PCH - 1, 0)
    wait_copyouts(PCH - 1, 0)



BR_E = 2000
BR_L = 2000
BR_G = 1000
BR_P = 2048


def _emb_body(x_ref, m_ref, t_ref, we_ref, wt_ref, be_ref, o_ref):
    xm = x_ref[...] * m_ref[...]
    y = jnp.dot(xm, we_ref[...], preferred_element_type=jnp.float32)
    y = y + t_ref[...] * wt_ref[...] + be_ref[...]
    o_ref[...] = jax.nn.gelu(y)


def _sage_body(h_ref, agg_ref, cnt_ref, wl_ref, wr_ref, bl_ref, o_ref):
    h = h_ref[...]
    aggs = agg_ref[0] + agg_ref[1]
    cnts = cnt_ref[0, :, 0:1] + cnt_ref[1, :, 0:1]
    mean = aggs / jnp.maximum(cnts, 1.0)
    y = (jnp.dot(mean, wl_ref[...], preferred_element_type=jnp.float32)
         + jnp.dot(h, wr_ref[...], preferred_element_type=jnp.float32)
         + bl_ref[...])
    o_ref[...] = h + jax.nn.gelu(y)


def _sage3_body(h_ref, agg_ref, cnt_ref, wl_ref, wr_ref, bl_ref, b_ref,
                o_ref, ge_ref):
    i = pl.program_id(0)

    @pl.when(i == 0)
    def _():
        ge_ref[...] = jnp.full((G, C), -jnp.inf, jnp.float32)

    h = h_ref[...]
    aggs = agg_ref[0] + agg_ref[1]
    cnts = cnt_ref[0, :, 0:1] + cnt_ref[1, :, 0:1]
    mean = aggs / jnp.maximum(cnts, 1.0)
    y = (jnp.dot(mean, wl_ref[...], preferred_element_type=jnp.float32)
         + jnp.dot(h, wr_ref[...], preferred_element_type=jnp.float32)
         + bl_ref[...])
    hn = h + jax.nn.gelu(y)
    o_ref[...] = hn
    b = b_ref[...]
    rows = [jnp.where(b == g, hn, -jnp.inf).max(axis=0) for g in range(G)]
    ge_ref[...] = jnp.maximum(ge_ref[...], jnp.stack(rows))


def _gmax_body(h_ref, b_ref, o_ref):
    i = pl.program_id(0)

    @pl.when(i == 0)
    def _():
        o_ref[...] = jnp.full((G, C), -jnp.inf, jnp.float32)

    h = h_ref[...]
    b = b_ref[...]
    rows = [jnp.where(b == g, h, -jnp.inf).max(axis=0) for g in range(G)]
    o_ref[...] = jnp.maximum(o_ref[...], jnp.stack(rows))


def _head_body(s_ref, d_ref, b8_ref, ge_ref, w1_ref, b1_ref, w2_ref, b2_ref,
               w3_ref, b3_ref, w4_ref, b4_ref, xyt_ref, pxyt_ref, pyxt_ref):
    f32 = jnp.float32
    bf = jnp.bfloat16
    s = s_ref[...]
    d = d_ref[...]
    bi = b8_ref[:, 0:1].astype(jnp.int32)
    oh = (bi == lax.broadcasted_iota(jnp.int32, (BR_P, G), 1))
    g = jnp.dot(oh.astype(f32), ge_ref[...], preferred_element_type=f32)
    xyt_ref[0:C, :] = s.T
    xyt_ref[C:2 * C, :] = d.T
    xyt_ref[2 * C:3 * C, :] = g.T
    w1 = w1_ref[...].astype(bf)
    wa = w1[0:C]
    wb = w1[C:2 * C]
    wg = w1[2 * C:3 * C]
    sb = s.astype(bf)
    db = d.astype(bf)
    gb = g.astype(bf)
    gg = jnp.dot(gb, wg, preferred_element_type=f32) + b1_ref[...]
    sa = jnp.dot(sb, wa, preferred_element_type=f32)
    sbb = jnp.dot(sb, wb, preferred_element_type=f32)
    da = jnp.dot(db, wa, preferred_element_type=f32)
    dbb = jnp.dot(db, wb, preferred_element_type=f32)
    h1xy = jax.nn.relu(sa + dbb + gg)
    h1yx = jax.nn.relu(da + sbb + gg)
    w2 = w2_ref[...].astype(bf)
    w3 = w3_ref[...].astype(bf)
    w4 = w4_ref[...].astype(bf)

    def tail(h1):
        h2 = jax.nn.relu(jnp.dot(h1.astype(bf), w2, preferred_element_type=f32)
                         + b2_ref[...])
        h3 = jax.nn.relu(jnp.dot(h2.astype(bf), w3, preferred_element_type=f32)
                         + b3_ref[...])
        return jnp.dot(h3.astype(bf), w4, preferred_element_type=f32) + b4_ref[...]

    pxyt_ref[...] = tail(h1xy).T
    pyxt_ref[...] = tail(h1yx).T


def _full(shape):
    return pl.BlockSpec(shape, lambda i: tuple(0 for _ in shape))


def kernel(x, mask, times, edge_index, batch_ids, src_idx, dst_idx,
           W_emb, b_emb, W_time, b_time,
           Wl1, bl1, Wr1, Wl2, bl2, Wr2, Wl3, bl3, Wr3,
           W1, b1, W2, b2, W3, b3, W4, b4):
    f32 = jnp.float32
    i32 = jnp.int32

    src = edge_index[0].astype(i32).reshape(NW, NCH, ECH)
    src = jnp.concatenate([src, jnp.zeros((NW, 2, ECH), i32)], axis=1)
    dst = edge_index[1].astype(i32).reshape(NW, NCH, ECH)
    si = jnp.concatenate([src_idx.astype(i32),
                          jnp.zeros((PPAD - P,), i32)]).reshape(NW, PCH, ECH)
    di = jnp.concatenate([dst_idx.astype(i32),
                          jnp.zeros((PPAD - P,), i32)]).reshape(NW, PCH, ECH)
    batch_f = batch_ids.astype(f32).reshape(N, 1)
    batch8 = jnp.broadcast_to(batch_f, (N, CW))

    zeros64 = jnp.zeros((N, C), f32)
    zeros1 = jnp.zeros((N, CW), f32)
    ones1 = jnp.ones((ECH, CW), f32)

    be = (b_emb + b_time).reshape(1, C)
    wt = W_time.reshape(1, C)

    h = pl.pallas_call(
        _emb_body,
        grid=(N // BR_E,),
        in_specs=[
            pl.BlockSpec((BR_E, D_IN), lambda i: (i, 0)),
            pl.BlockSpec((BR_E, D_IN), lambda i: (i, 0)),
            pl.BlockSpec((BR_E, 1), lambda i: (i, 0)),
            _full((D_IN, C)),
            _full((1, C)),
            _full((1, C)),
        ],
        out_specs=pl.BlockSpec((BR_E, C), lambda i: (i, 0)),
        out_shape=jax.ShapeDtypeStruct((N, C), f32),
    )(x, mask, times, W_emb, wt, be)

    cnt2 = _sc_cnt(dst, ones1, zeros1)

    for wl, bl, wr in ((Wl1, bl1, Wr1), (Wl2, bl2, Wr2)):
        agg2 = _sc_agg(h, src, dst, zeros64)
        h = pl.pallas_call(
            _sage_body,
            grid=(N // BR_L,),
            in_specs=[
                pl.BlockSpec((BR_L, C), lambda i: (i, 0)),
                pl.BlockSpec((NC, BR_L, C), lambda i: (0, i, 0)),
                pl.BlockSpec((NC, BR_L, CW), lambda i: (0, i, 0)),
                _full((C, C)),
                _full((C, C)),
                _full((1, C)),
            ],
            out_specs=pl.BlockSpec((BR_L, C), lambda i: (i, 0)),
            out_shape=jax.ShapeDtypeStruct((N, C), f32),
        )(h, agg2, cnt2, wl, wr, bl.reshape(1, C))

    agg2 = _sc_agg(h, src, dst, zeros64)
    h, ge = pl.pallas_call(
        _sage3_body,
        grid=(N // BR_L,),
        in_specs=[
            pl.BlockSpec((BR_L, C), lambda i: (i, 0)),
            pl.BlockSpec((NC, BR_L, C), lambda i: (0, i, 0)),
            pl.BlockSpec((NC, BR_L, CW), lambda i: (0, i, 0)),
            _full((C, C)),
            _full((C, C)),
            _full((1, C)),
            pl.BlockSpec((BR_L, 1), lambda i: (i, 0)),
        ],
        out_specs=[
            pl.BlockSpec((BR_L, C), lambda i: (i, 0)),
            _full((G, C)),
        ],
        out_shape=[
            jax.ShapeDtypeStruct((N, C), f32),
            jax.ShapeDtypeStruct((G, C), f32),
        ],
    )(h, agg2, cnt2, Wl3, Wr3, bl3.reshape(1, C), batch_f)

    sp, dp, bp = _sc_pairs(h, batch8, si, di)

    xyt, pxyt, pyxt = pl.pallas_call(
        _head_body,
        grid=((P + BR_P - 1) // BR_P,),
        in_specs=[
            pl.BlockSpec((BR_P, C), lambda i: (i, 0)),
            pl.BlockSpec((BR_P, C), lambda i: (i, 0)),
            pl.BlockSpec((BR_P, CW), lambda i: (i, 0)),
            _full((G, C)),
            _full((3 * C, 2 * C)),
            _full((1, 2 * C)),
            _full((2 * C, 2 * C)),
            _full((1, 2 * C)),
            _full((2 * C, 2 * C)),
            _full((1, 2 * C)),
            _full((2 * C, 1)),
            _full((1, 1)),
        ],
        out_specs=[
            pl.BlockSpec((3 * C, BR_P), lambda i: (0, i)),
            pl.BlockSpec((1, BR_P), lambda i: (0, i)),
            pl.BlockSpec((1, BR_P), lambda i: (0, i)),
        ],
        out_shape=[
            jax.ShapeDtypeStruct((3 * C, P), f32),
            jax.ShapeDtypeStruct((1, P), f32),
            jax.ShapeDtypeStruct((1, P), f32),
        ],
    )(sp, dp, bp, ge, W1, b1.reshape(1, 2 * C), W2, b2.reshape(1, 2 * C),
      W3, b3.reshape(1, 2 * C), W4, b4.reshape(1, 1))

    xy = jnp.transpose(xyt)
    pxy = jnp.transpose(pxyt)
    pyx = jnp.transpose(pyxt)
    return (h, (pxy, pyx), xy)

# --- scband reference (transcript-rebuilt; emitter-appended) ---
"""Pipeline reference for scband-gcn-31310311588151 (READ-ONLY COPY).

The authoritative reference and input builder live on the scoring server;
editing this copy changes nothing except your own understanding.
"""

import jax, jax.numpy as jnp
import numpy as np

N = 10000
E = 320000
D_IN = 512
C = 64
G = 16
P = 50000

def _w(key, i, shape):
    return jax.random.normal(jax.random.fold_in(key, i), shape, dtype=jnp.float32) * 0.05

def setup_inputs(seed: int = 0) -> dict:
    key = jax.random.key(seed)
    inp = {}
    inp['x'] = jax.random.normal(jax.random.fold_in(key, 0), (N, D_IN), dtype=jnp.float32)
    inp['mask'] = jax.random.uniform(jax.random.fold_in(key, 1), (N, D_IN), dtype=jnp.float32)
    inp['times'] = jax.random.normal(jax.random.fold_in(key, 2), (N, 1), dtype=jnp.float32)
    inp['edge_index'] = jax.random.randint(jax.random.fold_in(key, 3), (2, E), 0, N, dtype=jnp.int64)
    inp['batch_ids'] = jnp.sort(jax.random.randint(jax.random.fold_in(key, 4), (N,), 0, G, dtype=jnp.int64))
    inp['src_idx'] = jax.random.randint(jax.random.fold_in(key, 5), (P,), 0, N, dtype=jnp.int64)
    inp['dst_idx'] = jax.random.randint(jax.random.fold_in(key, 6), (P,), 0, N, dtype=jnp.int64)
    # embedder params
    inp['W_emb'] = _w(key, 10, (D_IN, C)); inp['b_emb'] = jnp.zeros((C,), jnp.float32)
    inp['W_time'] = _w(key, 11, (1, C)); inp['b_time'] = jnp.zeros((C,), jnp.float32)
    # 3 SAGEConv layers (lin_l on aggregated, lin_r on self)
    for li in range(3):
        inp[f'Wl{li+1}'] = _w(key, 20 + 3 * li, (C, C))
        inp[f'bl{li+1}'] = jnp.zeros((C,), jnp.float32)
        inp[f'Wr{li+1}'] = _w(key, 21 + 3 * li, (C, C))
    # prediction head: MLP(3C, 2C, 2C) -> ReLU -> MLP(2C, 1, 2C)
    inp['W1'] = _w(key, 30, (3 * C, 2 * C)); inp['b1'] = jnp.zeros((2 * C,), jnp.float32)
    inp['W2'] = _w(key, 31, (2 * C, 2 * C)); inp['b2'] = jnp.zeros((2 * C,), jnp.float32)
    inp['W3'] = _w(key, 32, (2 * C, 2 * C)); inp['b3'] = jnp.zeros((2 * C,), jnp.float32)
    inp['W4'] = _w(key, 33, (2 * C, 1)); inp['b4'] = jnp.zeros((1,), jnp.float32)
    return inp

def _sage_resnet(h, src, dst, Wl, bl, Wr):
    msg = h[src]
    agg = jax.ops.segment_sum(msg, dst, num_segments=N)
    cnt = jax.ops.segment_sum(jnp.ones((src.shape[0],), jnp.float32), dst, num_segments=N)
    mean = agg / jnp.clip(cnt, 1.0)[:, None]
    y = mean @ Wl + bl + h @ Wr
    return h + jax.nn.gelu(y)

def _head(q, W1, b1, W2, b2, W3, b3, W4, b4):
    h = jax.nn.relu(q @ W1 + b1)
    h = h @ W2 + b2
    h = jax.nn.relu(h)
    h = jax.nn.relu(h @ W3 + b3)
    return h @ W4 + b4

def reference(x, mask, times, edge_index, batch_ids, src_idx, dst_idx,
              W_emb, b_emb, W_time, b_time,
              Wl1, bl1, Wr1, Wl2, bl2, Wr2, Wl3, bl3, Wr3,
              W1, b1, W2, b2, W3, b3, W4, b4):
    src = edge_index[0]
    dst = edge_index[1]
    # embedder (approximation of TransformerEmbedder: masked linear + time embedding)
    h = (x * mask) @ W_emb + b_emb + times @ W_time + b_time
    h = jax.nn.gelu(h)
    # 3 GCNResnet (SAGEConv + gelu + residual; in==out so no proj)
    h = _sage_resnet(h, src, dst, Wl1, bl1, Wr1)
    h = _sage_resnet(h, src, dst, Wl2, bl2, Wr2)
    h = _sage_resnet(h, src, dst, Wl3, bl3, Wr3)
    node_embeddings = h
    # global max pool per graph, broadcast back to nodes
    graph_emb = jax.ops.segment_max(h, batch_ids, num_segments=G)
    graph_emb_nodes = graph_emb[batch_ids]
    src_emb = node_embeddings[src_idx]
    dst_emb = node_embeddings[dst_idx]
    g = graph_emb_nodes[src_idx]
    xy = jnp.concatenate([src_emb, dst_emb, g], axis=-1)
    yx = jnp.concatenate([dst_emb, src_emb, g], axis=-1)
    predxy = _head(xy, W1, b1, W2, b2, W3, b3, W4, b4)
    predyx = _head(yx, W1, b1, W2, b2, W3, b3, W4, b4)
    return (node_embeddings, (predxy, predyx), xy)

if __name__ == "__main__":
    import jax
    _d = setup_inputs()
    print(jax.jit(kernel)(*tuple(_d.values())))

</pallas_src>

<mosaic_0001>
#map = affine_map<(d0, d1) -> (0, 0)>
#map1 = affine_map<(d0, d1) -> (0, 0, 0)>
module attributes {stable_mosaic.version = 14 : i64} {
  func.func @_sc_agg(%arg0: i32, %arg1: i32, %arg2: memref<10000x64xf32, #tpu.memory_space<hbm>>, %arg3: memref<32x82x125xi32, #tpu.memory_space<hbm>>, %arg4: memref<32x80x125xi32, #tpu.memory_space<hbm>>, %arg5: memref<10000x64xf32, #tpu.memory_space<hbm>>, %arg6: memref<2x10000x64xf32, #tpu.memory_space<hbm>>, %arg7: memref<82x125xi32, #tpu.memory_space<vmem>>, %arg8: memref<80x125xi32, #tpu.memory_space<vmem>>, %arg9: memref<125x64xf32, #tpu.memory_space<vmem>>, %arg10: memref<125x64xf32, #tpu.memory_space<vmem>>, %arg11: memref<125x64xf32, #tpu.memory_space<vmem>>, %arg12: memref<125x64xf32, #tpu.memory_space<vmem>>, %arg13: memref<125x64xf32, #tpu.memory_space<vmem>>, %arg14: memref<125x64xf32, #tpu.memory_space<vmem>>, %arg15: memref<125x64xf32, #tpu.memory_space<vmem>>, %arg16: memref<125x64xf32, #tpu.memory_space<vmem>>, %arg17: memref<10000x64xf32, #tpu.memory_space<vmem_shared>>, %arg18: memref<!tpu.dma_semaphore, #tpu.memory_space<semaphore_mem>>, %arg19: memref<!tpu.dma_semaphore, #tpu.memory_space<semaphore_mem>>, %arg20: memref<!tpu.dma_semaphore, #tpu.memory_space<semaphore_mem>>, %arg21: memref<!tpu.dma_semaphore, #tpu.memory_space<semaphore_mem>>, %arg22: memref<!tpu.dma_semaphore, #tpu.memory_space<semaphore_mem>>, %arg23: memref<!tpu.dma_semaphore, #tpu.memory_space<semaphore_mem>>, %arg24: memref<!tpu.dma_semaphore, #tpu.memory_space<semaphore_mem>>, %arg25: memref<!tpu.dma_semaphore, #tpu.memory_space<semaphore_mem>>, %arg26: memref<!tpu.dma_semaphore, #tpu.memory_space<semaphore_mem>>, %arg27: memref<!tpu.dma_semaphore, #tpu.memory_space<semaphore_mem>>, %arg28: memref<!tpu.dma_semaphore, #tpu.memory_space<semaphore_mem>>, %arg29: memref<!tpu.dma_semaphore, #tpu.memory_space<semaphore_mem>>, %arg30: memref<!tpu.dma_semaphore, #tpu.memory_space<semaphore_mem>>, %arg31: memref<!tpu.dma_semaphore, #tpu.memory_space<semaphore_mem>>, %arg32: memref<!tpu.dma_semaphore, #tpu.memory_space<semaphore_mem>>, %arg33: memref<!tpu.dma_semaphore, #tpu.memory_space<semaphore_mem>>) attributes {dimension_semantics = [#tpu.dimension_semantics<core_parallel>, #tpu.dimension_semantics<subcore_parallel>], iteration_bounds = array<i64: 2, 16>, scalar_prefetch = 0 : i64, scratch_operands = 27 : i64, tpu.core_type = #tpu.core_type<sc_vector_subcore>, window_params = [{transform_indices = #map}, {transform_indices = #map1}, {transform_indices = #map1}, {transform_indices = #map}, {transform_indices = #map1}]} {
    %mul3A = arith.constant 16 : i32
    %mul3A_0 = arith.muli %arg0, %mul3A : i32
    %add3A = arith.addi %mul3A_0, %arg1 : i32
    "tpu.region"() ({
      %run_scoped3A = tpu.sem_alloc : memref<!tpu.dma_semaphore, #tpu.memory_space<semaphore_mem>>
      %dma_start3A = arith.constant 0 : i32
      %dma_start3A_15 = arith.constant 0 : i32
      %dma_start3A_16 = tpu.memref_slice %arg3[%add3A, %dma_start3A, %dma_start3A_15] : memref<32x82x125xi32, #tpu.memory_space<hbm>> -> memref<1x82x125xi32, #tpu.memory_space<hbm>>
      %dma_start3A_17 = tpu.memref_squeeze %dma_start3A_16 : memref<1x82x125xi32, #tpu.memory_space<hbm>> -> memref<82x125xi32, #tpu.memory_space<hbm>>
      %dma_start3A_18 = arith.constant 0 : i32
      %dma_start3A_19 = arith.constant 0 : i32
      %dma_start3A_20 = tpu.memref_slice %arg3[%add3A, %dma_start3A_18, %dma_start3A_19] : memref<32x82x125xi32, #tpu.memory_space<hbm>> -> memref<1x82x125xi32, #tpu.memory_space<hbm>>
      %dma_start3A_21 = tpu.memref_squeeze %dma_start3A_20 : memref<1x82x125xi32, #tpu.memory_space<hbm>> -> memref<82x125xi32, #tpu.memory_space<hbm>>
      tpu.enqueue_dma source(%dma_start3A_21 : memref<82x125xi32, #tpu.memory_space<hbm>>) target(%arg7 : memref<82x125xi32, #tpu.memory_space<vmem>>) target_semaphore(%run_scoped3A : memref<!tpu.dma_semaphore, #tpu.memory_space<semaphore_mem>>)
      %dma_wait3A = arith.constant 0 : i32
      %dma_wait3A_22 = arith.constant 0 : i32
      %dma_wait3A_23 = tpu.memref_slice %arg3[%add3A, %dma_wait3A, %dma_wait3A_22] : memref<32x82x125xi32, #tpu.memory_space<hbm>> -> memref<1x82x125xi32, #tpu.memory_space<hbm>>
      %dma_wait3A_24 = tpu.memref_squeeze %dma_wait3A_23 : memref<1x82x125xi32, #tpu.memory_space<hbm>> -> memref<82x125xi32, #tpu.memory_space<hbm>>
      %dma_wait3A_25 = arith.constant 0 : i32
      %dma_wait3A_26 = arith.constant 0 : i32
      %dma_wait3A_27 = tpu.memref_slice %arg3[%add3A, %dma_wait3A_25, %dma_wait3A_26] : memref<32x82x125xi32, #tpu.memory_space<hbm>> -> memref<1x82x125xi32, #tpu.memory_space<hbm>>
      %dma_wait3A_28 = tpu.memref_squeeze %dma_wait3A_27 : memref<1x82x125xi32, #tpu.memory_space<hbm>> -> memref<82x125xi32, #tpu.memory_space<hbm>>
      tpu.wait_dma2 semaphore(%run_scoped3A : memref<!tpu.dma_semaphore, #tpu.memory_space<semaphore_mem>>) src(%dma_wait3A_28 : memref<82x125xi32, #tpu.memory_space<hbm>>) dst(%arg7 : memref<82x125xi32, #tpu.memory_space<vmem>>)
      tpu.yield
    }) : () -> ()
    "tpu.region"() ({
      %run_scoped3A = tpu.sem_alloc : memref<!tpu.dma_semaphore, #tpu.memory_space<semaphore_mem>>
      %dma_start3A = arith.constant 0 : i32
      %dma_start3A_15 = arith.constant 0 : i32
      %dma_start3A_16 = tpu.memref_slice %arg4[%add3A, %dma_start3A, %dma_start3A_15] : memref<32x80x125xi32, #tpu.memory_space<hbm>> -> memref<1x80x125xi32, #tpu.memory_space<hbm>>
      %dma_start3A_17 = tpu.memref_squeeze %dma_start3A_16 : memref<1x80x125xi32, #tpu.memory_space<hbm>> -> memref<80x125xi32, #tpu.memory_space<hbm>>
      %dma_start3A_18 = arith.constant 0 : i32
      %dma_start3A_19 = arith.constant 0 : i32
      %dma_start3A_20 = tpu.memref_slice %arg4[%add3A, %dma_start3A_18, %dma_start3A_19] : memref<32x80x125xi32, #tpu.memory_space<hbm>> -> memref<1x80x125xi32, #tpu.memory_space<hbm>>
      %dma_start3A_21 = tpu.memref_squeeze %dma_start3A_20 : memref<1x80x125xi32, #tpu.memory_space<hbm>> -> memref<80x125xi32, #tpu.memory_space<hbm>>
      tpu.enqueue_dma source(%dma_start3A_21 : memref<80x125xi32, #tpu.memory_space<hbm>>) target(%arg8 : memref<80x125xi32, #tpu.memory_space<vmem>>) target_semaphore(%run_scoped3A : memref<!tpu.dma_semaphore, #tpu.memory_space<semaphore_mem>>)
      %dma_wait3A = arith.constant 0 : i32
      %dma_wait3A_22 = arith.constant 0 : i32
      %dma_wait3A_23 = tpu.memref_slice %arg4[%add3A, %dma_wait3A, %dma_wait3A_22] : memref<32x80x125xi32, #tpu.memory_space<hbm>> -> memref<1x80x125xi32, #tpu.memory_space<hbm>>
      %dma_wait3A_24 = tpu.memref_squeeze %dma_wait3A_23 : memref<1x80x125xi32, #tpu.memory_space<hbm>> -> memref<80x125xi32, #tpu.memory_space<hbm>>
      %dma_wait3A_25 = arith.constant 0 : i32
      %dma_wait3A_26 = arith.constant 0 : i32
      %dma_wait3A_27 = tpu.memref_slice %arg4[%add3A, %dma_wait3A_25, %dma_wait3A_26] : memref<32x80x125xi32, #tpu.memory_space<hbm>> -> memref<1x80x125xi32, #tpu.memory_space<hbm>>
      %dma_wait3A_28 = tpu.memref_squeeze %dma_wait3A_27 : memref<1x80x125xi32, #tpu.memory_space<hbm>> -> memref<80x125xi32, #tpu.memory_space<hbm>>
      tpu.wait_dma2 semaphore(%run_scoped3A : memref<!tpu.dma_semaphore, #tpu.memory_space<semaphore_mem>>) src(%dma_wait3A_28 : memref<80x125xi32, #tpu.memory_space<hbm>>) dst(%arg8 : memref<80x125xi32, #tpu.memory_space<vmem>>)
      tpu.yield
    }) : () -> ()
    %mul3A_1 = arith.constant 625 : i32
    %mul3A_2 = arith.muli %arg1, %mul3A_1 : i32
    %mul3A_3 = arith.constant 625 : i32
    %mul3A_4 = arith.muli %arg1, %mul3A_3 : i32
    "tpu.region"() ({
      %run_scoped3A = tpu.sem_alloc : memref<!tpu.dma_semaphore, #tpu.memory_space<semaphore_mem>>
      %dma_start3A = arith.constant 0 : i32
      %dma_start3A_15 = tpu.memref_slice %arg17[%mul3A_4, %dma_start3A] : memref<10000x64xf32, #tpu.memory_space<vmem_shared>> -> memref<625x64xf32, #tpu.memory_space<vmem_shared>>
      %dma_start3A_16 = arith.constant 0 : i32
      %dma_start3A_17 = tpu.memref_slice %arg5[%mul3A_2, %dma_start3A_16] : memref<10000x64xf32, #tpu.memory_space<hbm>> -> memref<625x64xf32, #tpu.memory_space<hbm>>
      tpu.enqueue_dma source(%dma_start3A_17 : memref<625x64xf32, #tpu.memory_space<hbm>>) target(%dma_start3A_15 : memref<625x64xf32, #tpu.memory_space<vmem_shared>>) target_semaphore(%run_scoped3A : memref<!tpu.dma_semaphore, #tpu.memory_space<semaphore_mem>>)
      %dma_wait3A = arith.constant 0 : i32
      %dma_wait3A_18 = tpu.memref_slice %arg17[%mul3A_4, %dma_wait3A] : memref<10000x64xf32, #tpu.memory_space<vmem_shared>> -> memref<625x64xf32, #tpu.memory_space<vmem_shared>>
      %dma_wait3A_19 = arith.constant 0 : i32
      %dma_wait3A_20 = tpu.memref_slice %arg5[%mul3A_2, %dma_wait3A_19] : memref<10000x64xf32, #tpu.memory_space<hbm>> -> memref<625x64xf32, #tpu.memory_space<hbm>>
      tpu.wait_dma2 semaphore(%run_scoped3A : memref<!tpu.dma_semaphore, #tpu.memory_space<semaphore_mem>>) src(%dma_wait3A_20 : memref<625x64xf32, #tpu.memory_space<hbm>>) dst(%dma_wait3A_18 : memref<625x64xf32, #tpu.memory_space<vmem_shared>>)
      tpu.yield
    }) : () -> ()
    %barrier3A = arith.constant 0 : index
    tpu.barrier barrier_id(%barrier3A)
    %scan3A = arith.constant 0 : i32
    %scan3A_5 = arith.constant 0 : i32
    %scan3A_6 = arith.constant 10 : i32
    %scan3A_7 = arith.addi %scan3A_5, %scan3A_6 : i32
    %scan3A_8 = arith.constant 1 : i32
    scf.for %scan3A_15 = %scan3A_5 to %scan3A_7 step %scan3A_8  : i32 {
      %mul3A_16 = arith.constant 8 : i32
      %mul3A_17 = arith.muli %mul3A_16, %scan3A_15 : i32
      %add3A_18 = arith.constant 0 : i32
      %add3A_19 = arith.addi %mul3A_17, %add3A_18 : i32
      %dma_start3A = arith.constant 0 : i32
      %dma_start3A_20 = tpu.memref_slice %arg7[%add3A_19, %dma_start3A] : memref<82x125xi32, #tpu.memory_space<vmem>> -> memref<1x125xi32, #tpu.memory_space<vmem>>
      %dma_start3A_21 = tpu.memref_squeeze %dma_start3A_20 : memref<1x125xi32, #tpu.memory_space<vmem>> -> memref<125xi32, #tpu.memory_space<vmem>>
      %dma_start3A_22 = arith.constant 0 : i32
      %dma_start3A_23 = arith.constant 0 : i32
      %dma_start3A_24 = tpu.memref_slice %arg2[%dma_start3A_22, %dma_start3A_23] : memref<10000x64xf32, #tpu.memory_space<hbm>> -> memref<10000x64xf32, #tpu.memory_space<hbm>>
      tpu.enqueue_indirect_dma source(%dma_start3A_24 : memref<10000x64xf32, #tpu.memory_space<hbm>>) target(%arg9 : memref<125x64xf32, #tpu.memory_space<vmem>>) offsets(%dma_start3A_21 : memref<125xi32, #tpu.memory_space<vmem>>) semaphore(%arg18 : memref<!tpu.dma_semaphore, #tpu.memory_space<semaphore_mem>>)
      %add3A_25 = arith.constant 1 : i32
      %add3A_26 = arith.addi %mul3A_17, %add3A_25 : i32
      %dma_start3A_27 = arith.constant 0 : i32
      %dma_start3A_28 = tpu.memref_slice %arg7[%add3A_26, %dma_start3A_27] : memref<82x125xi32, #tpu.memory_space<vmem>> -> memref<1x125xi32, #tpu.memory_space<vmem>>
      %dma_start3A_29 = tpu.memref_squeeze %dma_start3A_28 : memref<1x125xi32, #tpu.memory_space<vmem>> -> memref<125xi32, #tpu.memory_space<vmem>>
      %dma_start3A_30 = arith.constant 0 : i32
      %dma_start3A_31 = arith.constant 0 : i32
      %dma_start3A_32 = tpu.memref_slice %arg2[%dma_start3A_30, %dma_start3A_31] : memref<10000x64xf32, #tpu.memory_space<hbm>> -> memref<10000x64xf32, #tpu.memory_space<hbm>>
      tpu.enqueue_indirect_dma source(%dma_start3A_32 : memref<10000x64xf32, #tpu.memory_space<hbm>>) target(%arg10 : memref<125x64xf32, #tpu.memory_space<vmem>>) offsets(%dma_start3A_29 : memref<125xi32, #tpu.memory_space<vmem>>) semaphore(%arg19 : memref<!tpu.dma_semaphore, #tpu.memory_space<semaphore_mem>>)
      %add3A_33 = arith.constant 2 : i32
      %add3A_34 = arith.addi %mul3A_17, %add3A_33 : i32
      %dma_start3A_35 = arith.constant 0 : i32
      %dma_start3A_36 = tpu.memref_slice %arg7[%add3A_34, %dma_start3A_35] : memref<82x125xi32, #tpu.memory_space<vmem>> -> memref<1x125xi32, #tpu.memory_space<vmem>>
      %dma_start3A_37 = tpu.memref_squeeze %dma_start3A_36 : memref<1x125xi32, #tpu.memory_space<vmem>> -> memref<125xi32, #tpu.memory_space<vmem>>
      %dma_start3A_38 = arith.constant 0 : i32
      %dma_start3A_39 = arith.constant 0 : i32
      %dma_start3A_40 = tpu.memref_slice %arg2[%dma_start3A_38, %dma_start3A_39] : memref<10000x64xf32, #tpu.memory_space<hbm>> -> memref<10000x64xf32, #tpu.memory_space<hbm>>
      tpu.enqueue_indirect_dma source(%dma_start3A_40 : memref<10000x64xf32, #tpu.memory_space<hbm>>) target(%arg11 : memref<125x64xf32, #tpu.memory_space<vmem>>) offsets(%dma_start3A_37 : memref<125xi32, #tpu.memory_space<vmem>>) semaphore(%arg20 : memref<!tpu.dma_semaphore, #tpu.memory_space<semaphore_mem>>)
      %add3A_41 = arith.constant 3 : i32
      %add3A_42 = arith.addi %mul3A_17, %add3A_41 : i32
      %dma_start3A_43 = arith.constant 0 : i32
      %dma_start3A_44 = tpu.memref_slice %arg7[%add3A_42, %dma_start3A_43] : memref<82x125xi32, #tpu.memory_space<vmem>> -> memref<1x125xi32, #tpu.memory_space<vmem>>
      %dma_start3A_45 = tpu.memref_squeeze %dma_start3A_44 : memref<1x125xi32, #tpu.memory_space<vmem>> -> memref<125xi32, #tpu.memory_space<vmem>>
      %dma_start3A_46 = arith.constant 0 : i32
      %dma_start3A_47 = arith.constant 0 : i32
      %dma_start3A_48 = tpu.memref_slice %arg2[%dma_start3A_46, %dma_start3A_47] : memref<10000x64xf32, #tpu.memory_space<hbm>> -> memref<10000x64xf32, #tpu.memory_space<hbm>>
      tpu.enqueue_indirect_dma source(%dma_start3A_48 : memref<10000x64xf32, #tpu.memory_space<hbm>>) target(%arg12 : memref<125x64xf32, #tpu.memory_space<vmem>>) offsets(%dma_start3A_45 : memref<125xi32, #tpu.memory_space<vmem>>) semaphore(%arg21 : memref<!tpu.dma_semaphore, #tpu.memory_space<semaphore_mem>>)
      %add3A_49 = arith.constant 4 : i32
      %add3A_50 = arith.addi %mul3A_17, %add3A_49 : i32
      %dma_start3A_51 = arith.constant 0 : i32
      %dma_start3A_52 = tpu.memref_slice %arg7[%add3A_50, %dma_start3A_51] : memref<82x125xi32, #tpu.memory_space<vmem>> -> memref<1x125xi32, #tpu.memory_space<vmem>>
      %dma_start3A_53 = tpu.memref_squeeze %dma_start3A_52 : memref<1x125xi32, #tpu.memory_space<vmem>> -> memref<125xi32, #tpu.memory_space<vmem>>
      %dma_start3A_54 = arith.constant 0 : i32
      %dma_start3A_55 = arith.constant 0 : i32
      %dma_start3A_56 = tpu.memref_slice %arg2[%dma_start3A_54, %dma_start3A_55] : memref<10000x64xf32, #tpu.memory_space<hbm>> -> memref<10000x64xf32, #tpu.memory_space<hbm>>
      tpu.enqueue_indirect_dma source(%dma_start3A_56 : memref<10000x64xf32, #tpu.memory_space<hbm>>) target(%arg13 : memref<125x64xf32, #tpu.memory_space<vmem>>) offsets(%dma_start3A_53 : memref<125xi32, #tpu.memory_space<vmem>>) semaphore(%arg22 : memref<!tpu.dma_semaphore, #tpu.memory_space<semaphore_mem>>)
      %add3A_57 = arith.constant 5 : i32
      %add3A_58 = arith.addi %mul3A_17, %add3A_57 : i32
      %dma_start3A_59 = arith.constant 0 : i32
      %dma_start3A_60 = tpu.memref_slice %arg7[%add3A_58, %dma_start3A_59] : memref<82x125xi32, #tpu.memory_space<vmem>> -> memref<1x125xi32, #tpu.memory_space<vmem>>
      %dma_start3A_61 = tpu.memref_squeeze %dma_start3A_60 : memref<1x125xi32, #tpu.memory_space<vmem>> -> memref<125xi32, #tpu.memory_space<vmem>>
      %dma_start3A_62 = arith.constant 0 : i32
      %dma_start3A_63 = arith.constant 0 : i32
      %dma_start3A_64 = tpu.memref_slice %arg2[%dma_start3A_62, %dma_start3A_63] : memref<10000x64xf32, #tpu.memory_space<hbm>> -> memref<10000x64xf32, #tpu.memory_space<hbm>>
      tpu.enqueue_indirect_dma source(%dma_start3A_64 : memref<10000x64xf32, #tpu.memory_space<hbm>>) target(%arg14 : memref<125x64xf32, #tpu.memory_space<vmem>>) offsets(%dma_start3A_61 : memref<125xi32, #tpu.memory_space<vmem>>) semaphore(%arg23 : memref<!tpu.dma_semaphore, #tpu.memory_space<semaphore_mem>>)
      %add3A_65 = arith.constant 6 : i32
      %add3A_66 = arith.addi %mul3A_17, %add3A_65 : i32
      %dma_start3A_67 = arith.constant 0 : i32
      %dma_start3A_68 = tpu.memref_slice %arg7[%add3A_66, %dma_start3A_67] : memref<82x125xi32, #tpu.memory_space<vmem>> -> memref<1x125xi32, #tpu.memory_space<vmem>>
      %dma_start3A_69 = tpu.memref_squeeze %dma_start3A_68 : memref<1x125xi32, #tpu.memory_space<vmem>> -> memref<125xi32, #tpu.memory_space<vmem>>
      %dma_start3A_70 = arith.constant 0 : i32
      %dma_start3A_71 = arith.constant 0 : i32
      %dma_start3A_72 = tpu.memref_slice %arg2[%dma_start3A_70, %dma_start3A_71] : memref<10000x64xf32, #tpu.memory_space<hbm>> -> memref<10000x64xf32, #tpu.memory_space<hbm>>
      tpu.enqueue_indirect_dma source(%dma_start3A_72 : memref<10000x64xf32, #tpu.memory_space<hbm>>) target(%arg15 : memref<125x64xf32, #tpu.memory_space<vmem>>) offsets(%dma_start3A_69 : memref<125xi32, #tpu.memory_space<vmem>>) semaphore(%arg24 : memref<!tpu.dma_semaphore, #tpu.memory_space<semaphore_mem>>)
      %add3A_73 = arith.constant 7 : i32
      %add3A_74 = arith.addi %mul3A_17, %add3A_73 : i32
      %dma_start3A_75 = arith.constant 0 : i32
      %dma_start3A_76 = tpu.memref_slice %arg7[%add3A_74, %dma_start3A_75] : memref<82x125xi32, #tpu.memory_space<vmem>> -> memref<1x125xi32, #tpu.memory_space<vmem>>
      %dma_start3A_77 = tpu.memref_squeeze %dma_start3A_76 : memref<1x125xi32, #tpu.memory_space<vmem>> -> memref<125xi32, #tpu.memory_space<vmem>>
      %dma_start3A_78 = arith.constant 0 : i32
      %dma_start3A_79 = arith.constant 0 : i32
      %dma_start3A_80 = tpu.memref_slice %arg2[%dma_start3A_78, %dma_start3A_79] : memref<10000x64xf32, #tpu.memory_space<hbm>> -> memref<10000x64xf32, #tpu.memory_space<hbm>>
      tpu.enqueue_indirect_dma source(%dma_start3A_80 : memref<10000x64xf32, #tpu.memory_space<hbm>>) target(%arg16 : memref<125x64xf32, #tpu.memory_space<vmem>>) offsets(%dma_start3A_77 : memref<125xi32, #tpu.memory_space<vmem>>) semaphore(%arg25 : memref<!tpu.dma_semaphore, #tpu.memory_space<semaphore_mem>>)
      %add3A_81 = arith.constant 0 : i32
      %add3A_82 = arith.addi %mul3A_17, %add3A_81 : i32
      %dma_wait3A = arith.constant 0 : i32
      %dma_wait3A_83 = tpu.memref_slice %arg7[%add3A_82, %dma_wait3A] : memref<82x125xi32, #tpu.memory_space<vmem>> -> memref<1x125xi32, #tpu.memory_space<vmem>>
      %dma_wait3A_84 = tpu.memref_squeeze %dma_wait3A_83 : memref<1x125xi32, #tpu.memory_space<vmem>> -> memref<125xi32, #tpu.memory_space<vmem>>
      %dma_wait3A_85 = arith.constant 0 : i32
      %dma_wait3A_86 = arith.constant 0 : i32
      %dma_wait3A_87 = tpu.memref_slice %arg2[%dma_wait3A_85, %dma_wait3A_86] : memref<10000x64xf32, #tpu.memory_space<hbm>> -> memref<10000x64xf32, #tpu.memory_space<hbm>>
      tpu.wait_indirect_dma semaphore(%arg18 : memref<!tpu.dma_semaphore, #tpu.memory_space<semaphore_mem>>) src(%dma_wait3A_87 : memref<10000x64xf32, #tpu.memory_space<hbm>>) dst(%arg9 : memref<125x64xf32, #tpu.memory_space<vmem>>)
      %add3A_88 = arith.constant 1 : i32
      %add3A_89 = arith.addi %mul3A_17, %add3A_88 : i32
      %dma_wait3A_90 = arith.constant 0 : i32
      %dma_wait3A_91 = tpu.memref_slice %arg7[%add3A_89, %dma_wait3A_90] : memref<82x125xi32, #tpu.memory_space<vmem>> -> memref<1x125xi32, #tpu.memory_space<vmem>>
      %dma_wait3A_92 = tpu.memref_squeeze %dma_wait3A_91 : memref<1x125xi32, #tpu.memory_space<vmem>> -> memref<125xi32, #tpu.memory_space<vmem>>
      %dma_wait3A_93 = arith.constant 0 : i32
      %dma_wait3A_94 = arith.constant 0 : i32
      %dma_wait3A_95 = tpu.memref_slice %arg2[%dma_wait3A_93, %dma_wait3A_94] : memref<10000x64xf32, #tpu.memory_space<hbm>> -> memref<10000x64xf32, #tpu.memory_space<hbm>>
      tpu.wait_indirect_dma semaphore(%arg19 : memref<!tpu.dma_semaphore, #tpu.memory_space<semaphore_mem>>) src(%dma_wait3A_95 : memref<10000x64xf32, #tpu.memory_space<hbm>>) dst(%arg10 : memref<125x64xf32, #tpu.memory_space<vmem>>)
      %add3A_96 = arith.constant 2 : i32
      %add3A_97 = arith.addi %mul3A_17, %add3A_96 : i32
      %dma_wait3A_98 = arith.constant 0 : i32
      %dma_wait3A_99 = tpu.memref_slice %arg7[%add3A_97, %dma_wait3A_98] : memref<82x125xi32, #tpu.memory_space<vmem>> -> memref<1x125xi32, #tpu.memory_space<vmem>>
      %dma_wait3A_100 = tpu.memref_squeeze %dma_wait3A_99 : memref<1x125xi32, #tpu.memory_space<vmem>> -> memref<125xi32, #tpu.memory_space<vmem>>
      %dma_wait3A_101 = arith.constant 0 : i32
      %dma_wait3A_102 = arith.constant 0 : i32
      %dma_wait3A_103 = tpu.memref_slice %arg2[%dma_wait3A_101, %dma_wait3A_102] : memref<10000x64xf32, #tpu.memory_space<hbm>> -> memref<10000x64xf32, #tpu.memory_space<hbm>>
      tpu.wait_indirect_dma semaphore(%arg20 : memref<!tpu.dma_semaphore, #tpu.memory_space<semaphore_mem>>) src(%dma_wait3A_103 : memref<10000x64xf32, #tpu.memory_space<hbm>>) dst(%arg11 : memref<125x64xf32, #tpu.memory_space<vmem>>)
      %add3A_104 = arith.constant 3 : i32
      %add3A_105 = arith.addi %mul3A_17, %add3A_104 : i32
      %dma_wait3A_106 = arith.constant 0 : i32
      %dma_wait3A_107 = tpu.memref_slice %arg7[%add3A_105, %dma_wait3A_106] : memref<82x125xi32, #tpu.memory_space<vmem>> -> memref<1x125xi32, #tpu.memory_space<vmem>>
      %dma_wait3A_108 = tpu.memref_squeeze %dma_wait3A_107 : memref<1x125xi32, #tpu.memory_space<vmem>> -> memref<125xi32, #tpu.memory_space<vmem>>
      %dma_wait3A_109 = arith.constant 0 : i32
      %dma_wait3A_110 = arith.constant 0 : i32
      %dma_wait3A_111 = tpu.memref_slice %arg2[%dma_wait3A_109, %dma_wait3A_110] : memref<10000x64xf32, #tpu.memory_space<hbm>> -> memref<10000x64xf32, #tpu.memory_space<hbm>>
      tpu.wait_indirect_dma semaphore(%arg21 : memref<!tpu.dma_semaphore, #tpu.memory_space<semaphore_mem>>) src(%dma_wait3A_111 : memref<10000x64xf32, #tpu.memory_space<hbm>>) dst(%arg12 : memref<125x64xf32, #tpu.memory_space<vmem>>)
      %add3A_112 = arith.constant 4 : i32
      %add3A_113 = arith.addi %mul3A_17, %add3A_112 : i32
      %dma_wait3A_114 = arith.constant 0 : i32
      %dma_wait3A_115 = tpu.memref_slice %arg7[%add3A_113, %dma_wait3A_114] : memref<82x125xi32, #tpu.memory_space<vmem>> -> memref<1x125xi32, #tpu.memory_space<vmem>>
      %dma_wait3A_116 = tpu.memref_squeeze %dma_wait3A_115 : memref<1x125xi32, #tpu.memory_space<vmem>> -> memref<125xi32, #tpu.memory_space<vmem>>
      %dma_wait3A_117 = arith.constant 0 : i32
      %dma_wait3A_118 = arith.constant 0 : i32
      %dma_wait3A_119 = tpu.memref_slice %arg2[%dma_wait3A_117, %dma_wait3A_118] : memref<10000x64xf32, #tpu.memory_space<hbm>> -> memref<10000x64xf32, #tpu.memory_space<hbm>>
      tpu.wait_indirect_dma semaphore(%arg22 : memref<!tpu.dma_semaphore, #tpu.memory_space<semaphore_mem>>) src(%dma_wait3A_119 : memref<10000x64xf32, #tpu.memory_space<hbm>>) dst(%arg13 : memref<125x64xf32, #tpu.memory_space<vmem>>)
      %add3A_120 = arith.constant 5 : i32
      %add3A_121 = arith.addi %mul3A_17, %add3A_120 : i32
      %dma_wait3A_122 = arith.constant 0 : i32
      %dma_wait3A_123 = tpu.memref_slice %arg7[%add3A_121, %dma_wait3A_122] : memref<82x125xi32, #tpu.memory_space<vmem>> -> memref<1x125xi32, #tpu.memory_space<vmem>>
      %dma_wait3A_124 = tpu.memref_squeeze %dma_wait3A_123 : memref<1x125xi32, #tpu.memory_space<vmem>> -> memref<125xi32, #tpu.memory_space<vmem>>
      %dma_wait3A_125 = arith.constant 0 : i32
      %dma_wait3A_126 = arith.constant 0 : i32
      %dma_wait3A_127 = tpu.memref_slice %arg2[%dma_wait3A_125, %dma_wait3A_126] : memref<10000x64xf32, #tpu.memory_space<hbm>> -> memref<10000x64xf32, #tpu.memory_space<hbm>>
      tpu.wait_indirect_dma semaphore(%arg23 : memref<!tpu.dma_semaphore, #tpu.memory_space<semaphore_mem>>) src(%dma_wait3A_127 : memref<10000x64xf32, #tpu.memory_space<hbm>>) dst(%arg14 : memref<125x64xf32, #tpu.memory_space<vmem>>)
      %add3A_128 = arith.constant 6 : i32
      %add3A_129 = arith.addi %mul3A_17, %add3A_128 : i32
      %dma_wait3A_130 = arith.constant 0 : i32
      %dma_wait3A_131 = tpu.memref_slice %arg7[%add3A_129, %dma_wait3A_130] : memref<82x125xi32, #tpu.memory_space<vmem>> -> memref<1x125xi32, #tpu.memory_space<vmem>>
      %dma_wait3A_132 = tpu.memref_squeeze %dma_wait3A_131 : memref<1x125xi32, #tpu.memory_space<vmem>> -> memref<125xi32, #tpu.memory_space<vmem>>
      %dma_wait3A_133 = arith.constant 0 : i32
      %dma_wait3A_134 = arith.constant 0 : i32
      %dma_wait3A_135 = tpu.memref_slice %arg2[%dma_wait3A_133, %dma_wait3A_134] : memref<10000x64xf32, #tpu.memory_space<hbm>> -> memref<10000x64xf32, #tpu.memory_space<hbm>>
      tpu.wait_indirect_dma semaphore(%arg24 : memref<!tpu.dma_semaphore, #tpu.memory_space<semaphore_mem>>) src(%dma_wait3A_135 : memref<10000x64xf32, #tpu.memory_space<hbm>>) dst(%arg15 : memref<125x64xf32, #tpu.memory_space<vmem>>)
      %add3A_136 = arith.constant 7 : i32
      %add3A_137 = arith.addi %mul3A_17, %add3A_136 : i32
      %dma_wait3A_138 = arith.constant 0 : i32
      %dma_wait3A_139 = tpu.memref_slice %arg7[%add3A_137, %dma_wait3A_138] : memref<82x125xi32, #tpu.memory_space<vmem>> -> memref<1x125xi32, #tpu.memory_space<vmem>>
      %dma_wait3A_140 = tpu.memref_squeeze %dma_wait3A_139 : memref<1x125xi32, #tpu.memory_space<vmem>> -> memref<125xi32, #tpu.memory_space<vmem>>
      %dma_wait3A_141 = arith.constant 0 : i32
      %dma_wait3A_142 = arith.constant 0 : i32
      %dma_wait3A_143 = tpu.memref_slice %arg2[%dma_wait3A_141, %dma_wait3A_142] : memref<10000x64xf32, #tpu.memory_space<hbm>> -> memref<10000x64xf32, #tpu.memory_space<hbm>>
      tpu.wait_indirect_dma semaphore(%arg25 : memref<!tpu.dma_semaphore, #tpu.memory_space<semaphore_mem>>) src(%dma_wait3A_143 : memref<10000x64xf32, #tpu.memory_space<hbm>>) dst(%arg16 : memref<125x64xf32, #tpu.memory_space<vmem>>)
      %add3A_144 = arith.constant 0 : i32
      %add3A_145 = arith.addi %mul3A_17, %add3A_144 : i32
      %dma_start3A_146 = arith.constant 0 : i32
      %dma_start3A_147 = tpu.memref_slice %arg8[%add3A_145, %dma_start3A_146] : memref<80x125xi32, #tpu.memory_space<vmem>> -> memref<1x125xi32, #tpu.memory_space<vmem>>
      %dma_start3A_148 = tpu.memref_squeeze %dma_start3A_147 : memref<1x125xi32, #tpu.memory_space<vmem>> -> memref<125xi32, #tpu.memory_space<vmem>>
      %dma_start3A_149 = arith.constant 0 : i32
      %dma_start3A_150 = arith.constant 0 : i32
      %dma_start3A_151 = tpu.memref_slice %arg17[%dma_start3A_149, %dma_start3A_150] : memref<10000x64xf32, #tpu.memory_space<vmem_shared>> -> memref<10000x64xf32, #tpu.memory_space<vmem_shared>>
      tpu.enqueue_indirect_dma source(%arg9 : memref<125x64xf32, #tpu.memory_space<vmem>>) target(%dma_start3A_151 : memref<10000x64xf32, #tpu.memory_space<vmem_shared>>) offsets(%dma_start3A_148 : memref<125xi32, #tpu.memory_space<vmem>>) semaphore(%arg26 : memref<!tpu.dma_semaphore, #tpu.memory_space<semaphore_mem>>) {add = true}
      %add3A_152 = arith.constant 1 : i32
      %add3A_153 = arith.addi %mul3A_17, %add3A_152 : i32
      %dma_start3A_154 = arith.constant 0 : i32
      %dma_start3A_155 = tpu.memref_slice %arg8[%add3A_153, %dma_start3A_154] : memref<80x125xi32, #tpu.memory_space<vmem>> -> memref<1x125xi32, #tpu.memory_space<vmem>>
      %dma_start3A_156 = tpu.memref_squeeze %dma_start3A_155 : memref<1x125xi32, #tpu.memory_space<vmem>> -> memref<125xi32, #tpu.memory_space<vmem>>
      %dma_start3A_157 = arith.constant 0 : i32
      %dma_start3A_158 = arith.constant 0 : i32
      %dma_start3A_159 = tpu.memref_slice %arg17[%dma_start3A_157, %dma_start3A_158] : memref<10000x64xf32, #tpu.memory_space<vmem_shared>> -> memref<10000x64xf32, #tpu.memory_space<vmem_shared>>
      tpu.enqueue_indirect_dma source(%arg10 : memref<125x64xf32, #tpu.memory_space<vmem>>) target(%dma_start3A_159 : memref<10000x64xf32, #tpu.memory_space<vmem_shared>>) offsets(%dma_start3A_156 : memref<125xi32, #tpu.memory_space<vmem>>) semaphore(%arg27 : memref<!tpu.dma_semaphore, #tpu.memory_space<semaphore_mem>>) {add = true}
      %add3A_160 = arith.constant 2 : i32
      %add3A_161 = arith.addi %mul3A_17, %add3A_160 : i32
      %dma_start3A_162 = arith.constant 0 : i32
      %dma_start3A_163 = tpu.memref_slice %arg8[%add3A_161, %dma_start3A_162] : memref<80x125xi32, #tpu.memory_space<vmem>> -> memref<1x125xi32, #tpu.memory_space<vmem>>
      %dma_start3A_164 = tpu.memref_squeeze %dma_start3A_163 : memref<1x125xi32, #tpu.memory_space<vmem>> -> memref<125xi32, #tpu.memory_space<vmem>>
      %dma_start3A_165 = arith.constant 0 : i32
      %dma_start3A_166 = arith.constant 0 : i32
      %dma_start3A_167 = tpu.memref_slice %arg17[%dma_start3A_165, %dma_start3A_166] : memref<10000x64xf32, #tpu.memory_space<vmem_shared>> -> memref<10000x64xf32, #tpu.memory_space<vmem_shared>>
      tpu.enqueue_indirect_dma source(%arg11 : memref<125x64xf32, #tpu.memory_space<vmem>>) target(%dma_start3A_167 : memref<10000x64xf32, #tpu.memory_space<vmem_shared>>) offsets(%dma_start3A_164 : memref<125xi32, #tpu.memory_space<vmem>>) semaphore(%arg28 : memref<!tpu.dma_semaphore, #tpu.memory_space<semaphore_mem>>) {add = true}
      %add3A_168 = arith.constant 3 : i32
      %add3A_169 = arith.addi %mul3A_17, %add3A_168 : i32
      %dma_start3A_170 = arith.constant 0 : i32
      %dma_start3A_171 = tpu.memref_slice %arg8[%add3A_169, %dma_start3A_170] : memref<80x125xi32, #tpu.memory_space<vmem>> -> memref<1x125xi32, #tpu.memory_space<vmem>>
      %dma_start3A_172 = tpu.memref_squeeze %dma_start3A_171 : memref<1x125xi32, #tpu.memory_space<vmem>> -> memref<125xi32, #tpu.memory_space<vmem>>
      %dma_start3A_173 = arith.constant 0 : i32
      %dma_start3A_174 = arith.constant 0 : i32
      %dma_start3A_175 = tpu.memref_slice %arg17[%dma_start3A_173, %dma_start3A_174] : memref<10000x64xf32, #tpu.memory_space<vmem_shared>> -> memref<10000x64xf32, #tpu.memory_space<vmem_shared>>
      tpu.enqueue_indirect_dma source(%arg12 : memref<125x64xf32, #tpu.memory_space<vmem>>) target(%dma_start3A_175 : memref<10000x64xf32, #tpu.memory_space<vmem_shared>>) offsets(%dma_start3A_172 : memref<125xi32, #tpu.memory_space<vmem>>) semaphore(%arg29 : memref<!tpu.dma_semaphore, #tpu.memory_space<semaphore_mem>>) {add = true}
      %add3A_176 = arith.constant 4 : i32
      %add3A_177 = arith.addi %mul3A_17, %add3A_176 : i32
      %dma_start3A_178 = arith.constant 0 : i32
      %dma_start3A_179 = tpu.memref_slice %arg8[%add3A_177, %dma_start3A_178] : memref<80x125xi32, #tpu.memory_space<vmem>> -> memref<1x125xi32, #tpu.memory_space<vmem>>
      %dma_start3A_180 = tpu.memref_squeeze %dma_start3A_179 : memref<1x125xi32, #tpu.memory_space<vmem>> -> memref<125xi32, #tpu.memory_space<vmem>>
      %dma_start3A_181 = arith.constant 0 : i32
      %dma_start3A_182 = arith.constant 0 : i32
      %dma_start3A_183 = tpu.memref_slice %arg17[%dma_start3A_181, %dma_start3A_182] : memref<10000x64xf32, #tpu.memory_space<vmem_shared>> -> memref<10000x64xf32, #tpu.memory_space<vmem_shared>>
      tpu.enqueue_indirect_dma source(%arg13 : memref<125x64xf32, #tpu.memory_space<vmem>>) target(%dma_start3A_183 : memref<10000x64xf32, #tpu.memory_space<vmem_shared>>) offsets(%dma_start3A_180 : memref<125xi32, #tpu.memory_space<vmem>>) semaphore(%arg30 : memref<!tpu.dma_semaphore, #tpu.memory_space<semaphore_mem>>) {add = true}
      %add3A_184 = arith.constant 5 : i32
      %add3A_185 = arith.addi %mul3A_17, %add3A_184 : i32
      %dma_start3A_186 = arith.constant 0 : i32
      %dma_start3A_187 = tpu.memref_slice %arg8[%add3A_185, %dma_start3A_186] : memref<80x125xi32, #tpu.memory_space<vmem>> -> memref<1x125xi32, #tpu.memory_space<vmem>>
      %dma_start3A_188 = tpu.memref_squeeze %dma_start3A_187 : memref<1x125xi32, #tpu.memory_space<vmem>> -> memref<125xi32, #tpu.memory_space<vmem>>
      %dma_start3A_189 = arith.constant 0 : i32
      %dma_start3A_190 = arith.constant 0 : i32
      %dma_start3A_191 = tpu.memref_slice %arg17[%dma_start3A_189, %dma_start3A_190] : memref<10000x64xf32, #tpu.memory_space<vmem_shared>> -> memref<10000x64xf32, #tpu.memory_space<vmem_shared>>
      tpu.enqueue_indirect_dma source(%arg14 : memref<125x64xf32, #tpu.memory_space<vmem>>) target(%dma_start3A_191 : memref<10000x64xf32, #tpu.memory_space<vmem_shared>>) offsets(%dma_start3A_188 : memref<125xi32, #tpu.memory_space<vmem>>) semaphore(%arg31 : memref<!tpu.dma_semaphore, #tpu.memory_space<semaphore_mem>>) {add = true}
      %add3A_192 = arith.constant 6 : i32
      %add3A_193 = arith.addi %mul3A_17, %add3A_192 : i32
      %dma_start3A_194 = arith.constant 0 : i32
      %dma_start3A_195 = tpu.memref_slice %arg8[%add3A_193, %dma_start3A_194] : memref<80x125xi32, #tpu.memory_space<vmem>> -> memref<1x125xi32, #tpu.memory_space<vmem>>
      %dma_start3A_196 = tpu.memref_squeeze %dma_start3A_195 : memref<1x125xi32, #tpu.memory_space<vmem>> -> memref<125xi32, #tpu.memory_space<vmem>>
      %dma_start3A_197 = arith.constant 0 : i32
      %dma_start3A_198 = arith.constant 0 : i32
      %dma_start3A_199 = tpu.memref_slice %arg17[%dma_start3A_197, %dma_start3A_198] : memref<10000x64xf32, #tpu.memory_space<vmem_shared>> -> memref<10000x64xf32, #tpu.memory_space<vmem_shared>>
      tpu.enqueue_indirect_dma source(%arg15 : memref<125x64xf32, #tpu.memory_space<vmem>>) target(%dma_start3A_199 : memref<10000x64xf32, #tpu.memory_space<vmem_shared>>) offsets(%dma_start3A_196 : memref<125xi32, #tpu.memory_space<vmem>>) semaphore(%arg32 : memref<!tpu.dma_semaphore, #tpu.memory_space<semaphore_mem>>) {add = true}
      %add3A_200 = arith.constant 7 : i32
      %add3A_201 = arith.addi %mul3A_17, %add3A_200 : i32
      %dma_start3A_202 = arith.constant 0 : i32
      %dma_start3A_203 = tpu.memref_slice %arg8[%add3A_201, %dma_start3A_202] : memref<80x125xi32, #tpu.memory_space<vmem>> -> memref<1x125xi32, #tpu.memory_space<vmem>>
      %dma_start3A_204 = tpu.memref_squeeze %dma_start3A_203 : memref<1x125xi32, #tpu.memory_space<vmem>> -> memref<125xi32, #tpu.memory_space<vmem>>
      %dma_start3A_205 = arith.constant 0 : i32
      %dma_start3A_206 = arith.constant 0 : i32
      %dma_start3A_207 = tpu.memref_slice %arg17[%dma_start3A_205, %dma_start3A_206] : memref<10000x64xf32, #tpu.memory_space<vmem_shared>> -> memref<10000x64xf32, #tpu.memory_space<vmem_shared>>
      tpu.enqueue_indirect_dma source(%arg16 : memref<125x64xf32, #tpu.memory_space<vmem>>) target(%dma_start3A_207 : memref<10000x64xf32, #tpu.memory_space<vmem_shared>>) offsets(%dma_start3A_204 : memref<125xi32, #tpu.memory_space<vmem>>) semaphore(%arg33 : memref<!tpu.dma_semaphore, #tpu.memory_space<semaphore_mem>>) {add = true}
      %add3A_208 = arith.constant 0 : i32
      %add3A_209 = arith.addi %mul3A_17, %add3A_208 : i32
      %dma_wait3A_210 = arith.constant 0 : i32
      %dma_wait3A_211 = tpu.memref_slice %arg8[%add3A_209, %dma_wait3A_210] : memref<80x125xi32, #tpu.memory_space<vmem>> -> memref<1x125xi32, #tpu.memory_space<vmem>>
      %dma_wait3A_212 = tpu.memref_squeeze %dma_wait3A_211 : memref<1x125xi32, #tpu.memory_space<vmem>> -> memref<125xi32, #tpu.memory_space<vmem>>
      %dma_wait3A_213 = arith.constant 0 : i32
      %dma_wait3A_214 = arith.constant 0 : i32
      %dma_wait3A_215 = tpu.memref_slice %arg17[%dma_wait3A_213, %dma_wait3A_214] : memref<10000x64xf32, #tpu.memory_space<vmem_shared>> -> memref<10000x64xf32, #tpu.memory_space<vmem_shared>>
      tpu.wait_indirect_dma semaphore(%arg26 : memref<!tpu.dma_semaphore, #tpu.memory_space<semaphore_mem>>) src(%arg9 : memref<125x64xf32, #tpu.memory_space<vmem>>) dst(%dma_wait3A_215 : memref<10000x64xf32, #tpu.memory_space<vmem_shared>>)
      %add3A_216 = arith.constant 1 : i32
      %add3A_217 = arith.addi %mul3A_17, %add3A_216 : i32
      %dma_wait3A_218 = arith.constant 0 : i32
      %dma_wait3A_219 = tpu.memref_slice %arg8[%add3A_217, %dma_wait3A_218] : memref<80x125xi32, #tpu.memory_space<vmem>> -> memref<1x125xi32, #tpu.memory_space<vmem>>
      %dma_wait3A_220 = tpu.memref_squeeze %dma_wait3A_219 : memref<1x125xi32, #tpu.memory_space<vmem>> -> memref<125xi32, #tpu.memory_space<vmem>>
      %dma_wait3A_221 = arith.constant 0 : i32
      %dma_wait3A_222 = arith.constant 0 : i32
      %dma_wait3A_223 = tpu.memref_slice %arg17[%dma_wait3A_221, %dma_wait3A_222] : memref<10000x64xf32, #tpu.memory_space<vmem_shared>> -> memref<10000x64xf32, #tpu.memory_space<vmem_shared>>
      tpu.wait_indirect_dma semaphore(%arg27 : memref<!tpu.dma_semaphore, #tpu.memory_space<semaphore_mem>>) src(%arg10 : memref<125x64xf32, #tpu.memory_space<vmem>>) dst(%dma_wait3A_223 : memref<10000x64xf32, #tpu.memory_space<vmem_shared>>)
      %add3A_224 = arith.constant 2 : i32
      %add3A_225 = arith.addi %mul3A_17, %add3A_224 : i32
      %dma_wait3A_226 = arith.constant 0 : i32
      %dma_wait3A_227 = tpu.memref_slice %arg8[%add3A_225, %dma_wait3A_226] : memref<80x125xi32, #tpu.memory_space<vmem>> -> memref<1x125xi32, #tpu.memory_space<vmem>>
      %dma_wait3A_228 = tpu.memref_squeeze %dma_wait3A_227 : memref<1x125xi32, #tpu.memory_space<vmem>> -> memref<125xi32, #tpu.memory_space<vmem>>
      %dma_wait3A_229 = arith.constant 0 : i32
      %dma_wait3A_230 = arith.constant 0 : i32
      %dma_wait3A_231 = tpu.memref_slice %arg17[%dma_wait3A_229, %dma_wait3A_230] : memref<10000x64xf32, #tpu.memory_space<vmem_shared>> -> memref<10000x64xf32, #tpu.memory_space<vmem_shared>>
      tpu.wait_indirect_dma semaphore(%arg28 : memref<!tpu.dma_semaphore, #tpu.memory_space<semaphore_mem>>) src(%arg11 : memref<125x64xf32, #tpu.memory_space<vmem>>) dst(%dma_wait3A_231 : memref<10000x64xf32, #tpu.memory_space<vmem_shared>>)
      %add3A_232 = arith.constant 3 : i32
      %add3A_233 = arith.addi %mul3A_17, %add3A_232 : i32
      %dma_wait3A_234 = arith.constant 0 : i32
      %dma_wait3A_235 = tpu.memref_slice %arg8[%add3A_233, %dma_wait3A_234] : memref<80x125xi32, #tpu.memory_space<vmem>> -> memref<1x125xi32, #tpu.memory_space<vmem>>
      %dma_wait3A_236 = tpu.memref_squeeze %dma_wait3A_235 : memref<1x125xi32, #tpu.memory_space<vmem>> -> memref<125xi32, #tpu.memory_space<vmem>>
      %dma_wait3A_237 = arith.constant 0 : i32
      %dma_wait3A_238 = arith.constant 0 : i32
      %dma_wait3A_239 = tpu.memref_slice %arg17[%dma_wait3A_237, %dma_wait3A_238] : memref<10000x64xf32, #tpu.memory_space<vmem_shared>> -> memref<10000x64xf32, #tpu.memory_space<vmem_shared>>
      tpu.wait_indirect_dma semaphore(%arg29 : memref<!tpu.dma_semaphore, #tpu.memory_space<semaphore_mem>>) src(%arg12 : memref<125x64xf32, #tpu.memory_space<vmem>>) dst(%dma_wait3A_239 : memref<10000x64xf32, #tpu.memory_space<vmem_shared>>)
      %add3A_240 = arith.constant 4 : i32
      %add3A_241 = arith.addi %mul3A_17, %add3A_240 : i32
      %dma_wait3A_242 = arith.constant 0 : i32
      %dma_wait3A_243 = tpu.memref_slice %arg8[%add3A_241, %dma_wait3A_242] : memref<80x125xi32, #tpu.memory_space<vmem>> -> memref<1x125xi32, #tpu.memory_space<vmem>>
      %dma_wait3A_244 = tpu.memref_squeeze %dma_wait3A_243 : memref<1x125xi32, #tpu.memory_space<vmem>> -> memref<125xi32, #tpu.memory_space<vmem>>
      %dma_wait3A_245 = arith.constant 0 : i32
      %dma_wait3A_246 = arith.constant 0 : i32
      %dma_wait3A_247 = tpu.memref_slice %arg17[%dma_wait3A_245, %dma_wait3A_246] : memref<10000x64xf32, #tpu.memory_space<vmem_shared>> -> memref<10000x64xf32, #tpu.memory_space<vmem_shared>>
      tpu.wait_indirect_dma semaphore(%arg30 : memref<!tpu.dma_semaphore, #tpu.memory_space<semaphore_mem>>) src(%arg13 : memref<125x64xf32, #tpu.memory_space<vmem>>) dst(%dma_wait3A_247 : memref<10000x64xf32, #tpu.memory_space<vmem_shared>>)
      %add3A_248 = arith.constant 5 : i32
      %add3A_249 = arith.addi %mul3A_17, %add3A_248 : i32
      %dma_wait3A_250 = arith.constant 0 : i32
      %dma_wait3A_251 = tpu.memref_slice %arg8[%add3A_249, %dma_wait3A_250] : memref<80x125xi32, #tpu.memory_space<vmem>> -> memref<1x125xi32, #tpu.memory_space<vmem>>
      %dma_wait3A_252 = tpu.memref_squeeze %dma_wait3A_251 : memref<1x125xi32, #tpu.memory_space<vmem>> -> memref<125xi32, #tpu.memory_space<vmem>>
      %dma_wait3A_253 = arith.constant 0 : i32
      %dma_wait3A_254 = arith.constant 0 : i32
      %dma_wait3A_255 = tpu.memref_slice %arg17[%dma_wait3A_253, %dma_wait3A_254] : memref<10000x64xf32, #tpu.memory_space<vmem_shared>> -> memref<10000x64xf32, #tpu.memory_space<vmem_shared>>
      tpu.wait_indirect_dma semaphore(%arg31 : memref<!tpu.dma_semaphore, #tpu.memory_space<semaphore_mem>>) src(%arg14 : memref<125x64xf32, #tpu.memory_space<vmem>>) dst(%dma_wait3A_255 : memref<10000x64xf32, #tpu.memory_space<vmem_shared>>)
      %add3A_256 = arith.constant 6 : i32
      %add3A_257 = arith.addi %mul3A_17, %add3A_256 : i32
      %dma_wait3A_258 = arith.constant 0 : i32
      %dma_wait3A_259 = tpu.memref_slice %arg8[%add3A_257, %dma_wait3A_258] : memref<80x125xi32, #tpu.memory_space<vmem>> -> memref<1x125xi32, #tpu.memory_space<vmem>>
      %dma_wait3A_260 = tpu.memref_squeeze %dma_wait3A_259 : memref<1x125xi32, #tpu.memory_space<vmem>> -> memref<125xi32, #tpu.memory_space<vmem>>
      %dma_wait3A_261 = arith.constant 0 : i32
      %dma_wait3A_262 = arith.constant 0 : i32
      %dma_wait3A_263 = tpu.memref_slice %arg17[%dma_wait3A_261, %dma_wait3A_262] : memref<10000x64xf32, #tpu.memory_space<vmem_shared>> -> memref<10000x64xf32, #tpu.memory_space<vmem_shared>>
      tpu.wait_indirect_dma semaphore(%arg32 : memref<!tpu.dma_semaphore, #tpu.memory_space<semaphore_mem>>) src(%arg15 : memref<125x64xf32, #tpu.memory_space<vmem>>) dst(%dma_wait3A_263 : memref<10000x64xf32, #tpu.memory_space<vmem_shared>>)
      %add3A_264 = arith.constant 7 : i32
      %add3A_265 = arith.addi %mul3A_17, %add3A_264 : i32
      %dma_wait3A_266 = arith.constant 0 : i32
      %dma_wait3A_267 = tpu.memref_slice %arg8[%add3A_265, %dma_wait3A_266] : memref<80x125xi32, #tpu.memory_space<vmem>> -> memref<1x125xi32, #tpu.memory_space<vmem>>
      %dma_wait3A_268 = tpu.memref_squeeze %dma_wait3A_267 : memref<1x125xi32, #tpu.memory_space<vmem>> -> memref<125xi32, #tpu.memory_space<vmem>>
      %dma_wait3A_269 = arith.constant 0 : i32
      %dma_wait3A_270 = arith.constant 0 : i32
      %dma_wait3A_271 = tpu.memref_slice %arg17[%dma_wait3A_269, %dma_wait3A_270] : memref<10000x64xf32, #tpu.memory_space<vmem_shared>> -> memref<10000x64xf32, #tpu.memory_space<vmem_shared>>
      tpu.wait_indirect_dma semaphore(%arg33 : memref<!tpu.dma_semaphore, #tpu.memory_space<semaphore_mem>>) src(%arg16 : memref<125x64xf32, #tpu.memory_space<vmem>>) dst(%dma_wait3A_271 : memref<10000x64xf32, #tpu.memory_space<vmem_shared>>)
    }
    %scan3A_9 = arith.constant 10 : i32
    %barrier3A_10 = arith.constant 0 : index
    tpu.barrier barrier_id(%barrier3A_10)
    %mul3A_11 = arith.constant 625 : i32
    %mul3A_12 = arith.muli %arg1, %mul3A_11 : i32
    %mul3A_13 = arith.constant 625 : i32
    %mul3A_14 = arith.muli %arg1, %mul3A_13 : i32
    "tpu.region"() ({
      %run_scoped3A = tpu.sem_alloc : memref<!tpu.dma_semaphore, #tpu.memory_space<semaphore_mem>>
      %dma_start3A = arith.constant 0 : i32
      %dma_start3A_15 = tpu.memref_slice %arg6[%arg0, %mul3A_14, %dma_start3A] : memref<2x10000x64xf32, #tpu.memory_space<hbm>> -> memref<1x625x64xf32, #tpu.memory_space<hbm>>
      %dma_start3A_16 = tpu.memref_squeeze %dma_start3A_15 : memref<1x625x64xf32, #tpu.memory_space<hbm>> -> memref<625x64xf32, #tpu.memory_space<hbm>>
      %dma_start3A_17 = arith.constant 0 : i32
      %dma_start3A_18 = tpu.memref_slice %arg17[%mul3A_12, %dma_start3A_17] : memref<10000x64xf32, #tpu.memory_space<vmem_shared>> -> memref<625x64xf32, #tpu.memory_space<vmem_shared>>
      tpu.enqueue_dma source(%dma_start3A_18 : memref<625x64xf32, #tpu.memory_space<vmem_shared>>) target(%dma_start3A_16 : memref<625x64xf32, #tpu.memory_space<hbm>>) target_semaphore(%run_scoped3A : memref<!tpu.dma_semaphore, #tpu.memory_space<semaphore_mem>>)
      %dma_wait3A = arith.constant 0 : i32
      %dma_wait3A_19 = tpu.memref_slice %arg6[%arg0, %mul3A_14, %dma_wait3A] : memref<2x10000x64xf32, #tpu.memory_space<hbm>> -> memref<1x625x64xf32, #tpu.memory_space<hbm>>
      %dma_wait3A_20 = tpu.memref_squeeze %dma_wait3A_19 : memref<1x625x64xf32, #tpu.memory_space<hbm>> -> memref<625x64xf32, #tpu.memory_space<hbm>>
      %dma_wait3A_21 = arith.constant 0 : i32
      %dma_wait3A_22 = tpu.memref_slice %arg17[%mul3A_12, %dma_wait3A_21] : memref<10000x64xf32, #tpu.memory_space<vmem_shared>> -> memref<625x64xf32, #tpu.memory_space<vmem_shared>>
      tpu.wait_dma2 semaphore(%run_scoped3A : memref<!tpu.dma_semaphore, #tpu.memory_space<semaphore_mem>>) src(%dma_wait3A_22 : memref<625x64xf32, #tpu.memory_space<vmem_shared>>) dst(%dma_wait3A_20 : memref<625x64xf32, #tpu.memory_space<hbm>>)
      tpu.yield
    }) : () -> ()
    return
  }
}

#map = affine_map<(d0, d1) -> (0, 0)>
#map1 = affine_map<(d0, d1) -> (0, 0, 0)>
module attributes {stable_mosaic.version = 14 : i64} {
  func.func @_sc_agg(%arg0: i32, %arg1: i32, %arg2: memref<10000x64xf32, #tpu.memory_space<hbm>>, %arg3: memref<32x82x125xi32, #tpu.memory_space<hbm>>, %arg4: memref<32x80x125xi32, #tpu.memory_space<hbm>>, %arg5: memref<10000x64xf32, #tpu.memory_space<hbm>>, %arg6: memref<2x10000x64xf32, #tpu.memory_space<hbm>>, %arg7: memref<82x125xi32, #tpu.memory_space<vmem>>, %arg8: memref<80x125xi32, #tpu.memory_space<vmem>>, %arg9: memref<125x64xf32, #tpu.memory_space<vmem>>, %arg10: memref<125x64xf32, #tpu.memory_space<vmem>>, %arg11: memref<125x64xf32, #tpu.memory_space<vmem>>, %arg12: memref<125x64xf32, #tpu.memory_space<vmem>>, %arg13: memref<125x64xf32, #tpu.memory_space<vmem>>, %arg14: memref<125x64xf32, #tpu.memory_space<vmem>>, %arg15: memref<125x64xf32, #tpu.memory_space<vmem>>, %arg16: memref<125x64xf32, #tpu.memory_space<vmem>>, %arg17: memref<10000x64xf32, #tpu.memory_space<vmem_shared>>, %arg18: memref<!tpu.dma_semaphore, #tpu.memory_space<semaphore_mem>>, %arg19: memref<!tpu.dma_semaphore, #tpu.memory_space<semaphore_mem>>, %arg20: memref<!tpu.dma_semaphore, #tpu.memory_space<semaphore_mem>>, %arg21: memref<!tpu.dma_semaphore, #tpu.memory_space<semaphore_mem>>, %arg22: memref<!tpu.dma_semaphore, #tpu.memory_space<semaphore_mem>>, %arg23: memref<!tpu.dma_semaphore, #tpu.memory_space<semaphore_mem>>, %arg24: memref<!tpu.dma_semaphore, #tpu.memory_space<semaphore_mem>>, %arg25: memref<!tpu.dma_semaphore, #tpu.memory_space<semaphore_mem>>, %arg26: memref<!tpu.dma_semaphore, #tpu.memory_space<semaphore_mem>>, %arg27: memref<!tpu.dma_semaphore, #tpu.memory_space<semaphore_mem>>, %arg28: memref<!tpu.dma_semaphore, #tpu.memory_space<semaphore_mem>>, %arg29: memref<!tpu.dma_semaphore, #tpu.memory_space<semaphore_mem>>, %arg30: memref<!tpu.dma_semaphore, #tpu.memory_space<semaphore_mem>>, %arg31: memref<!tpu.dma_semaphore, #tpu.memory_space<semaphore_mem>>, %arg32: memref<!tpu.dma_semaphore, #tpu.memory_space<semaphore_mem>>, %arg33: memref<!tpu.dma_semaphore, #tpu.memory_space<semaphore_mem>>) attributes {dimension_semantics = [#tpu.dimension_semantics<core_parallel>, #tpu.dimension_semantics<subcore_parallel>], iteration_bounds = array<i64: 2, 16>, scalar_prefetch = 0 : i64, scratch_operands = 27 : i64, tpu.core_type = #tpu.core_type<sc_vector_subcore>, window_params = [{transform_indices = #map}, {transform_indices = #map1}, {transform_indices = #map1}, {transform_indices = #map}, {transform_indices = #map1}]} {
    %mul3A = arith.constant 16 : i32
    %mul3A_0 = arith.muli %arg0, %mul3A : i32
    %add3A = arith.addi %mul3A_0, %arg1 : i32
    "tpu.region"() ({
      %run_scoped3A = tpu.sem_alloc : memref<!tpu.dma_semaphore, #tpu.memory_space<semaphore_mem>>
      %dma_start3A = arith.constant 0 : i32
      %dma_start3A_15 = arith.constant 0 : i32
      %dma_start3A_16 = tpu.memref_slice %arg3[%add3A, %dma_start3A, %dma_start3A_15] : memref<32x82x125xi32, #tpu.memory_space<hbm>> -> memref<1x82x125xi32, #tpu.memory_space<hbm>>
      %dma_start3A_17 = tpu.memref_squeeze %dma_start3A_16 : memref<1x82x125xi32, #tpu.memory_space<hbm>> -> memref<82x125xi32, #tpu.memory_space<hbm>>
      %dma_start3A_18 = arith.constant 0 : i32
      %dma_start3A_19 = arith.constant 0 : i32
      %dma_start3A_20 = tpu.memref_slice %arg3[%add3A, %dma_start3A_18, %dma_start3A_19] : memref<32x82x125xi32, #tpu.memory_space<hbm>> -> memref<1x82x125xi32, #tpu.memory_space<hbm>>
      %dma_start3A_21 = tpu.memref_squeeze %dma_start3A_20 : memref<1x82x125xi32, #tpu.memory_space<hbm>> -> memref<82x125xi32, #tpu.memory_space<hbm>>
      tpu.enqueue_dma source(%dma_start3A_21 : memref<82x125xi32, #tpu.memory_space<hbm>>) target(%arg7 : memref<82x125xi32, #tpu.memory_space<vmem>>) target_semaphore(%run_scoped3A : memref<!tpu.dma_semaphore, #tpu.memory_space<semaphore_mem>>)
      %dma_wait3A = arith.constant 0 : i32
      %dma_wait3A_22 = arith.constant 0 : i32
      %dma_wait3A_23 = tpu.memref_slice %arg3[%add3A, %dma_wait3A, %dma_wait3A_22] : memref<32x82x125xi32, #tpu.memory_space<hbm>> -> memref<1x82x125xi32, #tpu.memory_space<hbm>>
      %dma_wait3A_24 = tpu.memref_squeeze %dma_wait3A_23 : memref<1x82x125xi32, #tpu.memory_space<hbm>> -> memref<82x125xi32, #tpu.memory_space<hbm>>
      %dma_wait3A_25 = arith.constant 0 : i32
      %dma_wait3A_26 = arith.constant 0 : i32
      %dma_wait3A_27 = tpu.memref_slice %arg3[%add3A, %dma_wait3A_25, %dma_wait3A_26] : memref<32x82x125xi32, #tpu.memory_space<hbm>> -> memref<1x82x125xi32, #tpu.memory_space<hbm>>
      %dma_wait3A_28 = tpu.memref_squeeze %dma_wait3A_27 : memref<1x82x125xi32, #tpu.memory_space<hbm>> -> memref<82x125xi32, #tpu.memory_space<hbm>>
      tpu.wait_dma2 semaphore(%run_scoped3A : memref<!tpu.dma_semaphore, #tpu.memory_space<semaphore_mem>>) src(%dma_wait3A_28 : memref<82x125xi32, #tpu.memory_space<hbm>>) dst(%arg7 : memref<82x125xi32, #tpu.memory_space<vmem>>)
      tpu.yield
    }) : () -> ()
    "tpu.region"() ({
      %run_scoped3A = tpu.sem_alloc : memref<!tpu.dma_semaphore, #tpu.memory_space<semaphore_mem>>
      %dma_start3A = arith.constant 0 : i32
      %dma_start3A_15 = arith.constant 0 : i32
      %dma_start3A_16 = tpu.memref_slice %arg4[%add3A, %dma_start3A, %dma_start3A_15] : memref<32x80x125xi32, #tpu.memory_space<hbm>> -> memref<1x80x125xi32, #tpu.memory_space<hbm>>
      %dma_start3A_17 = tpu.memref_squeeze %dma_start3A_16 : memref<1x80x125xi32, #tpu.memory_space<hbm>> -> memref<80x125xi32, #tpu.memory_space<hbm>>
      %dma_start3A_18 = arith.constant 0 : i32
      %dma_start3A_19 = arith.constant 0 : i32
      %dma_start3A_20 = tpu.memref_slice %arg4[%add3A, %dma_start3A_18, %dma_start3A_19] : memref<32x80x125xi32, #tpu.memory_space<hbm>> -> memref<1x80x125xi32, #tpu.memory_space<hbm>>
      %dma_start3A_21 = tpu.memref_squeeze %dma_start3A_20 : memref<1x80x125xi32, #tpu.memory_space<hbm>> -> memref<80x125xi32, #tpu.memory_space<hbm>>
      tpu.enqueue_dma source(%dma_start3A_21 : memref<80x125xi32, #tpu.memory_space<hbm>>) target(%arg8 : memref<80x125xi32, #tpu.memory_space<vmem>>) target_semaphore(%run_scoped3A : memref<!tpu.dma_semaphore, #tpu.memory_space<semaphore_mem>>)
      %dma_wait3A = arith.constant 0 : i32
      %dma_wait3A_22 = arith.constant 0 : i32
      %dma_wait3A_23 = tpu.memref_slice %arg4[%add3A, %dma_wait3A, %dma_wait3A_22] : memref<32x80x125xi32, #tpu.memory_space<hbm>> -> memref<1x80x125xi32, #tpu.memory_space<hbm>>
      %dma_wait3A_24 = tpu.memref_squeeze %dma_wait3A_23 : memref<1x80x125xi32, #tpu.memory_space<hbm>> -> memref<80x125xi32, #tpu.memory_space<hbm>>
      %dma_wait3A_25 = arith.constant 0 : i32
      %dma_wait3A_26 = arith.constant 0 : i32
      %dma_wait3A_27 = tpu.memref_slice %arg4[%add3A, %dma_wait3A_25, %dma_wait3A_26] : memref<32x80x125xi32, #tpu.memory_space<hbm>> -> memref<1x80x125xi32, #tpu.memory_space<hbm>>
      %dma_wait3A_28 = tpu.memref_squeeze %dma_wait3A_27 : memref<1x80x125xi32, #tpu.memory_space<hbm>> -> memref<80x125xi32, #tpu.memory_space<hbm>>
      tpu.wait_dma2 semaphore(%run_scoped3A : memref<!tpu.dma_semaphore, #tpu.memory_space<semaphore_mem>>) src(%dma_wait3A_28 : memref<80x125xi32, #tpu.memory_space<hbm>>) dst(%arg8 : memref<80x125xi32, #tpu.memory_space<vmem>>)
      tpu.yield
    }) : () -> ()
    %mul3A_1 = arith.constant 625 : i32
    %mul3A_2 = arith.muli %arg1, %mul3A_1 : i32
    %mul3A_3 = arith.constant 625 : i32
    %mul3A_4 = arith.muli %arg1, %mul3A_3 : i32
    "tpu.region"() ({
      %run_scoped3A = tpu.sem_alloc : memref<!tpu.dma_semaphore, #tpu.memory_space<semaphore_mem>>
      %dma_start3A = arith.constant 0 : i32
      %dma_start3A_15 = tpu.memref_slice %arg17[%mul3A_4, %dma_start3A] : memref<10000x64xf32, #tpu.memory_space<vmem_shared>> -> memref<625x64xf32, #tpu.memory_space<vmem_shared>>
      %dma_start3A_16 = arith.constant 0 : i32
      %dma_start3A_17 = tpu.memref_slice %arg5[%mul3A_2, %dma_start3A_16] : memref<10000x64xf32, #tpu.memory_space<hbm>> -> memref<625x64xf32, #tpu.memory_space<hbm>>
      tpu.enqueue_dma source(%dma_start3A_17 : memref<625x64xf32, #tpu.memory_space<hbm>>) target(%dma_start3A_15 : memref<625x64xf32, #tpu.memory_space<vmem_shared>>) target_semaphore(%run_scoped3A : memref<!tpu.dma_semaphore, #tpu.memory_space<semaphore_mem>>)
      %dma_wait3A = arith.constant 0 : i32
      %dma_wait3A_18 = tpu.memref_slice %arg17[%mul3A_4, %dma_wait3A] : memref<10000x64xf32, #tpu.memory_space<vmem_shared>> -> memref<625x64xf32, #tpu.memory_space<vmem_shared>>
      %dma_wait3A_19 = arith.constant 0 : i32
      %dma_wait3A_20 = tpu.memref_slice %arg5[%mul3A_2, %dma_wait3A_19] : memref<10000x64xf32, #tpu.memory_space<hbm>> -> memref<625x64xf32, #tpu.memory_space<hbm>>
      tpu.wait_dma2 semaphore(%run_scoped3A : memref<!tpu.dma_semaphore, #tpu.memory_space<semaphore_mem>>) src(%dma_wait3A_20 : memref<625x64xf32, #tpu.memory_space<hbm>>) dst(%dma_wait3A_18 : memref<625x64xf32, #tpu.memory_space<vmem_shared>>)
      tpu.yield
    }) : () -> ()
    %barrier3A = arith.constant 0 : index
    tpu.barrier barrier_id(%barrier3A)
    %scan3A = arith.constant 0 : i32
    %scan3A_5 = arith.constant 0 : i32
    %scan3A_6 = arith.constant 10 : i32
    %scan3A_7 = arith.addi %scan3A_5, %scan3A_6 : i32
    %scan3A_8 = arith.constant 1 : i32
    scf.for %scan3A_15 = %scan3A_5 to %scan3A_7 step %scan3A_8  : i32 {
      %mul3A_16 = arith.constant 8 : i32
      %mul3A_17 = arith.muli %mul3A_16, %scan3A_15 : i32
      %add3A_18 = arith.constant 0 : i32
      %add3A_19 = arith.addi %mul3A_17, %add3A_18 : i32
      %dma_start3A = arith.constant 0 : i32
      %dma_start3A_20 = tpu.memref_slice %arg7[%add3A_19, %dma_start3A] : memref<82x125xi32, #tpu.memory_space<vmem>> -> memref<1x125xi32, #tpu.memory_space<vmem>>
      %dma_start3A_21 = tpu.memref_squeeze %dma_start3A_20 : memref<1x125xi32, #tpu.memory_space<vmem>> -> memref<125xi32, #tpu.memory_space<vmem>>
      %dma_start3A_22 = arith.constant 0 : i32
      %dma_start3A_23 = arith.constant 0 : i32
      %dma_start3A_24 = tpu.memref_slice %arg2[%dma_start3A_22, %dma_start3A_23] : memref<10000x64xf32, #tpu.memory_space<hbm>> -> memref<10000x64xf32, #tpu.memory_space<hbm>>
      tpu.enqueue_indirect_dma source(%dma_start3A_24 : memref<10000x64xf32, #tpu.memory_space<hbm>>) target(%arg9 : memref<125x64xf32, #tpu.memory_space<vmem>>) offsets(%dma_start3A_21 : memref<125xi32, #tpu.memory_space<vmem>>) semaphore(%arg18 : memref<!tpu.dma_semaphore, #tpu.memory_space<semaphore_mem>>)
      %add3A_25 = arith.constant 1 : i32
      %add3A_26 = arith.addi %mul3A_17, %add3A_25 : i32
      %dma_start3A_27 = arith.constant 0 : i32
      %dma_start3A_28 = tpu.memref_slice %arg7[%add3A_26, %dma_start3A_27] : memref<82x125xi32, #tpu.memory_space<vmem>> -> memref<1x125xi32, #tpu.memory_space<vmem>>
      %dma_start3A_29 = tpu.memref_squeeze %dma_start3A_28 : memref<1x125xi32, #tpu.memory_space<vmem>> -> memref<125xi32, #tpu.memory_space<vmem>>
      %dma_start3A_30 = arith.constant 0 : i32
      %dma_start3A_31 = arith.constant 0 : i32
      %dma_start3A_32 = tpu.memref_slice %arg2[%dma_start3A_30, %dma_start3A_31] : memref<10000x64xf32, #tpu.memory_space<hbm>> -> memref<10000x64xf32, #tpu.memory_space<hbm>>
      tpu.enqueue_indirect_dma source(%dma_start3A_32 : memref<10000x64xf32, #tpu.memory_space<hbm>>) target(%arg10 : memref<125x64xf32, #tpu.memory_space<vmem>>) offsets(%dma_start3A_29 : memref<125xi32, #tpu.memory_space<vmem>>) semaphore(%arg19 : memref<!tpu.dma_semaphore, #tpu.memory_space<semaphore_mem>>)
      %add3A_33 = arith.constant 2 : i32
      %add3A_34 = arith.addi %mul3A_17, %add3A_33 : i32
      %dma_start3A_35 = arith.constant 0 : i32
      %dma_start3A_36 = tpu.memref_slice %arg7[%add3A_34, %dma_start3A_35] : memref<82x125xi32, #tpu.memory_space<vmem>> -> memref<1x125xi32, #tpu.memory_space<vmem>>
      %dma_start3A_37 = tpu.memref_squeeze %dma_start3A_36 : memref<1x125xi32, #tpu.memory_space<vmem>> -> memref<125xi32, #tpu.memory_space<vmem>>
      %dma_start3A_38 = arith.constant 0 : i32
      %dma_start3A_39 = arith.constant 0 : i32
      %dma_start3A_40 = tpu.memref_slice %arg2[%dma_start3A_38, %dma_start3A_39] : memref<10000x64xf32, #tpu.memory_space<hbm>> -> memref<10000x64xf32, #tpu.memory_space<hbm>>
      tpu.enqueue_indirect_dma source(%dma_start3A_40 : memref<10000x64xf32, #tpu.memory_space<hbm>>) target(%arg11 : memref<125x64xf32, #tpu.memory_space<vmem>>) offsets(%dma_start3A_37 : memref<125xi32, #tpu.memory_space<vmem>>) semaphore(%arg20 : memref<!tpu.dma_semaphore, #tpu.memory_space<semaphore_mem>>)
      %add3A_41 = arith.constant 3 : i32
      %add3A_42 = arith.addi %mul3A_17, %add3A_41 : i32
      %dma_start3A_43 = arith.constant 0 : i32
      %dma_start3A_44 = tpu.memref_slice %arg7[%add3A_42, %dma_start3A_43] : memref<82x125xi32, #tpu.memory_space<vmem>> -> memref<1x125xi32, #tpu.memory_space<vmem>>
      %dma_start3A_45 = tpu.memref_squeeze %dma_start3A_44 : memref<1x125xi32, #tpu.memory_space<vmem>> -> memref<125xi32, #tpu.memory_space<vmem>>
      %dma_start3A_46 = arith.constant 0 : i32
      %dma_start3A_47 = arith.constant 0 : i32
      %dma_start3A_48 = tpu.memref_slice %arg2[%dma_start3A_46, %dma_start3A_47] : memref<10000x64xf32, #tpu.memory_space<hbm>> -> memref<10000x64xf32, #tpu.memory_space<hbm>>
      tpu.enqueue_indirect_dma source(%dma_start3A_48 : memref<10000x64xf32, #tpu.memory_space<hbm>>) target(%arg12 : memref<125x64xf32, #tpu.memory_space<vmem>>) offsets(%dma_start3A_45 : memref<125xi32, #tpu.memory_space<vmem>>) semaphore(%arg21 : memref<!tpu.dma_semaphore, #tpu.memory_space<semaphore_mem>>)
      %add3A_49 = arith.constant 4 : i32
      %add3A_50 = arith.addi %mul3A_17, %add3A_49 : i32
      %dma_start3A_51 = arith.constant 0 : i32
      %dma_start3A_52 = tpu.memref_slice %arg7[%add3A_50, %dma_start3A_51] : memref<82x125xi32, #tpu.memory_space<vmem>> -> memref<1x125xi32, #tpu.memory_space<vmem>>
      %dma_start3A_53 = tpu.memref_squeeze %dma_start3A_52 : memref<1x125xi32, #tpu.memory_space<vmem>> -> memref<125xi32, #tpu.memory_space<vmem>>
      %dma_start3A_54 = arith.constant 0 : i32
      %dma_start3A_55 = arith.constant 0 : i32
      %dma_start3A_56 = tpu.memref_slice %arg2[%dma_start3A_54, %dma_start3A_55] : memref<10000x64xf32, #tpu.memory_space<hbm>> -> memref<10000x64xf32, #tpu.memory_space<hbm>>
      tpu.enqueue_indirect_dma source(%dma_start3A_56 : memref<10000x64xf32, #tpu.memory_space<hbm>>) target(%arg13 : memref<125x64xf32, #tpu.memory_space<vmem>>) offsets(%dma_start3A_53 : memref<125xi32, #tpu.memory_space<vmem>>) semaphore(%arg22 : memref<!tpu.dma_semaphore, #tpu.memory_space<semaphore_mem>>)
      %add3A_57 = arith.constant 5 : i32
      %add3A_58 = arith.addi %mul3A_17, %add3A_57 : i32
      %dma_start3A_59 = arith.constant 0 : i32
      %dma_start3A_60 = tpu.memref_slice %arg7[%add3A_58, %dma_start3A_59] : memref<82x125xi32, #tpu.memory_space<vmem>> -> memref<1x125xi32, #tpu.memory_space<vmem>>
      %dma_start3A_61 = tpu.memref_squeeze %dma_start3A_60 : memref<1x125xi32, #tpu.memory_space<vmem>> -> memref<125xi32, #tpu.memory_space<vmem>>
      %dma_start3A_62 = arith.constant 0 : i32
      %dma_start3A_63 = arith.constant 0 : i32
      %dma_start3A_64 = tpu.memref_slice %arg2[%dma_start3A_62, %dma_start3A_63] : memref<10000x64xf32, #tpu.memory_space<hbm>> -> memref<10000x64xf32, #tpu.memory_space<hbm>>
      tpu.enqueue_indirect_dma source(%dma_start3A_64 : memref<10000x64xf32, #tpu.memory_space<hbm>>) target(%arg14 : memref<125x64xf32, #tpu.memory_space<vmem>>) offsets(%dma_start3A_61 : memref<125xi32, #tpu.memory_space<vmem>>) semaphore(%arg23 : memref<!tpu.dma_semaphore, #tpu.memory_space<semaphore_mem>>)
      %add3A_65 = arith.constant 6 : i32
      %add3A_66 = arith.addi %mul3A_17, %add3A_65 : i32
      %dma_start3A_67 = arith.constant 0 : i32
      %dma_start3A_68 = tpu.memref_slice %arg7[%add3A_66, %dma_start3A_67] : memref<82x125xi32, #tpu.memory_space<vmem>> -> memref<1x125xi32, #tpu.memory_space<vmem>>
      %dma_start3A_69 = tpu.memref_squeeze %dma_start3A_68 : memref<1x125xi32, #tpu.memory_space<vmem>> -> memref<125xi32, #tpu.memory_space<vmem>>
      %dma_start3A_70 = arith.constant 0 : i32
      %dma_start3A_71 = arith.constant 0 : i32
      %dma_start3A_72 = tpu.memref_slice %arg2[%dma_start3A_70, %dma_start3A_71] : memref<10000x64xf32, #tpu.memory_space<hbm>> -> memref<10000x64xf32, #tpu.memory_space<hbm>>
      tpu.enqueue_indirect_dma source(%dma_start3A_72 : memref<10000x64xf32, #tpu.memory_space<hbm>>) target(%arg15 : memref<125x64xf32, #tpu.memory_space<vmem>>) offsets(%dma_start3A_69 : memref<125xi32, #tpu.memory_space<vmem>>) semaphore(%arg24 : memref<!tpu.dma_semaphore, #tpu.memory_space<semaphore_mem>>)
      %add3A_73 = arith.constant 7 : i32
      %add3A_74 = arith.addi %mul3A_17, %add3A_73 : i32
      %dma_start3A_75 = arith.constant 0 : i32
      %dma_start3A_76 = tpu.memref_slice %arg7[%add3A_74, %dma_start3A_75] : memref<82x125xi32, #tpu.memory_space<vmem>> -> memref<1x125xi32, #tpu.memory_space<vmem>>
      %dma_start3A_77 = tpu.memref_squeeze %dma_start3A_76 : memref<1x125xi32, #tpu.memory_space<vmem>> -> memref<125xi32, #tpu.memory_space<vmem>>
      %dma_start3A_78 = arith.constant 0 : i32
      %dma_start3A_79 = arith.constant 0 : i32
      %dma_start3A_80 = tpu.memref_slice %arg2[%dma_start3A_78, %dma_start3A_79] : memref<10000x64xf32, #tpu.memory_space<hbm>> -> memref<10000x64xf32, #tpu.memory_space<hbm>>
      tpu.enqueue_indirect_dma source(%dma_start3A_80 : memref<10000x64xf32, #tpu.memory_space<hbm>>) target(%arg16 : memref<125x64xf32, #tpu.memory_space<vmem>>) offsets(%dma_start3A_77 : memref<125xi32, #tpu.memory_space<vmem>>) semaphore(%arg25 : memref<!tpu.dma_semaphore, #tpu.memory_space<semaphore_mem>>)
      %add3A_81 = arith.constant 0 : i32
      %add3A_82 = arith.addi %mul3A_17, %add3A_81 : i32
      %dma_wait3A = arith.constant 0 : i32
      %dma_wait3A_83 = tpu.memref_slice %arg7[%add3A_82, %dma_wait3A] : memref<82x125xi32, #tpu.memory_space<vmem>> -> memref<1x125xi32, #tpu.memory_space<vmem>>
      %dma_wait3A_84 = tpu.memref_squeeze %dma_wait3A_83 : memref<1x125xi32, #tpu.memory_space<vmem>> -> memref<125xi32, #tpu.memory_space<vmem>>
      %dma_wait3A_85 = arith.constant 0 : i32
      %dma_wait3A_86 = arith.constant 0 : i32
      %dma_wait3A_87 = tpu.memref_slice %arg2[%dma_wait3A_85, %dma_wait3A_86] : memref<10000x64xf32, #tpu.memory_space<hbm>> -> memref<10000x64xf32, #tpu.memory_space<hbm>>
      tpu.wait_indirect_dma semaphore(%arg18 : memref<!tpu.dma_semaphore, #tpu.memory_space<semaphore_mem>>) src(%dma_wait3A_87 : memref<10000x64xf32, #tpu.memory_space<hbm>>) dst(%arg9 : memref<125x64xf32, #tpu.memory_space<vmem>>)
      %add3A_88 = arith.constant 1 : i32
      %add3A_89 = arith.addi %mul3A_17, %add3A_88 : i32
      %dma_wait3A_90 = arith.constant 0 : i32
      %dma_wait3A_91 = tpu.memref_slice %arg7[%add3A_89, %dma_wait3A_90] : memref<82x125xi32, #tpu.memory_space<vmem>> -> memref<1x125xi32, #tpu.memory_space<vmem>>
      %dma_wait3A_92 = tpu.memref_squeeze %dma_wait3A_91 : memref<1x125xi32, #tpu.memory_space<vmem>> -> memref<125xi32, #tpu.memory_space<vmem>>
      %dma_wait3A_93 = arith.constant 0 : i32
      %dma_wait3A_94 = arith.constant 0 : i32
      %dma_wait3A_95 = tpu.memref_slice %arg2[%dma_wait3A_93, %dma_wait3A_94] : memref<10000x64xf32, #tpu.memory_space<hbm>> -> memref<10000x64xf32, #tpu.memory_space<hbm>>
      tpu.wait_indirect_dma semaphore(%arg19 : memref<!tpu.dma_semaphore, #tpu.memory_space<semaphore_mem>>) src(%dma_wait3A_95 : memref<10000x64xf32, #tpu.memory_space<hbm>>) dst(%arg10 : memref<125x64xf32, #tpu.memory_space<vmem>>)
      %add3A_96 = arith.constant 2 : i32
      %add3A_97 = arith.addi %mul3A_17, %add3A_96 : i32
      %dma_wait3A_98 = arith.constant 0 : i32
      %dma_wait3A_99 = tpu.memref_slice %arg7[%add3A_97, %dma_wait3A_98] : memref<82x125xi32, #tpu.memory_space<vmem>> -> memref<1x125xi32, #tpu.memory_space<vmem>>
      %dma_wait3A_100 = tpu.memref_squeeze %dma_wait3A_99 : memref<1x125xi32, #tpu.memory_space<vmem>> -> memref<125xi32, #tpu.memory_space<vmem>>
      %dma_wait3A_101 = arith.constant 0 : i32
      %dma_wait3A_102 = arith.constant 0 : i32
      %dma_wait3A_103 = tpu.memref_slice %arg2[%dma_wait3A_101, %dma_wait3A_102] : memref<10000x64xf32, #tpu.memory_space<hbm>> -> memref<10000x64xf32, #tpu.memory_space<hbm>>
      tpu.wait_indirect_dma semaphore(%arg20 : memref<!tpu.dma_semaphore, #tpu.memory_space<semaphore_mem>>) src(%dma_wait3A_103 : memref<10000x64xf32, #tpu.memory_space<hbm>>) dst(%arg11 : memref<125x64xf32, #tpu.memory_space<vmem>>)
      %add3A_104 = arith.constant 3 : i32
      %add3A_105 = arith.addi %mul3A_17, %add3A_104 : i32
      %dma_wait3A_106 = arith.constant 0 : i32
      %dma_wait3A_107 = tpu.memref_slice %arg7[%add3A_105, %dma_wait3A_106] : memref<82x125xi32, #tpu.memory_space<vmem>> -> memref<1x125xi32, #tpu.memory_space<vmem>>
      %dma_wait3A_108 = tpu.memref_squeeze %dma_wait3A_107 : memref<1x125xi32, #tpu.memory_space<vmem>> -> memref<125xi32, #tpu.memory_space<vmem>>
      %dma_wait3A_109 = arith.constant 0 : i32
      %dma_wait3A_110 = arith.constant 0 : i32
      %dma_wait3A_111 = tpu.memref_slice %arg2[%dma_wait3A_109, %dma_wait3A_110] : memref<10000x64xf32, #tpu.memory_space<hbm>> -> memref<10000x64xf32, #tpu.memory_space<hbm>>
      tpu.wait_indirect_dma semaphore(%arg21 : memref<!tpu.dma_semaphore, #tpu.memory_space<semaphore_mem>>) src(%dma_wait3A_111 : memref<10000x64xf32, #tpu.memory_space<hbm>>) dst(%arg12 : memref<125x64xf32, #tpu.memory_space<vmem>>)
      %add3A_112 = arith.constant 4 : i32
      %add3A_113 = arith.addi %mul3A_17, %add3A_112 : i32
      %dma_wait3A_114 = arith.constant 0 : i32
      %dma_wait3A_115 = tpu.memref_slice %arg7[%add3A_113, %dma_wait3A_114] : memref<82x125xi32, #tpu.memory_space<vmem>> -> memref<1x125xi32, #tpu.memory_space<vmem>>
      %dma_wait3A_116 = tpu.memref_squeeze %dma_wait3A_115 : memref<1x125xi32, #tpu.memory_space<vmem>> -> memref<125xi32, #tpu.memory_space<vmem>>
      %dma_wait3A_117 = arith.constant 0 : i32
      %dma_wait3A_118 = arith.constant 0 : i32
      %dma_wait3A_119 = tpu.memref_slice %arg2[%dma_wait3A_117, %dma_wait3A_118] : memref<10000x64xf32, #tpu.memory_space<hbm>> -> memref<10000x64xf32, #tpu.memory_space<hbm>>
      tpu.wait_indirect_dma semaphore(%arg22 : memref<!tpu.dma_semaphore, #tpu.memory_space<semaphore_mem>>) src(%dma_wait3A_119 : memref<10000x64xf32, #tpu.memory_space<hbm>>) dst(%arg13 : memref<125x64xf32, #tpu.memory_space<vmem>>)
      %add3A_120 = arith.constant 5 : i32
      %add3A_121 = arith.addi %mul3A_17, %add3A_120 : i32
      %dma_wait3A_122 = arith.constant 0 : i32
      %dma_wait3A_123 = tpu.memref_slice %arg7[%add3A_121, %dma_wait3A_122] : memref<82x125xi32, #tpu.memory_space<vmem>> -> memref<1x125xi32, #tpu.memory_space<vmem>>
      %dma_wait3A_124 = tpu.memref_squeeze %dma_wait3A_123 : memref<1x125xi32, #tpu.memory_space<vmem>> -> memref<125xi32, #tpu.memory_space<vmem>>
      %dma_wait3A_125 = arith.constant 0 : i32
      %dma_wait3A_126 = arith.constant 0 : i32
      %dma_wait3A_127 = tpu.memref_slice %arg2[%dma_wait3A_125, %dma_wait3A_126] : memref<10000x64xf32, #tpu.memory_space<hbm>> -> memref<10000x64xf32, #tpu.memory_space<hbm>>
      tpu.wait_indirect_dma semaphore(%arg23 : memref<!tpu.dma_semaphore, #tpu.memory_space<semaphore_mem>>) src(%dma_wait3A_127 : memref<10000x64xf32, #tpu.memory_space<hbm>>) dst(%arg14 : memref<125x64xf32, #tpu.memory_space<vmem>>)
      %add3A_128 = arith.constant 6 : i32
      %add3A_129 = arith.addi %mul3A_17, %add3A_128 : i32
      %dma_wait3A_130 = arith.constant 0 : i32
      %dma_wait3A_131 = tpu.memref_slice %arg7[%add3A_129, %dma_wait3A_130] : memref<82x125xi32, #tpu.memory_space<vmem>> -> memref<1x125xi32, #tpu.memory_space<vmem>>
      %dma_wait3A_132 = tpu.memref_squeeze %dma_wait3A_131 : memref<1x125xi32, #tpu.memory_space<vmem>> -> memref<125xi32, #tpu.memory_space<vmem>>
      %dma_wait3A_133 = arith.constant 0 : i32
      %dma_wait3A_134 = arith.constant 0 : i32
      %dma_wait3A_135 = tpu.memref_slice %arg2[%dma_wait3A_133, %dma_wait3A_134] : memref<10000x64xf32, #tpu.memory_space<hbm>> -> memref<10000x64xf32, #tpu.memory_space<hbm>>
      tpu.wait_indirect_dma semaphore(%arg24 : memref<!tpu.dma_semaphore, #tpu.memory_space<semaphore_mem>>) src(%dma_wait3A_135 : memref<10000x64xf32, #tpu.memory_space<hbm>>) dst(%arg15 : memref<125x64xf32, #tpu.memory_space<vmem>>)
      %add3A_136 = arith.constant 7 : i32
      %add3A_137 = arith.addi %mul3A_17, %add3A_136 : i32
      %dma_wait3A_138 = arith.constant 0 : i32
      %dma_wait3A_139 = tpu.memref_slice %arg7[%add3A_137, %dma_wait3A_138] : memref<82x125xi32, #tpu.memory_space<vmem>> -> memref<1x125xi32, #tpu.memory_space<vmem>>
      %dma_wait3A_140 = tpu.memref_squeeze %dma_wait3A_139 : memref<1x125xi32, #tpu.memory_space<vmem>> -> memref<125xi32, #tpu.memory_space<vmem>>
      %dma_wait3A_141 = arith.constant 0 : i32
      %dma_wait3A_142 = arith.constant 0 : i32
      %dma_wait3A_143 = tpu.memref_slice %arg2[%dma_wait3A_141, %dma_wait3A_142] : memref<10000x64xf32, #tpu.memory_space<hbm>> -> memref<10000x64xf32, #tpu.memory_space<hbm>>
      tpu.wait_indirect_dma semaphore(%arg25 : memref<!tpu.dma_semaphore, #tpu.memory_space<semaphore_mem>>) src(%dma_wait3A_143 : memref<10000x64xf32, #tpu.memory_space<hbm>>) dst(%arg16 : memref<125x64xf32, #tpu.memory_space<vmem>>)
      %add3A_144 = arith.constant 0 : i32
      %add3A_145 = arith.addi %mul3A_17, %add3A_144 : i32
      %dma_start3A_146 = arith.constant 0 : i32
      %dma_start3A_147 = tpu.memref_slice %arg8[%add3A_145, %dma_start3A_146] : memref<80x125xi32, #tpu.memory_space<vmem>> -> memref<1x125xi32, #tpu.memory_space<vmem>>
      %dma_start3A_148 = tpu.memref_squeeze %dma_start3A_147 : memref<1x125xi32, #tpu.memory_space<vmem>> -> memref<125xi32, #tpu.memory_space<vmem>>
      %dma_start3A_149 = arith.constant 0 : i32
      %dma_start3A_150 = arith.constant 0 : i32
      %dma_start3A_151 = tpu.memref_slice %arg17[%dma_start3A_149, %dma_start3A_150] : memref<10000x64xf32, #tpu.memory_space<vmem_shared>> -> memref<10000x64xf32, #tpu.memory_space<vmem_shared>>
      tpu.enqueue_indirect_dma source(%arg9 : memref<125x64xf32, #tpu.memory_space<vmem>>) target(%dma_start3A_151 : memref<10000x64xf32, #tpu.memory_space<vmem_shared>>) offsets(%dma_start3A_148 : memref<125xi32, #tpu.memory_space<vmem>>) semaphore(%arg26 : memref<!tpu.dma_semaphore, #tpu.memory_space<semaphore_mem>>) {add = true}
      %add3A_152 = arith.constant 1 : i32
      %add3A_153 = arith.addi %mul3A_17, %add3A_152 : i32
      %dma_start3A_154 = arith.constant 0 : i32
      %dma_start3A_155 = tpu.memref_slice %arg8[%add3A_153, %dma_start3A_154] : memref<80x125xi32, #tpu.memory_space<vmem>> -> memref<1x125xi32, #tpu.memory_space<vmem>>
      %dma_start3A_156 = tpu.memref_squeeze %dma_start3A_155 : memref<1x125xi32, #tpu.memory_space<vmem>> -> memref<125xi32, #tpu.memory_space<vmem>>
      %dma_start3A_157 = arith.constant 0 : i32
      %dma_start3A_158 = arith.constant 0 : i32
      %dma_start3A_159 = tpu.memref_slice %arg17[%dma_start3A_157, %dma_start3A_158] : memref<10000x64xf32, #tpu.memory_space<vmem_shared>> -> memref<10000x64xf32, #tpu.memory_space<vmem_shared>>
      tpu.enqueue_indirect_dma source(%arg10 : memref<125x64xf32, #tpu.memory_space<vmem>>) target(%dma_start3A_159 : memref<10000x64xf32, #tpu.memory_space<vmem_shared>>) offsets(%dma_start3A_156 : memref<125xi32, #tpu.memory_space<vmem>>) semaphore(%arg27 : memref<!tpu.dma_semaphore, #tpu.memory_space<semaphore_mem>>) {add = true}
      %add3A_160 = arith.constant 2 : i32
      %add3A_161 = arith.addi %mul3A_17, %add3A_160 : i32
      %dma_start3A_162 = arith.constant 0 : i32
      %dma_start3A_163 = tpu.memref_slice %arg8[%add3A_161, %dma_start3A_162] : memref<80x125xi32, #tpu.memory_space<vmem>> -> memref<1x125xi32, #tpu.memory_space<vmem>>
      %dma_start3A_164 = tpu.memref_squeeze %dma_start3A_163 : memref<1x125xi32, #tpu.memory_space<vmem>> -> memref<125xi32, #tpu.memory_space<vmem>>
      %dma_start3A_165 = arith.constant 0 : i32
      %dma_start3A_166 = arith.constant 0 : i32
      %dma_start3A_167 = tpu.memref_slice %arg17[%dma_start3A_165, %dma_start3A_166] : memref<10000x64xf32, #tpu.memory_space<vmem_shared>> -> memref<10000x64xf32, #tpu.memory_space<vmem_shared>>
      tpu.enqueue_indirect_dma source(%arg11 : memref<125x64xf32, #tpu.memory_space<vmem>>) target(%dma_start3A_167 : memref<10000x64xf32, #tpu.memory_space<vmem_shared>>) offsets(%dma_start3A_164 : memref<125xi32, #tpu.memory_space<vmem>>) semaphore(%arg28 : memref<!tpu.dma_semaphore, #tpu.memory_space<semaphore_mem>>) {add = true}
      %add3A_168 = arith.constant 3 : i32
      %add3A_169 = arith.addi %mul3A_17, %add3A_168 : i32
      %dma_start3A_170 = arith.constant 0 : i32
      %dma_start3A_171 = tpu.memref_slice %arg8[%add3A_169, %dma_start3A_170] : memref<80x125xi32, #tpu.memory_space<vmem>> -> memref<1x125xi32, #tpu.memory_space<vmem>>
      %dma_start3A_172 = tpu.memref_squeeze %dma_start3A_171 : memref<1x125xi32, #tpu.memory_space<vmem>> -> memref<125xi32, #tpu.memory_space<vmem>>
      %dma_start3A_173 = arith.constant 0 : i32
      %dma_start3A_174 = arith.constant 0 : i32
      %dma_start3A_175 = tpu.memref_slice %arg17[%dma_start3A_173, %dma_start3A_174] : memref<10000x64xf32, #tpu.memory_space<vmem_shared>> -> memref<10000x64xf32, #tpu.memory_space<vmem_shared>>
      tpu.enqueue_indirect_dma source(%arg12 : memref<125x64xf32, #tpu.memory_space<vmem>>) target(%dma_start3A_175 : memref<10000x64xf32, #tpu.memory_space<vmem_shared>>) offsets(%dma_start3A_172 : memref<125xi32, #tpu.memory_space<vmem>>) semaphore(%arg29 : memref<!tpu.dma_semaphore, #tpu.memory_space<semaphore_mem>>) {add = true}
      %add3A_176 = arith.constant 4 : i32
      %add3A_177 = arith.addi %mul3A_17, %add3A_176 : i32
      %dma_start3A_178 = arith.constant 0 : i32
      %dma_start3A_179 = tpu.memref_slice %arg8[%add3A_177, %dma_start3A_178] : memref<80x125xi32, #tpu.memory_space<vmem>> -> memref<1x125xi32, #tpu.memory_space<vmem>>
      %dma_start3A_180 = tpu.memref_squeeze %dma_start3A_179 : memref<1x125xi32, #tpu.memory_space<vmem>> -> memref<125xi32, #tpu.memory_space<vmem>>
      %dma_start3A_181 = arith.constant 0 : i32
      %dma_start3A_182 = arith.constant 0 : i32
      %dma_start3A_183 = tpu.memref_slice %arg17[%dma_start3A_181, %dma_start3A_182] : memref<10000x64xf32, #tpu.memory_space<vmem_shared>> -> memref<10000x64xf32, #tpu.memory_space<vmem_shared>>
      tpu.enqueue_indirect_dma source(%arg13 : memref<125x64xf32, #tpu.memory_space<vmem>>) target(%dma_start3A_183 : memref<10000x64xf32, #tpu.memory_space<vmem_shared>>) offsets(%dma_start3A_180 : memref<125xi32, #tpu.memory_space<vmem>>) semaphore(%arg30 : memref<!tpu.dma_semaphore, #tpu.memory_space<semaphore_mem>>) {add = true}
      %add3A_184 = arith.constant 5 : i32
      %add3A_185 = arith.addi %mul3A_17, %add3A_184 : i32
      %dma_start3A_186 = arith.constant 0 : i32
      %dma_start3A_187 = tpu.memref_slice %arg8[%add3A_185, %dma_start3A_186] : memref<80x125xi32, #tpu.memory_space<vmem>> -> memref<1x125xi32, #tpu.memory_space<vmem>>
      %dma_start3A_188 = tpu.memref_squeeze %dma_start3A_187 : memref<1x125xi32, #tpu.memory_space<vmem>> -> memref<125xi32, #tpu.memory_space<vmem>>
      %dma_start3A_189 = arith.constant 0 : i32
      %dma_start3A_190 = arith.constant 0 : i32
      %dma_start3A_191 = tpu.memref_slice %arg17[%dma_start3A_189, %dma_start3A_190] : memref<10000x64xf32, #tpu.memory_space<vmem_shared>> -> memref<10000x64xf32, #tpu.memory_space<vmem_shared>>
      tpu.enqueue_indirect_dma source(%arg14 : memref<125x64xf32, #tpu.memory_space<vmem>>) target(%dma_start3A_191 : memref<10000x64xf32, #tpu.memory_space<vmem_shared>>) offsets(%dma_start3A_188 : memref<125xi32, #tpu.memory_space<vmem>>) semaphore(%arg31 : memref<!tpu.dma_semaphore, #tpu.memory_space<semaphore_mem>>) {add = true}
      %add3A_192 = arith.constant 6 : i32
      %add3A_193 = arith.addi %mul3A_17, %add3A_192 : i32
      %dma_start3A_194 = arith.constant 0 : i32
      %dma_start3A_195 = tpu.memref_slice %arg8[%add3A_193, %dma_start3A_194] : memref<80x125xi32, #tpu.memory_space<vmem>> -> memref<1x125xi32, #tpu.memory_space<vmem>>
      %dma_start3A_196 = tpu.memref_squeeze %dma_start3A_195 : memref<1x125xi32, #tpu.memory_space<vmem>> -> memref<125xi32, #tpu.memory_space<vmem>>
      %dma_start3A_197 = arith.constant 0 : i32
      %dma_start3A_198 = arith.constant 0 : i32
      %dma_start3A_199 = tpu.memref_slice %arg17[%dma_start3A_197, %dma_start3A_198] : memref<10000x64xf32, #tpu.memory_space<vmem_shared>> -> memref<10000x64xf32, #tpu.memory_space<vmem_shared>>
      tpu.enqueue_indirect_dma source(%arg15 : memref<125x64xf32, #tpu.memory_space<vmem>>) target(%dma_start3A_199 : memref<10000x64xf32, #tpu.memory_space<vmem_shared>>) offsets(%dma_start3A_196 : memref<125xi32, #tpu.memory_space<vmem>>) semaphore(%arg32 : memref<!tpu.dma_semaphore, #tpu.memory_space<semaphore_mem>>) {add = true}
      %add3A_200 = arith.constant 7 : i32
      %add3A_201 = arith.addi %mul3A_17, %add3A_200 : i32
      %dma_start3A_202 = arith.constant 0 : i32
      %dma_start3A_203 = tpu.memref_slice %arg8[%add3A_201, %dma_start3A_202] : memref<80x125xi32, #tpu.memory_space<vmem>> -> memref<1x125xi32, #tpu.memory_space<vmem>>
      %dma_start3A_204 = tpu.memref_squeeze %dma_start3A_203 : memref<1x125xi32, #tpu.memory_space<vmem>> -> memref<125xi32, #tpu.memory_space<vmem>>
      %dma_start3A_205 = arith.constant 0 : i32
      %dma_start3A_206 = arith.constant 0 : i32
      %dma_start3A_207 = tpu.memref_slice %arg17[%dma_start3A_205, %dma_start3A_206] : memref<10000x64xf32, #tpu.memory_space<vmem_shared>> -> memref<10000x64xf32, #tpu.memory_space<vmem_shared>>
      tpu.enqueue_indirect_dma source(%arg16 : memref<125x64xf32, #tpu.memory_space<vmem>>) target(%dma_start3A_207 : memref<10000x64xf32, #tpu.memory_space<vmem_shared>>) offsets(%dma_start3A_204 : memref<125xi32, #tpu.memory_space<vmem>>) semaphore(%arg33 : memref<!tpu.dma_semaphore, #tpu.memory_space<semaphore_mem>>) {add = true}
      %add3A_208 = arith.constant 0 : i32
      %add3A_209 = arith.addi %mul3A_17, %add3A_208 : i32
      %dma_wait3A_210 = arith.constant 0 : i32
      %dma_wait3A_211 = tpu.memref_slice %arg8[%add3A_209, %dma_wait3A_210] : memref<80x125xi32, #tpu.memory_space<vmem>> -> memref<1x125xi32, #tpu.memory_space<vmem>>
      %dma_wait3A_212 = tpu.memref_squeeze %dma_wait3A_211 : memref<1x125xi32, #tpu.memory_space<vmem>> -> memref<125xi32, #tpu.memory_space<vmem>>
      %dma_wait3A_213 = arith.constant 0 : i32
      %dma_wait3A_214 = arith.constant 0 : i32
      %dma_wait3A_215 = tpu.memref_slice %arg17[%dma_wait3A_213, %dma_wait3A_214] : memref<10000x64xf32, #tpu.memory_space<vmem_shared>> -> memref<10000x64xf32, #tpu.memory_space<vmem_shared>>
      tpu.wait_indirect_dma semaphore(%arg26 : memref<!tpu.dma_semaphore, #tpu.memory_space<semaphore_mem>>) src(%arg9 : memref<125x64xf32, #tpu.memory_space<vmem>>) dst(%dma_wait3A_215 : memref<10000x64xf32, #tpu.memory_space<vmem_shared>>)
      %add3A_216 = arith.constant 1 : i32
      %add3A_217 = arith.addi %mul3A_17, %add3A_216 : i32
      %dma_wait3A_218 = arith.constant 0 : i32
      %dma_wait3A_219 = tpu.memref_slice %arg8[%add3A_217, %dma_wait3A_218] : memref<80x125xi32, #tpu.memory_space<vmem>> -> memref<1x125xi32, #tpu.memory_space<vmem>>
      %dma_wait3A_220 = tpu.memref_squeeze %dma_wait3A_219 : memref<1x125xi32, #tpu.memory_space<vmem>> -> memref<125xi32, #tpu.memory_space<vmem>>
      %dma_wait3A_221 = arith.constant 0 : i32
      %dma_wait3A_222 = arith.constant 0 : i32
      %dma_wait3A_223 = tpu.memref_slice %arg17[%dma_wait3A_221, %dma_wait3A_222] : memref<10000x64xf32, #tpu.memory_space<vmem_shared>> -> memref<10000x64xf32, #tpu.memory_space<vmem_shared>>
      tpu.wait_indirect_dma semaphore(%arg27 : memref<!tpu.dma_semaphore, #tpu.memory_space<semaphore_mem>>) src(%arg10 : memref<125x64xf32, #tpu.memory_space<vmem>>) dst(%dma_wait3A_223 : memref<10000x64xf32, #tpu.memory_space<vmem_shared>>)
      %add3A_224 = arith.constant 2 : i32
      %add3A_225 = arith.addi %mul3A_17, %add3A_224 : i32
      %dma_wait3A_226 = arith.constant 0 : i32
      %dma_wait3A_227 = tpu.memref_slice %arg8[%add3A_225, %dma_wait3A_226] : memref<80x125xi32, #tpu.memory_space<vmem>> -> memref<1x125xi32, #tpu.memory_space<vmem>>
      %dma_wait3A_228 = tpu.memref_squeeze %dma_wait3A_227 : memref<1x125xi32, #tpu.memory_space<vmem>> -> memref<125xi32, #tpu.memory_space<vmem>>
      %dma_wait3A_229 = arith.constant 0 : i32
      %dma_wait3A_230 = arith.constant 0 : i32
      %dma_wait3A_231 = tpu.memref_slice %arg17[%dma_wait3A_229, %dma_wait3A_230] : memref<10000x64xf32, #tpu.memory_space<vmem_shared>> -> memref<10000x64xf32, #tpu.memory_space<vmem_shared>>
      tpu.wait_indirect_dma semaphore(%arg28 : memref<!tpu.dma_semaphore, #tpu.memory_space<semaphore_mem>>) src(%arg11 : memref<125x64xf32, #tpu.memory_space<vmem>>) dst(%dma_wait3A_231 : memref<10000x64xf32, #tpu.memory_space<vmem_shared>>)
      %add3A_232 = arith.constant 3 : i32
      %add3A_233 = arith.addi %mul3A_17, %add3A_232 : i32
      %dma_wait3A_234 = arith.constant 0 : i32
      %dma_wait3A_235 = tpu.memref_slice %arg8[%add3A_233, %dma_wait3A_234] : memref<80x125xi32, #tpu.memory_space<vmem>> -> memref<1x125xi32, #tpu.memory_space<vmem>>
      %dma_wait3A_236 = tpu.memref_squeeze %dma_wait3A_235 : memref<1x125xi32, #tpu.memory_space<vmem>> -> memref<125xi32, #tpu.memory_space<vmem>>
      %dma_wait3A_237 = arith.constant 0 : i32
      %dma_wait3A_238 = arith.constant 0 : i32
      %dma_wait3A_239 = tpu.memref_slice %arg17[%dma_wait3A_237, %dma_wait3A_238] : memref<10000x64xf32, #tpu.memory_space<vmem_shared>> -> memref<10000x64xf32, #tpu.memory_space<vmem_shared>>
      tpu.wait_indirect_dma semaphore(%arg29 : memref<!tpu.dma_semaphore, #tpu.memory_space<semaphore_mem>>) src(%arg12 : memref<125x64xf32, #tpu.memory_space<vmem>>) dst(%dma_wait3A_239 : memref<10000x64xf32, #tpu.memory_space<vmem_shared>>)
      %add3A_240 = arith.constant 4 : i32
      %add3A_241 = arith.addi %mul3A_17, %add3A_240 : i32
      %dma_wait3A_242 = arith.constant 0 : i32
      %dma_wait3A_243 = tpu.memref_slice %arg8[%add3A_241, %dma_wait3A_242] : memref<80x125xi32, #tpu.memory_space<vmem>> -> memref<1x125xi32, #tpu.memory_space<vmem>>
      %dma_wait3A_244 = tpu.memref_squeeze %dma_wait3A_243 : memref<1x125xi32, #tpu.memory_space<vmem>> -> memref<125xi32, #tpu.memory_space<vmem>>
      %dma_wait3A_245 = arith.constant 0 : i32
      %dma_wait3A_246 = arith.constant 0 : i32
      %dma_wait3A_247 = tpu.memref_slice %arg17[%dma_wait3A_245, %dma_wait3A_246] : memref<10000x64xf32, #tpu.memory_space<vmem_shared>> -> memref<10000x64xf32, #tpu.memory_space<vmem_shared>>
      tpu.wait_indirect_dma semaphore(%arg30 : memref<!tpu.dma_semaphore, #tpu.memory_space<semaphore_mem>>) src(%arg13 : memref<125x64xf32, #tpu.memory_space<vmem>>) dst(%dma_wait3A_247 : memref<10000x64xf32, #tpu.memory_space<vmem_shared>>)
      %add3A_248 = arith.constant 5 : i32
      %add3A_249 = arith.addi %mul3A_17, %add3A_248 : i32
      %dma_wait3A_250 = arith.constant 0 : i32
      %dma_wait3A_251 = tpu.memref_slice %arg8[%add3A_249, %dma_wait3A_250] : memref<80x125xi32, #tpu.memory_space<vmem>> -> memref<1x125xi32, #tpu.memory_space<vmem>>
      %dma_wait3A_252 = tpu.memref_squeeze %dma_wait3A_251 : memref<1x125xi32, #tpu.memory_space<vmem>> -> memref<125xi32, #tpu.memory_space<vmem>>
      %dma_wait3A_253 = arith.constant 0 : i32
      %dma_wait3A_254 = arith.constant 0 : i32
      %dma_wait3A_255 = tpu.memref_slice %arg17[%dma_wait3A_253, %dma_wait3A_254] : memref<10000x64xf32, #tpu.memory_space<vmem_shared>> -> memref<10000x64xf32, #tpu.memory_space<vmem_shared>>
      tpu.wait_indirect_dma semaphore(%arg31 : memref<!tpu.dma_semaphore, #tpu.memory_space<semaphore_mem>>) src(%arg14 : memref<125x64xf32, #tpu.memory_space<vmem>>) dst(%dma_wait3A_255 : memref<10000x64xf32, #tpu.memory_space<vmem_shared>>)
      %add3A_256 = arith.constant 6 : i32
      %add3A_257 = arith.addi %mul3A_17, %add3A_256 : i32
      %dma_wait3A_258 = arith.constant 0 : i32
      %dma_wait3A_259 = tpu.memref_slice %arg8[%add3A_257, %dma_wait3A_258] : memref<80x125xi32, #tpu.memory_space<vmem>> -> memref<1x125xi32, #tpu.memory_space<vmem>>
      %dma_wait3A_260 = tpu.memref_squeeze %dma_wait3A_259 : memref<1x125xi32, #tpu.memory_space<vmem>> -> memref<125xi32, #tpu.memory_space<vmem>>
      %dma_wait3A_261 = arith.constant 0 : i32
      %dma_wait3A_262 = arith.constant 0 : i32
      %dma_wait3A_263 = tpu.memref_slice %arg17[%dma_wait3A_261, %dma_wait3A_262] : memref<10000x64xf32, #tpu.memory_space<vmem_shared>> -> memref<10000x64xf32, #tpu.memory_space<vmem_shared>>
      tpu.wait_indirect_dma semaphore(%arg32 : memref<!tpu.dma_semaphore, #tpu.memory_space<semaphore_mem>>) src(%arg15 : memref<125x64xf32, #tpu.memory_space<vmem>>) dst(%dma_wait3A_263 : memref<10000x64xf32, #tpu.memory_space<vmem_shared>>)
      %add3A_264 = arith.constant 7 : i32
      %add3A_265 = arith.addi %mul3A_17, %add3A_264 : i32
      %dma_wait3A_266 = arith.constant 0 : i32
      %dma_wait3A_267 = tpu.memref_slice %arg8[%add3A_265, %dma_wait3A_266] : memref<80x125xi32, #tpu.memory_space<vmem>> -> memref<1x125xi32, #tpu.memory_space<vmem>>
      %dma_wait3A_268 = tpu.memref_squeeze %dma_wait3A_267 : memref<1x125xi32, #tpu.memory_space<vmem>> -> memref<125xi32, #tpu.memory_space<vmem>>
      %dma_wait3A_269 = arith.constant 0 : i32
      %dma_wait3A_270 = arith.constant 0 : i32
      %dma_wait3A_271 = tpu.memref_slice %arg17[%dma_wait3A_269, %dma_wait3A_270] : memref<10000x64xf32, #tpu.memory_space<vmem_shared>> -> memref<10000x64xf32, #tpu.memory_space<vmem_shared>>
      tpu.wait_indirect_dma semaphore(%arg33 : memref<!tpu.dma_semaphore, #tpu.memory_space<semaphore_mem>>) src(%arg16 : memref<125x64xf32, #tpu.memory_space<vmem>>) dst(%dma_wait3A_271 : memref<10000x64xf32, #tpu.memory_space<vmem_shared>>)
    }
    %scan3A_9 = arith.constant 10 : i32
    %barrier3A_10 = arith.constant 0 : index
    tpu.barrier barrier_id(%barrier3A_10)
    %mul3A_11 = arith.constant 625 : i32
    %mul3A_12 = arith.muli %arg1, %mul3A_11 : i32
    %mul3A_13 = arith.constant 625 : i32
    %mul3A_14 = arith.muli %arg1, %mul3A_13 : i32
    "tpu.region"() ({
      %run_scoped3A = tpu.sem_alloc : memref<!tpu.dma_semaphore, #tpu.memory_space<semaphore_mem>>
      %dma_start3A = arith.constant 0 : i32
      %dma_start3A_15 = tpu.memref_slice %arg6[%arg0, %mul3A_14, %dma_start3A] : memref<2x10000x64xf32, #tpu.memory_space<hbm>> -> memref<1x625x64xf32, #tpu.memory_space<hbm>>
      %dma_start3A_16 = tpu.memref_squeeze %dma_start3A_15 : memref<1x625x64xf32, #tpu.memory_space<hbm>> -> memref<625x64xf32, #tpu.memory_space<hbm>>
      %dma_start3A_17 = arith.constant 0 : i32
      %dma_start3A_18 = tpu.memref_slice %arg17[%mul3A_12, %dma_start3A_17] : memref<10000x64xf32, #tpu.memory_space<vmem_shared>> -> memref<625x64xf32, #tpu.memory_space<vmem_shared>>
      tpu.enqueue_dma source(%dma_start3A_18 : memref<625x64xf32, #tpu.memory_space<vmem_shared>>) target(%dma_start3A_16 : memref<625x64xf32, #tpu.memory_space<hbm>>) target_semaphore(%run_scoped3A : memref<!tpu.dma_semaphore, #tpu.memory_space<semaphore_mem>>)
      %dma_wait3A = arith.constant 0 : i32
      %dma_wait3A_19 = tpu.memref_slice %arg6[%arg0, %mul3A_14, %dma_wait3A] : memref<2x10000x64xf32, #tpu.memory_space<hbm>> -> memref<1x625x64xf32, #tpu.memory_space<hbm>>
      %dma_wait3A_20 = tpu.memref_squeeze %dma_wait3A_19 : memref<1x625x64xf32, #tpu.memory_space<hbm>> -> memref<625x64xf32, #tpu.memory_space<hbm>>
      %dma_wait3A_21 = arith.constant 0 : i32
      %dma_wait3A_22 = tpu.memref_slice %arg17[%mul3A_12, %dma_wait3A_21] : memref<10000x64xf32, #tpu.memory_space<vmem_shared>> -> memref<625x64xf32, #tpu.memory_space<vmem_shared>>
      tpu.wait_dma2 semaphore(%run_scoped3A : memref<!tpu.dma_semaphore, #tpu.memory_space<semaphore_mem>>) src(%dma_wait3A_22 : memref<625x64xf32, #tpu.memory_space<vmem_shared>>) dst(%dma_wait3A_20 : memref<625x64xf32, #tpu.memory_space<hbm>>)
      tpu.yield
    }) : () -> ()
    return
  }
}

#map = affine_map<(d0, d1) -> (0, 0)>
#map1 = affine_map<(d0, d1) -> (0, 0, 0)>
module attributes {stable_mosaic.version = 14 : i64} {
  func.func @_sc_agg(%arg0: i32, %arg1: i32, %arg2: memref<10000x64xf32, #tpu.memory_space<hbm>>, %arg3: memref<32x82x125xi32, #tpu.memory_space<hbm>>, %arg4: memref<32x80x125xi32, #tpu.memory_space<hbm>>, %arg5: memref<10000x64xf32, #tpu.memory_space<hbm>>, %arg6: memref<2x10000x64xf32, #tpu.memory_space<hbm>>, %arg7: memref<82x125xi32, #tpu.memory_space<vmem>>, %arg8: memref<80x125xi32, #tpu.memory_space<vmem>>, %arg9: memref<125x64xf32, #tpu.memory_space<vmem>>, %arg10: memref<125x64xf32, #tpu.memory_space<vmem>>, %arg11: memref<125x64xf32, #tpu.memory_space<vmem>>, %arg12: memref<125x64xf32, #tpu.memory_space<vmem>>, %arg13: memref<125x64xf32, #tpu.memory_space<vmem>>, %arg14: memref<125x64xf32, #tpu.memory_space<vmem>>, %arg15: memref<125x64xf32, #tpu.memory_space<vmem>>, %arg16: memref<125x64xf32, #tpu.memory_space<vmem>>, %arg17: memref<10000x64xf32, #tpu.memory_space<vmem_shared>>, %arg18: memref<!tpu.dma_semaphore, #tpu.memory_space<semaphore_mem>>, %arg19: memref<!tpu.dma_semaphore, #tpu.memory_space<semaphore_mem>>, %arg20: memref<!tpu.dma_semaphore, #tpu.memory_space<semaphore_mem>>, %arg21: memref<!tpu.dma_semaphore, #tpu.memory_space<semaphore_mem>>, %arg22: memref<!tpu.dma_semaphore, #tpu.memory_space<semaphore_mem>>, %arg23: memref<!tpu.dma_semaphore, #tpu.memory_space<semaphore_mem>>, %arg24: memref<!tpu.dma_semaphore, #tpu.memory_space<semaphore_mem>>, %arg25: memref<!tpu.dma_semaphore, #tpu.memory_space<semaphore_mem>>, %arg26: memref<!tpu.dma_semaphore, #tpu.memory_space<semaphore_mem>>, %arg27: memref<!tpu.dma_semaphore, #tpu.memory_space<semaphore_mem>>, %arg28: memref<!tpu.dma_semaphore, #tpu.memory_space<semaphore_mem>>, %arg29: memref<!tpu.dma_semaphore, #tpu.memory_space<semaphore_mem>>, %arg30: memref<!tpu.dma_semaphore, #tpu.memory_space<semaphore_mem>>, %arg31: memref<!tpu.dma_semaphore, #tpu.memory_space<semaphore_mem>>, %arg32: memref<!tpu.dma_semaphore, #tpu.memory_space<semaphore_mem>>, %arg33: memref<!tpu.dma_semaphore, #tpu.memory_space<semaphore_mem>>) attributes {dimension_semantics = [#tpu.dimension_semantics<core_parallel>, #tpu.dimension_semantics<subcore_parallel>], iteration_bounds = array<i64: 2, 16>, scalar_prefetch = 0 : i64, scratch_operands = 27 : i64, tpu.core_type = #tpu.core_type<sc_vector_subcore>, window_params = [{transform_indices = #map}, {transform_indices = #map1}, {transform_indices = #map1}, {transform_indices = #map}, {transform_indices = #map1}]} {
    %mul3A = arith.constant 16 : i32
    %mul3A_0 = arith.muli %arg0, %mul3A : i32
    %add3A = arith.addi %mul3A_0, %arg1 : i32
    "tpu.region"() ({
      %run_scoped3A = tpu.sem_alloc : memref<!tpu.dma_semaphore, #tpu.memory_space<semaphore_mem>>
      %dma_start3A = arith.constant 0 : i32
      %dma_start3A_15 = arith.constant 0 : i32
      %dma_start3A_16 = tpu.memref_slice %arg3[%add3A, %dma_start3A, %dma_start3A_15] : memref<32x82x125xi32, #tpu.memory_space<hbm>> -> memref<1x82x125xi32, #tpu.memory_space<hbm>>
      %dma_start3A_17 = tpu.memref_squeeze %dma_start3A_16 : memref<1x82x125xi32, #tpu.memory_space<hbm>> -> memref<82x125xi32, #tpu.memory_space<hbm>>
      %dma_start3A_18 = arith.constant 0 : i32
      %dma_start3A_19 = arith.constant 0 : i32
      %dma_start3A_20 = tpu.memref_slice %arg3[%add3A, %dma_start3A_18, %dma_start3A_19] : memref<32x82x125xi32, #tpu.memory_space<hbm>> -> memref<1x82x125xi32, #tpu.memory_space<hbm>>
      %dma_start3A_21 = tpu.memref_squeeze %dma_start3A_20 : memref<1x82x125xi32, #tpu.memory_space<hbm>> -> memref<82x125xi32, #tpu.memory_space<hbm>>
      tpu.enqueue_dma source(%dma_start3A_21 : memref<82x125xi32, #tpu.memory_space<hbm>>) target(%arg7 : memref<82x125xi32, #tpu.memory_space<vmem>>) target_semaphore(%run_scoped3A : memref<!tpu.dma_semaphore, #tpu.memory_space<semaphore_mem>>)
      %dma_wait3A = arith.constant 0 : i32
      %dma_wait3A_22 = arith.constant 0 : i32
      %dma_wait3A_23 = tpu.memref_slice %arg3[%add3A, %dma_wait3A, %dma_wait3A_22] : memref<32x82x125xi32, #tpu.memory_space<hbm>> -> memref<1x82x125xi32, #tpu.memory_space<hbm>>
      %dma_wait3A_24 = tpu.memref_squeeze %dma_wait3A_23 : memref<1x82x125xi32, #tpu.memory_space<hbm>> -> memref<82x125xi32, #tpu.memory_space<hbm>>
      %dma_wait3A_25 = arith.constant 0 : i32
      %dma_wait3A_26 = arith.constant 0 : i32
      %dma_wait3A_27 = tpu.memref_slice %arg3[%add3A, %dma_wait3A_25, %dma_wait3A_26] : memref<32x82x125xi32, #tpu.memory_space<hbm>> -> memref<1x82x125xi32, #tpu.memory_space<hbm>>
      %dma_wait3A_28 = tpu.memref_squeeze %dma_wait3A_27 : memref<1x82x125xi32, #tpu.memory_space<hbm>> -> memref<82x125xi32, #tpu.memory_space<hbm>>
      tpu.wait_dma2 semaphore(%run_scoped3A : memref<!tpu.dma_semaphore, #tpu.memory_space<semaphore_mem>>) src(%dma_wait3A_28 : memref<82x125xi32, #tpu.memory_space<hbm>>) dst(%arg7 : memref<82x125xi32, #tpu.memory_space<vmem>>)
      tpu.yield
    }) : () -> ()
    "tpu.region"() ({
      %run_scoped3A = tpu.sem_alloc : memref<!tpu.dma_semaphore, #tpu.memory_space<semaphore_mem>>
      %dma_start3A = arith.constant 0 : i32
      %dma_start3A_15 = arith.constant 0 : i32
      %dma_start3A_16 = tpu.memref_slice %arg4[%add3A, %dma_start3A, %dma_start3A_15] : memref<32x80x125xi32, #tpu.memory_space<hbm>> -> memref<1x80x125xi32, #tpu.memory_space<hbm>>
      %dma_start3A_17 = tpu.memref_squeeze %dma_start3A_16 : memref<1x80x125xi32, #tpu.memory_space<hbm>> -> memref<80x125xi32, #tpu.memory_space<hbm>>
      %dma_start3A_18 = arith.constant 0 : i32
      %dma_start3A_19 = arith.constant 0 : i32
      %dma_start3A_20 = tpu.memref_slice %arg4[%add3A, %dma_start3A_18, %dma_start3A_19] : memref<32x80x125xi32, #tpu.memory_space<hbm>> -> memref<1x80x125xi32, #tpu.memory_space<hbm>>
      %dma_start3A_21 = tpu.memref_squeeze %dma_start3A_20 : memref<1x80x125xi32, #tpu.memory_space<hbm>> -> memref<80x125xi32, #tpu.memory_space<hbm>>
      tpu.enqueue_dma source(%dma_start3A_21 : memref<80x125xi32, #tpu.memory_space<hbm>>) target(%arg8 : memref<80x125xi32, #tpu.memory_space<vmem>>) target_semaphore(%run_scoped3A : memref<!tpu.dma_semaphore, #tpu.memory_space<semaphore_mem>>)
      %dma_wait3A = arith.constant 0 : i32
      %dma_wait3A_22 = arith.constant 0 : i32
      %dma_wait3A_23 = tpu.memref_slice %arg4[%add3A, %dma_wait3A, %dma_wait3A_22] : memref<32x80x125xi32, #tpu.memory_space<hbm>> -> memref<1x80x125xi32, #tpu.memory_space<hbm>>
      %dma_wait3A_24 = tpu.memref_squeeze %dma_wait3A_23 : memref<1x80x125xi32, #tpu.memory_space<hbm>> -> memref<80x125xi32, #tpu.memory_space<hbm>>
      %dma_wait3A_25 = arith.constant 0 : i32
      %dma_wait3A_26 = arith.constant 0 : i32
      %dma_wait3A_27 = tpu.memref_slice %arg4[%add3A, %dma_wait3A_25, %dma_wait3A_26] : memref<32x80x125xi32, #tpu.memory_space<hbm>> -> memref<1x80x125xi32, #tpu.memory_space<hbm>>
      %dma_wait3A_28 = tpu.memref_squeeze %dma_wait3A_27 : memref<1x80x125xi32, #tpu.memory_space<hbm>> -> memref<80x125xi32, #tpu.memory_space<hbm>>
      tpu.wait_dma2 semaphore(%run_scoped3A : memref<!tpu.dma_semaphore, #tpu.memory_space<semaphore_mem>>) src(%dma_wait3A_28 : memref<80x125xi32, #tpu.memory_space<hbm>>) dst(%arg8 : memref<80x125xi32, #tpu.memory_space<vmem>>)
      tpu.yield
    }) : () -> ()
    %mul3A_1 = arith.constant 625 : i32
    %mul3A_2 = arith.muli %arg1, %mul3A_1 : i32
    %mul3A_3 = arith.constant 625 : i32
    %mul3A_4 = arith.muli %arg1, %mul3A_3 : i32
    "tpu.region"() ({
      %run_scoped3A = tpu.sem_alloc : memref<!tpu.dma_semaphore, #tpu.memory_space<semaphore_mem>>
      %dma_start3A = arith.constant 0 : i32
      %dma_start3A_15 = tpu.memref_slice %arg17[%mul3A_4, %dma_start3A] : memref<10000x64xf32, #tpu.memory_space<vmem_shared>> -> memref<625x64xf32, #tpu.memory_space<vmem_shared>>
      %dma_start3A_16 = arith.constant 0 : i32
      %dma_start3A_17 = tpu.memref_slice %arg5[%mul3A_2, %dma_start3A_16] : memref<10000x64xf32, #tpu.memory_space<hbm>> -> memref<625x64xf32, #tpu.memory_space<hbm>>
      tpu.enqueue_dma source(%dma_start3A_17 : memref<625x64xf32, #tpu.memory_space<hbm>>) target(%dma_start3A_15 : memref<625x64xf32, #tpu.memory_space<vmem_shared>>) target_semaphore(%run_scoped3A : memref<!tpu.dma_semaphore, #tpu.memory_space<semaphore_mem>>)
      %dma_wait3A = arith.constant 0 : i32
      %dma_wait3A_18 = tpu.memref_slice %arg17[%mul3A_4, %dma_wait3A] : memref<10000x64xf32, #tpu.memory_space<vmem_shared>> -> memref<625x64xf32, #tpu.memory_space<vmem_shared>>
      %dma_wait3A_19 = arith.constant 0 : i32
      %dma_wait3A_20 = tpu.memref_slice %arg5[%mul3A_2, %dma_wait3A_19] : memref<10000x64xf32, #tpu.memory_space<hbm>> -> memref<625x64xf32, #tpu.memory_space<hbm>>
      tpu.wait_dma2 semaphore(%run_scoped3A : memref<!tpu.dma_semaphore, #tpu.memory_space<semaphore_mem>>) src(%dma_wait3A_20 : memref<625x64xf32, #tpu.memory_space<hbm>>) dst(%dma_wait3A_18 : memref<625x64xf32, #tpu.memory_space<vmem_shared>>)
      tpu.yield
    }) : () -> ()
    %barrier3A = arith.constant 0 : index
    tpu.barrier barrier_id(%barrier3A)
    %scan3A = arith.constant 0 : i32
    %scan3A_5 = arith.constant 0 : i32
    %scan3A_6 = arith.constant 10 : i32
    %scan3A_7 = arith.addi %scan3A_5, %scan3A_6 : i32
    %scan3A_8 = arith.constant 1 : i32
    scf.for %scan3A_15 = %scan3A_5 to %scan3A_7 step %scan3A_8  : i32 {
      %mul3A_16 = arith.constant 8 : i32
      %mul3A_17 = arith.muli %mul3A_16, %scan3A_15 : i32
      %add3A_18 = arith.constant 0 : i32
      %add3A_19 = arith.addi %mul3A_17, %add3A_18 : i32
      %dma_start3A = arith.constant 0 : i32
      %dma_start3A_20 = tpu.memref_slice %arg7[%add3A_19, %dma_start3A] : memref<82x125xi32, #tpu.memory_space<vmem>> -> memref<1x125xi32, #tpu.memory_space<vmem>>
      %dma_start3A_21 = tpu.memref_squeeze %dma_start3A_20 : memref<1x125xi32, #tpu.memory_space<vmem>> -> memref<125xi32, #tpu.memory_space<vmem>>
      %dma_start3A_22 = arith.constant 0 : i32
      %dma_start3A_23 = arith.constant 0 : i32
      %dma_start3A_24 = tpu.memref_slice %arg2[%dma_start3A_22, %dma_start3A_23] : memref<10000x64xf32, #tpu.memory_space<hbm>> -> memref<10000x64xf32, #tpu.memory_space<hbm>>
      tpu.enqueue_indirect_dma source(%dma_start3A_24 : memref<10000x64xf32, #tpu.memory_space<hbm>>) target(%arg9 : memref<125x64xf32, #tpu.memory_space<vmem>>) offsets(%dma_start3A_21 : memref<125xi32, #tpu.memory_space<vmem>>) semaphore(%arg18 : memref<!tpu.dma_semaphore, #tpu.memory_space<semaphore_mem>>)
      %add3A_25 = arith.constant 1 : i32
      %add3A_26 = arith.addi %mul3A_17, %add3A_25 : i32
      %dma_start3A_27 = arith.constant 0 : i32
      %dma_start3A_28 = tpu.memref_slice %arg7[%add3A_26, %dma_start3A_27] : memref<82x125xi32, #tpu.memory_space<vmem>> -> memref<1x125xi32, #tpu.memory_space<vmem>>
      %dma_start3A_29 = tpu.memref_squeeze %dma_start3A_28 : memref<1x125xi32, #tpu.memory_space<vmem>> -> memref<125xi32, #tpu.memory_space<vmem>>
      %dma_start3A_30 = arith.constant 0 : i32
      %dma_start3A_31 = arith.constant 0 : i32
      %dma_start3A_32 = tpu.memref_slice %arg2[%dma_start3A_30, %dma_start3A_31] : memref<10000x64xf32, #tpu.memory_space<hbm>> -> memref<10000x64xf32, #tpu.memory_space<hbm>>
      tpu.enqueue_indirect_dma source(%dma_start3A_32 : memref<10000x64xf32, #tpu.memory_space<hbm>>) target(%arg10 : memref<125x64xf32, #tpu.memory_space<vmem>>) offsets(%dma_start3A_29 : memref<125xi32, #tpu.memory_space<vmem>>) semaphore(%arg19 : memref<!tpu.dma_semaphore, #tpu.memory_space<semaphore_mem>>)
      %add3A_33 = arith.constant 2 : i32
      %add3A_34 = arith.addi %mul3A_17, %add3A_33 : i32
      %dma_start3A_35 = arith.constant 0 : i32
      %dma_start3A_36 = tpu.memref_slice %arg7[%add3A_34, %dma_start3A_35] : memref<82x125xi32, #tpu.memory_space<vmem>> -> memref<1x125xi32, #tpu.memory_space<vmem>>
      %dma_start3A_37 = tpu.memref_squeeze %dma_start3A_36 : memref<1x125xi32, #tpu.memory_space<vmem>> -> memref<125xi32, #tpu.memory_space<vmem>>
      %dma_start3A_38 = arith.constant 0 : i32
      %dma_start3A_39 = arith.constant 0 : i32
      %dma_start3A_40 = tpu.memref_slice %arg2[%dma_start3A_38, %dma_start3A_39] : memref<10000x64xf32, #tpu.memory_space<hbm>> -> memref<10000x64xf32, #tpu.memory_space<hbm>>
      tpu.enqueue_indirect_dma source(%dma_start3A_40 : memref<10000x64xf32, #tpu.memory_space<hbm>>) target(%arg11 : memref<125x64xf32, #tpu.memory_space<vmem>>) offsets(%dma_start3A_37 : memref<125xi32, #tpu.memory_space<vmem>>) semaphore(%arg20 : memref<!tpu.dma_semaphore, #tpu.memory_space<semaphore_mem>>)
      %add3A_41 = arith.constant 3 : i32
      %add3A_42 = arith.addi %mul3A_17, %add3A_41 : i32
      %dma_start3A_43 = arith.constant 0 : i32
      %dma_start3A_44 = tpu.memref_slice %arg7[%add3A_42, %dma_start3A_43] : memref<82x125xi32, #tpu.memory_space<vmem>> -> memref<1x125xi32, #tpu.memory_space<vmem>>
      %dma_start3A_45 = tpu.memref_squeeze %dma_start3A_44 : memref<1x125xi32, #tpu.memory_space<vmem>> -> memref<125xi32, #tpu.memory_space<vmem>>
      %dma_start3A_46 = arith.constant 0 : i32
      %dma_start3A_47 = arith.constant 0 : i32
      %dma_start3A_48 = tpu.memref_slice %arg2[%dma_start3A_46, %dma_start3A_47] : memref<10000x64xf32, #tpu.memory_space<hbm>> -> memref<10000x64xf32, #tpu.memory_space<hbm>>
      tpu.enqueue_indirect_dma source(%dma_start3A_48 : memref<10000x64xf32, #tpu.memory_space<hbm>>) target(%arg12 : memref<125x64xf32, #tpu.memory_space<vmem>>) offsets(%dma_start3A_45 : memref<125xi32, #tpu.memory_space<vmem>>) semaphore(%arg21 : memref<!tpu.dma_semaphore, #tpu.memory_space<semaphore_mem>>)
      %add3A_49 = arith.constant 4 : i32
      %add3A_50 = arith.addi %mul3A_17, %add3A_49 : i32
      %dma_start3A_51 = arith.constant 0 : i32
      %dma_start3A_52 = tpu.memref_slice %arg7[%add3A_50, %dma_start3A_51] : memref<82x125xi32, #tpu.memory_space<vmem>> -> memref<1x125xi32, #tpu.memory_space<vmem>>
      %dma_start3A_53 = tpu.memref_squeeze %dma_start3A_52 : memref<1x125xi32, #tpu.memory_space<vmem>> -> memref<125xi32, #tpu.memory_space<vmem>>
      %dma_start3A_54 = arith.constant 0 : i32
      %dma_start3A_55 = arith.constant 0 : i32
      %dma_start3A_56 = tpu.memref_slice %arg2[%dma_start3A_54, %dma_start3A_55] : memref<10000x64xf32, #tpu.memory_space<hbm>> -> memref<10000x64xf32, #tpu.memory_space<hbm>>
      tpu.enqueue_indirect_dma source(%dma_start3A_56 : memref<10000x64xf32, #tpu.memory_space<hbm>>) target(%arg13 : memref<125x64xf32, #tpu.memory_space<vmem>>) offsets(%dma_start3A_53 : memref<125xi32, #tpu.memory_space<vmem>>) semaphore(%arg22 : memref<!tpu.dma_semaphore, #tpu.memory_space<semaphore_mem>>)
      %add3A_57 = arith.constant 5 : i32
      %add3A_58 = arith.addi %mul3A_17, %add3A_57 : i32
      %dma_start3A_59 = arith.constant 0 : i32
      %dma_start3A_60 = tpu.memref_slice %arg7[%add3A_58, %dma_start3A_59] : memref<82x125xi32, #tpu.memory_space<vmem>> -> memref<1x125xi32, #tpu.memory_space<vmem>>
      %dma_start3A_61 = tpu.memref_squeeze %dma_start3A_60 : memref<1x125xi32, #tpu.memory_space<vmem>> -> memref<125xi32, #tpu.memory_space<vmem>>
      %dma_start3A_62 = arith.constant 0 : i32
      %dma_start3A_63 = arith.constant 0 : i32
      %dma_start3A_64 = tpu.memref_slice %arg2[%dma_start3A_62, %dma_start3A_63] : memref<10000x64xf32, #tpu.memory_space<hbm>> -> memref<10000x64xf32, #tpu.memory_space<hbm>>
      tpu.enqueue_indirect_dma source(%dma_start3A_64 : memref<10000x64xf32, #tpu.memory_space<hbm>>) target(%arg14 : memref<125x64xf32, #tpu.memory_space<vmem>>) offsets(%dma_start3A_61 : memref<125xi32, #tpu.memory_space<vmem>>) semaphore(%arg23 : memref<!tpu.dma_semaphore, #tpu.memory_space<semaphore_mem>>)
      %add3A_65 = arith.constant 6 : i32
      %add3A_66 = arith.addi %mul3A_17, %add3A_65 : i32
      %dma_start3A_67 = arith.constant 0 : i32
      %dma_start3A_68 = tpu.memref_slice %arg7[%add3A_66, %dma_start3A_67] : memref<82x125xi32, #tpu.memory_space<vmem>> -> memref<1x125xi32, #tpu.memory_space<vmem>>
      %dma_start3A_69 = tpu.memref_squeeze %dma_start3A_68 : memref<1x125xi32, #tpu.memory_space<vmem>> -> memref<125xi32, #tpu.memory_space<vmem>>
      %dma_start3A_70 = arith.constant 0 : i32
      %dma_start3A_71 = arith.constant 0 : i32
      %dma_start3A_72 = tpu.memref_slice %arg2[%dma_start3A_70, %dma_start3A_71] : memref<10000x64xf32, #tpu.memory_space<hbm>> -> memref<10000x64xf32, #tpu.memory_space<hbm>>
      tpu.enqueue_indirect_dma source(%dma_start3A_72 : memref<10000x64xf32, #tpu.memory_space<hbm>>) target(%arg15 : memref<125x64xf32, #tpu.memory_space<vmem>>) offsets(%dma_start3A_69 : memref<125xi32, #tpu.memory_space<vmem>>) semaphore(%arg24 : memref<!tpu.dma_semaphore, #tpu.memory_space<semaphore_mem>>)
      %add3A_73 = arith.constant 7 : i32
      %add3A_74 = arith.addi %mul3A_17, %add3A_73 : i32
      %dma_start3A_75 = arith.constant 0 : i32
      %dma_start3A_76 = tpu.memref_slice %arg7[%add3A_74, %dma_start3A_75] : memref<82x125xi32, #tpu.memory_space<vmem>> -> memref<1x125xi32, #tpu.memory_space<vmem>>
      %dma_start3A_77 = tpu.memref_squeeze %dma_start3A_76 : memref<1x125xi32, #tpu.memory_space<vmem>> -> memref<125xi32, #tpu.memory_space<vmem>>
      %dma_start3A_78 = arith.constant 0 : i32
      %dma_start3A_79 = arith.constant 0 : i32
      %dma_start3A_80 = tpu.memref_slice %arg2[%dma_start3A_78, %dma_start3A_79] : memref<10000x64xf32, #tpu.memory_space<hbm>> -> memref<10000x64xf32, #tpu.memory_space<hbm>>
      tpu.enqueue_indirect_dma source(%dma_start3A_80 : memref<10000x64xf32, #tpu.memory_space<hbm>>) target(%arg16 : memref<125x64xf32, #tpu.memory_space<vmem>>) offsets(%dma_start3A_77 : memref<125xi32, #tpu.memory_space<vmem>>) semaphore(%arg25 : memref<!tpu.dma_semaphore, #tpu.memory_space<semaphore_mem>>)
      %add3A_81 = arith.constant 0 : i32
      %add3A_82 = arith.addi %mul3A_17, %add3A_81 : i32
      %dma_wait3A = arith.constant 0 : i32
      %dma_wait3A_83 = tpu.memref_slice %arg7[%add3A_82, %dma_wait3A] : memref<82x125xi32, #tpu.memory_space<vmem>> -> memref<1x125xi32, #tpu.memory_space<vmem>>
      %dma_wait3A_84 = tpu.memref_squeeze %dma_wait3A_83 : memref<1x125xi32, #tpu.memory_space<vmem>> -> memref<125xi32, #tpu.memory_space<vmem>>
      %dma_wait3A_85 = arith.constant 0 : i32
      %dma_wait3A_86 = arith.constant 0 : i32
      %dma_wait3A_87 = tpu.memref_slice %arg2[%dma_wait3A_85, %dma_wait3A_86] : memref<10000x64xf32, #tpu.memory_space<hbm>> -> memref<10000x64xf32, #tpu.memory_space<hbm>>
      tpu.wait_indirect_dma semaphore(%arg18 : memref<!tpu.dma_semaphore, #tpu.memory_space<semaphore_mem>>) src(%dma_wait3A_87 : memref<10000x64xf32, #tpu.memory_space<hbm>>) dst(%arg9 : memref<125x64xf32, #tpu.memory_space<vmem>>)
      %add3A_88 = arith.constant 1 : i32
      %add3A_89 = arith.addi %mul3A_17, %add3A_88 : i32
      %dma_wait3A_90 = arith.constant 0 : i32
      %dma_wait3A_91 = tpu.memref_slice %arg7[%add3A_89, %dma_wait3A_90] : memref<82x125xi32, #tpu.memory_space<vmem>> -> memref<1x125xi32, #tpu.memory_space<vmem>>
      %dma_wait3A_92 = tpu.memref_squeeze %dma_wait3A_91 : memref<1x125xi32, #tpu.memory_space<vmem>> -> memref<125xi32, #tpu.memory_space<vmem>>
      %dma_wait3A_93 = arith.constant 0 : i32
      %dma_wait3A_94 = arith.constant 0 : i32
      %dma_wait3A_95 = tpu.memref_slice %arg2[%dma_wait3A_93, %dma_wait3A_94] : memref<10000x64xf32, #tpu.memory_space<hbm>> -> memref<10000x64xf32, #tpu.memory_space<hbm>>
      tpu.wait_indirect_dma semaphore(%arg19 : memref<!tpu.dma_semaphore, #tpu.memory_space<semaphore_mem>>) src(%dma_wait3A_95 : memref<10000x64xf32, #tpu.memory_space<hbm>>) dst(%arg10 : memref<125x64xf32, #tpu.memory_space<vmem>>)
      %add3A_96 = arith.constant 2 : i32
      %add3A_97 = arith.addi %mul3A_17, %add3A_96 : i32
      %dma_wait3A_98 = arith.constant 0 : i32
      %dma_wait3A_99 = tpu.memref_slice %arg7[%add3A_97, %dma_wait3A_98] : memref<82x125xi32, #tpu.memory_space<vmem>> -> memref<1x125xi32, #tpu.memory_space<vmem>>
      %dma_wait3A_100 = tpu.memref_squeeze %dma_wait3A_99 : memref<1x125xi32, #tpu.memory_space<vmem>> -> memref<125xi32, #tpu.memory_space<vmem>>
      %dma_wait3A_101 = arith.constant 0 : i32
      %dma_wait3A_102 = arith.constant 0 : i32
      %dma_wait3A_103 = tpu.memref_slice %arg2[%dma_wait3A_101, %dma_wait3A_102] : memref<10000x64xf32, #tpu.memory_space<hbm>> -> memref<10000x64xf32, #tpu.memory_space<hbm>>
      tpu.wait_indirect_dma semaphore(%arg20 : memref<!tpu.dma_semaphore, #tpu.memory_space<semaphore_mem>>) src(%dma_wait3A_103 : memref<10000x64xf32, #tpu.memory_space<hbm>>) dst(%arg11 : memref<125x64xf32, #tpu.memory_space<vmem>>)
      %add3A_104 = arith.constant 3 : i32
      %add3A_105 = arith.addi %mul3A_17, %add3A_104 : i32
      %dma_wait3A_106 = arith.constant 0 : i32
      %dma_wait3A_107 = tpu.memref_slice %arg7[%add3A_105, %dma_wait3A_106] : memref<82x125xi32, #tpu.memory_space<vmem>> -> memref<1x125xi32, #tpu.memory_space<vmem>>
      %dma_wait3A_108 = tpu.memref_squeeze %dma_wait3A_107 : memref<1x125xi32, #tpu.memory_space<vmem>> -> memref<125xi32, #tpu.memory_space<vmem>>
      %dma_wait3A_109 = arith.constant 0 : i32
      %dma_wait3A_110 = arith.constant 0 : i32
      %dma_wait3A_111 = tpu.memref_slice %arg2[%dma_wait3A_109, %dma_wait3A_110] : memref<10000x64xf32, #tpu.memory_space<hbm>> -> memref<10000x64xf32, #tpu.memory_space<hbm>>
      tpu.wait_indirect_dma semaphore(%arg21 : memref<!tpu.dma_semaphore, #tpu.memory_space<semaphore_mem>>) src(%dma_wait3A_111 : memref<10000x64xf32, #tpu.memory_space<hbm>>) dst(%arg12 : memref<125x64xf32, #tpu.memory_space<vmem>>)
      %add3A_112 = arith.constant 4 : i32
      %add3A_113 = arith.addi %mul3A_17, %add3A_112 : i32
      %dma_wait3A_114 = arith.constant 0 : i32
      %dma_wait3A_115 = tpu.memref_slice %arg7[%add3A_113, %dma_wait3A_114] : memref<82x125xi32, #tpu.memory_space<vmem>> -> memref<1x125xi32, #tpu.memory_space<vmem>>
      %dma_wait3A_116 = tpu.memref_squeeze %dma_wait3A_115 : memref<1x125xi32, #tpu.memory_space<vmem>> -> memref<125xi32, #tpu.memory_space<vmem>>
      %dma_wait3A_117 = arith.constant 0 : i32
      %dma_wait3A_118 = arith.constant 0 : i32
      %dma_wait3A_119 = tpu.memref_slice %arg2[%dma_wait3A_117, %dma_wait3A_118] : memref<10000x64xf32, #tpu.memory_space<hbm>> -> memref<10000x64xf32, #tpu.memory_space<hbm>>
      tpu.wait_indirect_dma semaphore(%arg22 : memref<!tpu.dma_semaphore, #tpu.memory_space<semaphore_mem>>) src(%dma_wait3A_119 : memref<10000x64xf32, #tpu.memory_space<hbm>>) dst(%arg13 : memref<125x64xf32, #tpu.memory_space<vmem>>)
      %add3A_120 = arith.constant 5 : i32
      %add3A_121 = arith.addi %mul3A_17, %add3A_120 : i32
      %dma_wait3A_122 = arith.constant 0 : i32
      %dma_wait3A_123 = tpu.memref_slice %arg7[%add3A_121, %dma_wait3A_122] : memref<82x125xi32, #tpu.memory_space<vmem>> -> memref<1x125xi32, #tpu.memory_space<vmem>>
      %dma_wait3A_124 = tpu.memref_squeeze %dma_wait3A_123 : memref<1x125xi32, #tpu.memory_space<vmem>> -> memref<125xi32, #tpu.memory_space<vmem>>
      %dma_wait3A_125 = arith.constant 0 : i32
      %dma_wait3A_126 = arith.constant 0 : i32
      %dma_wait3A_127 = tpu.memref_slice %arg2[%dma_wait3A_125, %dma_wait3A_126] : memref<10000x64xf32, #tpu.memory_space<hbm>> -> memref<10000x64xf32, #tpu.memory_space<hbm>>
      tpu.wait_indirect_dma semaphore(%arg23 : memref<!tpu.dma_semaphore, #tpu.memory_space<semaphore_mem>>) src(%dma_wait3A_127 : memref<10000x64xf32, #tpu.memory_space<hbm>>) dst(%arg14 : memref<125x64xf32, #tpu.memory_space<vmem>>)
      %add3A_128 = arith.constant 6 : i32
      %add3A_129 = arith.addi %mul3A_17, %add3A_128 : i32
      %dma_wait3A_130 = arith.constant 0 : i32
      %dma_wait3A_131 = tpu.memref_slice %arg7[%add3A_129, %dma_wait3A_130] : memref<82x125xi32, #tpu.memory_space<vmem>> -> memref<1x125xi32, #tpu.memory_space<vmem>>
      %dma_wait3A_132 = tpu.memref_squeeze %dma_wait3A_131 : memref<1x125xi32, #tpu.memory_space<vmem>> -> memref<125xi32, #tpu.memory_space<vmem>>
      %dma_wait3A_133 = arith.constant 0 : i32
      %dma_wait3A_134 = arith.constant 0 : i32
      %dma_wait3A_135 = tpu.memref_slice %arg2[%dma_wait3A_133, %dma_wait3A_134] : memref<10000x64xf32, #tpu.memory_space<hbm>> -> memref<10000x64xf32, #tpu.memory_space<hbm>>
      tpu.wait_indirect_dma semaphore(%arg24 : memref<!tpu.dma_semaphore, #tpu.memory_space<semaphore_mem>>) src(%dma_wait3A_135 : memref<10000x64xf32, #tpu.memory_space<hbm>>) dst(%arg15 : memref<125x64xf32, #tpu.memory_space<vmem>>)
      %add3A_136 = arith.constant 7 : i32
      %add3A_137 = arith.addi %mul3A_17, %add3A_136 : i32
      %dma_wait3A_138 = arith.constant 0 : i32
      %dma_wait3A_139 = tpu.memref_slice %arg7[%add3A_137, %dma_wait3A_138] : memref<82x125xi32, #tpu.memory_space<vmem>> -> memref<1x125xi32, #tpu.memory_space<vmem>>
      %dma_wait3A_140 = tpu.memref_squeeze %dma_wait3A_139 : memref<1x125xi32, #tpu.memory_space<vmem>> -> memref<125xi32, #tpu.memory_space<vmem>>
      %dma_wait3A_141 = arith.constant 0 : i32
      %dma_wait3A_142 = arith.constant 0 : i32
      %dma_wait3A_143 = tpu.memref_slice %arg2[%dma_wait3A_141, %dma_wait3A_142] : memref<10000x64xf32, #tpu.memory_space<hbm>> -> memref<10000x64xf32, #tpu.memory_space<hbm>>
      tpu.wait_indirect_dma semaphore(%arg25 : memref<!tpu.dma_semaphore, #tpu.memory_space<semaphore_mem>>) src(%dma_wait3A_143 : memref<10000x64xf32, #tpu.memory_space<hbm>>) dst(%arg16 : memref<125x64xf32, #tpu.memory_space<vmem>>)
      %add3A_144 = arith.constant 0 : i32
      %add3A_145 = arith.addi %mul3A_17, %add3A_144 : i32
      %dma_start3A_146 = arith.constant 0 : i32
      %dma_start3A_147 = tpu.memref_slice %arg8[%add3A_145, %dma_start3A_146] : memref<80x125xi32, #tpu.memory_space<vmem>> -> memref<1x125xi32, #tpu.memory_space<vmem>>
      %dma_start3A_148 = tpu.memref_squeeze %dma_start3A_147 : memref<1x125xi32, #tpu.memory_space<vmem>> -> memref<125xi32, #tpu.memory_space<vmem>>
      %dma_start3A_149 = arith.constant 0 : i32
      %dma_start3A_150 = arith.constant 0 : i32
      %dma_start3A_151 = tpu.memref_slice %arg17[%dma_start3A_149, %dma_start3A_150] : memref<10000x64xf32, #tpu.memory_space<vmem_shared>> -> memref<10000x64xf32, #tpu.memory_space<vmem_shared>>
      tpu.enqueue_indirect_dma source(%arg9 : memref<125x64xf32, #tpu.memory_space<vmem>>) target(%dma_start3A_151 : memref<10000x64xf32, #tpu.memory_space<vmem_shared>>) offsets(%dma_start3A_148 : memref<125xi32, #tpu.memory_space<vmem>>) semaphore(%arg26 : memref<!tpu.dma_semaphore, #tpu.memory_space<semaphore_mem>>) {add = true}
      %add3A_152 = arith.constant 1 : i32
      %add3A_153 = arith.addi %mul3A_17, %add3A_152 : i32
      %dma_start3A_154 = arith.constant 0 : i32
      %dma_start3A_155 = tpu.memref_slice %arg8[%add3A_153, %dma_start3A_154] : memref<80x125xi32, #tpu.memory_space<vmem>> -> memref<1x125xi32, #tpu.memory_space<vmem>>
      %dma_start3A_156 = tpu.memref_squeeze %dma_start3A_155 : memref<1x125xi32, #tpu.memory_space<vmem>> -> memref<125xi32, #tpu.memory_space<vmem>>
      %dma_start3A_157 = arith.constant 0 : i32
      %dma_start3A_158 = arith.constant 0 : i32
      %dma_start3A_159 = tpu.memref_slice %arg17[%dma_start3A_157, %dma_start3A_158] : memref<10000x64xf32, #tpu.memory_space<vmem_shared>> -> memref<10000x64xf32, #tpu.memory_space<vmem_shared>>
      tpu.enqueue_indirect_dma source(%arg10 : memref<125x64xf32, #tpu.memory_space<vmem>>) target(%dma_start3A_159 : memref<10000x64xf32, #tpu.memory_space<vmem_shared>>) offsets(%dma_start3A_156 : memref<125xi32, #tpu.memory_space<vmem>>) semaphore(%arg27 : memref<!tpu.dma_semaphore, #tpu.memory_space<semaphore_mem>>) {add = true}
      %add3A_160 = arith.constant 2 : i32
      %add3A_161 = arith.addi %mul3A_17, %add3A_160 : i32
      %dma_start3A_162 = arith.constant 0 : i32
      %dma_start3A_163 = tpu.memref_slice %arg8[%add3A_161, %dma_start3A_162] : memref<80x125xi32, #tpu.memory_space<vmem>> -> memref<1x125xi32, #tpu.memory_space<vmem>>
      %dma_start3A_164 = tpu.memref_squeeze %dma_start3A_163 : memref<1x125xi32, #tpu.memory_space<vmem>> -> memref<125xi32, #tpu.memory_space<vmem>>
      %dma_start3A_165 = arith.constant 0 : i32
      %dma_start3A_166 = arith.constant 0 : i32
      %dma_start3A_167 = tpu.memref_slice %arg17[%dma_start3A_165, %dma_start3A_166] : memref<10000x64xf32, #tpu.memory_space<vmem_shared>> -> memref<10000x64xf32, #tpu.memory_space<vmem_shared>>
      tpu.enqueue_indirect_dma source(%arg11 : memref<125x64xf32, #tpu.memory_space<vmem>>) target(%dma_start3A_167 : memref<10000x64xf32, #tpu.memory_space<vmem_shared>>) offsets(%dma_start3A_164 : memref<125xi32, #tpu.memory_space<vmem>>) semaphore(%arg28 : memref<!tpu.dma_semaphore, #tpu.memory_space<semaphore_mem>>) {add = true}
      %add3A_168 = arith.constant 3 : i32
      %add3A_169 = arith.addi %mul3A_17, %add3A_168 : i32
      %dma_start3A_170 = arith.constant 0 : i32
      %dma_start3A_171 = tpu.memref_slice %arg8[%add3A_169, %dma_start3A_170] : memref<80x125xi32, #tpu.memory_space<vmem>> -> memref<1x125xi32, #tpu.memory_space<vmem>>
      %dma_start3A_172 = tpu.memref_squeeze %dma_start3A_171 : memref<1x125xi32, #tpu.memory_space<vmem>> -> memref<125xi32, #tpu.memory_space<vmem>>
      %dma_start3A_173 = arith.constant 0 : i32
      %dma_start3A_174 = arith.constant 0 : i32
      %dma_start3A_175 = tpu.memref_slice %arg17[%dma_start3A_173, %dma_start3A_174] : memref<10000x64xf32, #tpu.memory_space<vmem_shared>> -> memref<10000x64xf32, #tpu.memory_space<vmem_shared>>
      tpu.enqueue_indirect_dma source(%arg12 : memref<125x64xf32, #tpu.memory_space<vmem>>) target(%dma_start3A_175 : memref<10000x64xf32, #tpu.memory_space<vmem_shared>>) offsets(%dma_start3A_172 : memref<125xi32, #tpu.memory_space<vmem>>) semaphore(%arg29 : memref<!tpu.dma_semaphore, #tpu.memory_space<semaphore_mem>>) {add = true}
      %add3A_176 = arith.constant 4 : i32
      %add3A_177 = arith.addi %mul3A_17, %add3A_176 : i32
      %dma_start3A_178 = arith.constant 0 : i32
      %dma_start3A_179 = tpu.memref_slice %arg8[%add3A_177, %dma_start3A_178] : memref<80x125xi32, #tpu.memory_space<vmem>> -> memref<1x125xi32, #tpu.memory_space<vmem>>
      %dma_start3A_180 = tpu.memref_squeeze %dma_start3A_179 : memref<1x125xi32, #tpu.memory_space<vmem>> -> memref<125xi32, #tpu.memory_space<vmem>>
      %dma_start3A_181 = arith.constant 0 : i32
      %dma_start3A_182 = arith.constant 0 : i32
      %dma_start3A_183 = tpu.memref_slice %arg17[%dma_start3A_181, %dma_start3A_182] : memref<10000x64xf32, #tpu.memory_space<vmem_shared>> -> memref<10000x64xf32, #tpu.memory_space<vmem_shared>>
      tpu.enqueue_indirect_dma source(%arg13 : memref<125x64xf32, #tpu.memory_space<vmem>>) target(%dma_start3A_183 : memref<10000x64xf32, #tpu.memory_space<vmem_shared>>) offsets(%dma_start3A_180 : memref<125xi32, #tpu.memory_space<vmem>>) semaphore(%arg30 : memref<!tpu.dma_semaphore, #tpu.memory_space<semaphore_mem>>) {add = true}
      %add3A_184 = arith.constant 5 : i32
      %add3A_185 = arith.addi %mul3A_17, %add3A_184 : i32
      %dma_start3A_186 = arith.constant 0 : i32
      %dma_start3A_187 = tpu.memref_slice %arg8[%add3A_185, %dma_start3A_186] : memref<80x125xi32, #tpu.memory_space<vmem>> -> memref<1x125xi32, #tpu.memory_space<vmem>>
      %dma_start3A_188 = tpu.memref_squeeze %dma_start3A_187 : memref<1x125xi32, #tpu.memory_space<vmem>> -> memref<125xi32, #tpu.memory_space<vmem>>
      %dma_start3A_189 = arith.constant 0 : i32
      %dma_start3A_190 = arith.constant 0 : i32
      %dma_start3A_191 = tpu.memref_slice %arg17[%dma_start3A_189, %dma_start3A_190] : memref<10000x64xf32, #tpu.memory_space<vmem_shared>> -> memref<10000x64xf32, #tpu.memory_space<vmem_shared>>
      tpu.enqueue_indirect_dma source(%arg14 : memref<125x64xf32, #tpu.memory_space<vmem>>) target(%dma_start3A_191 : memref<10000x64xf32, #tpu.memory_space<vmem_shared>>) offsets(%dma_start3A_188 : memref<125xi32, #tpu.memory_space<vmem>>) semaphore(%arg31 : memref<!tpu.dma_semaphore, #tpu.memory_space<semaphore_mem>>) {add = true}
      %add3A_192 = arith.constant 6 : i32
      %add3A_193 = arith.addi %mul3A_17, %add3A_192 : i32
      %dma_start3A_194 = arith.constant 0 : i32
      %dma_start3A_195 = tpu.memref_slice %arg8[%add3A_193, %dma_start3A_194] : memref<80x125xi32, #tpu.memory_space<vmem>> -> memref<1x125xi32, #tpu.memory_space<vmem>>
      %dma_start3A_196 = tpu.memref_squeeze %dma_start3A_195 : memref<1x125xi32, #tpu.memory_space<vmem>> -> memref<125xi32, #tpu.memory_space<vmem>>
      %dma_start3A_197 = arith.constant 0 : i32
      %dma_start3A_198 = arith.constant 0 : i32
      %dma_start3A_199 = tpu.memref_slice %arg17[%dma_start3A_197, %dma_start3A_198] : memref<10000x64xf32, #tpu.memory_space<vmem_shared>> -> memref<10000x64xf32, #tpu.memory_space<vmem_shared>>
      tpu.enqueue_indirect_dma source(%arg15 : memref<125x64xf32, #tpu.memory_space<vmem>>) target(%dma_start3A_199 : memref<10000x64xf32, #tpu.memory_space<vmem_shared>>) offsets(%dma_start3A_196 : memref<125xi32, #tpu.memory_space<vmem>>) semaphore(%arg32 : memref<!tpu.dma_semaphore, #tpu.memory_space<semaphore_mem>>) {add = true}
      %add3A_200 = arith.constant 7 : i32
      %add3A_201 = arith.addi %mul3A_17, %add3A_200 : i32
      %dma_start3A_202 = arith.constant 0 : i32
      %dma_start3A_203 = tpu.memref_slice %arg8[%add3A_201, %dma_start3A_202] : memref<80x125xi32, #tpu.memory_space<vmem>> -> memref<1x125xi32, #tpu.memory_space<vmem>>
      %dma_start3A_204 = tpu.memref_squeeze %dma_start3A_203 : memref<1x125xi32, #tpu.memory_space<vmem>> -> memref<125xi32, #tpu.memory_space<vmem>>
      %dma_start3A_205 = arith.constant 0 : i32
      %dma_start3A_206 = arith.constant 0 : i32
      %dma_start3A_207 = tpu.memref_slice %arg17[%dma_start3A_205, %dma_start3A_206] : memref<10000x64xf32, #tpu.memory_space<vmem_shared>> -> memref<10000x64xf32, #tpu.memory_space<vmem_shared>>
      tpu.enqueue_indirect_dma source(%arg16 : memref<125x64xf32, #tpu.memory_space<vmem>>) target(%dma_start3A_207 : memref<10000x64xf32, #tpu.memory_space<vmem_shared>>) offsets(%dma_start3A_204 : memref<125xi32, #tpu.memory_space<vmem>>) semaphore(%arg33 : memref<!tpu.dma_semaphore, #tpu.memory_space<semaphore_mem>>) {add = true}
      %add3A_208 = arith.constant 0 : i32
      %add3A_209 = arith.addi %mul3A_17, %add3A_208 : i32
      %dma_wait3A_210 = arith.constant 0 : i32
      %dma_wait3A_211 = tpu.memref_slice %arg8[%add3A_209, %dma_wait3A_210] : memref<80x125xi32, #tpu.memory_space<vmem>> -> memref<1x125xi32, #tpu.memory_space<vmem>>
      %dma_wait3A_212 = tpu.memref_squeeze %dma_wait3A_211 : memref<1x125xi32, #tpu.memory_space<vmem>> -> memref<125xi32, #tpu.memory_space<vmem>>
      %dma_wait3A_213 = arith.constant 0 : i32
      %dma_wait3A_214 = arith.constant 0 : i32
      %dma_wait3A_215 = tpu.memref_slice %arg17[%dma_wait3A_213, %dma_wait3A_214] : memref<10000x64xf32, #tpu.memory_space<vmem_shared>> -> memref<10000x64xf32, #tpu.memory_space<vmem_shared>>
      tpu.wait_indirect_dma semaphore(%arg26 : memref<!tpu.dma_semaphore, #tpu.memory_space<semaphore_mem>>) src(%arg9 : memref<125x64xf32, #tpu.memory_space<vmem>>) dst(%dma_wait3A_215 : memref<10000x64xf32, #tpu.memory_space<vmem_shared>>)
      %add3A_216 = arith.constant 1 : i32
      %add3A_217 = arith.addi %mul3A_17, %add3A_216 : i32
      %dma_wait3A_218 = arith.constant 0 : i32
      %dma_wait3A_219 = tpu.memref_slice %arg8[%add3A_217, %dma_wait3A_218] : memref<80x125xi32, #tpu.memory_space<vmem>> -> memref<1x125xi32, #tpu.memory_space<vmem>>
      %dma_wait3A_220 = tpu.memref_squeeze %dma_wait3A_219 : memref<1x125xi32, #tpu.memory_space<vmem>> -> memref<125xi32, #tpu.memory_space<vmem>>
      %dma_wait3A_221 = arith.constant 0 : i32
      %dma_wait3A_222 = arith.constant 0 : i32
      %dma_wait3A_223 = tpu.memref_slice %arg17[%dma_wait3A_221, %dma_wait3A_222] : memref<10000x64xf32, #tpu.memory_space<vmem_shared>> -> memref<10000x64xf32, #tpu.memory_space<vmem_shared>>
      tpu.wait_indirect_dma semaphore(%arg27 : memref<!tpu.dma_semaphore, #tpu.memory_space<semaphore_mem>>) src(%arg10 : memref<125x64xf32, #tpu.memory_space<vmem>>) dst(%dma_wait3A_223 : memref<10000x64xf32, #tpu.memory_space<vmem_shared>>)
      %add3A_224 = arith.constant 2 : i32
      %add3A_225 = arith.addi %mul3A_17, %add3A_224 : i32
      %dma_wait3A_226 = arith.constant 0 : i32
      %dma_wait3A_227 = tpu.memref_slice %arg8[%add3A_225, %dma_wait3A_226] : memref<80x125xi32, #tpu.memory_space<vmem>> -> memref<1x125xi32, #tpu.memory_space<vmem>>
      %dma_wait3A_228 = tpu.memref_squeeze %dma_wait3A_227 : memref<1x125xi32, #tpu.memory_space<vmem>> -> memref<125xi32, #tpu.memory_space<vmem>>
      %dma_wait3A_229 = arith.constant 0 : i32
      %dma_wait3A_230 = arith.constant 0 : i32
      %dma_wait3A_231 = tpu.memref_slice %arg17[%dma_wait3A_229, %dma_wait3A_230] : memref<10000x64xf32, #tpu.memory_space<vmem_shared>> -> memref<10000x64xf32, #tpu.memory_space<vmem_shared>>
      tpu.wait_indirect_dma semaphore(%arg28 : memref<!tpu.dma_semaphore, #tpu.memory_space<semaphore_mem>>) src(%arg11 : memref<125x64xf32, #tpu.memory_space<vmem>>) dst(%dma_wait3A_231 : memref<10000x64xf32, #tpu.memory_space<vmem_shared>>)
      %add3A_232 = arith.constant 3 : i32
      %add3A_233 = arith.addi %mul3A_17, %add3A_232 : i32
      %dma_wait3A_234 = arith.constant 0 : i32
      %dma_wait3A_235 = tpu.memref_slice %arg8[%add3A_233, %dma_wait3A_234] : memref<80x125xi32, #tpu.memory_space<vmem>> -> memref<1x125xi32, #tpu.memory_space<vmem>>
      %dma_wait3A_236 = tpu.memref_squeeze %dma_wait3A_235 : memref<1x125xi32, #tpu.memory_space<vmem>> -> memref<125xi32, #tpu.memory_space<vmem>>
      %dma_wait3A_237 = arith.constant 0 : i32
      %dma_wait3A_238 = arith.constant 0 : i32
      %dma_wait3A_239 = tpu.memref_slice %arg17[%dma_wait3A_237, %dma_wait3A_238] : memref<10000x64xf32, #tpu.memory_space<vmem_shared>> -> memref<10000x64xf32, #tpu.memory_space<vmem_shared>>
      tpu.wait_indirect_dma semaphore(%arg29 : memref<!tpu.dma_semaphore, #tpu.memory_space<semaphore_mem>>) src(%arg12 : memref<125x64xf32, #tpu.memory_space<vmem>>) dst(%dma_wait3A_239 : memref<10000x64xf32, #tpu.memory_space<vmem_shared>>)
      %add3A_240 = arith.constant 4 : i32
      %add3A_241 = arith.addi %mul3A_17, %add3A_240 : i32
      %dma_wait3A_242 = arith.constant 0 : i32
      %dma_wait3A_243 = tpu.memref_slice %arg8[%add3A_241, %dma_wait3A_242] : memref<80x125xi32, #tpu.memory_space<vmem>> -> memref<1x125xi32, #tpu.memory_space<vmem>>
      %dma_wait3A_244 = tpu.memref_squeeze %dma_wait3A_243 : memref<1x125xi32, #tpu.memory_space<vmem>> -> memref<125xi32, #tpu.memory_space<vmem>>
      %dma_wait3A_245 = arith.constant 0 : i32
      %dma_wait3A_246 = arith.constant 0 : i32
      %dma_wait3A_247 = tpu.memref_slice %arg17[%dma_wait3A_245, %dma_wait3A_246] : memref<10000x64xf32, #tpu.memory_space<vmem_shared>> -> memref<10000x64xf32, #tpu.memory_space<vmem_shared>>
      tpu.wait_indirect_dma semaphore(%arg30 : memref<!tpu.dma_semaphore, #tpu.memory_space<semaphore_mem>>) src(%arg13 : memref<125x64xf32, #tpu.memory_space<vmem>>) dst(%dma_wait3A_247 : memref<10000x64xf32, #tpu.memory_space<vmem_shared>>)
      %add3A_248 = arith.constant 5 : i32
      %add3A_249 = arith.addi %mul3A_17, %add3A_248 : i32
      %dma_wait3A_250 = arith.constant 0 : i32
      %dma_wait3A_251 = tpu.memref_slice %arg8[%add3A_249, %dma_wait3A_250] : memref<80x125xi32, #tpu.memory_space<vmem>> -> memref<1x125xi32, #tpu.memory_space<vmem>>
      %dma_wait3A_252 = tpu.memref_squeeze %dma_wait3A_251 : memref<1x125xi32, #tpu.memory_space<vmem>> -> memref<125xi32, #tpu.memory_space<vmem>>
      %dma_wait3A_253 = arith.constant 0 : i32
      %dma_wait3A_254 = arith.constant 0 : i32
      %dma_wait3A_255 = tpu.memref_slice %arg17[%dma_wait3A_253, %dma_wait3A_254] : memref<10000x64xf32, #tpu.memory_space<vmem_shared>> -> memref<10000x64xf32, #tpu.memory_space<vmem_shared>>
      tpu.wait_indirect_dma semaphore(%arg31 : memref<!tpu.dma_semaphore, #tpu.memory_space<semaphore_mem>>) src(%arg14 : memref<125x64xf32, #tpu.memory_space<vmem>>) dst(%dma_wait3A_255 : memref<10000x64xf32, #tpu.memory_space<vmem_shared>>)
      %add3A_256 = arith.constant 6 : i32
      %add3A_257 = arith.addi %mul3A_17, %add3A_256 : i32
      %dma_wait3A_258 = arith.constant 0 : i32
      %dma_wait3A_259 = tpu.memref_slice %arg8[%add3A_257, %dma_wait3A_258] : memref<80x125xi32, #tpu.memory_space<vmem>> -> memref<1x125xi32, #tpu.memory_space<vmem>>
      %dma_wait3A_260 = tpu.memref_squeeze %dma_wait3A_259 : memref<1x125xi32, #tpu.memory_space<vmem>> -> memref<125xi32, #tpu.memory_space<vmem>>
      %dma_wait3A_261 = arith.constant 0 : i32
      %dma_wait3A_262 = arith.constant 0 : i32
      %dma_wait3A_263 = tpu.memref_slice %arg17[%dma_wait3A_261, %dma_wait3A_262] : memref<10000x64xf32, #tpu.memory_space<vmem_shared>> -> memref<10000x64xf32, #tpu.memory_space<vmem_shared>>
      tpu.wait_indirect_dma semaphore(%arg32 : memref<!tpu.dma_semaphore, #tpu.memory_space<semaphore_mem>>) src(%arg15 : memref<125x64xf32, #tpu.memory_space<vmem>>) dst(%dma_wait3A_263 : memref<10000x64xf32, #tpu.memory_space<vmem_shared>>)
      %add3A_264 = arith.constant 7 : i32
      %add3A_265 = arith.addi %mul3A_17, %add3A_264 : i32
      %dma_wait3A_266 = arith.constant 0 : i32
      %dma_wait3A_267 = tpu.memref_slice %arg8[%add3A_265, %dma_wait3A_266] : memref<80x125xi32, #tpu.memory_space<vmem>> -> memref<1x125xi32, #tpu.memory_space<vmem>>
      %dma_wait3A_268 = tpu.memref_squeeze %dma_wait3A_267 : memref<1x125xi32, #tpu.memory_space<vmem>> -> memref<125xi32, #tpu.memory_space<vmem>>
      %dma_wait3A_269 = arith.constant 0 : i32
      %dma_wait3A_270 = arith.constant 0 : i32
      %dma_wait3A_271 = tpu.memref_slice %arg17[%dma_wait3A_269, %dma_wait3A_270] : memref<10000x64xf32, #tpu.memory_space<vmem_shared>> -> memref<10000x64xf32, #tpu.memory_space<vmem_shared>>
      tpu.wait_indirect_dma semaphore(%arg33 : memref<!tpu.dma_semaphore, #tpu.memory_space<semaphore_mem>>) src(%arg16 : memref<125x64xf32, #tpu.memory_space<vmem>>) dst(%dma_wait3A_271 : memref<10000x64xf32, #tpu.memory_space<vmem_shared>>)
    }
    %scan3A_9 = arith.constant 10 : i32
    %barrier3A_10 = arith.constant 0 : index
    tpu.barrier barrier_id(%barrier3A_10)
    %mul3A_11 = arith.constant 625 : i32
    %mul3A_12 = arith.muli %arg1, %mul3A_11 : i32
    %mul3A_13 = arith.constant 625 : i32
    %mul3A_14 = arith.muli %arg1, %mul3A_13 : i32
    "tpu.region"() ({
      %run_scoped3A = tpu.sem_alloc : memref<!tpu.dma_semaphore, #tpu.memory_space<semaphore_mem>>
      %dma_start3A = arith.constant 0 : i32
      %dma_start3A_15 = tpu.memref_slice %arg6[%arg0, %mul3A_14, %dma_start3A] : memref<2x10000x64xf32, #tpu.memory_space<hbm>> -> memref<1x625x64xf32, #tpu.memory_space<hbm>>
      %dma_start3A_16 = tpu.memref_squeeze %dma_start3A_15 : memref<1x625x64xf32, #tpu.memory_space<hbm>> -> memref<625x64xf32, #tpu.memory_space<hbm>>
      %dma_start3A_17 = arith.constant 0 : i32
      %dma_start3A_18 = tpu.memref_slice %arg17[%mul3A_12, %dma_start3A_17] : memref<10000x64xf32, #tpu.memory_space<vmem_shared>> -> memref<625x64xf32, #tpu.memory_space<vmem_shared>>
      tpu.enqueue_dma source(%dma_start3A_18 : memref<625x64xf32, #tpu.memory_space<vmem_shared>>) target(%dma_start3A_16 : memref<625x64xf32, #tpu.memory_space<hbm>>) target_semaphore(%run_scoped3A : memref<!tpu.dma_semaphore, #tpu.memory_space<semaphore_mem>>)
      %dma_wait3A = arith.constant 0 : i32
      %dma_wait3A_19 = tpu.memref_slice %arg6[%arg0, %mul3A_14, %dma_wait3A] : memref<2x10000x64xf32, #tpu.memory_space<hbm>> -> memref<1x625x64xf32, #tpu.memory_space<hbm>>
      %dma_wait3A_20 = tpu.memref_squeeze %dma_wait3A_19 : memref<1x625x64xf32, #tpu.memory_space<hbm>> -> memref<625x64xf32, #tpu.memory_space<hbm>>
      %dma_wait3A_21 = arith.constant 0 : i32
      %dma_wait3A_22 = tpu.memref_slice %arg17[%mul3A_12, %dma_wait3A_21] : memref<10000x64xf32, #tpu.memory_space<vmem_shared>> -> memref<625x64xf32, #tpu.memory_space<vmem_shared>>
      tpu.wait_dma2 semaphore(%run_scoped3A : memref<!tpu.dma_semaphore, #tpu.memory_space<semaphore_mem>>) src(%dma_wait3A_22 : memref<625x64xf32, #tpu.memory_space<vmem_shared>>) dst(%dma_wait3A_20 : memref<625x64xf32, #tpu.memory_space<hbm>>)
      tpu.yield
    }) : () -> ()
    return
  }
}

#map = affine_map<(d0, d1) -> (0, 0, 0)>
#map1 = affine_map<(d0, d1) -> (0, 0)>
module attributes {stable_mosaic.version = 14 : i64} {
  func.func @_sc_cnt(%arg0: i32, %arg1: i32, %arg2: memref<32x80x125xi32, #tpu.memory_space<hbm>>, %arg3: memref<125x8xf32, #tpu.memory_space<hbm>>, %arg4: memref<10000x8xf32, #tpu.memory_space<hbm>>, %arg5: memref<2x10000x8xf32, #tpu.memory_space<hbm>>, %arg6: memref<80x125xi32, #tpu.memory_space<vmem>>, %arg7: memref<125x8xf32, #tpu.memory_space<vmem>>, %arg8: memref<10000x8xf32, #tpu.memory_space<vmem_shared>>) attributes {dimension_semantics = [#tpu.dimension_semantics<core_parallel>, #tpu.dimension_semantics<subcore_parallel>], iteration_bounds = array<i64: 2, 16>, scalar_prefetch = 0 : i64, scratch_operands = 3 : i64, tpu.core_type = #tpu.core_type<sc_vector_subcore>, window_params = [{transform_indices = #map}, {transform_indices = #map1}, {transform_indices = #map1}, {transform_indices = #map}]} {
    %mul3A = arith.constant 16 : i32
    %mul3A_0 = arith.muli %arg0, %mul3A : i32
    %add3A = arith.addi %mul3A_0, %arg1 : i32
    "tpu.region"() ({
      %run_scoped3A = tpu.sem_alloc : memref<!tpu.dma_semaphore, #tpu.memory_space<semaphore_mem>>
      %dma_start3A = arith.constant 0 : i32
      %dma_start3A_15 = arith.constant 0 : i32
      %dma_start3A_16 = tpu.memref_slice %arg2[%add3A, %dma_start3A, %dma_start3A_15] : memref<32x80x125xi32, #tpu.memory_space<hbm>> -> memref<1x80x125xi32, #tpu.memory_space<hbm>>
      %dma_start3A_17 = tpu.memref_squeeze %dma_start3A_16 : memref<1x80x125xi32, #tpu.memory_space<hbm>> -> memref<80x125xi32, #tpu.memory_space<hbm>>
      %dma_start3A_18 = arith.constant 0 : i32
      %dma_start3A_19 = arith.constant 0 : i32
      %dma_start3A_20 = tpu.memref_slice %arg2[%add3A, %dma_start3A_18, %dma_start3A_19] : memref<32x80x125xi32, #tpu.memory_space<hbm>> -> memref<1x80x125xi32, #tpu.memory_space<hbm>>
      %dma_start3A_21 = tpu.memref_squeeze %dma_start3A_20 : memref<1x80x125xi32, #tpu.memory_space<hbm>> -> memref<80x125xi32, #tpu.memory_space<hbm>>
      tpu.enqueue_dma source(%dma_start3A_21 : memref<80x125xi32, #tpu.memory_space<hbm>>) target(%arg6 : memref<80x125xi32, #tpu.memory_space<vmem>>) target_semaphore(%run_scoped3A : memref<!tpu.dma_semaphore, #tpu.memory_space<semaphore_mem>>)
      %dma_wait3A = arith.constant 0 : i32
      %dma_wait3A_22 = arith.constant 0 : i32
      %dma_wait3A_23 = tpu.memref_slice %arg2[%add3A, %dma_wait3A, %dma_wait3A_22] : memref<32x80x125xi32, #tpu.memory_space<hbm>> -> memref<1x80x125xi32, #tpu.memory_space<hbm>>
      %dma_wait3A_24 = tpu.memref_squeeze %dma_wait3A_23 : memref<1x80x125xi32, #tpu.memory_space<hbm>> -> memref<80x125xi32, #tpu.memory_space<hbm>>
      %dma_wait3A_25 = arith.constant 0 : i32
      %dma_wait3A_26 = arith.constant 0 : i32
      %dma_wait3A_27 = tpu.memref_slice %arg2[%add3A, %dma_wait3A_25, %dma_wait3A_26] : memref<32x80x125xi32, #tpu.memory_space<hbm>> -> memref<1x80x125xi32, #tpu.memory_space<hbm>>
      %dma_wait3A_28 = tpu.memref_squeeze %dma_wait3A_27 : memref<1x80x125xi32, #tpu.memory_space<hbm>> -> memref<80x125xi32, #tpu.memory_space<hbm>>
      tpu.wait_dma2 semaphore(%run_scoped3A : memref<!tpu.dma_semaphore, #tpu.memory_space<semaphore_mem>>) src(%dma_wait3A_28 : memref<80x125xi32, #tpu.memory_space<hbm>>) dst(%arg6 : memref<80x125xi32, #tpu.memory_space<vmem>>)
      tpu.yield
    }) : () -> ()
    "tpu.region"() ({
      %run_scoped3A = tpu.sem_alloc : memref<!tpu.dma_semaphore, #tpu.memory_space<semaphore_mem>>
      tpu.enqueue_dma source(%arg3 : memref<125x8xf32, #tpu.memory_space<hbm>>) target(%arg7 : memref<125x8xf32, #tpu.memory_space<vmem>>) target_semaphore(%run_scoped3A : memref<!tpu.dma_semaphore, #tpu.memory_space<semaphore_mem>>)
      tpu.wait_dma2 semaphore(%run_scoped3A : memref<!tpu.dma_semaphore, #tpu.memory_space<semaphore_mem>>) src(%arg3 : memref<125x8xf32, #tpu.memory_space<hbm>>) dst(%arg7 : memref<125x8xf32, #tpu.memory_space<vmem>>)
      tpu.yield
    }) : () -> ()
    %mul3A_1 = arith.constant 625 : i32
    %mul3A_2 = arith.muli %arg1, %mul3A_1 : i32
    %mul3A_3 = arith.constant 625 : i32
    %mul3A_4 = arith.muli %arg1, %mul3A_3 : i32
    "tpu.region"() ({
      %run_scoped3A = tpu.sem_alloc : memref<!tpu.dma_semaphore, #tpu.memory_space<semaphore_mem>>
      %dma_start3A = arith.constant 0 : i32
      %dma_start3A_15 = tpu.memref_slice %arg8[%mul3A_4, %dma_start3A] : memref<10000x8xf32, #tpu.memory_space<vmem_shared>> -> memref<625x8xf32, #tpu.memory_space<vmem_shared>>
      %dma_start3A_16 = arith.constant 0 : i32
      %dma_start3A_17 = tpu.memref_slice %arg4[%mul3A_2, %dma_start3A_16] : memref<10000x8xf32, #tpu.memory_space<hbm>> -> memref<625x8xf32, #tpu.memory_space<hbm>>
      tpu.enqueue_dma source(%dma_start3A_17 : memref<625x8xf32, #tpu.memory_space<hbm>>) target(%dma_start3A_15 : memref<625x8xf32, #tpu.memory_space<vmem_shared>>) target_semaphore(%run_scoped3A : memref<!tpu.dma_semaphore, #tpu.memory_space<semaphore_mem>>)
      %dma_wait3A = arith.constant 0 : i32
      %dma_wait3A_18 = tpu.memref_slice %arg8[%mul3A_4, %dma_wait3A] : memref<10000x8xf32, #tpu.memory_space<vmem_shared>> -> memref<625x8xf32, #tpu.memory_space<vmem_shared>>
      %dma_wait3A_19 = arith.constant 0 : i32
      %dma_wait3A_20 = tpu.memref_slice %arg4[%mul3A_2, %dma_wait3A_19] : memref<10000x8xf32, #tpu.memory_space<hbm>> -> memref<625x8xf32, #tpu.memory_space<hbm>>
      tpu.wait_dma2 semaphore(%run_scoped3A : memref<!tpu.dma_semaphore, #tpu.memory_space<semaphore_mem>>) src(%dma_wait3A_20 : memref<625x8xf32, #tpu.memory_space<hbm>>) dst(%dma_wait3A_18 : memref<625x8xf32, #tpu.memory_space<vmem_shared>>)
      tpu.yield
    }) : () -> ()
    %barrier3A = arith.constant 0 : index
    tpu.barrier barrier_id(%barrier3A)
    %scan3A = arith.constant 0 : i32
    %scan3A_5 = arith.constant 0 : i32
    %scan3A_6 = arith.constant 80 : i32
    %scan3A_7 = arith.addi %scan3A_5, %scan3A_6 : i32
    %scan3A_8 = arith.constant 1 : i32
    scf.for %scan3A_15 = %scan3A_5 to %scan3A_7 step %scan3A_8  : i32 {
      "tpu.region"() ({
        %run_scoped3A = tpu.sem_alloc : memref<!tpu.dma_semaphore, #tpu.memory_space<semaphore_mem>>
        %dma_start3A = arith.constant 0 : i32
        %dma_start3A_16 = tpu.memref_slice %arg6[%scan3A_15, %dma_start3A] : memref<80x125xi32, #tpu.memory_space<vmem>> -> memref<1x125xi32, #tpu.memory_space<vmem>>
        %dma_start3A_17 = tpu.memref_squeeze %dma_start3A_16 : memref<1x125xi32, #tpu.memory_space<vmem>> -> memref<125xi32, #tpu.memory_space<vmem>>
        %dma_start3A_18 = arith.constant 0 : i32
        %dma_start3A_19 = arith.constant 0 : i32
        %dma_start3A_20 = tpu.memref_slice %arg8[%dma_start3A_18, %dma_start3A_19] : memref<10000x8xf32, #tpu.memory_space<vmem_shared>> -> memref<10000x8xf32, #tpu.memory_space<vmem_shared>>
        tpu.enqueue_indirect_dma source(%arg7 : memref<125x8xf32, #tpu.memory_space<vmem>>) target(%dma_start3A_20 : memref<10000x8xf32, #tpu.memory_space<vmem_shared>>) offsets(%dma_start3A_17 : memref<125xi32, #tpu.memory_space<vmem>>) semaphore(%run_scoped3A : memref<!tpu.dma_semaphore, #tpu.memory_space<semaphore_mem>>) {add = true}
        %dma_wait3A = arith.constant 0 : i32
        %dma_wait3A_21 = tpu.memref_slice %arg6[%scan3A_15, %dma_wait3A] : memref<80x125xi32, #tpu.memory_space<vmem>> -> memref<1x125xi32, #tpu.memory_space<vmem>>
        %dma_wait3A_22 = tpu.memref_squeeze %dma_wait3A_21 : memref<1x125xi32, #tpu.memory_space<vmem>> -> memref<125xi32, #tpu.memory_space<vmem>>
        %dma_wait3A_23 = arith.constant 0 : i32
        %dma_wait3A_24 = arith.constant 0 : i32
        %dma_wait3A_25 = tpu.memref_slice %arg8[%dma_wait3A_23, %dma_wait3A_24] : memref<10000x8xf32, #tpu.memory_space<vmem_shared>> -> memref<10000x8xf32, #tpu.memory_space<vmem_shared>>
        tpu.wait_indirect_dma semaphore(%run_scoped3A : memref<!tpu.dma_semaphore, #tpu.memory_space<semaphore_mem>>) src(%arg7 : memref<125x8xf32, #tpu.memory_space<vmem>>) dst(%dma_wait3A_25 : memref<10000x8xf32, #tpu.memory_space<vmem_shared>>)
        tpu.yield
      }) : () -> ()
    }
    %scan3A_9 = arith.constant 80 : i32
    %barrier3A_10 = arith.constant 0 : index
    tpu.barrier barrier_id(%barrier3A_10)
    %mul3A_11 = arith.constant 625 : i32
    %mul3A_12 = arith.muli %arg1, %mul3A_11 : i32
    %mul3A_13 = arith.constant 625 : i32
    %mul3A_14 = arith.muli %arg1, %mul3A_13 : i32
    "tpu.region"() ({
      %run_scoped3A = tpu.sem_alloc : memref<!tpu.dma_semaphore, #tpu.memory_space<semaphore_mem>>
      %dma_start3A = arith.constant 0 : i32
      %dma_start3A_15 = tpu.memref_slice %arg5[%arg0, %mul3A_14, %dma_start3A] : memref<2x10000x8xf32, #tpu.memory_space<hbm>> -> memref<1x625x8xf32, #tpu.memory_space<hbm>>
      %dma_start3A_16 = tpu.memref_squeeze %dma_start3A_15 : memref<1x625x8xf32, #tpu.memory_space<hbm>> -> memref<625x8xf32, #tpu.memory_space<hbm>>
      %dma_start3A_17 = arith.constant 0 : i32
      %dma_start3A_18 = tpu.memref_slice %arg8[%mul3A_12, %dma_start3A_17] : memref<10000x8xf32, #tpu.memory_space<vmem_shared>> -> memref<625x8xf32, #tpu.memory_space<vmem_shared>>
      tpu.enqueue_dma source(%dma_start3A_18 : memref<625x8xf32, #tpu.memory_space<vmem_shared>>) target(%dma_start3A_16 : memref<625x8xf32, #tpu.memory_space<hbm>>) target_semaphore(%run_scoped3A : memref<!tpu.dma_semaphore, #tpu.memory_space<semaphore_mem>>)
      %dma_wait3A = arith.constant 0 : i32
      %dma_wait3A_19 = tpu.memref_slice %arg5[%arg0, %mul3A_14, %dma_wait3A] : memref<2x10000x8xf32, #tpu.memory_space<hbm>> -> memref<1x625x8xf32, #tpu.memory_space<hbm>>
      %dma_wait3A_20 = tpu.memref_squeeze %dma_wait3A_19 : memref<1x625x8xf32, #tpu.memory_space<hbm>> -> memref<625x8xf32, #tpu.memory_space<hbm>>
      %dma_wait3A_21 = arith.constant 0 : i32
      %dma_wait3A_22 = tpu.memref_slice %arg8[%mul3A_12, %dma_wait3A_21] : memref<10000x8xf32, #tpu.memory_space<vmem_shared>> -> memref<625x8xf32, #tpu.memory_space<vmem_shared>>
      tpu.wait_dma2 semaphore(%run_scoped3A : memref<!tpu.dma_semaphore, #tpu.memory_space<semaphore_mem>>) src(%dma_wait3A_22 : memref<625x8xf32, #tpu.memory_space<vmem_shared>>) dst(%dma_wait3A_20 : memref<625x8xf32, #tpu.memory_space<hbm>>)
      tpu.yield
    }) : () -> ()
    return
  }
}

#map = affine_map<(d0, d1) -> (0, 0)>
#map1 = affine_map<(d0, d1) -> (0, 0, 0)>
module attributes {stable_mosaic.version = 14 : i64} {
  func.func @_sc_pairs(%arg0: i32, %arg1: i32, %arg2: memref<10000x64xf32, #tpu.memory_space<hbm>>, %arg3: memref<10000x8xf32, #tpu.memory_space<hbm>>, %arg4: memref<32x13x125xi32, #tpu.memory_space<hbm>>, %arg5: memref<32x13x125xi32, #tpu.memory_space<hbm>>, %arg6: memref<52000x64xf32, #tpu.memory_space<hbm>>, %arg7: memref<52000x64xf32, #tpu.memory_space<hbm>>, %arg8: memref<52000x8xf32, #tpu.memory_space<hbm>>, %arg9: memref<13x125xi32, #tpu.memory_space<vmem>>, %arg10: memref<13x125xi32, #tpu.memory_space<vmem>>, %arg11: memref<125x64xf32, #tpu.memory_space<vmem>>, %arg12: memref<125x64xf32, #tpu.memory_space<vmem>>, %arg13: memref<125x64xf32, #tpu.memory_space<vmem>>, %arg14: memref<125x64xf32, #tpu.memory_space<vmem>>, %arg15: memref<125x8xf32, #tpu.memory_space<vmem>>, %arg16: memref<125x8xf32, #tpu.memory_space<vmem>>, %arg17: memref<!tpu.dma_semaphore, #tpu.memory_space<semaphore_mem>>, %arg18: memref<!tpu.dma_semaphore, #tpu.memory_space<semaphore_mem>>, %arg19: memref<!tpu.dma_semaphore, #tpu.memory_space<semaphore_mem>>, %arg20: memref<!tpu.dma_semaphore, #tpu.memory_space<semaphore_mem>>, %arg21: memref<!tpu.dma_semaphore, #tpu.memory_space<semaphore_mem>>, %arg22: memref<!tpu.dma_semaphore, #tpu.memory_space<semaphore_mem>>, %arg23: memref<!tpu.dma_semaphore, #tpu.memory_space<semaphore_mem>>, %arg24: memref<!tpu.dma_semaphore, #tpu.memory_space<semaphore_mem>>, %arg25: memref<!tpu.dma_semaphore, #tpu.memory_space<semaphore_mem>>, %arg26: memref<!tpu.dma_semaphore, #tpu.memory_space<semaphore_mem>>, %arg27: memref<!tpu.dma_semaphore, #tpu.memory_space<semaphore_mem>>, %arg28: memref<!tpu.dma_semaphore, #tpu.memory_space<semaphore_mem>>) attributes {dimension_semantics = [#tpu.dimension_semantics<core_parallel>, #tpu.dimension_semantics<subcore_parallel>], iteration_bounds = array<i64: 2, 16>, scalar_prefetch = 0 : i64, scratch_operands = 20 : i64, tpu.core_type = #tpu.core_type<sc_vector_subcore>, window_params = [{transform_indices = #map}, {transform_indices = #map}, {transform_indices = #map1}, {transform_indices = #map1}, {transform_indices = #map}, {transform_indices = #map}, {transform_indices = #map}]} {
    %mul3A = arith.constant 16 : i32
    %mul3A_0 = arith.muli %arg0, %mul3A : i32
    %add3A = arith.addi %mul3A_0, %arg1 : i32
    %mul3A_1 = arith.constant 1625 : i32
    %mul3A_2 = arith.muli %add3A, %mul3A_1 : i32
    "tpu.region"() ({
      %run_scoped3A = tpu.sem_alloc : memref<!tpu.dma_semaphore, #tpu.memory_space<semaphore_mem>>
      %dma_start3A_76 = arith.constant 0 : i32
      %dma_start3A_77 = arith.constant 0 : i32
      %dma_start3A_78 = tpu.memref_slice %arg4[%add3A, %dma_start3A_76, %dma_start3A_77] : memref<32x13x125xi32, #tpu.memory_space<hbm>> -> memref<1x13x125xi32, #tpu.memory_space<hbm>>
      %dma_start3A_79 = tpu.memref_squeeze %dma_start3A_78 : memref<1x13x125xi32, #tpu.memory_space<hbm>> -> memref<13x125xi32, #tpu.memory_space<hbm>>
      %dma_start3A_80 = arith.constant 0 : i32
      %dma_start3A_81 = arith.constant 0 : i32
      %dma_start3A_82 = tpu.memref_slice %arg4[%add3A, %dma_start3A_80, %dma_start3A_81] : memref<32x13x125xi32, #tpu.memory_space<hbm>> -> memref<1x13x125xi32, #tpu.memory_space<hbm>>
      %dma_start3A_83 = tpu.memref_squeeze %dma_start3A_82 : memref<1x13x125xi32, #tpu.memory_space<hbm>> -> memref<13x125xi32, #tpu.memory_space<hbm>>
      tpu.enqueue_dma source(%dma_start3A_83 : memref<13x125xi32, #tpu.memory_space<hbm>>) target(%arg9 : memref<13x125xi32, #tpu.memory_space<vmem>>) target_semaphore(%run_scoped3A : memref<!tpu.dma_semaphore, #tpu.memory_space<semaphore_mem>>)
      %dma_wait3A_84 = arith.constant 0 : i32
      %dma_wait3A_85 = arith.constant 0 : i32
      %dma_wait3A_86 = tpu.memref_slice %arg4[%add3A, %dma_wait3A_84, %dma_wait3A_85] : memref<32x13x125xi32, #tpu.memory_space<hbm>> -> memref<1x13x125xi32, #tpu.memory_space<hbm>>
      %dma_wait3A_87 = tpu.memref_squeeze %dma_wait3A_86 : memref<1x13x125xi32, #tpu.memory_space<hbm>> -> memref<13x125xi32, #tpu.memory_space<hbm>>
      %dma_wait3A_88 = arith.constant 0 : i32
      %dma_wait3A_89 = arith.constant 0 : i32
      %dma_wait3A_90 = tpu.memref_slice %arg4[%add3A, %dma_wait3A_88, %dma_wait3A_89] : memref<32x13x125xi32, #tpu.memory_space<hbm>> -> memref<1x13x125xi32, #tpu.memory_space<hbm>>
      %dma_wait3A_91 = tpu.memref_squeeze %dma_wait3A_90 : memref<1x13x125xi32, #tpu.memory_space<hbm>> -> memref<13x125xi32, #tpu.memory_space<hbm>>
      tpu.wait_dma2 semaphore(%run_scoped3A : memref<!tpu.dma_semaphore, #tpu.memory_space<semaphore_mem>>) src(%dma_wait3A_91 : memref<13x125xi32, #tpu.memory_space<hbm>>) dst(%arg9 : memref<13x125xi32, #tpu.memory_space<vmem>>)
      tpu.yield
    }) : () -> ()
    "tpu.region"() ({
      %run_scoped3A = tpu.sem_alloc : memref<!tpu.dma_semaphore, #tpu.memory_space<semaphore_mem>>
      %dma_start3A_76 = arith.constant 0 : i32
      %dma_start3A_77 = arith.constant 0 : i32
      %dma_start3A_78 = tpu.memref_slice %arg5[%add3A, %dma_start3A_76, %dma_start3A_77] : memref<32x13x125xi32, #tpu.memory_space<hbm>> -> memref<1x13x125xi32, #tpu.memory_space<hbm>>
      %dma_start3A_79 = tpu.memref_squeeze %dma_start3A_78 : memref<1x13x125xi32, #tpu.memory_space<hbm>> -> memref<13x125xi32, #tpu.memory_space<hbm>>
      %dma_start3A_80 = arith.constant 0 : i32
      %dma_start3A_81 = arith.constant 0 : i32
      %dma_start3A_82 = tpu.memref_slice %arg5[%add3A, %dma_start3A_80, %dma_start3A_81] : memref<32x13x125xi32, #tpu.memory_space<hbm>> -> memref<1x13x125xi32, #tpu.memory_space<hbm>>
      %dma_start3A_83 = tpu.memref_squeeze %dma_start3A_82 : memref<1x13x125xi32, #tpu.memory_space<hbm>> -> memref<13x125xi32, #tpu.memory_space<hbm>>
      tpu.enqueue_dma source(%dma_start3A_83 : memref<13x125xi32, #tpu.memory_space<hbm>>) target(%arg10 : memref<13x125xi32, #tpu.memory_space<vmem>>) target_semaphore(%run_scoped3A : memref<!tpu.dma_semaphore, #tpu.memory_space<semaphore_mem>>)
      %dma_wait3A_84 = arith.constant 0 : i32
      %dma_wait3A_85 = arith.constant 0 : i32
      %dma_wait3A_86 = tpu.memref_slice %arg5[%add3A, %dma_wait3A_84, %dma_wait3A_85] : memref<32x13x125xi32, #tpu.memory_space<hbm>> -> memref<1x13x125xi32, #tpu.memory_space<hbm>>
      %dma_wait3A_87 = tpu.memref_squeeze %dma_wait3A_86 : memref<1x13x125xi32, #tpu.memory_space<hbm>> -> memref<13x125xi32, #tpu.memory_space<hbm>>
      %dma_wait3A_88 = arith.constant 0 : i32
      %dma_wait3A_89 = arith.constant 0 : i32
      %dma_wait3A_90 = tpu.memref_slice %arg5[%add3A, %dma_wait3A_88, %dma_wait3A_89] : memref<32x13x125xi32, #tpu.memory_space<hbm>> -> memref<1x13x125xi32, #tpu.memory_space<hbm>>
      %dma_wait3A_91 = tpu.memref_squeeze %dma_wait3A_90 : memref<1x13x125xi32, #tpu.memory_space<hbm>> -> memref<13x125xi32, #tpu.memory_space<hbm>>
      tpu.wait_dma2 semaphore(%run_scoped3A : memref<!tpu.dma_semaphore, #tpu.memory_space<semaphore_mem>>) src(%dma_wait3A_91 : memref<13x125xi32, #tpu.memory_space<hbm>>) dst(%arg10 : memref<13x125xi32, #tpu.memory_space<vmem>>)
      tpu.yield
    }) : () -> ()
    %dma_start3A = arith.constant 0 : i32
    %dma_start3A_3 = arith.constant 0 : i32
    %dma_start3A_4 = tpu.memref_slice %arg9[%dma_start3A, %dma_start3A_3] : memref<13x125xi32, #tpu.memory_space<vmem>> -> memref<1x125xi32, #tpu.memory_space<vmem>>
    %dma_start3A_5 = tpu.memref_squeeze %dma_start3A_4 : memref<1x125xi32, #tpu.memory_space<vmem>> -> memref<125xi32, #tpu.memory_space<vmem>>
    %dma_start3A_6 = arith.constant 0 : i32
    %dma_start3A_7 = arith.constant 0 : i32
    %dma_start3A_8 = tpu.memref_slice %arg2[%dma_start3A_6, %dma_start3A_7] : memref<10000x64xf32, #tpu.memory_space<hbm>> -> memref<10000x64xf32, #tpu.memory_space<hbm>>
    tpu.enqueue_indirect_dma source(%dma_start3A_8 : memref<10000x64xf32, #tpu.memory_space<hbm>>) target(%arg11 : memref<125x64xf32, #tpu.memory_space<vmem>>) offsets(%dma_start3A_5 : memref<125xi32, #tpu.memory_space<vmem>>) semaphore(%arg17 : memref<!tpu.dma_semaphore, #tpu.memory_space<semaphore_mem>>)
    %dma_start3A_9 = arith.constant 0 : i32
    %dma_start3A_10 = arith.constant 0 : i32
    %dma_start3A_11 = tpu.memref_slice %arg10[%dma_start3A_9, %dma_start3A_10] : memref<13x125xi32, #tpu.memory_space<vmem>> -> memref<1x125xi32, #tpu.memory_space<vmem>>
    %dma_start3A_12 = tpu.memref_squeeze %dma_start3A_11 : memref<1x125xi32, #tpu.memory_space<vmem>> -> memref<125xi32, #tpu.memory_space<vmem>>
    %dma_start3A_13 = arith.constant 0 : i32
    %dma_start3A_14 = arith.constant 0 : i32
    %dma_start3A_15 = tpu.memref_slice %arg2[%dma_start3A_13, %dma_start3A_14] : memref<10000x64xf32, #tpu.memory_space<hbm>> -> memref<10000x64xf32, #tpu.memory_space<hbm>>
    tpu.enqueue_indirect_dma source(%dma_start3A_15 : memref<10000x64xf32, #tpu.memory_space<hbm>>) target(%arg13 : memref<125x64xf32, #tpu.memory_space<vmem>>) offsets(%dma_start3A_12 : memref<125xi32, #tpu.memory_space<vmem>>) semaphore(%arg18 : memref<!tpu.dma_semaphore, #tpu.memory_space<semaphore_mem>>)
    %dma_start3A_16 = arith.constant 0 : i32
    %dma_start3A_17 = arith.constant 0 : i32
    %dma_start3A_18 = tpu.memref_slice %arg9[%dma_start3A_16, %dma_start3A_17] : memref<13x125xi32, #tpu.memory_space<vmem>> -> memref<1x125xi32, #tpu.memory_space<vmem>>
    %dma_start3A_19 = tpu.memref_squeeze %dma_start3A_18 : memref<1x125xi32, #tpu.memory_space<vmem>> -> memref<125xi32, #tpu.memory_space<vmem>>
    %dma_start3A_20 = arith.constant 0 : i32
    %dma_start3A_21 = arith.constant 0 : i32
    %dma_start3A_22 = tpu.memref_slice %arg3[%dma_start3A_20, %dma_start3A_21] : memref<10000x8xf32, #tpu.memory_space<hbm>> -> memref<10000x8xf32, #tpu.memory_space<hbm>>
    tpu.enqueue_indirect_dma source(%dma_start3A_22 : memref<10000x8xf32, #tpu.memory_space<hbm>>) target(%arg15 : memref<125x8xf32, #tpu.memory_space<vmem>>) offsets(%dma_start3A_19 : memref<125xi32, #tpu.memory_space<vmem>>) semaphore(%arg19 : memref<!tpu.dma_semaphore, #tpu.memory_space<semaphore_mem>>)
    %scan3A = arith.constant 0 : i32
    %scan3A_23 = arith.constant 0 : i32
    %scan3A_24 = arith.constant 6 : i32
    %scan3A_25 = arith.addi %scan3A_23, %scan3A_24 : i32
    %scan3A_26 = arith.constant 1 : i32
    scf.for %scan3A_76 = %scan3A_23 to %scan3A_25 step %scan3A_26  : i32 {
      %mul3A_77 = arith.constant 2 : i32
      %mul3A_78 = arith.muli %mul3A_77, %scan3A_76 : i32
      %add3A_79 = arith.constant 1 : i32
      %add3A_80 = arith.addi %mul3A_78, %add3A_79 : i32
      %dma_wait3A_81 = arith.constant 0 : i32
      %dma_wait3A_82 = tpu.memref_slice %arg9[%mul3A_78, %dma_wait3A_81] : memref<13x125xi32, #tpu.memory_space<vmem>> -> memref<1x125xi32, #tpu.memory_space<vmem>>
      %dma_wait3A_83 = tpu.memref_squeeze %dma_wait3A_82 : memref<1x125xi32, #tpu.memory_space<vmem>> -> memref<125xi32, #tpu.memory_space<vmem>>
      %dma_wait3A_84 = arith.constant 0 : i32
      %dma_wait3A_85 = arith.constant 0 : i32
      %dma_wait3A_86 = tpu.memref_slice %arg2[%dma_wait3A_84, %dma_wait3A_85] : memref<10000x64xf32, #tpu.memory_space<hbm>> -> memref<10000x64xf32, #tpu.memory_space<hbm>>
      tpu.wait_indirect_dma semaphore(%arg17 : memref<!tpu.dma_semaphore, #tpu.memory_space<semaphore_mem>>) src(%dma_wait3A_86 : memref<10000x64xf32, #tpu.memory_space<hbm>>) dst(%arg11 : memref<125x64xf32, #tpu.memory_space<vmem>>)
      %dma_wait3A_87 = arith.constant 0 : i32
      %dma_wait3A_88 = tpu.memref_slice %arg10[%mul3A_78, %dma_wait3A_87] : memref<13x125xi32, #tpu.memory_space<vmem>> -> memref<1x125xi32, #tpu.memory_space<vmem>>
      %dma_wait3A_89 = tpu.memref_squeeze %dma_wait3A_88 : memref<1x125xi32, #tpu.memory_space<vmem>> -> memref<125xi32, #tpu.memory_space<vmem>>
      %dma_wait3A_90 = arith.constant 0 : i32
      %dma_wait3A_91 = arith.constant 0 : i32
      %dma_wait3A_92 = tpu.memref_slice %arg2[%dma_wait3A_90, %dma_wait3A_91] : memref<10000x64xf32, #tpu.memory_space<hbm>> -> memref<10000x64xf32, #tpu.memory_space<hbm>>
      tpu.wait_indirect_dma semaphore(%arg18 : memref<!tpu.dma_semaphore, #tpu.memory_space<semaphore_mem>>) src(%dma_wait3A_92 : memref<10000x64xf32, #tpu.memory_space<hbm>>) dst(%arg13 : memref<125x64xf32, #tpu.memory_space<vmem>>)
      %dma_wait3A_93 = arith.constant 0 : i32
      %dma_wait3A_94 = tpu.memref_slice %arg9[%mul3A_78, %dma_wait3A_93] : memref<13x125xi32, #tpu.memory_space<vmem>> -> memref<1x125xi32, #tpu.memory_space<vmem>>
      %dma_wait3A_95 = tpu.memref_squeeze %dma_wait3A_94 : memref<1x125xi32, #tpu.memory_space<vmem>> -> memref<125xi32, #tpu.memory_space<vmem>>
      %dma_wait3A_96 = arith.constant 0 : i32
      %dma_wait3A_97 = arith.constant 0 : i32
      %dma_wait3A_98 = tpu.memref_slice %arg3[%dma_wait3A_96, %dma_wait3A_97] : memref<10000x8xf32, #tpu.memory_space<hbm>> -> memref<10000x8xf32, #tpu.memory_space<hbm>>
      tpu.wait_indirect_dma semaphore(%arg19 : memref<!tpu.dma_semaphore, #tpu.memory_space<semaphore_mem>>) src(%dma_wait3A_98 : memref<10000x8xf32, #tpu.memory_space<hbm>>) dst(%arg15 : memref<125x8xf32, #tpu.memory_space<vmem>>)
      %dma_start3A_99 = arith.constant 0 : i32
      %dma_start3A_100 = tpu.memref_slice %arg9[%add3A_80, %dma_start3A_99] : memref<13x125xi32, #tpu.memory_space<vmem>> -> memref<1x125xi32, #tpu.memory_space<vmem>>
      %dma_start3A_101 = tpu.memref_squeeze %dma_start3A_100 : memref<1x125xi32, #tpu.memory_space<vmem>> -> memref<125xi32, #tpu.memory_space<vmem>>
      %dma_start3A_102 = arith.constant 0 : i32
      %dma_start3A_103 = arith.constant 0 : i32
      %dma_start3A_104 = tpu.memref_slice %arg2[%dma_start3A_102, %dma_start3A_103] : memref<10000x64xf32, #tpu.memory_space<hbm>> -> memref<10000x64xf32, #tpu.memory_space<hbm>>
      tpu.enqueue_indirect_dma source(%dma_start3A_104 : memref<10000x64xf32, #tpu.memory_space<hbm>>) target(%arg12 : memref<125x64xf32, #tpu.memory_space<vmem>>) offsets(%dma_start3A_101 : memref<125xi32, #tpu.memory_space<vmem>>) semaphore(%arg20 : memref<!tpu.dma_semaphore, #tpu.memory_space<semaphore_mem>>)
      %dma_start3A_105 = arith.constant 0 : i32
      %dma_start3A_106 = tpu.memref_slice %arg10[%add3A_80, %dma_start3A_105] : memref<13x125xi32, #tpu.memory_space<vmem>> -> memref<1x125xi32, #tpu.memory_space<vmem>>
      %dma_start3A_107 = tpu.memref_squeeze %dma_start3A_106 : memref<1x125xi32, #tpu.memory_space<vmem>> -> memref<125xi32, #tpu.memory_space<vmem>>
      %dma_start3A_108 = arith.constant 0 : i32
      %dma_start3A_109 = arith.constant 0 : i32
      %dma_start3A_110 = tpu.memref_slice %arg2[%dma_start3A_108, %dma_start3A_109] : memref<10000x64xf32, #tpu.memory_space<hbm>> -> memref<10000x64xf32, #tpu.memory_space<hbm>>
      tpu.enqueue_indirect_dma source(%dma_start3A_110 : memref<10000x64xf32, #tpu.memory_space<hbm>>) target(%arg14 : memref<125x64xf32, #tpu.memory_space<vmem>>) offsets(%dma_start3A_107 : memref<125xi32, #tpu.memory_space<vmem>>) semaphore(%arg21 : memref<!tpu.dma_semaphore, #tpu.memory_space<semaphore_mem>>)
      %dma_start3A_111 = arith.constant 0 : i32
      %dma_start3A_112 = tpu.memref_slice %arg9[%add3A_80, %dma_start3A_111] : memref<13x125xi32, #tpu.memory_space<vmem>> -> memref<1x125xi32, #tpu.memory_space<vmem>>
      %dma_start3A_113 = tpu.memref_squeeze %dma_start3A_112 : memref<1x125xi32, #tpu.memory_space<vmem>> -> memref<125xi32, #tpu.memory_space<vmem>>
      %dma_start3A_114 = arith.constant 0 : i32
      %dma_start3A_115 = arith.constant 0 : i32
      %dma_start3A_116 = tpu.memref_slice %arg3[%dma_start3A_114, %dma_start3A_115] : memref<10000x8xf32, #tpu.memory_space<hbm>> -> memref<10000x8xf32, #tpu.memory_space<hbm>>
      tpu.enqueue_indirect_dma source(%dma_start3A_116 : memref<10000x8xf32, #tpu.memory_space<hbm>>) target(%arg16 : memref<125x8xf32, #tpu.memory_space<vmem>>) offsets(%dma_start3A_113 : memref<125xi32, #tpu.memory_space<vmem>>) semaphore(%arg22 : memref<!tpu.dma_semaphore, #tpu.memory_space<semaphore_mem>>)
      %mul3A_117 = arith.constant 125 : i32
      %mul3A_118 = arith.muli %mul3A_78, %mul3A_117 : i32
      %add3A_119 = arith.addi %mul3A_2, %mul3A_118 : i32
      %dma_start3A_120 = arith.constant 0 : i32
      %dma_start3A_121 = tpu.memref_slice %arg6[%add3A_119, %dma_start3A_120] : memref<52000x64xf32, #tpu.memory_space<hbm>> -> memref<125x64xf32, #tpu.memory_space<hbm>>
      %dma_start3A_122 = arith.constant 0 : i32
      %dma_start3A_123 = tpu.memref_slice %arg6[%add3A_119, %dma_start3A_122] : memref<52000x64xf32, #tpu.memory_space<hbm>> -> memref<125x64xf32, #tpu.memory_space<hbm>>
      tpu.enqueue_dma source(%arg11 : memref<125x64xf32, #tpu.memory_space<vmem>>) target(%dma_start3A_123 : memref<125x64xf32, #tpu.memory_space<hbm>>) target_semaphore(%arg23 : memref<!tpu.dma_semaphore, #tpu.memory_space<semaphore_mem>>)
      %dma_start3A_124 = arith.constant 0 : i32
      %dma_start3A_125 = tpu.memref_slice %arg7[%add3A_119, %dma_start3A_124] : memref<52000x64xf32, #tpu.memory_space<hbm>> -> memref<125x64xf32, #tpu.memory_space<hbm>>
      %dma_start3A_126 = arith.constant 0 : i32
      %dma_start3A_127 = tpu.memref_slice %arg7[%add3A_119, %dma_start3A_126] : memref<52000x64xf32, #tpu.memory_space<hbm>> -> memref<125x64xf32, #tpu.memory_space<hbm>>
      tpu.enqueue_dma source(%arg13 : memref<125x64xf32, #tpu.memory_space<vmem>>) target(%dma_start3A_127 : memref<125x64xf32, #tpu.memory_space<hbm>>) target_semaphore(%arg24 : memref<!tpu.dma_semaphore, #tpu.memory_space<semaphore_mem>>)
      %dma_start3A_128 = arith.constant 0 : i32
      %dma_start3A_129 = tpu.memref_slice %arg8[%add3A_119, %dma_start3A_128] : memref<52000x8xf32, #tpu.memory_space<hbm>> -> memref<125x8xf32, #tpu.memory_space<hbm>>
      %dma_start3A_130 = arith.constant 0 : i32
      %dma_start3A_131 = tpu.memref_slice %arg8[%add3A_119, %dma_start3A_130] : memref<52000x8xf32, #tpu.memory_space<hbm>> -> memref<125x8xf32, #tpu.memory_space<hbm>>
      tpu.enqueue_dma source(%arg15 : memref<125x8xf32, #tpu.memory_space<vmem>>) target(%dma_start3A_131 : memref<125x8xf32, #tpu.memory_space<hbm>>) target_semaphore(%arg25 : memref<!tpu.dma_semaphore, #tpu.memory_space<semaphore_mem>>)
      %dma_wait3A_132 = arith.constant 0 : i32
      %dma_wait3A_133 = tpu.memref_slice %arg9[%add3A_80, %dma_wait3A_132] : memref<13x125xi32, #tpu.memory_space<vmem>> -> memref<1x125xi32, #tpu.memory_space<vmem>>
      %dma_wait3A_134 = tpu.memref_squeeze %dma_wait3A_133 : memref<1x125xi32, #tpu.memory_space<vmem>> -> memref<125xi32, #tpu.memory_space<vmem>>
      %dma_wait3A_135 = arith.constant 0 : i32
      %dma_wait3A_136 = arith.constant 0 : i32
      %dma_wait3A_137 = tpu.memref_slice %arg2[%dma_wait3A_135, %dma_wait3A_136] : memref<10000x64xf32, #tpu.memory_space<hbm>> -> memref<10000x64xf32, #tpu.memory_space<hbm>>
      tpu.wait_indirect_dma semaphore(%arg20 : memref<!tpu.dma_semaphore, #tpu.memory_space<semaphore_mem>>) src(%dma_wait3A_137 : memref<10000x64xf32, #tpu.memory_space<hbm>>) dst(%arg12 : memref<125x64xf32, #tpu.memory_space<vmem>>)
      %dma_wait3A_138 = arith.constant 0 : i32
      %dma_wait3A_139 = tpu.memref_slice %arg10[%add3A_80, %dma_wait3A_138] : memref<13x125xi32, #tpu.memory_space<vmem>> -> memref<1x125xi32, #tpu.memory_space<vmem>>
      %dma_wait3A_140 = tpu.memref_squeeze %dma_wait3A_139 : memref<1x125xi32, #tpu.memory_space<vmem>> -> memref<125xi32, #tpu.memory_space<vmem>>
      %dma_wait3A_141 = arith.constant 0 : i32
      %dma_wait3A_142 = arith.constant 0 : i32
      %dma_wait3A_143 = tpu.memref_slice %arg2[%dma_wait3A_141, %dma_wait3A_142] : memref<10000x64xf32, #tpu.memory_space<hbm>> -> memref<10000x64xf32, #tpu.memory_space<hbm>>
      tpu.wait_indirect_dma semaphore(%arg21 : memref<!tpu.dma_semaphore, #tpu.memory_space<semaphore_mem>>) src(%dma_wait3A_143 : memref<10000x64xf32, #tpu.memory_space<hbm>>) dst(%arg14 : memref<125x64xf32, #tpu.memory_space<vmem>>)
      %dma_wait3A_144 = arith.constant 0 : i32
      %dma_wait3A_145 = tpu.memref_slice %arg9[%add3A_80, %dma_wait3A_144] : memref<13x125xi32, #tpu.memory_space<vmem>> -> memref<1x125xi32, #tpu.memory_space<vmem>>
      %dma_wait3A_146 = tpu.memref_squeeze %dma_wait3A_145 : memref<1x125xi32, #tpu.memory_space<vmem>> -> memref<125xi32, #tpu.memory_space<vmem>>
      %dma_wait3A_147 = arith.constant 0 : i32
      %dma_wait3A_148 = arith.constant 0 : i32
      %dma_wait3A_149 = tpu.memref_slice %arg3[%dma_wait3A_147, %dma_wait3A_148] : memref<10000x8xf32, #tpu.memory_space<hbm>> -> memref<10000x8xf32, #tpu.memory_space<hbm>>
      tpu.wait_indirect_dma semaphore(%arg22 : memref<!tpu.dma_semaphore, #tpu.memory_space<semaphore_mem>>) src(%dma_wait3A_149 : memref<10000x8xf32, #tpu.memory_space<hbm>>) dst(%arg16 : memref<125x8xf32, #tpu.memory_space<vmem>>)
      %mul3A_150 = arith.constant 125 : i32
      %mul3A_151 = arith.muli %mul3A_78, %mul3A_150 : i32
      %add3A_152 = arith.addi %mul3A_2, %mul3A_151 : i32
      %dma_wait3A_153 = arith.constant 0 : i32
      %dma_wait3A_154 = tpu.memref_slice %arg6[%add3A_152, %dma_wait3A_153] : memref<52000x64xf32, #tpu.memory_space<hbm>> -> memref<125x64xf32, #tpu.memory_space<hbm>>
      %dma_wait3A_155 = arith.constant 0 : i32
      %dma_wait3A_156 = tpu.memref_slice %arg6[%add3A_152, %dma_wait3A_155] : memref<52000x64xf32, #tpu.memory_space<hbm>> -> memref<125x64xf32, #tpu.memory_space<hbm>>
      tpu.wait_dma2 semaphore(%arg23 : memref<!tpu.dma_semaphore, #tpu.memory_space<semaphore_mem>>) src(%arg11 : memref<125x64xf32, #tpu.memory_space<vmem>>) dst(%dma_wait3A_156 : memref<125x64xf32, #tpu.memory_space<hbm>>)
      %dma_wait3A_157 = arith.constant 0 : i32
      %dma_wait3A_158 = tpu.memref_slice %arg7[%add3A_152, %dma_wait3A_157] : memref<52000x64xf32, #tpu.memory_space<hbm>> -> memref<125x64xf32, #tpu.memory_space<hbm>>
      %dma_wait3A_159 = arith.constant 0 : i32
      %dma_wait3A_160 = tpu.memref_slice %arg7[%add3A_152, %dma_wait3A_159] : memref<52000x64xf32, #tpu.memory_space<hbm>> -> memref<125x64xf32, #tpu.memory_space<hbm>>
      tpu.wait_dma2 semaphore(%arg24 : memref<!tpu.dma_semaphore, #tpu.memory_space<semaphore_mem>>) src(%arg13 : memref<125x64xf32, #tpu.memory_space<vmem>>) dst(%dma_wait3A_160 : memref<125x64xf32, #tpu.memory_space<hbm>>)
      %dma_wait3A_161 = arith.constant 0 : i32
      %dma_wait3A_162 = tpu.memref_slice %arg8[%add3A_152, %dma_wait3A_161] : memref<52000x8xf32, #tpu.memory_space<hbm>> -> memref<125x8xf32, #tpu.memory_space<hbm>>
      %dma_wait3A_163 = arith.constant 0 : i32
      %dma_wait3A_164 = tpu.memref_slice %arg8[%add3A_152, %dma_wait3A_163] : memref<52000x8xf32, #tpu.memory_space<hbm>> -> memref<125x8xf32, #tpu.memory_space<hbm>>
      tpu.wait_dma2 semaphore(%arg25 : memref<!tpu.dma_semaphore, #tpu.memory_space<semaphore_mem>>) src(%arg15 : memref<125x8xf32, #tpu.memory_space<vmem>>) dst(%dma_wait3A_164 : memref<125x8xf32, #tpu.memory_space<hbm>>)
      %add3A_165 = arith.constant 1 : i32
      %add3A_166 = arith.addi %add3A_80, %add3A_165 : i32
      %dma_start3A_167 = arith.constant 0 : i32
      %dma_start3A_168 = tpu.memref_slice %arg9[%add3A_166, %dma_start3A_167] : memref<13x125xi32, #tpu.memory_space<vmem>> -> memref<1x125xi32, #tpu.memory_space<vmem>>
      %dma_start3A_169 = tpu.memref_squeeze %dma_start3A_168 : memref<1x125xi32, #tpu.memory_space<vmem>> -> memref<125xi32, #tpu.memory_space<vmem>>
      %dma_start3A_170 = arith.constant 0 : i32
      %dma_start3A_171 = arith.constant 0 : i32
      %dma_start3A_172 = tpu.memref_slice %arg2[%dma_start3A_170, %dma_start3A_171] : memref<10000x64xf32, #tpu.memory_space<hbm>> -> memref<10000x64xf32, #tpu.memory_space<hbm>>
      tpu.enqueue_indirect_dma source(%dma_start3A_172 : memref<10000x64xf32, #tpu.memory_space<hbm>>) target(%arg11 : memref<125x64xf32, #tpu.memory_space<vmem>>) offsets(%dma_start3A_169 : memref<125xi32, #tpu.memory_space<vmem>>) semaphore(%arg17 : memref<!tpu.dma_semaphore, #tpu.memory_space<semaphore_mem>>)
      %dma_start3A_173 = arith.constant 0 : i32
      %dma_start3A_174 = tpu.memref_slice %arg10[%add3A_166, %dma_start3A_173] : memref<13x125xi32, #tpu.memory_space<vmem>> -> memref<1x125xi32, #tpu.memory_space<vmem>>
      %dma_start3A_175 = tpu.memref_squeeze %dma_start3A_174 : memref<1x125xi32, #tpu.memory_space<vmem>> -> memref<125xi32, #tpu.memory_space<vmem>>
      %dma_start3A_176 = arith.constant 0 : i32
      %dma_start3A_177 = arith.constant 0 : i32
      %dma_start3A_178 = tpu.memref_slice %arg2[%dma_start3A_176, %dma_start3A_177] : memref<10000x64xf32, #tpu.memory_space<hbm>> -> memref<10000x64xf32, #tpu.memory_space<hbm>>
      tpu.enqueue_indirect_dma source(%dma_start3A_178 : memref<10000x64xf32, #tpu.memory_space<hbm>>) target(%arg13 : memref<125x64xf32, #tpu.memory_space<vmem>>) offsets(%dma_start3A_175 : memref<125xi32, #tpu.memory_space<vmem>>) semaphore(%arg18 : memref<!tpu.dma_semaphore, #tpu.memory_space<semaphore_mem>>)
      %dma_start3A_179 = arith.constant 0 : i32
      %dma_start3A_180 = tpu.memref_slice %arg9[%add3A_166, %dma_start3A_179] : memref<13x125xi32, #tpu.memory_space<vmem>> -> memref<1x125xi32, #tpu.memory_space<vmem>>
      %dma_start3A_181 = tpu.memref_squeeze %dma_start3A_180 : memref<1x125xi32, #tpu.memory_space<vmem>> -> memref<125xi32, #tpu.memory_space<vmem>>
      %dma_start3A_182 = arith.constant 0 : i32
      %dma_start3A_183 = arith.constant 0 : i32
      %dma_start3A_184 = tpu.memref_slice %arg3[%dma_start3A_182, %dma_start3A_183] : memref<10000x8xf32, #tpu.memory_space<hbm>> -> memref<10000x8xf32, #tpu.memory_space<hbm>>
      tpu.enqueue_indirect_dma source(%dma_start3A_184 : memref<10000x8xf32, #tpu.memory_space<hbm>>) target(%arg15 : memref<125x8xf32, #tpu.memory_space<vmem>>) offsets(%dma_start3A_181 : memref<125xi32, #tpu.memory_space<vmem>>) semaphore(%arg19 : memref<!tpu.dma_semaphore, #tpu.memory_space<semaphore_mem>>)
      %mul3A_185 = arith.constant 125 : i32
      %mul3A_186 = arith.muli %add3A_80, %mul3A_185 : i32
      %add3A_187 = arith.addi %mul3A_2, %mul3A_186 : i32
      %dma_start3A_188 = arith.constant 0 : i32
      %dma_start3A_189 = tpu.memref_slice %arg6[%add3A_187, %dma_start3A_188] : memref<52000x64xf32, #tpu.memory_space<hbm>> -> memref<125x64xf32, #tpu.memory_space<hbm>>
      %dma_start3A_190 = arith.constant 0 : i32
      %dma_start3A_191 = tpu.memref_slice %arg6[%add3A_187, %dma_start3A_190] : memref<52000x64xf32, #tpu.memory_space<hbm>> -> memref<125x64xf32, #tpu.memory_space<hbm>>
      tpu.enqueue_dma source(%arg12 : memref<125x64xf32, #tpu.memory_space<vmem>>) target(%dma_start3A_191 : memref<125x64xf32, #tpu.memory_space<hbm>>) target_semaphore(%arg26 : memref<!tpu.dma_semaphore, #tpu.memory_space<semaphore_mem>>)
      %dma_start3A_192 = arith.constant 0 : i32
      %dma_start3A_193 = tpu.memref_slice %arg7[%add3A_187, %dma_start3A_192] : memref<52000x64xf32, #tpu.memory_space<hbm>> -> memref<125x64xf32, #tpu.memory_space<hbm>>
      %dma_start3A_194 = arith.constant 0 : i32
      %dma_start3A_195 = tpu.memref_slice %arg7[%add3A_187, %dma_start3A_194] : memref<52000x64xf32, #tpu.memory_space<hbm>> -> memref<125x64xf32, #tpu.memory_space<hbm>>
      tpu.enqueue_dma source(%arg14 : memref<125x64xf32, #tpu.memory_space<vmem>>) target(%dma_start3A_195 : memref<125x64xf32, #tpu.memory_space<hbm>>) target_semaphore(%arg27 : memref<!tpu.dma_semaphore, #tpu.memory_space<semaphore_mem>>)
      %dma_start3A_196 = arith.constant 0 : i32
      %dma_start3A_197 = tpu.memref_slice %arg8[%add3A_187, %dma_start3A_196] : memref<52000x8xf32, #tpu.memory_space<hbm>> -> memref<125x8xf32, #tpu.memory_space<hbm>>
      %dma_start3A_198 = arith.constant 0 : i32
      %dma_start3A_199 = tpu.memref_slice %arg8[%add3A_187, %dma_start3A_198] : memref<52000x8xf32, #tpu.memory_space<hbm>> -> memref<125x8xf32, #tpu.memory_space<hbm>>
      tpu.enqueue_dma source(%arg16 : memref<125x8xf32, #tpu.memory_space<vmem>>) target(%dma_start3A_199 : memref<125x8xf32, #tpu.memory_space<hbm>>) target_semaphore(%arg28 : memref<!tpu.dma_semaphore, #tpu.memory_space<semaphore_mem>>)
      %mul3A_200 = arith.constant 125 : i32
      %mul3A_201 = arith.muli %add3A_80, %mul3A_200 : i32
      %add3A_202 = arith.addi %mul3A_2, %mul3A_201 : i32
      %dma_wait3A_203 = arith.constant 0 : i32
      %dma_wait3A_204 = tpu.memref_slice %arg6[%add3A_202, %dma_wait3A_203] : memref<52000x64xf32, #tpu.memory_space<hbm>> -> memref<125x64xf32, #tpu.memory_space<hbm>>
      %dma_wait3A_205 = arith.constant 0 : i32
      %dma_wait3A_206 = tpu.memref_slice %arg6[%add3A_202, %dma_wait3A_205] : memref<52000x64xf32, #tpu.memory_space<hbm>> -> memref<125x64xf32, #tpu.memory_space<hbm>>
      tpu.wait_dma2 semaphore(%arg26 : memref<!tpu.dma_semaphore, #tpu.memory_space<semaphore_mem>>) src(%arg12 : memref<125x64xf32, #tpu.memory_space<vmem>>) dst(%dma_wait3A_206 : memref<125x64xf32, #tpu.memory_space<hbm>>)
      %dma_wait3A_207 = arith.constant 0 : i32
      %dma_wait3A_208 = tpu.memref_slice %arg7[%add3A_202, %dma_wait3A_207] : memref<52000x64xf32, #tpu.memory_space<hbm>> -> memref<125x64xf32, #tpu.memory_space<hbm>>
      %dma_wait3A_209 = arith.constant 0 : i32
      %dma_wait3A_210 = tpu.memref_slice %arg7[%add3A_202, %dma_wait3A_209] : memref<52000x64xf32, #tpu.memory_space<hbm>> -> memref<125x64xf32, #tpu.memory_space<hbm>>
      tpu.wait_dma2 semaphore(%arg27 : memref<!tpu.dma_semaphore, #tpu.memory_space<semaphore_mem>>) src(%arg14 : memref<125x64xf32, #tpu.memory_space<vmem>>) dst(%dma_wait3A_210 : memref<125x64xf32, #tpu.memory_space<hbm>>)
      %dma_wait3A_211 = arith.constant 0 : i32
      %dma_wait3A_212 = tpu.memref_slice %arg8[%add3A_202, %dma_wait3A_211] : memref<52000x8xf32, #tpu.memory_space<hbm>> -> memref<125x8xf32, #tpu.memory_space<hbm>>
      %dma_wait3A_213 = arith.constant 0 : i32
      %dma_wait3A_214 = tpu.memref_slice %arg8[%add3A_202, %dma_wait3A_213] : memref<52000x8xf32, #tpu.memory_space<hbm>> -> memref<125x8xf32, #tpu.memory_space<hbm>>
      tpu.wait_dma2 semaphore(%arg28 : memref<!tpu.dma_semaphore, #tpu.memory_space<semaphore_mem>>) src(%arg16 : memref<125x8xf32, #tpu.memory_space<vmem>>) dst(%dma_wait3A_214 : memref<125x8xf32, #tpu.memory_space<hbm>>)
    }
    %scan3A_27 = arith.constant 6 : i32
    %dma_wait3A = arith.constant 12 : i32
    %dma_wait3A_28 = arith.constant 0 : i32
    %dma_wait3A_29 = tpu.memref_slice %arg9[%dma_wait3A, %dma_wait3A_28] : memref<13x125xi32, #tpu.memory_space<vmem>> -> memref<1x125xi32, #tpu.memory_space<vmem>>
    %dma_wait3A_30 = tpu.memref_squeeze %dma_wait3A_29 : memref<1x125xi32, #tpu.memory_space<vmem>> -> memref<125xi32, #tpu.memory_space<vmem>>
    %dma_wait3A_31 = arith.constant 0 : i32
    %dma_wait3A_32 = arith.constant 0 : i32
    %dma_wait3A_33 = tpu.memref_slice %arg2[%dma_wait3A_31, %dma_wait3A_32] : memref<10000x64xf32, #tpu.memory_space<hbm>> -> memref<10000x64xf32, #tpu.memory_space<hbm>>
    tpu.wait_indirect_dma semaphore(%arg17 : memref<!tpu.dma_semaphore, #tpu.memory_space<semaphore_mem>>) src(%dma_wait3A_33 : memref<10000x64xf32, #tpu.memory_space<hbm>>) dst(%arg11 : memref<125x64xf32, #tpu.memory_space<vmem>>)
    %dma_wait3A_34 = arith.constant 12 : i32
    %dma_wait3A_35 = arith.constant 0 : i32
    %dma_wait3A_36 = tpu.memref_slice %arg10[%dma_wait3A_34, %dma_wait3A_35] : memref<13x125xi32, #tpu.memory_space<vmem>> -> memref<1x125xi32, #tpu.memory_space<vmem>>
    %dma_wait3A_37 = tpu.memref_squeeze %dma_wait3A_36 : memref<1x125xi32, #tpu.memory_space<vmem>> -> memref<125xi32, #tpu.memory_space<vmem>>
    %dma_wait3A_38 = arith.constant 0 : i32
    %dma_wait3A_39 = arith.constant 0 : i32
    %dma_wait3A_40 = tpu.memref_slice %arg2[%dma_wait3A_38, %dma_wait3A_39] : memref<10000x64xf32, #tpu.memory_space<hbm>> -> memref<10000x64xf32, #tpu.memory_space<hbm>>
    tpu.wait_indirect_dma semaphore(%arg18 : memref<!tpu.dma_semaphore, #tpu.memory_space<semaphore_mem>>) src(%dma_wait3A_40 : memref<10000x64xf32, #tpu.memory_space<hbm>>) dst(%arg13 : memref<125x64xf32, #tpu.memory_space<vmem>>)
    %dma_wait3A_41 = arith.constant 12 : i32
    %dma_wait3A_42 = arith.constant 0 : i32
    %dma_wait3A_43 = tpu.memref_slice %arg9[%dma_wait3A_41, %dma_wait3A_42] : memref<13x125xi32, #tpu.memory_space<vmem>> -> memref<1x125xi32, #tpu.memory_space<vmem>>
    %dma_wait3A_44 = tpu.memref_squeeze %dma_wait3A_43 : memref<1x125xi32, #tpu.memory_space<vmem>> -> memref<125xi32, #tpu.memory_space<vmem>>
    %dma_wait3A_45 = arith.constant 0 : i32
    %dma_wait3A_46 = arith.constant 0 : i32
    %dma_wait3A_47 = tpu.memref_slice %arg3[%dma_wait3A_45, %dma_wait3A_46] : memref<10000x8xf32, #tpu.memory_space<hbm>> -> memref<10000x8xf32, #tpu.memory_space<hbm>>
    tpu.wait_indirect_dma semaphore(%arg19 : memref<!tpu.dma_semaphore, #tpu.memory_space<semaphore_mem>>) src(%dma_wait3A_47 : memref<10000x8xf32, #tpu.memory_space<hbm>>) dst(%arg15 : memref<125x8xf32, #tpu.memory_space<vmem>>)
    %add3A_48 = arith.constant 1500 : i32
    %add3A_49 = arith.addi %mul3A_2, %add3A_48 : i32
    %dma_start3A_50 = arith.constant 0 : i32
    %dma_start3A_51 = tpu.memref_slice %arg6[%add3A_49, %dma_start3A_50] : memref<52000x64xf32, #tpu.memory_space<hbm>> -> memref<125x64xf32, #tpu.memory_space<hbm>>
    %dma_start3A_52 = arith.constant 0 : i32
    %dma_start3A_53 = tpu.memref_slice %arg6[%add3A_49, %dma_start3A_52] : memref<52000x64xf32, #tpu.memory_space<hbm>> -> memref<125x64xf32, #tpu.memory_space<hbm>>
    tpu.enqueue_dma source(%arg11 : memref<125x64xf32, #tpu.memory_space<vmem>>) target(%dma_start3A_53 : memref<125x64xf32, #tpu.memory_space<hbm>>) target_semaphore(%arg23 : memref<!tpu.dma_semaphore, #tpu.memory_space<semaphore_mem>>)
    %dma_start3A_54 = arith.constant 0 : i32
    %dma_start3A_55 = tpu.memref_slice %arg7[%add3A_49, %dma_start3A_54] : memref<52000x64xf32, #tpu.memory_space<hbm>> -> memref<125x64xf32, #tpu.memory_space<hbm>>
    %dma_start3A_56 = arith.constant 0 : i32
    %dma_start3A_57 = tpu.memref_slice %arg7[%add3A_49, %dma_start3A_56] : memref<52000x64xf32, #tpu.memory_space<hbm>> -> memref<125x64xf32, #tpu.memory_space<hbm>>
    tpu.enqueue_dma source(%arg13 : memref<125x64xf32, #tpu.memory_space<vmem>>) target(%dma_start3A_57 : memref<125x64xf32, #tpu.memory_space<hbm>>) target_semaphore(%arg24 : memref<!tpu.dma_semaphore, #tpu.memory_space<semaphore_mem>>)
    %dma_start3A_58 = arith.constant 0 : i32
    %dma_start3A_59 = tpu.memref_slice %arg8[%add3A_49, %dma_start3A_58] : memref<52000x8xf32, #tpu.memory_space<hbm>> -> memref<125x8xf32, #tpu.memory_space<hbm>>
    %dma_start3A_60 = arith.constant 0 : i32
    %dma_start3A_61 = tpu.memref_slice %arg8[%add3A_49, %dma_start3A_60] : memref<52000x8xf32, #tpu.memory_space<hbm>> -> memref<125x8xf32, #tpu.memory_space<hbm>>
    tpu.enqueue_dma source(%arg15 : memref<125x8xf32, #tpu.memory_space<vmem>>) target(%dma_start3A_61 : memref<125x8xf32, #tpu.memory_space<hbm>>) target_semaphore(%arg25 : memref<!tpu.dma_semaphore, #tpu.memory_space<semaphore_mem>>)
    %add3A_62 = arith.constant 1500 : i32
    %add3A_63 = arith.addi %mul3A_2, %add3A_62 : i32
    %dma_wait3A_64 = arith.constant 0 : i32
    %dma_wait3A_65 = tpu.memref_slice %arg6[%add3A_63, %dma_wait3A_64] : memref<52000x64xf32, #tpu.memory_space<hbm>> -> memref<125x64xf32, #tpu.memory_space<hbm>>
    %dma_wait3A_66 = arith.constant 0 : i32
    %dma_wait3A_67 = tpu.memref_slice %arg6[%add3A_63, %dma_wait3A_66] : memref<52000x64xf32, #tpu.memory_space<hbm>> -> memref<125x64xf32, #tpu.memory_space<hbm>>
    tpu.wait_dma2 semaphore(%arg23 : memref<!tpu.dma_semaphore, #tpu.memory_space<semaphore_mem>>) src(%arg11 : memref<125x64xf32, #tpu.memory_space<vmem>>) dst(%dma_wait3A_67 : memref<125x64xf32, #tpu.memory_space<hbm>>)
    %dma_wait3A_68 = arith.constant 0 : i32
    %dma_wait3A_69 = tpu.memref_slice %arg7[%add3A_63, %dma_wait3A_68] : memref<52000x64xf32, #tpu.memory_space<hbm>> -> memref<125x64xf32, #tpu.memory_space<hbm>>
    %dma_wait3A_70 = arith.constant 0 : i32
    %dma_wait3A_71 = tpu.memref_slice %arg7[%add3A_63, %dma_wait3A_70] : memref<52000x64xf32, #tpu.memory_space<hbm>> -> memref<125x64xf32, #tpu.memory_space<hbm>>
    tpu.wait_dma2 semaphore(%arg24 : memref<!tpu.dma_semaphore, #tpu.memory_space<semaphore_mem>>) src(%arg13 : memref<125x64xf32, #tpu.memory_space<vmem>>) dst(%dma_wait3A_71 : memref<125x64xf32, #tpu.memory_space<hbm>>)
    %dma_wait3A_72 = arith.constant 0 : i32
    %dma_wait3A_73 = tpu.memref_slice %arg8[%add3A_63, %dma_wait3A_72] : memref<52000x8xf32, #tpu.memory_space<hbm>> -> memref<125x8xf32, #tpu.memory_space<hbm>>
    %dma_wait3A_74 = arith.constant 0 : i32
    %dma_wait3A_75 = tpu.memref_slice %arg8[%add3A_63, %dma_wait3A_74] : memref<52000x8xf32, #tpu.memory_space<hbm>> -> memref<125x8xf32, #tpu.memory_space<hbm>>
    tpu.wait_dma2 semaphore(%arg25 : memref<!tpu.dma_semaphore, #tpu.memory_space<semaphore_mem>>) src(%arg15 : memref<125x8xf32, #tpu.memory_space<vmem>>) dst(%dma_wait3A_75 : memref<125x8xf32, #tpu.memory_space<hbm>>)
    return
  }
}

module attributes {stable_mosaic.version = 14 : i64} {
  func.func @_emb_body(%arg0: i32, %arg1: memref<2000x512xf32, #tpu.memory_space<vmem>>, %arg2: memref<2000x512xf32, #tpu.memory_space<vmem>>, %arg3: memref<2000x1xf32, #tpu.memory_space<vmem>>, %arg4: memref<512x64xf32, #tpu.memory_space<vmem>>, %arg5: memref<1x64xf32, #tpu.memory_space<vmem>>, %arg6: memref<1x64xf32, #tpu.memory_space<vmem>>, %arg7: memref<2000x64xf32, #tpu.memory_space<vmem>>) attributes {dimension_semantics = [#tpu.dimension_semantics<arbitrary>], iteration_bounds = array<i64: 5>, scalar_prefetch = 0 : i64, scratch_operands = 0 : i64, tpu.core_type = #tpu.core_type<tc>, window_params = [{transform_indices = @transform_0, window_bounds = array<i64: 2000, 512>}, {transform_indices = @transform_1, window_bounds = array<i64: 2000, 512>}, {transform_indices = @transform_2, window_bounds = array<i64: 2000, 1>}, {pipeline_mode = #tpu.pipeline_mode<synchronous>, transform_indices = @transform_3, window_bounds = array<i64: 512, 64>}, {pipeline_mode = #tpu.pipeline_mode<synchronous>, transform_indices = @transform_4, window_bounds = array<i64: 1, 64>}, {pipeline_mode = #tpu.pipeline_mode<synchronous>, transform_indices = @transform_5, window_bounds = array<i64: 1, 64>}, {transform_indices = @transform_6, window_bounds = array<i64: 2000, 64>}]} {
    %get3A = arith.constant 0 : index
    %get3A_0 = arith.constant 0 : index
    %get3A_1 = vector.load %arg1[%get3A, %get3A_0] : memref<2000x512xf32, #tpu.memory_space<vmem>>, vector<2000x512xf32>
    %get3A_2 = arith.constant 0 : index
    %get3A_3 = arith.constant 0 : index
    %get3A_4 = vector.load %arg2[%get3A_2, %get3A_3] : memref<2000x512xf32, #tpu.memory_space<vmem>>, vector<2000x512xf32>
    %mul3A = arith.mulf %get3A_1, %get3A_4 : vector<2000x512xf32>
    %get3A_5 = arith.constant 0 : index
    %get3A_6 = arith.constant 0 : index
    %get3A_7 = vector.load %arg4[%get3A_5, %get3A_6] : memref<512x64xf32, #tpu.memory_space<vmem>>, vector<512x64xf32>
    %dot_general3A = arith.constant dense<0.000000e+00> : vector<2000x64xf32>
    %dot_general3A_8 = tpu.matmul %mul3A, %get3A_7, %dot_general3A {dimension_numbers = #tpu.dot_dimension_numbers<[1], [0], [0], [1], [0, 0, 1, 1], [], []>, transpose_lhs_hint = false} : vector<2000x512xf32>, vector<512x64xf32>, vector<2000x64xf32> -> vector<2000x64xf32>
    %get3A_9 = arith.constant 0 : index
    %get3A_10 = arith.constant 0 : index
    %get3A_11 = vector.load %arg3[%get3A_9, %get3A_10] : memref<2000x1xf32, #tpu.memory_space<vmem>>, vector<2000x1xf32>
    %get3A_12 = arith.constant 0 : index
    %get3A_13 = arith.constant 0 : index
    %get3A_14 = vector.load %arg5[%get3A_12, %get3A_13] : memref<1x64xf32, #tpu.memory_space<vmem>>, vector<1x64xf32>
    %mul3A_15 = vector.broadcast %get3A_11 : vector<2000x1xf32> to vector<2000x64xf32>
    %mul3A_16 = vector.broadcast %get3A_14 : vector<1x64xf32> to vector<2000x64xf32>
    %mul3A_17 = arith.mulf %mul3A_15, %mul3A_16 : vector<2000x64xf32>
    %add3A = arith.addf %dot_general3A_8, %mul3A_17 : vector<2000x64xf32>
    %get3A_18 = arith.constant 0 : index
    %get3A_19 = arith.constant 0 : index
    %get3A_20 = vector.load %arg6[%get3A_18, %get3A_19] : memref<1x64xf32, #tpu.memory_space<vmem>>, vector<1x64xf32>
    %add3A_21 = vector.broadcast %get3A_20 : vector<1x64xf32> to vector<2000x64xf32>
    %add3A_22 = arith.addf %add3A, %add3A_21 : vector<2000x64xf32>
    %integer_pow3A = arith.mulf %add3A_22, %add3A_22 : vector<2000x64xf32>
    %integer_pow3A_23 = arith.mulf %add3A_22, %integer_pow3A : vector<2000x64xf32>
    %mul3A_24 = arith.constant 4.471500e-02 : f32
    %mul3A_25 = vector.broadcast %mul3A_24 : f32 to vector<2000x64xf32>
    %mul3A_26 = arith.mulf %mul3A_25, %integer_pow3A_23 : vector<2000x64xf32>
    %add3A_27 = arith.addf %add3A_22, %mul3A_26 : vector<2000x64xf32>
    %mul3A_28 = arith.constant 0.797884583 : f32
    %mul3A_29 = vector.broadcast %mul3A_28 : f32 to vector<2000x64xf32>
    %mul3A_30 = arith.mulf %mul3A_29, %add3A_27 : vector<2000x64xf32>
    %tanh3A = math.tanh %mul3A_30 : vector<2000x64xf32>
    %add3A_31 = arith.constant 1.000000e+00 : f32
    %add3A_32 = vector.broadcast %add3A_31 : f32 to vector<2000x64xf32>
    %add3A_33 = arith.addf %add3A_32, %tanh3A : vector<2000x64xf32>
    %mul3A_34 = arith.constant 5.000000e-01 : f32
    %mul3A_35 = vector.broadcast %mul3A_34 : f32 to vector<2000x64xf32>
    %mul3A_36 = arith.mulf %mul3A_35, %add3A_33 : vector<2000x64xf32>
    %mul3A_37 = arith.mulf %add3A_22, %mul3A_36 : vector<2000x64xf32>
    %swap3A = arith.constant 0 : index
    %swap3A_38 = arith.constant 0 : index
    %swap3A_39 = vector.load %arg7[%swap3A, %swap3A_38] : memref<2000x64xf32, #tpu.memory_space<vmem>>, vector<2000x64xf32>
    tpu.vector_store %arg7[%swap3A, %swap3A_38], %mul3A_37 {strides = array<i32>} : memref<2000x64xf32, #tpu.memory_space<vmem>>, vector<2000x64xf32>,
    return
  }
  func.func @transform_0(%arg0: i32) -> (i32, i32) {
    %c0_i32 = arith.constant 0 : i32
    %c0_i32_0 = arith.constant 0 : i32
    return %arg0, %c0_i32 : i32, i32
  }
  func.func @transform_1(%arg0: i32) -> (i32, i32) {
    %c0_i32 = arith.constant 0 : i32
    %c0_i32_0 = arith.constant 0 : i32
    return %arg0, %c0_i32 : i32, i32
  }
  func.func @transform_2(%arg0: i32) -> (i32, i32) {
    %c0_i32 = arith.constant 0 : i32
    %c0_i32_0 = arith.constant 0 : i32
    return %arg0, %c0_i32 : i32, i32
  }
  func.func @transform_3(%arg0: i32) -> (i32, i32) {
    %c0_i32 = arith.constant 0 : i32
    %c0_i32_0 = arith.constant 0 : i32
    %c0_i32_1 = arith.constant 0 : i32
    return %c0_i32, %c0_i32_0 : i32, i32
  }
  func.func @transform_4(%arg0: i32) -> (i32, i32) {
    %c0_i32 = arith.constant 0 : i32
    %c0_i32_0 = arith.constant 0 : i32
    %c0_i32_1 = arith.constant 0 : i32
    return %c0_i32, %c0_i32_0 : i32, i32
  }
  func.func @transform_5(%arg0: i32) -> (i32, i32) {
    %c0_i32 = arith.constant 0 : i32
    %c0_i32_0 = arith.constant 0 : i32
    %c0_i32_1 = arith.constant 0 : i32
    return %c0_i32, %c0_i32_0 : i32, i32
  }
  func.func @transform_6(%arg0: i32) -> (i32, i32) {
    %c0_i32 = arith.constant 0 : i32
    %c0_i32_0 = arith.constant 0 : i32
    return %arg0, %c0_i32 : i32, i32
  }
}

module attributes {stable_mosaic.version = 14 : i64} {
  func.func @_sage_body(%arg0: i32, %arg1: memref<2000x64xf32, #tpu.memory_space<vmem>>, %arg2: memref<2x2000x64xf32, #tpu.memory_space<vmem>>, %arg3: memref<2x2000x8xf32, #tpu.memory_space<vmem>>, %arg4: memref<64x64xf32, #tpu.memory_space<vmem>>, %arg5: memref<64x64xf32, #tpu.memory_space<vmem>>, %arg6: memref<1x64xf32, #tpu.memory_space<vmem>>, %arg7: memref<2000x64xf32, #tpu.memory_space<vmem>>) attributes {dimension_semantics = [#tpu.dimension_semantics<arbitrary>], iteration_bounds = array<i64: 5>, scalar_prefetch = 0 : i64, scratch_operands = 0 : i64, tpu.core_type = #tpu.core_type<tc>, window_params = [{transform_indices = @transform_0, window_bounds = array<i64: 2000, 64>}, {transform_indices = @transform_1, window_bounds = array<i64: 2, 2000, 64>}, {transform_indices = @transform_2, window_bounds = array<i64: 2, 2000, 8>}, {pipeline_mode = #tpu.pipeline_mode<synchronous>, transform_indices = @transform_3, window_bounds = array<i64: 64, 64>}, {pipeline_mode = #tpu.pipeline_mode<synchronous>, transform_indices = @transform_4, window_bounds = array<i64: 64, 64>}, {pipeline_mode = #tpu.pipeline_mode<synchronous>, transform_indices = @transform_5, window_bounds = array<i64: 1, 64>}, {transform_indices = @transform_6, window_bounds = array<i64: 2000, 64>}]} {
    %get3A = arith.constant 0 : index
    %get3A_0 = arith.constant 0 : index
    %get3A_1 = vector.load %arg1[%get3A, %get3A_0] : memref<2000x64xf32, #tpu.memory_space<vmem>>, vector<2000x64xf32>
    %get3A_2 = arith.constant 0 : index
    %get3A_3 = arith.constant 0 : index
    %get3A_4 = arith.constant 0 : index
    %get3A_5 = vector.load %arg2[%get3A_2, %get3A_3, %get3A_4] : memref<2x2000x64xf32, #tpu.memory_space<vmem>>, vector<1x2000x64xf32>
    %get3A_6 = vector.shape_cast %get3A_5 : vector<1x2000x64xf32> to vector<2000x64xf32>
    %get3A_7 = arith.constant 1 : index
    %get3A_8 = arith.constant 0 : index
    %get3A_9 = arith.constant 0 : index
    %get3A_10 = vector.load %arg2[%get3A_7, %get3A_8, %get3A_9] : memref<2x2000x64xf32, #tpu.memory_space<vmem>>, vector<1x2000x64xf32>
    %get3A_11 = vector.shape_cast %get3A_10 : vector<1x2000x64xf32> to vector<2000x64xf32>
    %add3A = arith.addf %get3A_6, %get3A_11 : vector<2000x64xf32>
    %get3A_12 = arith.constant 0 : index
    %get3A_13 = arith.constant 0 : index
    %get3A_14 = arith.constant 0 : index
    %get3A_15 = vector.load %arg3[%get3A_12, %get3A_13, %get3A_14] : memref<2x2000x8xf32, #tpu.memory_space<vmem>>, vector<1x2000x1xf32>
    %get3A_16 = vector.shape_cast %get3A_15 : vector<1x2000x1xf32> to vector<2000x1xf32>
    %get3A_17 = arith.constant 1 : index
    %get3A_18 = arith.constant 0 : index
    %get3A_19 = arith.constant 0 : index
    %get3A_20 = vector.load %arg3[%get3A_17, %get3A_18, %get3A_19] : memref<2x2000x8xf32, #tpu.memory_space<vmem>>, vector<1x2000x1xf32>
    %get3A_21 = vector.shape_cast %get3A_20 : vector<1x2000x1xf32> to vector<2000x1xf32>
    %add3A_22 = arith.addf %get3A_16, %get3A_21 : vector<2000x1xf32>
    %max3A = arith.constant 1.000000e+00 : f32
    %max3A_23 = vector.broadcast %max3A : f32 to vector<2000x1xf32>
    %max3A_24 = arith.maximumf %add3A_22, %max3A_23 : vector<2000x1xf32>
    %div3A = vector.broadcast %max3A_24 : vector<2000x1xf32> to vector<2000x64xf32>
    %div3A_25 = arith.divf %add3A, %div3A : vector<2000x64xf32>
    %get3A_26 = arith.constant 0 : index
    %get3A_27 = arith.constant 0 : index
    %get3A_28 = vector.load %arg4[%get3A_26, %get3A_27] : memref<64x64xf32, #tpu.memory_space<vmem>>, vector<64x64xf32>
    %dot_general3A = arith.constant dense<0.000000e+00> : vector<2000x64xf32>
    %dot_general3A_29 = tpu.matmul %div3A_25, %get3A_28, %dot_general3A {dimension_numbers = #tpu.dot_dimension_numbers<[1], [0], [0], [1], [0, 0, 1, 1], [], []>, transpose_lhs_hint = false} : vector<2000x64xf32>, vector<64x64xf32>, vector<2000x64xf32> -> vector<2000x64xf32>
    %get3A_30 = arith.constant 0 : index
    %get3A_31 = arith.constant 0 : index
    %get3A_32 = vector.load %arg5[%get3A_30, %get3A_31] : memref<64x64xf32, #tpu.memory_space<vmem>>, vector<64x64xf32>
    %dot_general3A_33 = arith.constant dense<0.000000e+00> : vector<2000x64xf32>
    %dot_general3A_34 = tpu.matmul %get3A_1, %get3A_32, %dot_general3A_33 {dimension_numbers = #tpu.dot_dimension_numbers<[1], [0], [0], [1], [0, 0, 1, 1], [], []>, transpose_lhs_hint = false} : vector<2000x64xf32>, vector<64x64xf32>, vector<2000x64xf32> -> vector<2000x64xf32>
    %add3A_35 = arith.addf %dot_general3A_29, %dot_general3A_34 : vector<2000x64xf32>
    %get3A_36 = arith.constant 0 : index
    %get3A_37 = arith.constant 0 : index
    %get3A_38 = vector.load %arg6[%get3A_36, %get3A_37] : memref<1x64xf32, #tpu.memory_space<vmem>>, vector<1x64xf32>
    %add3A_39 = vector.broadcast %get3A_38 : vector<1x64xf32> to vector<2000x64xf32>
    %add3A_40 = arith.addf %add3A_35, %add3A_39 : vector<2000x64xf32>
    %integer_pow3A = arith.mulf %add3A_40, %add3A_40 : vector<2000x64xf32>
    %integer_pow3A_41 = arith.mulf %add3A_40, %integer_pow3A : vector<2000x64xf32>
    %mul3A = arith.constant 4.471500e-02 : f32
    %mul3A_42 = vector.broadcast %mul3A : f32 to vector<2000x64xf32>
    %mul3A_43 = arith.mulf %mul3A_42, %integer_pow3A_41 : vector<2000x64xf32>
    %add3A_44 = arith.addf %add3A_40, %mul3A_43 : vector<2000x64xf32>
    %mul3A_45 = arith.constant 0.797884583 : f32
    %mul3A_46 = vector.broadcast %mul3A_45 : f32 to vector<2000x64xf32>
    %mul3A_47 = arith.mulf %mul3A_46, %add3A_44 : vector<2000x64xf32>
    %tanh3A = math.tanh %mul3A_47 : vector<2000x64xf32>
    %add3A_48 = arith.constant 1.000000e+00 : f32
    %add3A_49 = vector.broadcast %add3A_48 : f32 to vector<2000x64xf32>
    %add3A_50 = arith.addf %add3A_49, %tanh3A : vector<2000x64xf32>
    %mul3A_51 = arith.constant 5.000000e-01 : f32
    %mul3A_52 = vector.broadcast %mul3A_51 : f32 to vector<2000x64xf32>
    %mul3A_53 = arith.mulf %mul3A_52, %add3A_50 : vector<2000x64xf32>
    %mul3A_54 = arith.mulf %add3A_40, %mul3A_53 : vector<2000x64xf32>
    %add3A_55 = arith.addf %get3A_1, %mul3A_54 : vector<2000x64xf32>
    %swap3A = arith.constant 0 : index
    %swap3A_56 = arith.constant 0 : index
    %swap3A_57 = vector.load %arg7[%swap3A, %swap3A_56] : memref<2000x64xf32, #tpu.memory_space<vmem>>, vector<2000x64xf32>
    tpu.vector_store %arg7[%swap3A, %swap3A_56], %add3A_55 {strides = array<i32>} : memref<2000x64xf32, #tpu.memory_space<vmem>>, vector<2000x64xf32>,
    return
  }
  func.func @transform_0(%arg0: i32) -> (i32, i32) {
    %c0_i32 = arith.constant 0 : i32
    %c0_i32_0 = arith.constant 0 : i32
    return %arg0, %c0_i32 : i32, i32
  }
  func.func @transform_1(%arg0: i32) -> (i32, i32, i32) {
    %c0_i32 = arith.constant 0 : i32
    %c0_i32_0 = arith.constant 0 : i32
    %c0_i32_1 = arith.constant 0 : i32
    return %c0_i32, %arg0, %c0_i32_0 : i32, i32, i32
  }
  func.func @transform_2(%arg0: i32) -> (i32, i32, i32) {
    %c0_i32 = arith.constant 0 : i32
    %c0_i32_0 = arith.constant 0 : i32
    %c0_i32_1 = arith.constant 0 : i32
    return %c0_i32, %arg0, %c0_i32_0 : i32, i32, i32
  }
  func.func @transform_3(%arg0: i32) -> (i32, i32) {
    %c0_i32 = arith.constant 0 : i32
    %c0_i32_0 = arith.constant 0 : i32
    %c0_i32_1 = arith.constant 0 : i32
    return %c0_i32, %c0_i32_0 : i32, i32
  }
  func.func @transform_4(%arg0: i32) -> (i32, i32) {
    %c0_i32 = arith.constant 0 : i32
    %c0_i32_0 = arith.constant 0 : i32
    %c0_i32_1 = arith.constant 0 : i32
    return %c0_i32, %c0_i32_0 : i32, i32
  }
  func.func @transform_5(%arg0: i32) -> (i32, i32) {
    %c0_i32 = arith.constant 0 : i32
    %c0_i32_0 = arith.constant 0 : i32
    %c0_i32_1 = arith.constant 0 : i32
    return %c0_i32, %c0_i32_0 : i32, i32
  }
  func.func @transform_6(%arg0: i32) -> (i32, i32) {
    %c0_i32 = arith.constant 0 : i32
    %c0_i32_0 = arith.constant 0 : i32
    return %arg0, %c0_i32 : i32, i32
  }
}

module attributes {stable_mosaic.version = 14 : i64} {
  func.func @_sage3_body(%arg0: i32, %arg1: memref<2000x64xf32, #tpu.memory_space<vmem>>, %arg2: memref<2x2000x64xf32, #tpu.memory_space<vmem>>, %arg3: memref<2x2000x8xf32, #tpu.memory_space<vmem>>, %arg4: memref<64x64xf32, #tpu.memory_space<vmem>>, %arg5: memref<64x64xf32, #tpu.memory_space<vmem>>, %arg6: memref<1x64xf32, #tpu.memory_space<vmem>>, %arg7: memref<2000x1xf32, #tpu.memory_space<vmem>>, %arg8: memref<2000x64xf32, #tpu.memory_space<vmem>>, %arg9: memref<16x64xf32, #tpu.memory_space<vmem>>) attributes {dimension_semantics = [#tpu.dimension_semantics<arbitrary>], iteration_bounds = array<i64: 5>, scalar_prefetch = 0 : i64, scratch_operands = 0 : i64, tpu.core_type = #tpu.core_type<tc>, window_params = [{transform_indices = @transform_0, window_bounds = array<i64: 2000, 64>}, {transform_indices = @transform_1, window_bounds = array<i64: 2, 2000, 64>}, {transform_indices = @transform_2, window_bounds = array<i64: 2, 2000, 8>}, {pipeline_mode = #tpu.pipeline_mode<synchronous>, transform_indices = @transform_3, window_bounds = array<i64: 64, 64>}, {pipeline_mode = #tpu.pipeline_mode<synchronous>, transform_indices = @transform_4, window_bounds = array<i64: 64, 64>}, {pipeline_mode = #tpu.pipeline_mode<synchronous>, transform_indices = @transform_5, window_bounds = array<i64: 1, 64>}, {transform_indices = @transform_6, window_bounds = array<i64: 2000, 1>}, {transform_indices = @transform_7, window_bounds = array<i64: 2000, 64>}, {pipeline_mode = #tpu.pipeline_mode<synchronous>, transform_indices = @transform_8, window_bounds = array<i64: 16, 64>}]} {
    %eq3A = arith.constant 0 : i32
    %eq3A_0 = arith.cmpi eq, %arg0, %eq3A : i32
    %convert_element_type3A = arith.extui %eq3A_0 : i1 to i32
    %cond3A = arith.constant 0 : i32
    %cond3A_1 = arith.cmpi ne, %convert_element_type3A, %cond3A : i32
    scf.if %cond3A_1 {
      %broadcast_in_dim3A_242 = arith.constant 0xFF800000 : f32
      %broadcast_in_dim3A_243 = vector.broadcast %broadcast_in_dim3A_242 : f32 to vector<16x64xf32>
      %swap3A_244 = arith.constant 0 : index
      %swap3A_245 = arith.constant 0 : index
      %swap3A_246 = vector.load %arg9[%swap3A_244, %swap3A_245] : memref<16x64xf32, #tpu.memory_space<vmem>>, vector<16x64xf32>
      tpu.vector_store %arg9[%swap3A_244, %swap3A_245], %broadcast_in_dim3A_243 {strides = array<i32>} : memref<16x64xf32, #tpu.memory_space<vmem>>, vector<16x64xf32>,
    } else {
    }
    %get3A = arith.constant 0 : index
    %get3A_2 = arith.constant 0 : index
    %get3A_3 = vector.load %arg1[%get3A, %get3A_2] : memref<2000x64xf32, #tpu.memory_space<vmem>>, vector<2000x64xf32>
    %get3A_4 = arith.constant 0 : index
    %get3A_5 = arith.constant 0 : index
    %get3A_6 = arith.constant 0 : index
    %get3A_7 = vector.load %arg2[%get3A_4, %get3A_5, %get3A_6] : memref<2x2000x64xf32, #tpu.memory_space<vmem>>, vector<1x2000x64xf32>
    %get3A_8 = vector.shape_cast %get3A_7 : vector<1x2000x64xf32> to vector<2000x64xf32>
    %get3A_9 = arith.constant 1 : index
    %get3A_10 = arith.constant 0 : index
    %get3A_11 = arith.constant 0 : index
    %get3A_12 = vector.load %arg2[%get3A_9, %get3A_10, %get3A_11] : memref<2x2000x64xf32, #tpu.memory_space<vmem>>, vector<1x2000x64xf32>
    %get3A_13 = vector.shape_cast %get3A_12 : vector<1x2000x64xf32> to vector<2000x64xf32>
    %add3A = arith.addf %get3A_8, %get3A_13 : vector<2000x64xf32>
    %get3A_14 = arith.constant 0 : index
    %get3A_15 = arith.constant 0 : index
    %get3A_16 = arith.constant 0 : index
    %get3A_17 = vector.load %arg3[%get3A_14, %get3A_15, %get3A_16] : memref<2x2000x8xf32, #tpu.memory_space<vmem>>, vector<1x2000x1xf32>
    %get3A_18 = vector.shape_cast %get3A_17 : vector<1x2000x1xf32> to vector<2000x1xf32>
    %get3A_19 = arith.constant 1 : index
    %get3A_20 = arith.constant 0 : index
    %get3A_21 = arith.constant 0 : index
    %get3A_22 = vector.load %arg3[%get3A_19, %get3A_20, %get3A_21] : memref<2x2000x8xf32, #tpu.memory_space<vmem>>, vector<1x2000x1xf32>
    %get3A_23 = vector.shape_cast %get3A_22 : vector<1x2000x1xf32> to vector<2000x1xf32>
    %add3A_24 = arith.addf %get3A_18, %get3A_23 : vector<2000x1xf32>
    %max3A = arith.constant 1.000000e+00 : f32
    %max3A_25 = vector.broadcast %max3A : f32 to vector<2000x1xf32>
    %max3A_26 = arith.maximumf %add3A_24, %max3A_25 : vector<2000x1xf32>
    %div3A = vector.broadcast %max3A_26 : vector<2000x1xf32> to vector<2000x64xf32>
    %div3A_27 = arith.divf %add3A, %div3A : vector<2000x64xf32>
    %get3A_28 = arith.constant 0 : index
    %get3A_29 = arith.constant 0 : index
    %get3A_30 = vector.load %arg4[%get3A_28, %get3A_29] : memref<64x64xf32, #tpu.memory_space<vmem>>, vector<64x64xf32>
    %dot_general3A = arith.constant dense<0.000000e+00> : vector<2000x64xf32>
    %dot_general3A_31 = tpu.matmul %div3A_27, %get3A_30, %dot_general3A {dimension_numbers = #tpu.dot_dimension_numbers<[1], [0], [0], [1], [0, 0, 1, 1], [], []>, transpose_lhs_hint = false} : vector<2000x64xf32>, vector<64x64xf32>, vector<2000x64xf32> -> vector<2000x64xf32>
    %get3A_32 = arith.constant 0 : index
    %get3A_33 = arith.constant 0 : index
    %get3A_34 = vector.load %arg5[%get3A_32, %get3A_33] : memref<64x64xf32, #tpu.memory_space<vmem>>, vector<64x64xf32>
    %dot_general3A_35 = arith.constant dense<0.000000e+00> : vector<2000x64xf32>
    %dot_general3A_36 = tpu.matmul %get3A_3, %get3A_34, %dot_general3A_35 {dimension_numbers = #tpu.dot_dimension_numbers<[1], [0], [0], [1], [0, 0, 1, 1], [], []>, transpose_lhs_hint = false} : vector<2000x64xf32>, vector<64x64xf32>, vector<2000x64xf32> -> vector<2000x64xf32>
    %add3A_37 = arith.addf %dot_general3A_31, %dot_general3A_36 : vector<2000x64xf32>
    %get3A_38 = arith.constant 0 : index
    %get3A_39 = arith.constant 0 : index
    %get3A_40 = vector.load %arg6[%get3A_38, %get3A_39] : memref<1x64xf32, #tpu.memory_space<vmem>>, vector<1x64xf32>
    %add3A_41 = vector.broadcast %get3A_40 : vector<1x64xf32> to vector<2000x64xf32>
    %add3A_42 = arith.addf %add3A_37, %add3A_41 : vector<2000x64xf32>
    %integer_pow3A = arith.mulf %add3A_42, %add3A_42 : vector<2000x64xf32>
    %integer_pow3A_43 = arith.mulf %add3A_42, %integer_pow3A : vector<2000x64xf32>
    %mul3A = arith.constant 4.471500e-02 : f32
    %mul3A_44 = vector.broadcast %mul3A : f32 to vector<2000x64xf32>
    %mul3A_45 = arith.mulf %mul3A_44, %integer_pow3A_43 : vector<2000x64xf32>
    %add3A_46 = arith.addf %add3A_42, %mul3A_45 : vector<2000x64xf32>
    %mul3A_47 = arith.constant 0.797884583 : f32
    %mul3A_48 = vector.broadcast %mul3A_47 : f32 to vector<2000x64xf32>
    %mul3A_49 = arith.mulf %mul3A_48, %add3A_46 : vector<2000x64xf32>
    %tanh3A = math.tanh %mul3A_49 : vector<2000x64xf32>
    %add3A_50 = arith.constant 1.000000e+00 : f32
    %add3A_51 = vector.broadcast %add3A_50 : f32 to vector<2000x64xf32>
    %add3A_52 = arith.addf %add3A_51, %tanh3A : vector<2000x64xf32>
    %mul3A_53 = arith.constant 5.000000e-01 : f32
    %mul3A_54 = vector.broadcast %mul3A_53 : f32 to vector<2000x64xf32>
    %mul3A_55 = arith.mulf %mul3A_54, %add3A_52 : vector<2000x64xf32>
    %mul3A_56 = arith.mulf %add3A_42, %mul3A_55 : vector<2000x64xf32>
    %add3A_57 = arith.addf %get3A_3, %mul3A_56 : vector<2000x64xf32>
    %swap3A = arith.constant 0 : index
    %swap3A_58 = arith.constant 0 : index
    %swap3A_59 = vector.load %arg8[%swap3A, %swap3A_58] : memref<2000x64xf32, #tpu.memory_space<vmem>>, vector<2000x64xf32>
    tpu.vector_store %arg8[%swap3A, %swap3A_58], %add3A_57 {strides = array<i32>} : memref<2000x64xf32, #tpu.memory_space<vmem>>, vector<2000x64xf32>,
    %get3A_60 = arith.constant 0 : index
    %get3A_61 = arith.constant 0 : index
    %get3A_62 = vector.load %arg7[%get3A_60, %get3A_61] : memref<2000x1xf32, #tpu.memory_space<vmem>>, vector<2000x1xf32>
    %eq3A_63 = arith.constant 0.000000e+00 : f32
    %eq3A_64 = vector.broadcast %eq3A_63 : f32 to vector<2000x1xf32>
    %eq3A_65 = arith.cmpf oeq, %get3A_62, %eq3A_64 : vector<2000x1xf32>
    %jit3A = arith.constant 0xFF800000 : f32
    %broadcast_in_dim3A = vector.shape_cast %eq3A_65 : vector<2000x1xi1> to vector<2000x1xi1>
    %broadcast_in_dim3A_66 = vector.broadcast %broadcast_in_dim3A : vector<2000x1xi1> to vector<2000x64xi1>
    %broadcast_in_dim3A_67 = vector.broadcast %jit3A : f32 to vector<2000x64xf32>
    %select_n3A = arith.select %broadcast_in_dim3A_66, %add3A_57, %broadcast_in_dim3A_67 : vector<2000x64xi1>, vector<2000x64xf32>
    %reduce_max3A = arith.constant dense<0xFF800000> : vector<64xf32>
    %reduce_max3A_68 = vector.multi_reduction <maximumf>, %select_n3A, %reduce_max3A [0] : vector<2000x64xf32> to vector<64xf32>
    %eq3A_69 = arith.constant 1.000000e+00 : f32
    %eq3A_70 = vector.broadcast %eq3A_69 : f32 to vector<2000x1xf32>
    %eq3A_71 = arith.cmpf oeq, %get3A_62, %eq3A_70 : vector<2000x1xf32>
    %jit3A_72 = arith.constant 0xFF800000 : f32
    %broadcast_in_dim3A_73 = vector.shape_cast %eq3A_71 : vector<2000x1xi1> to vector<2000x1xi1>
    %broadcast_in_dim3A_74 = vector.broadcast %broadcast_in_dim3A_73 : vector<2000x1xi1> to vector<2000x64xi1>
    %broadcast_in_dim3A_75 = vector.broadcast %jit3A_72 : f32 to vector<2000x64xf32>
    %select_n3A_76 = arith.select %broadcast_in_dim3A_74, %add3A_57, %broadcast_in_dim3A_75 : vector<2000x64xi1>, vector<2000x64xf32>
    %reduce_max3A_77 = arith.constant dense<0xFF800000> : vector<64xf32>
    %reduce_max3A_78 = vector.multi_reduction <maximumf>, %select_n3A_76, %reduce_max3A_77 [0] : vector<2000x64xf32> to vector<64xf32>
    %eq3A_79 = arith.constant 2.000000e+00 : f32
    %eq3A_80 = vector.broadcast %eq3A_79 : f32 to vector<2000x1xf32>
    %eq3A_81 = arith.cmpf oeq, %get3A_62, %eq3A_80 : vector<2000x1xf32>
    %jit3A_82 = arith.constant 0xFF800000 : f32
    %broadcast_in_dim3A_83 = vector.shape_cast %eq3A_81 : vector<2000x1xi1> to vector<2000x1xi1>
    %broadcast_in_dim3A_84 = vector.broadcast %broadcast_in_dim3A_83 : vector<2000x1xi1> to vector<2000x64xi1>
    %broadcast_in_dim3A_85 = vector.broadcast %jit3A_82 : f32 to vector<2000x64xf32>
    %select_n3A_86 = arith.select %broadcast_in_dim3A_84, %add3A_57, %broadcast_in_dim3A_85 : vector<2000x64xi1>, vector<2000x64xf32>
    %reduce_max3A_87 = arith.constant dense<0xFF800000> : vector<64xf32>
    %reduce_max3A_88 = vector.multi_reduction <maximumf>, %select_n3A_86, %reduce_max3A_87 [0] : vector<2000x64xf32> to vector<64xf32>
    %eq3A_89 = arith.constant 3.000000e+00 : f32
    %eq3A_90 = vector.broadcast %eq3A_89 : f32 to vector<2000x1xf32>
    %eq3A_91 = arith.cmpf oeq, %get3A_62, %eq3A_90 : vector<2000x1xf32>
    %jit3A_92 = arith.constant 0xFF800000 : f32
    %broadcast_in_dim3A_93 = vector.shape_cast %eq3A_91 : vector<2000x1xi1> to vector<2000x1xi1>
    %broadcast_in_dim3A_94 = vector.broadcast %broadcast_in_dim3A_93 : vector<2000x1xi1> to vector<2000x64xi1>
    %broadcast_in_dim3A_95 = vector.broadcast %jit3A_92 : f32 to vector<2000x64xf32>
    %select_n3A_96 = arith.select %broadcast_in_dim3A_94, %add3A_57, %broadcast_in_dim3A_95 : vector<2000x64xi1>, vector<2000x64xf32>
    %reduce_max3A_97 = arith.constant dense<0xFF800000> : vector<64xf32>
    %reduce_max3A_98 = vector.multi_reduction <maximumf>, %select_n3A_96, %reduce_max3A_97 [0] : vector<2000x64xf32> to vector<64xf32>
    %eq3A_99 = arith.constant 4.000000e+00 : f32
    %eq3A_100 = vector.broadcast %eq3A_99 : f32 to vector<2000x1xf32>
    %eq3A_101 = arith.cmpf oeq, %get3A_62, %eq3A_100 : vector<2000x1xf32>
    %jit3A_102 = arith.constant 0xFF800000 : f32
    %broadcast_in_dim3A_103 = vector.shape_cast %eq3A_101 : vector<2000x1xi1> to vector<2000x1xi1>
    %broadcast_in_dim3A_104 = vector.broadcast %broadcast_in_dim3A_103 : vector<2000x1xi1> to vector<2000x64xi1>
    %broadcast_in_dim3A_105 = vector.broadcast %jit3A_102 : f32 to vector<2000x64xf32>
    %select_n3A_106 = arith.select %broadcast_in_dim3A_104, %add3A_57, %broadcast_in_dim3A_105 : vector<2000x64xi1>, vector<2000x64xf32>
    %reduce_max3A_107 = arith.constant dense<0xFF800000> : vector<64xf32>
    %reduce_max3A_108 = vector.multi_reduction <maximumf>, %select_n3A_106, %reduce_max3A_107 [0] : vector<2000x64xf32> to vector<64xf32>
    %eq3A_109 = arith.constant 5.000000e+00 : f32
    %eq3A_110 = vector.broadcast %eq3A_109 : f32 to vector<2000x1xf32>
    %eq3A_111 = arith.cmpf oeq, %get3A_62, %eq3A_110 : vector<2000x1xf32>
    %jit3A_112 = arith.constant 0xFF800000 : f32
    %broadcast_in_dim3A_113 = vector.shape_cast %eq3A_111 : vector<2000x1xi1> to vector<2000x1xi1>
    %broadcast_in_dim3A_114 = vector.broadcast %broadcast_in_dim3A_113 : vector<2000x1xi1> to vector<2000x64xi1>
    %broadcast_in_dim3A_115 = vector.broadcast %jit3A_112 : f32 to vector<2000x64xf32>
    %select_n3A_116 = arith.select %broadcast_in_dim3A_114, %add3A_57, %broadcast_in_dim3A_115 : vector<2000x64xi1>, vector<2000x64xf32>
    %reduce_max3A_117 = arith.constant dense<0xFF800000> : vector<64xf32>
    %reduce_max3A_118 = vector.multi_reduction <maximumf>, %select_n3A_116, %reduce_max3A_117 [0] : vector<2000x64xf32> to vector<64xf32>
    %eq3A_119 = arith.constant 6.000000e+00 : f32
    %eq3A_120 = vector.broadcast %eq3A_119 : f32 to vector<2000x1xf32>
    %eq3A_121 = arith.cmpf oeq, %get3A_62, %eq3A_120 : vector<2000x1xf32>
    %jit3A_122 = arith.constant 0xFF800000 : f32
    %broadcast_in_dim3A_123 = vector.shape_cast %eq3A_121 : vector<2000x1xi1> to vector<2000x1xi1>
    %broadcast_in_dim3A_124 = vector.broadcast %broadcast_in_dim3A_123 : vector<2000x1xi1> to vector<2000x64xi1>
    %broadcast_in_dim3A_125 = vector.broadcast %jit3A_122 : f32 to vector<2000x64xf32>
    %select_n3A_126 = arith.select %broadcast_in_dim3A_124, %add3A_57, %broadcast_in_dim3A_125 : vector<2000x64xi1>, vector<2000x64xf32>
    %reduce_max3A_127 = arith.constant dense<0xFF800000> : vector<64xf32>
    %reduce_max3A_128 = vector.multi_reduction <maximumf>, %select_n3A_126, %reduce_max3A_127 [0] : vector<2000x64xf32> to vector<64xf32>
    %eq3A_129 = arith.constant 7.000000e+00 : f32
    %eq3A_130 = vector.broadcast %eq3A_129 : f32 to vector<2000x1xf32>
    %eq3A_131 = arith.cmpf oeq, %get3A_62, %eq3A_130 : vector<2000x1xf32>
    %jit3A_132 = arith.constant 0xFF800000 : f32
    %broadcast_in_dim3A_133 = vector.shape_cast %eq3A_131 : vector<2000x1xi1> to vector<2000x1xi1>
    %broadcast_in_dim3A_134 = vector.broadcast %broadcast_in_dim3A_133 : vector<2000x1xi1> to vector<2000x64xi1>
    %broadcast_in_dim3A_135 = vector.broadcast %jit3A_132 : f32 to vector<2000x64xf32>
    %select_n3A_136 = arith.select %broadcast_in_dim3A_134, %add3A_57, %broadcast_in_dim3A_135 : vector<2000x64xi1>, vector<2000x64xf32>
    %reduce_max3A_137 = arith.constant dense<0xFF800000> : vector<64xf32>
    %reduce_max3A_138 = vector.multi_reduction <maximumf>, %select_n3A_136, %reduce_max3A_137 [0] : vector<2000x64xf32> to vector<64xf32>
    %eq3A_139 = arith.constant 8.000000e+00 : f32
    %eq3A_140 = vector.broadcast %eq3A_139 : f32 to vector<2000x1xf32>
    %eq3A_141 = arith.cmpf oeq, %get3A_62, %eq3A_140 : vector<2000x1xf32>
    %jit3A_142 = arith.constant 0xFF800000 : f32
    %broadcast_in_dim3A_143 = vector.shape_cast %eq3A_141 : vector<2000x1xi1> to vector<2000x1xi1>
    %broadcast_in_dim3A_144 = vector.broadcast %broadcast_in_dim3A_143 : vector<2000x1xi1> to vector<2000x64xi1>
    %broadcast_in_dim3A_145 = vector.broadcast %jit3A_142 : f32 to vector<2000x64xf32>
    %select_n3A_146 = arith.select %broadcast_in_dim3A_144, %add3A_57, %broadcast_in_dim3A_145 : vector<2000x64xi1>, vector<2000x64xf32>
    %reduce_max3A_147 = arith.constant dense<0xFF800000> : vector<64xf32>
    %reduce_max3A_148 = vector.multi_reduction <maximumf>, %select_n3A_146, %reduce_max3A_147 [0] : vector<2000x64xf32> to vector<64xf32>
    %eq3A_149 = arith.constant 9.000000e+00 : f32
    %eq3A_150 = vector.broadcast %eq3A_149 : f32 to vector<2000x1xf32>
    %eq3A_151 = arith.cmpf oeq, %get3A_62, %eq3A_150 : vector<2000x1xf32>
    %jit3A_152 = arith.constant 0xFF800000 : f32
    %broadcast_in_dim3A_153 = vector.shape_cast %eq3A_151 : vector<2000x1xi1> to vector<2000x1xi1>
    %broadcast_in_dim3A_154 = vector.broadcast %broadcast_in_dim3A_153 : vector<2000x1xi1> to vector<2000x64xi1>
    %broadcast_in_dim3A_155 = vector.broadcast %jit3A_152 : f32 to vector<2000x64xf32>
    %select_n3A_156 = arith.select %broadcast_in_dim3A_154, %add3A_57, %broadcast_in_dim3A_155 : vector<2000x64xi1>, vector<2000x64xf32>
    %reduce_max3A_157 = arith.constant dense<0xFF800000> : vector<64xf32>
    %reduce_max3A_158 = vector.multi_reduction <maximumf>, %select_n3A_156, %reduce_max3A_157 [0] : vector<2000x64xf32> to vector<64xf32>
    %eq3A_159 = arith.constant 1.000000e+01 : f32
    %eq3A_160 = vector.broadcast %eq3A_159 : f32 to vector<2000x1xf32>
    %eq3A_161 = arith.cmpf oeq, %get3A_62, %eq3A_160 : vector<2000x1xf32>
    %jit3A_162 = arith.constant 0xFF800000 : f32
    %broadcast_in_dim3A_163 = vector.shape_cast %eq3A_161 : vector<2000x1xi1> to vector<2000x1xi1>
    %broadcast_in_dim3A_164 = vector.broadcast %broadcast_in_dim3A_163 : vector<2000x1xi1> to vector<2000x64xi1>
    %broadcast_in_dim3A_165 = vector.broadcast %jit3A_162 : f32 to vector<2000x64xf32>
    %select_n3A_166 = arith.select %broadcast_in_dim3A_164, %add3A_57, %broadcast_in_dim3A_165 : vector<2000x64xi1>, vector<2000x64xf32>
    %reduce_max3A_167 = arith.constant dense<0xFF800000> : vector<64xf32>
    %reduce_max3A_168 = vector.multi_reduction <maximumf>, %select_n3A_166, %reduce_max3A_167 [0] : vector<2000x64xf32> to vector<64xf32>
    %eq3A_169 = arith.constant 1.100000e+01 : f32
    %eq3A_170 = vector.broadcast %eq3A_169 : f32 to vector<2000x1xf32>
    %eq3A_171 = arith.cmpf oeq, %get3A_62, %eq3A_170 : vector<2000x1xf32>
    %jit3A_172 = arith.constant 0xFF800000 : f32
    %broadcast_in_dim3A_173 = vector.shape_cast %eq3A_171 : vector<2000x1xi1> to vector<2000x1xi1>
    %broadcast_in_dim3A_174 = vector.broadcast %broadcast_in_dim3A_173 : vector<2000x1xi1> to vector<2000x64xi1>
    %broadcast_in_dim3A_175 = vector.broadcast %jit3A_172 : f32 to vector<2000x64xf32>
    %select_n3A_176 = arith.select %broadcast_in_dim3A_174, %add3A_57, %broadcast_in_dim3A_175 : vector<2000x64xi1>, vector<2000x64xf32>
    %reduce_max3A_177 = arith.constant dense<0xFF800000> : vector<64xf32>
    %reduce_max3A_178 = vector.multi_reduction <maximumf>, %select_n3A_176, %reduce_max3A_177 [0] : vector<2000x64xf32> to vector<64xf32>
    %eq3A_179 = arith.constant 1.200000e+01 : f32
    %eq3A_180 = vector.broadcast %eq3A_179 : f32 to vector<2000x1xf32>
    %eq3A_181 = arith.cmpf oeq, %get3A_62, %eq3A_180 : vector<2000x1xf32>
    %jit3A_182 = arith.constant 0xFF800000 : f32
    %broadcast_in_dim3A_183 = vector.shape_cast %eq3A_181 : vector<2000x1xi1> to vector<2000x1xi1>
    %broadcast_in_dim3A_184 = vector.broadcast %broadcast_in_dim3A_183 : vector<2000x1xi1> to vector<2000x64xi1>
    %broadcast_in_dim3A_185 = vector.broadcast %jit3A_182 : f32 to vector<2000x64xf32>
    %select_n3A_186 = arith.select %broadcast_in_dim3A_184, %add3A_57, %broadcast_in_dim3A_185 : vector<2000x64xi1>, vector<2000x64xf32>
    %reduce_max3A_187 = arith.constant dense<0xFF800000> : vector<64xf32>
    %reduce_max3A_188 = vector.multi_reduction <maximumf>, %select_n3A_186, %reduce_max3A_187 [0] : vector<2000x64xf32> to vector<64xf32>
    %eq3A_189 = arith.constant 1.300000e+01 : f32
    %eq3A_190 = vector.broadcast %eq3A_189 : f32 to vector<2000x1xf32>
    %eq3A_191 = arith.cmpf oeq, %get3A_62, %eq3A_190 : vector<2000x1xf32>
    %jit3A_192 = arith.constant 0xFF800000 : f32
    %broadcast_in_dim3A_193 = vector.shape_cast %eq3A_191 : vector<2000x1xi1> to vector<2000x1xi1>
    %broadcast_in_dim3A_194 = vector.broadcast %broadcast_in_dim3A_193 : vector<2000x1xi1> to vector<2000x64xi1>
    %broadcast_in_dim3A_195 = vector.broadcast %jit3A_192 : f32 to vector<2000x64xf32>
    %select_n3A_196 = arith.select %broadcast_in_dim3A_194, %add3A_57, %broadcast_in_dim3A_195 : vector<2000x64xi1>, vector<2000x64xf32>
    %reduce_max3A_197 = arith.constant dense<0xFF800000> : vector<64xf32>
    %reduce_max3A_198 = vector.multi_reduction <maximumf>, %select_n3A_196, %reduce_max3A_197 [0] : vector<2000x64xf32> to vector<64xf32>
    %eq3A_199 = arith.constant 1.400000e+01 : f32
    %eq3A_200 = vector.broadcast %eq3A_199 : f32 to vector<2000x1xf32>
    %eq3A_201 = arith.cmpf oeq, %get3A_62, %eq3A_200 : vector<2000x1xf32>
    %jit3A_202 = arith.constant 0xFF800000 : f32
    %broadcast_in_dim3A_203 = vector.shape_cast %eq3A_201 : vector<2000x1xi1> to vector<2000x1xi1>
    %broadcast_in_dim3A_204 = vector.broadcast %broadcast_in_dim3A_203 : vector<2000x1xi1> to vector<2000x64xi1>
    %broadcast_in_dim3A_205 = vector.broadcast %jit3A_202 : f32 to vector<2000x64xf32>
    %select_n3A_206 = arith.select %broadcast_in_dim3A_204, %add3A_57, %broadcast_in_dim3A_205 : vector<2000x64xi1>, vector<2000x64xf32>
    %reduce_max3A_207 = arith.constant dense<0xFF800000> : vector<64xf32>
    %reduce_max3A_208 = vector.multi_reduction <maximumf>, %select_n3A_206, %reduce_max3A_207 [0] : vector<2000x64xf32> to vector<64xf32>
    %eq3A_209 = arith.constant 1.500000e+01 : f32
    %eq3A_210 = vector.broadcast %eq3A_209 : f32 to vector<2000x1xf32>
    %eq3A_211 = arith.cmpf oeq, %get3A_62, %eq3A_210 : vector<2000x1xf32>
    %jit3A_212 = arith.constant 0xFF800000 : f32
    %broadcast_in_dim3A_213 = vector.shape_cast %eq3A_211 : vector<2000x1xi1> to vector<2000x1xi1>
    %broadcast_in_dim3A_214 = vector.broadcast %broadcast_in_dim3A_213 : vector<2000x1xi1> to vector<2000x64xi1>
    %broadcast_in_dim3A_215 = vector.broadcast %jit3A_212 : f32 to vector<2000x64xf32>
    %select_n3A_216 = arith.select %broadcast_in_dim3A_214, %add3A_57, %broadcast_in_dim3A_215 : vector<2000x64xi1>, vector<2000x64xf32>
    %reduce_max3A_217 = arith.constant dense<0xFF800000> : vector<64xf32>
    %reduce_max3A_218 = vector.multi_reduction <maximumf>, %select_n3A_216, %reduce_max3A_217 [0] : vector<2000x64xf32> to vector<64xf32>
    %get3A_219 = arith.constant 0 : index
    %get3A_220 = arith.constant 0 : index
    %get3A_221 = vector.load %arg9[%get3A_219, %get3A_220] : memref<16x64xf32, #tpu.memory_space<vmem>>, vector<16x64xf32>
    %stack3A = vector.shape_cast %reduce_max3A_68 : vector<64xf32> to vector<1x64xf32>
    %stack3A_222 = vector.shape_cast %reduce_max3A_78 : vector<64xf32> to vector<1x64xf32>
    %stack3A_223 = vector.shape_cast %reduce_max3A_88 : vector<64xf32> to vector<1x64xf32>
    %stack3A_224 = vector.shape_cast %reduce_max3A_98 : vector<64xf32> to vector<1x64xf32>
    %stack3A_225 = vector.shape_cast %reduce_max3A_108 : vector<64xf32> to vector<1x64xf32>
    %stack3A_226 = vector.shape_cast %reduce_max3A_118 : vector<64xf32> to vector<1x64xf32>
    %stack3A_227 = vector.shape_cast %reduce_max3A_128 : vector<64xf32> to vector<1x64xf32>
    %stack3A_228 = vector.shape_cast %reduce_max3A_138 : vector<64xf32> to vector<1x64xf32>
    %stack3A_229 = vector.shape_cast %reduce_max3A_148 : vector<64xf32> to vector<1x64xf32>
    %stack3A_230 = vector.shape_cast %reduce_max3A_158 : vector<64xf32> to vector<1x64xf32>
    %stack3A_231 = vector.shape_cast %reduce_max3A_168 : vector<64xf32> to vector<1x64xf32>
    %stack3A_232 = vector.shape_cast %reduce_max3A_178 : vector<64xf32> to vector<1x64xf32>
    %stack3A_233 = vector.shape_cast %reduce_max3A_188 : vector<64xf32> to vector<1x64xf32>
    %stack3A_234 = vector.shape_cast %reduce_max3A_198 : vector<64xf32> to vector<1x64xf32>
    %stack3A_235 = vector.shape_cast %reduce_max3A_208 : vector<64xf32> to vector<1x64xf32>
    %stack3A_236 = vector.shape_cast %reduce_max3A_218 : vector<64xf32> to vector<1x64xf32>
    %stack3A_237 = tpu.concatenate %stack3A, %stack3A_222, %stack3A_223, %stack3A_224, %stack3A_225, %stack3A_226, %stack3A_227, %stack3A_228, %stack3A_229, %stack3A_230, %stack3A_231, %stack3A_232, %stack3A_233, %stack3A_234, %stack3A_235, %stack3A_236 in 0 : vector<1x64xf32>, vector<1x64xf32>, vector<1x64xf32>, vector<1x64xf32>, vector<1x64xf32>, vector<1x64xf32>, vector<1x64xf32>, vector<1x64xf32>, vector<1x64xf32>, vector<1x64xf32>, vector<1x64xf32>, vector<1x64xf32>, vector<1x64xf32>, vector<1x64xf32>, vector<1x64xf32>, vector<1x64xf32> -> vector<16x64xf32>
    %max3A_238 = arith.maximumf %get3A_221, %stack3A_237 : vector<16x64xf32>
    %swap3A_239 = arith.constant 0 : index
    %swap3A_240 = arith.constant 0 : index
    %swap3A_241 = vector.load %arg9[%swap3A_239, %swap3A_240] : memref<16x64xf32, #tpu.memory_space<vmem>>, vector<16x64xf32>
    tpu.vector_store %arg9[%swap3A_239, %swap3A_240], %max3A_238 {strides = array<i32>} : memref<16x64xf32, #tpu.memory_space<vmem>>, vector<16x64xf32>,
    return
  }
  func.func @transform_0(%arg0: i32) -> (i32, i32) {
    %c0_i32 = arith.constant 0 : i32
    %c0_i32_0 = arith.constant 0 : i32
    return %arg0, %c0_i32 : i32, i32
  }
  func.func @transform_1(%arg0: i32) -> (i32, i32, i32) {
    %c0_i32 = arith.constant 0 : i32
    %c0_i32_0 = arith.constant 0 : i32
    %c0_i32_1 = arith.constant 0 : i32
    return %c0_i32, %arg0, %c0_i32_0 : i32, i32, i32
  }
  func.func @transform_2(%arg0: i32) -> (i32, i32, i32) {
    %c0_i32 = arith.constant 0 : i32
    %c0_i32_0 = arith.constant 0 : i32
    %c0_i32_1 = arith.constant 0 : i32
    return %c0_i32, %arg0, %c0_i32_0 : i32, i32, i32
  }
  func.func @transform_3(%arg0: i32) -> (i32, i32) {
    %c0_i32 = arith.constant 0 : i32
    %c0_i32_0 = arith.constant 0 : i32
    %c0_i32_1 = arith.constant 0 : i32
    return %c0_i32, %c0_i32_0 : i32, i32
  }
  func.func @transform_4(%arg0: i32) -> (i32, i32) {
    %c0_i32 = arith.constant 0 : i32
    %c0_i32_0 = arith.constant 0 : i32
    %c0_i32_1 = arith.constant 0 : i32
    return %c0_i32, %c0_i32_0 : i32, i32
  }
  func.func @transform_5(%arg0: i32) -> (i32, i32) {
    %c0_i32 = arith.constant 0 : i32
    %c0_i32_0 = arith.constant 0 : i32
    %c0_i32_1 = arith.constant 0 : i32
    return %c0_i32, %c0_i32_0 : i32, i32
  }
  func.func @transform_6(%arg0: i32) -> (i32, i32) {
    %c0_i32 = arith.constant 0 : i32
    %c0_i32_0 = arith.constant 0 : i32
    return %arg0, %c0_i32 : i32, i32
  }
  func.func @transform_7(%arg0: i32) -> (i32, i32) {
    %c0_i32 = arith.constant 0 : i32
    %c0_i32_0 = arith.constant 0 : i32
    return %arg0, %c0_i32 : i32, i32
  }
  func.func @transform_8(%arg0: i32) -> (i32, i32) {
    %c0_i32 = arith.constant 0 : i32
    %c0_i32_0 = arith.constant 0 : i32
    %c0_i32_1 = arith.constant 0 : i32
    return %c0_i32, %c0_i32_0 : i32, i32
  }
}

module attributes {stable_mosaic.version = 14 : i64} {
  func.func @_head_body(%arg0: i32, %arg1: memref<2048x64xf32, #tpu.memory_space<vmem>>, %arg2: memref<2048x64xf32, #tpu.memory_space<vmem>>, %arg3: memref<2048x8xf32, #tpu.memory_space<vmem>>, %arg4: memref<16x64xf32, #tpu.memory_space<vmem>>, %arg5: memref<192x128xf32, #tpu.memory_space<vmem>>, %arg6: memref<1x128xf32, #tpu.memory_space<vmem>>, %arg7: memref<128x128xf32, #tpu.memory_space<vmem>>, %arg8: memref<1x128xf32, #tpu.memory_space<vmem>>, %arg9: memref<128x128xf32, #tpu.memory_space<vmem>>, %arg10: memref<1x128xf32, #tpu.memory_space<vmem>>, %arg11: memref<128x1xf32, #tpu.memory_space<vmem>>, %arg12: memref<1x1xf32, #tpu.memory_space<vmem>>, %arg13: memref<192x2048xf32, #tpu.memory_space<vmem>>, %arg14: memref<1x2048xf32, #tpu.memory_space<vmem>>, %arg15: memref<1x2048xf32, #tpu.memory_space<vmem>>) attributes {dimension_semantics = [#tpu.dimension_semantics<arbitrary>], iteration_bounds = array<i64: 25>, scalar_prefetch = 0 : i64, scratch_operands = 0 : i64, tpu.core_type = #tpu.core_type<tc>, window_params = [{transform_indices = @transform_0, window_bounds = array<i64: 2048, 64>}, {transform_indices = @transform_1, window_bounds = array<i64: 2048, 64>}, {transform_indices = @transform_2, window_bounds = array<i64: 2048, 8>}, {pipeline_mode = #tpu.pipeline_mode<synchronous>, transform_indices = @transform_3, window_bounds = array<i64: 16, 64>}, {pipeline_mode = #tpu.pipeline_mode<synchronous>, transform_indices = @transform_4, window_bounds = array<i64: 192, 128>}, {pipeline_mode = #tpu.pipeline_mode<synchronous>, transform_indices = @transform_5, window_bounds = array<i64: 1, 128>}, {pipeline_mode = #tpu.pipeline_mode<synchronous>, transform_indices = @transform_6, window_bounds = array<i64: 128, 128>}, {pipeline_mode = #tpu.pipeline_mode<synchronous>, transform_indices = @transform_7, window_bounds = array<i64: 1, 128>}, {pipeline_mode = #tpu.pipeline_mode<synchronous>, transform_indices = @transform_8, window_bounds = array<i64: 128, 128>}, {pipeline_mode = #tpu.pipeline_mode<synchronous>, transform_indices = @transform_9, window_bounds = array<i64: 1, 128>}, {pipeline_mode = #tpu.pipeline_mode<synchronous>, transform_indices = @transform_10, window_bounds = array<i64: 128, 1>}, {pipeline_mode = #tpu.pipeline_mode<synchronous>, transform_indices = @transform_11, window_bounds = array<i64: 1, 1>}, {transform_indices = @transform_12, window_bounds = array<i64: 192, 2048>}, {transform_indices = @transform_13, window_bounds = array<i64: 1, 2048>}, {transform_indices = @transform_14, window_bounds = array<i64: 1, 2048>}]} {
    %get3A = arith.constant 0 : index
    %get3A_0 = arith.constant 0 : index
    %get3A_1 = vector.load %arg1[%get3A, %get3A_0] : memref<2048x64xf32, #tpu.memory_space<vmem>>, vector<2048x64xf32>
    %get3A_2 = arith.constant 0 : index
    %get3A_3 = arith.constant 0 : index
    %get3A_4 = vector.load %arg2[%get3A_2, %get3A_3] : memref<2048x64xf32, #tpu.memory_space<vmem>>, vector<2048x64xf32>
    %get3A_5 = arith.constant 0 : index
    %get3A_6 = arith.constant 0 : index
    %get3A_7 = vector.load %arg3[%get3A_5, %get3A_6] : memref<2048x8xf32, #tpu.memory_space<vmem>>, vector<2048x1xf32>
    %convert_element_type3A = arith.fptosi %get3A_7 : vector<2048x1xf32> to vector<2048x1xi32>
    %iota3A = tpu.iota {dimensions = array<i32: 1>} : vector<2048x16xi32>
    %eq3A = vector.broadcast %convert_element_type3A : vector<2048x1xi32> to vector<2048x16xi32>
    %eq3A_8 = arith.cmpi eq, %eq3A, %iota3A : vector<2048x16xi32>
    %convert_element_type3A_9 = arith.extui %eq3A_8 : vector<2048x16xi1> to vector<2048x16xi32>
    %convert_element_type3A_10 = arith.sitofp %convert_element_type3A_9 : vector<2048x16xi32> to vector<2048x16xf32>
    %get3A_11 = arith.constant 0 : index
    %get3A_12 = arith.constant 0 : index
    %get3A_13 = vector.load %arg4[%get3A_11, %get3A_12] : memref<16x64xf32, #tpu.memory_space<vmem>>, vector<16x64xf32>
    %dot_general3A = arith.constant dense<0.000000e+00> : vector<2048x64xf32>
    %dot_general3A_14 = tpu.matmul %convert_element_type3A_10, %get3A_13, %dot_general3A {dimension_numbers = #tpu.dot_dimension_numbers<[1], [0], [0], [1], [0, 0, 1, 1], [], []>, transpose_lhs_hint = false} : vector<2048x16xf32>, vector<16x64xf32>, vector<2048x64xf32> -> vector<2048x64xf32>
    %transpose3A = tpu.transpose %get3A_1, [1, 0] : vector<2048x64xf32> -> vector<64x2048xf32>
    %swap3A = arith.constant 0 : index
    %swap3A_15 = arith.constant 0 : index
    %swap3A_16 = vector.load %arg13[%swap3A, %swap3A_15] : memref<192x2048xf32, #tpu.memory_space<vmem>>, vector<64x2048xf32>
    tpu.vector_store %arg13[%swap3A, %swap3A_15], %transpose3A {strides = array<i32>} : memref<192x2048xf32, #tpu.memory_space<vmem>>, vector<64x2048xf32>,
    %transpose3A_17 = tpu.transpose %get3A_4, [1, 0] : vector<2048x64xf32> -> vector<64x2048xf32>
    %swap3A_18 = arith.constant 64 : index
    %swap3A_19 = arith.constant 0 : index
    %swap3A_20 = vector.load %arg13[%swap3A_18, %swap3A_19] : memref<192x2048xf32, #tpu.memory_space<vmem>>, vector<64x2048xf32>
    tpu.vector_store %arg13[%swap3A_18, %swap3A_19], %transpose3A_17 {strides = array<i32>} : memref<192x2048xf32, #tpu.memory_space<vmem>>, vector<64x2048xf32>,
    %transpose3A_21 = tpu.transpose %dot_general3A_14, [1, 0] : vector<2048x64xf32> -> vector<64x2048xf32>
    %swap3A_22 = arith.constant 128 : index
    %swap3A_23 = arith.constant 0 : index
    %swap3A_24 = vector.load %arg13[%swap3A_22, %swap3A_23] : memref<192x2048xf32, #tpu.memory_space<vmem>>, vector<64x2048xf32>
    tpu.vector_store %arg13[%swap3A_22, %swap3A_23], %transpose3A_21 {strides = array<i32>} : memref<192x2048xf32, #tpu.memory_space<vmem>>, vector<64x2048xf32>,
    %get3A_25 = arith.constant 0 : index
    %get3A_26 = arith.constant 0 : index
    %get3A_27 = vector.load %arg5[%get3A_25, %get3A_26] : memref<192x128xf32, #tpu.memory_space<vmem>>, vector<192x128xf32>
    %convert_element_type3A_28 = arith.truncf %get3A_27 : vector<192x128xf32> to vector<192x128xbf16>
    %slice3A = vector.extract_strided_slice %convert_element_type3A_28 {offsets = [0, 0], sizes = [64, 128], strides = [1, 1]} : vector<192x128xbf16> to vector<64x128xbf16>
    %slice3A_29 = vector.extract_strided_slice %convert_element_type3A_28 {offsets = [64, 0], sizes = [64, 128], strides = [1, 1]} : vector<192x128xbf16> to vector<64x128xbf16>
    %slice3A_30 = vector.extract_strided_slice %convert_element_type3A_28 {offsets = [128, 0], sizes = [64, 128], strides = [1, 1]} : vector<192x128xbf16> to vector<64x128xbf16>
    %convert_element_type3A_31 = arith.truncf %get3A_1 : vector<2048x64xf32> to vector<2048x64xbf16>
    %convert_element_type3A_32 = arith.truncf %get3A_4 : vector<2048x64xf32> to vector<2048x64xbf16>
    %convert_element_type3A_33 = arith.truncf %dot_general3A_14 : vector<2048x64xf32> to vector<2048x64xbf16>
    %dot_general3A_34 = arith.constant dense<0.000000e+00> : vector<2048x128xf32>
    %dot_general3A_35 = tpu.matmul %convert_element_type3A_33, %slice3A_30, %dot_general3A_34 {dimension_numbers = #tpu.dot_dimension_numbers<[1], [0], [0], [1], [0, 0, 1, 1], [], []>, transpose_lhs_hint = false} : vector<2048x64xbf16>, vector<64x128xbf16>, vector<2048x128xf32> -> vector<2048x128xf32>
    %get3A_36 = arith.constant 0 : index
    %get3A_37 = arith.constant 0 : index
    %get3A_38 = vector.load %arg6[%get3A_36, %get3A_37] : memref<1x128xf32, #tpu.memory_space<vmem>>, vector<1x128xf32>
    %add3A = vector.broadcast %get3A_38 : vector<1x128xf32> to vector<2048x128xf32>
    %add3A_39 = arith.addf %dot_general3A_35, %add3A : vector<2048x128xf32>
    %dot_general3A_40 = arith.constant dense<0.000000e+00> : vector<2048x128xf32>
    %dot_general3A_41 = tpu.matmul %convert_element_type3A_31, %slice3A, %dot_general3A_40 {dimension_numbers = #tpu.dot_dimension_numbers<[1], [0], [0], [1], [0, 0, 1, 1], [], []>, transpose_lhs_hint = false} : vector<2048x64xbf16>, vector<64x128xbf16>, vector<2048x128xf32> -> vector<2048x128xf32>
    %dot_general3A_42 = arith.constant dense<0.000000e+00> : vector<2048x128xf32>
    %dot_general3A_43 = tpu.matmul %convert_element_type3A_31, %slice3A_29, %dot_general3A_42 {dimension_numbers = #tpu.dot_dimension_numbers<[1], [0], [0], [1], [0, 0, 1, 1], [], []>, transpose_lhs_hint = false} : vector<2048x64xbf16>, vector<64x128xbf16>, vector<2048x128xf32> -> vector<2048x128xf32>
    %dot_general3A_44 = arith.constant dense<0.000000e+00> : vector<2048x128xf32>
    %dot_general3A_45 = tpu.matmul %convert_element_type3A_32, %slice3A, %dot_general3A_44 {dimension_numbers = #tpu.dot_dimension_numbers<[1], [0], [0], [1], [0, 0, 1, 1], [], []>, transpose_lhs_hint = false} : vector<2048x64xbf16>, vector<64x128xbf16>, vector<2048x128xf32> -> vector<2048x128xf32>
    %dot_general3A_46 = arith.constant dense<0.000000e+00> : vector<2048x128xf32>
    %dot_general3A_47 = tpu.matmul %convert_element_type3A_32, %slice3A_29, %dot_general3A_46 {dimension_numbers = #tpu.dot_dimension_numbers<[1], [0], [0], [1], [0, 0, 1, 1], [], []>, transpose_lhs_hint = false} : vector<2048x64xbf16>, vector<64x128xbf16>, vector<2048x128xf32> -> vector<2048x128xf32>
    %add3A_48 = arith.addf %dot_general3A_41, %dot_general3A_47 : vector<2048x128xf32>
    %add3A_49 = arith.addf %add3A_48, %add3A_39 : vector<2048x128xf32>
    %max3A = arith.constant 0.000000e+00 : f32
    %max3A_50 = vector.broadcast %max3A : f32 to vector<2048x128xf32>
    %max3A_51 = arith.maximumf %add3A_49, %max3A_50 : vector<2048x128xf32>
    %add3A_52 = arith.addf %dot_general3A_45, %dot_general3A_43 : vector<2048x128xf32>
    %add3A_53 = arith.addf %add3A_52, %add3A_39 : vector<2048x128xf32>
    %max3A_54 = arith.constant 0.000000e+00 : f32
    %max3A_55 = vector.broadcast %max3A_54 : f32 to vector<2048x128xf32>
    %max3A_56 = arith.maximumf %add3A_53, %max3A_55 : vector<2048x128xf32>
    %get3A_57 = arith.constant 0 : index
    %get3A_58 = arith.constant 0 : index
    %get3A_59 = vector.load %arg7[%get3A_57, %get3A_58] : memref<128x128xf32, #tpu.memory_space<vmem>>, vector<128x128xf32>
    %convert_element_type3A_60 = arith.truncf %get3A_59 : vector<128x128xf32> to vector<128x128xbf16>
    %get3A_61 = arith.constant 0 : index
    %get3A_62 = arith.constant 0 : index
    %get3A_63 = vector.load %arg9[%get3A_61, %get3A_62] : memref<128x128xf32, #tpu.memory_space<vmem>>, vector<128x128xf32>
    %convert_element_type3A_64 = arith.truncf %get3A_63 : vector<128x128xf32> to vector<128x128xbf16>
    %get3A_65 = arith.constant 0 : index
    %get3A_66 = arith.constant 0 : index
    %get3A_67 = vector.load %arg11[%get3A_65, %get3A_66] : memref<128x1xf32, #tpu.memory_space<vmem>>, vector<128x1xf32>
    %convert_element_type3A_68 = arith.truncf %get3A_67 : vector<128x1xf32> to vector<128x1xbf16>
    %convert_element_type3A_69 = arith.truncf %max3A_51 : vector<2048x128xf32> to vector<2048x128xbf16>
    %dot_general3A_70 = arith.constant dense<0.000000e+00> : vector<2048x128xf32>
    %dot_general3A_71 = tpu.matmul %convert_element_type3A_69, %convert_element_type3A_60, %dot_general3A_70 {dimension_numbers = #tpu.dot_dimension_numbers<[1], [0], [0], [1], [0, 0, 1, 1], [], []>, transpose_lhs_hint = false} : vector<2048x128xbf16>, vector<128x128xbf16>, vector<2048x128xf32> -> vector<2048x128xf32>
    %get3A_72 = arith.constant 0 : index
    %get3A_73 = arith.constant 0 : index
    %get3A_74 = vector.load %arg8[%get3A_72, %get3A_73] : memref<1x128xf32, #tpu.memory_space<vmem>>, vector<1x128xf32>
    %add3A_75 = vector.broadcast %get3A_74 : vector<1x128xf32> to vector<2048x128xf32>
    %add3A_76 = arith.addf %dot_general3A_71, %add3A_75 : vector<2048x128xf32>
    %max3A_77 = arith.constant 0.000000e+00 : f32
    %max3A_78 = vector.broadcast %max3A_77 : f32 to vector<2048x128xf32>
    %max3A_79 = arith.maximumf %add3A_76, %max3A_78 : vector<2048x128xf32>
    %convert_element_type3A_80 = arith.truncf %max3A_79 : vector<2048x128xf32> to vector<2048x128xbf16>
    %dot_general3A_81 = arith.constant dense<0.000000e+00> : vector<2048x128xf32>
    %dot_general3A_82 = tpu.matmul %convert_element_type3A_80, %convert_element_type3A_64, %dot_general3A_81 {dimension_numbers = #tpu.dot_dimension_numbers<[1], [0], [0], [1], [0, 0, 1, 1], [], []>, transpose_lhs_hint = false} : vector<2048x128xbf16>, vector<128x128xbf16>, vector<2048x128xf32> -> vector<2048x128xf32>
    %get3A_83 = arith.constant 0 : index
    %get3A_84 = arith.constant 0 : index
    %get3A_85 = vector.load %arg10[%get3A_83, %get3A_84] : memref<1x128xf32, #tpu.memory_space<vmem>>, vector<1x128xf32>
    %add3A_86 = vector.broadcast %get3A_85 : vector<1x128xf32> to vector<2048x128xf32>
    %add3A_87 = arith.addf %dot_general3A_82, %add3A_86 : vector<2048x128xf32>
    %max3A_88 = arith.constant 0.000000e+00 : f32
    %max3A_89 = vector.broadcast %max3A_88 : f32 to vector<2048x128xf32>
    %max3A_90 = arith.maximumf %add3A_87, %max3A_89 : vector<2048x128xf32>
    %convert_element_type3A_91 = arith.truncf %max3A_90 : vector<2048x128xf32> to vector<2048x128xbf16>
    %dot_general3A_92 = arith.constant dense<0.000000e+00> : vector<2048x1xf32>
    %dot_general3A_93 = tpu.matmul %convert_element_type3A_91, %convert_element_type3A_68, %dot_general3A_92 {dimension_numbers = #tpu.dot_dimension_numbers<[1], [0], [0], [1], [0, 0, 1, 1], [], []>, transpose_lhs_hint = false} : vector<2048x128xbf16>, vector<128x1xbf16>, vector<2048x1xf32> -> vector<2048x1xf32>
    %get3A_94 = arith.constant 0 : index
    %get3A_95 = arith.constant 0 : index
    %get3A_96 = vector.load %arg12[%get3A_94, %get3A_95] : memref<1x1xf32, #tpu.memory_space<vmem>>, vector<1x1xf32>
    %add3A_97 = vector.broadcast %get3A_96 : vector<1x1xf32> to vector<2048x1xf32>
    %add3A_98 = arith.addf %dot_general3A_93, %add3A_97 : vector<2048x1xf32>
    %transpose3A_99 = tpu.transpose %add3A_98, [1, 0] : vector<2048x1xf32> -> vector<1x2048xf32>
    %swap3A_100 = arith.constant 0 : index
    %swap3A_101 = arith.constant 0 : index
    %swap3A_102 = vector.load %arg14[%swap3A_100, %swap3A_101] : memref<1x2048xf32, #tpu.memory_space<vmem>>, vector<1x2048xf32>
    tpu.vector_store %arg14[%swap3A_100, %swap3A_101], %transpose3A_99 {strides = array<i32>} : memref<1x2048xf32, #tpu.memory_space<vmem>>, vector<1x2048xf32>,
    %convert_element_type3A_103 = arith.truncf %max3A_56 : vector<2048x128xf32> to vector<2048x128xbf16>
    %dot_general3A_104 = arith.constant dense<0.000000e+00> : vector<2048x128xf32>
    %dot_general3A_105 = tpu.matmul %convert_element_type3A_103, %convert_element_type3A_60, %dot_general3A_104 {dimension_numbers = #tpu.dot_dimension_numbers<[1], [0], [0], [1], [0, 0, 1, 1], [], []>, transpose_lhs_hint = false} : vector<2048x128xbf16>, vector<128x128xbf16>, vector<2048x128xf32> -> vector<2048x128xf32>
    %get3A_106 = arith.constant 0 : index
    %get3A_107 = arith.constant 0 : index
    %get3A_108 = vector.load %arg8[%get3A_106, %get3A_107] : memref<1x128xf32, #tpu.memory_space<vmem>>, vector<1x128xf32>
    %add3A_109 = vector.broadcast %get3A_108 : vector<1x128xf32> to vector<2048x128xf32>
    %add3A_110 = arith.addf %dot_general3A_105, %add3A_109 : vector<2048x128xf32>
    %max3A_111 = arith.constant 0.000000e+00 : f32
    %max3A_112 = vector.broadcast %max3A_111 : f32 to vector<2048x128xf32>
    %max3A_113 = arith.maximumf %add3A_110, %max3A_112 : vector<2048x128xf32>
    %convert_element_type3A_114 = arith.truncf %max3A_113 : vector<2048x128xf32> to vector<2048x128xbf16>
    %dot_general3A_115 = arith.constant dense<0.000000e+00> : vector<2048x128xf32>
    %dot_general3A_116 = tpu.matmul %convert_element_type3A_114, %convert_element_type3A_64, %dot_general3A_115 {dimension_numbers = #tpu.dot_dimension_numbers<[1], [0], [0], [1], [0, 0, 1, 1], [], []>, transpose_lhs_hint = false} : vector<2048x128xbf16>, vector<128x128xbf16>, vector<2048x128xf32> -> vector<2048x128xf32>
    %get3A_117 = arith.constant 0 : index
    %get3A_118 = arith.constant 0 : index
    %get3A_119 = vector.load %arg10[%get3A_117, %get3A_118] : memref<1x128xf32, #tpu.memory_space<vmem>>, vector<1x128xf32>
    %add3A_120 = vector.broadcast %get3A_119 : vector<1x128xf32> to vector<2048x128xf32>
    %add3A_121 = arith.addf %dot_general3A_116, %add3A_120 : vector<2048x128xf32>
    %max3A_122 = arith.constant 0.000000e+00 : f32
    %max3A_123 = vector.broadcast %max3A_122 : f32 to vector<2048x128xf32>
    %max3A_124 = arith.maximumf %add3A_121, %max3A_123 : vector<2048x128xf32>
    %convert_element_type3A_125 = arith.truncf %max3A_124 : vector<2048x128xf32> to vector<2048x128xbf16>
    %dot_general3A_126 = arith.constant dense<0.000000e+00> : vector<2048x1xf32>
    %dot_general3A_127 = tpu.matmul %convert_element_type3A_125, %convert_element_type3A_68, %dot_general3A_126 {dimension_numbers = #tpu.dot_dimension_numbers<[1], [0], [0], [1], [0, 0, 1, 1], [], []>, transpose_lhs_hint = false} : vector<2048x128xbf16>, vector<128x1xbf16>, vector<2048x1xf32> -> vector<2048x1xf32>
    %get3A_128 = arith.constant 0 : index
    %get3A_129 = arith.constant 0 : index
    %get3A_130 = vector.load %arg12[%get3A_128, %get3A_129] : memref<1x1xf32, #tpu.memory_space<vmem>>, vector<1x1xf32>
    %add3A_131 = vector.broadcast %get3A_130 : vector<1x1xf32> to vector<2048x1xf32>
    %add3A_132 = arith.addf %dot_general3A_127, %add3A_131 : vector<2048x1xf32>
    %transpose3A_133 = tpu.transpose %add3A_132, [1, 0] : vector<2048x1xf32> -> vector<1x2048xf32>
    %swap3A_134 = arith.constant 0 : index
    %swap3A_135 = arith.constant 0 : index
    %swap3A_136 = vector.load %arg15[%swap3A_134, %swap3A_135] : memref<1x2048xf32, #tpu.memory_space<vmem>>, vector<1x2048xf32>
    tpu.vector_store %arg15[%swap3A_134, %swap3A_135], %transpose3A_133 {strides = array<i32>} : memref<1x2048xf32, #tpu.memory_space<vmem>>, vector<1x2048xf32>,
    return
  }
  func.func @transform_0(%arg0: i32) -> (i32, i32) {
    %c0_i32 = arith.constant 0 : i32
    %c0_i32_0 = arith.constant 0 : i32
    return %arg0, %c0_i32 : i32, i32
  }
  func.func @transform_1(%arg0: i32) -> (i32, i32) {
    %c0_i32 = arith.constant 0 : i32
    %c0_i32_0 = arith.constant 0 : i32
    return %arg0, %c0_i32 : i32, i32
  }
  func.func @transform_2(%arg0: i32) -> (i32, i32) {
    %c0_i32 = arith.constant 0 : i32
    %c0_i32_0 = arith.constant 0 : i32
    return %arg0, %c0_i32 : i32, i32
  }
  func.func @transform_3(%arg0: i32) -> (i32, i32) {
    %c0_i32 = arith.constant 0 : i32
    %c0_i32_0 = arith.constant 0 : i32
    %c0_i32_1 = arith.constant 0 : i32
    return %c0_i32, %c0_i32_0 : i32, i32
  }
  func.func @transform_4(%arg0: i32) -> (i32, i32) {
    %c0_i32 = arith.constant 0 : i32
    %c0_i32_0 = arith.constant 0 : i32
    %c0_i32_1 = arith.constant 0 : i32
    return %c0_i32, %c0_i32_0 : i32, i32
  }
  func.func @transform_5(%arg0: i32) -> (i32, i32) {
    %c0_i32 = arith.constant 0 : i32
    %c0_i32_0 = arith.constant 0 : i32
    %c0_i32_1 = arith.constant 0 : i32
    return %c0_i32, %c0_i32_0 : i32, i32
  }
  func.func @transform_6(%arg0: i32) -> (i32, i32) {
    %c0_i32 = arith.constant 0 : i32
    %c0_i32_0 = arith.constant 0 : i32
    %c0_i32_1 = arith.constant 0 : i32
    return %c0_i32, %c0_i32_0 : i32, i32
  }
  func.func @transform_7(%arg0: i32) -> (i32, i32) {
    %c0_i32 = arith.constant 0 : i32
    %c0_i32_0 = arith.constant 0 : i32
    %c0_i32_1 = arith.constant 0 : i32
    return %c0_i32, %c0_i32_0 : i32, i32
  }
  func.func @transform_8(%arg0: i32) -> (i32, i32) {
    %c0_i32 = arith.constant 0 : i32
    %c0_i32_0 = arith.constant 0 : i32
    %c0_i32_1 = arith.constant 0 : i32
    return %c0_i32, %c0_i32_0 : i32, i32
  }
  func.func @transform_9(%arg0: i32) -> (i32, i32) {
    %c0_i32 = arith.constant 0 : i32
    %c0_i32_0 = arith.constant 0 : i32
    %c0_i32_1 = arith.constant 0 : i32
    return %c0_i32, %c0_i32_0 : i32, i32
  }
  func.func @transform_10(%arg0: i32) -> (i32, i32) {
    %c0_i32 = arith.constant 0 : i32
    %c0_i32_0 = arith.constant 0 : i32
    %c0_i32_1 = arith.constant 0 : i32
    return %c0_i32, %c0_i32_0 : i32, i32
  }
  func.func @transform_11(%arg0: i32) -> (i32, i32) {
    %c0_i32 = arith.constant 0 : i32
    %c0_i32_0 = arith.constant 0 : i32
    %c0_i32_1 = arith.constant 0 : i32
    return %c0_i32, %c0_i32_0 : i32, i32
  }
  func.func @transform_12(%arg0: i32) -> (i32, i32) {
    %c0_i32 = arith.constant 0 : i32
    %c0_i32_0 = arith.constant 0 : i32
    return %c0_i32, %arg0 : i32, i32
  }
  func.func @transform_13(%arg0: i32) -> (i32, i32) {
    %c0_i32 = arith.constant 0 : i32
    %c0_i32_0 = arith.constant 0 : i32
    return %c0_i32, %arg0 : i32, i32
  }
  func.func @transform_14(%arg0: i32) -> (i32, i32) {
    %c0_i32 = arith.constant 0 : i32
    %c0_i32_0 = arith.constant 0 : i32
    return %c0_i32, %arg0 : i32, i32
  }
}

</mosaic_0001>

<sc_bundles>
// kernel: kernel.12.cloned.1.call-start
scs
__scs_entry_jumppad:
0x0: {  	(pc) =	sbr.rel $0x88, $3  }
0x1: {  	(tag) =	ssettag $0x0;
	lr =	simm.s32 $0x1  }
0x2: {  	[smem:$0x3F85] =	sst lr;
	_ =	strace $0xD0000000  }
0x3: {  	_ = 	snop  }
0x4: {  	_ = 	snop  }
0x5: {  	_ = 	snop  }
0x6: {  	_ = 	snop  }
0x7: {  	_ = 	snop  }
__scs_overlays_trampoline_lowered:
0x8: {  	[smem:$0x3F94] =	sst s0  }
0x9: {  	[smem:$0x3F95] =	sst s1  }
0xa: {  	[smem:$0x3F96] =	sst s2  }
0xb: {  	[smem:$0x3F97] =	sst s3  }
0xc: {  	[smem:$0x3F98] =	sst s4  }
0xd: {  	[smem:$0x3F99] =	sst s5  }
0xe: {  	[smem:$0x3F9A] =	sst s6  }
0xf: {  	[smem:$0x3F9B] =	sst s7  }
0x10: {  	[smem:$0x3F9C] =	sst s8  }
0x11: {  	[smem:$0x3F9D] =	sst s9;
	s0 =	simm.s32 @!p0 $0x0  }
0x12: {  	s1 =	sld [smem:$0x3F83];
	s0 =	simm.s32 @p0 $0x1  }
0x13: {  	[smem:$0x3F9E] =	sst s0;
	s0 =	simm.s32 @!p1 $0x0  }
0x14: {  	s2 =	sld [smem:$0x3F82];
	s0 =	simm.s32 @p1 $0x1  }
0x15: {  	[smem:$0x3F9F] =	sst s0;
	s0 =	simm.s32 @!p2 $0x0  }
0x16: {  	s3 =	sld [smem:$0x3FDB];
	s0 =	simm.s32 @p2 $0x1  }
0x17: {  	s4 =	simm.s32 $0x1BF5;
	[smem:$0x3FA1] =	sst s0  }
0x18: {  	s0 =	sld [smem:$0x3F84];
	_ =	swait.ge [sflag:s4], $0x0  }
0x19: {  	s7 =	sld [smem:$0x3F85]  }
0x1a: {  	s8 =	sadd.s32 $0xFFFFE003, lr  }
0x1b: {  	s9 =	sadd.s32 $0xFFFFFEF7, lr;
	s5 =	simm.s32 $0xFFFFFFFF;
	p2 =	slt.u32 s8, $0xFFFFF086  }
0x1c: {  	p1 =	slt.u32 s9, $0xF7A;
	s5 =	simm.s32 @!p2 $0x0  }
0x1d: {  	s5 =	simm.s32 @p1 $0x1;
	p0 =	seq.s32 s7, s2  }
0x1e: {  	s7 =	smul.u32 @!p0 $0xF7A, s2;
	p2 =	seq.s32 @!p0 s5, $0x0  }
0x1f: {  	s9 =	smul.u32 $0xF7A, s1;
	s8 =	simm.s32 @!p0 $0x1BF5;
	p2 =	por !p2, p0  }
0x20: {  	[sflag:s8] =	ssyncset.s32 @!p0 $0xFFFFF086;
	s6 =	sadd.s32 @!p0 s3, s7;
	s7 =	simm.s32 @!p0 $0x108  }
0x21: {  	s3 =	sadd.s32 s3, s9;
	s6 =	sadd.s32 @!p0 $0x88, s6;
	s7 =	simm.s32 @p2 $0x1082  }
0x22: {  	[simem:s7], [sflag:s8] =	dma.local @!p0 [hbm:s6], $0xF7A  }
0x23: {  	s9 =	sor.u32 $0xD0000000, s2;
	s6 =	simm.s32 $0x108;
	_ =	swait.ge @!p0 [sflag:s8], $0x0  }
0x24: {  	s3 =	sadd.s32 $0x88, s3;
	s6 =	simm.s32 @!p1 $0x1082;
	[sflag:s4] =	ssyncset.s32 $0xFFFFF086  }
0x25: {  	[simem:s6], [sflag:s4] =	dma.local [hbm:s3], $0xF7A  }
0x26: {  	[smem:$0x3F85] =	sst s1;
	(tag) =	ssettag s2;
	_ =	strace s9  }
0x27: {  	s1 =	sld [smem:$0x3F95]  }
0x28: {  	s2 =	sld [smem:$0x3F96]  }
0x29: {  	s4 =	sld [smem:$0x3F98]  }
0x2a: {  	p0 =	seq.s32 s5, $0x0;
	s5 =	sld [smem:$0x3F99]  }
0x2b: {  	s6 =	sld [smem:$0x3F9A]  }
0x2c: {  	s7 =	sld [smem:$0x3F9B]  }
0x2d: {  	s3 =	simm.s32 $0x108;
	s8 =	sld [smem:$0x3F9C]  }
0x2e: {  	s3 =	simm.s32 @!p0 $0x1082;
	s9 =	sld [smem:$0x3F9D]  }
0x2f: {  	lr =	sadd.s32 s0, s3;
	s0 =	sld [smem:$0x3F94]  }
0x30: {  	s3 =	sld [smem:$0x3F97]  }
0x31: {  	[smem:$0x3FA0] =	sst s10  }
0x32: {  	s10 =	sld [smem:$0x3F9E];
	_ =	sdelay $0x3  }
0x33: {  	p0 =	seq.s32 s10, $0x1;
	s10 =	sld [smem:$0x3FA0];
	_ =	sdelay $0x3  }
0x34: {  	[smem:$0x3FA0] =	sst s10  }
0x35: {  	s10 =	sld [smem:$0x3F9F];
	_ =	sdelay $0x3  }
0x36: {  	p1 =	seq.s32 s10, $0x1;
	s10 =	sld [smem:$0x3FA0];
	_ =	sdelay $0x3  }
0x37: {  	[smem:$0x3FA0] =	sst s10  }
0x38: {  	s10 =	sld [smem:$0x3FA1]  }
0x39: {  	_ = 	snop;
	(pc) =	sbr.ind lr, $3  }
0x3a: {  	_ = 	snop  }
0x3b: {  	_ = 	snop  }
0x3c: {  	p2 =	seq.s32 s10, $0x1;
	s10 =	sld [smem:$0x3FA0]  }
0x3d: {  	_ =	shalt  }
0x3e: {  	_ =	shalt  }
0x3f: {  	_ =	shalt  }
0x40: {  	_ =	shalt  }
0x41: {  	_ =	shalt  }
0x42: {  	_ =	shalt  }
0x43: {  	_ =	shalt  }
0x44: {  	_ =	shalt  }
0x45: {  	_ =	shalt  }
0x46: {  	_ =	shalt  }
0x47: {  	_ =	shalt  }
0x48: {  	_ =	shalt  }
0x49: {  	_ =	shalt  }
0x4a: {  	_ =	shalt  }
0x4b: {  	_ =	shalt  }
0x4c: {  	_ =	shalt  }
0x4d: {  	_ =	shalt  }
0x4e: {  	_ =	shalt  }
0x4f: {  	_ =	shalt  }
0x50: {  	_ =	shalt  }
0x51: {  	_ =	shalt  }
0x52: {  	_ =	shalt  }
0x53: {  	_ =	shalt  }
0x54: {  	_ =	shalt  }
0x55: {  	_ =	shalt  }
0x56: {  	_ =	shalt  }
0x57: {  	_ =	shalt  }
0x58: {  	_ =	shalt  }
0x59: {  	_ =	shalt  }
0x5a: {  	_ =	shalt  }
0x5b: {  	_ =	shalt  }
0x5c: {  	_ =	shalt  }
0x5d: {  	_ =	shalt  }
0x5e: {  	_ =	shalt  }
0x5f: {  	_ =	shalt  }
0x60: {  	_ =	shalt  }
0x61: {  	_ =	shalt  }
0x62: {  	_ =	shalt  }
0x63: {  	_ =	shalt  }
0x64: {  	_ =	shalt  }
0x65: {  	_ =	shalt  }
0x66: {  	_ =	shalt  }
0x67: {  	_ =	shalt  }
0x68: {  	_ =	shalt  }
0x69: {  	_ =	shalt  }
0x6a: {  	_ =	shalt  }
0x6b: {  	_ =	shalt  }
0x6c: {  	_ =	shalt  }
0x6d: {  	_ =	shalt  }
0x6e: {  	_ =	shalt  }
0x6f: {  	_ =	shalt  }
0x70: {  	_ =	shalt  }
0x71: {  	_ =	shalt  }
0x72: {  	_ =	shalt  }
0x73: {  	_ =	shalt  }
0x74: {  	_ =	shalt  }
0x75: {  	_ =	shalt  }
0x76: {  	_ =	shalt  }
0x77: {  	_ =	shalt  }
0x78: {  	_ =	shalt  }
0x79: {  	_ =	shalt  }
0x7a: {  	_ =	shalt  }
0x7b: {  	_ =	shalt  }
0x7c: {  	_ =	shalt  }
0x7d: {  	_ =	shalt  }
0x7e: {  	_ =	shalt  }
0x7f: {  	_ =	shalt  }
0x80: {  	_ =	shalt  }
0x81: {  	_ =	shalt  }
0x82: {  	_ =	shalt  }
0x83: {  	_ =	shalt  }
0x84: {  	_ =	shalt  }
0x85: {  	_ =	shalt  }
0x86: {  	_ =	shalt  }
0x87: {  	_ =	shalt  }
.Lfunc_end0:
.L_simem_size_0:
called_computation_lowered:
.L_overlay_start_0:
0x88: {  	s2 =	sld [smem:$0x3FD9]  }
0x89: {  	s3 =	sld [smem:$0x3FFE];
	_ =	sdelay $0x1  }
0x8a: {  	s1 =	srdreg.scid  }
0x8b: {  	s0 =	sand.u32 $0x1, s1  }
0x8c: {  	s15 =	sshll.u32 s0, $0xA;
	s2 =	sadd.s32 s3, s2  }
0x8d: {  	s2 =	sadd.s32 s2, s15  }
0x8e: {  	[smem:$0x3FAC] =	sst s2  }
0x8f: {  	_ = 	snop  }
0x90: {  	s2 =	sld [smem:$0x3FD0];
	_ =	sdelay $0x2  }
0x91: {  	s16 =	simm.s32 $0xB;
	s4 =	simm.s32 $0x10  }
0x92: {  	[smem:s4], [sflag:s16] =	dma.local [hbm:s2], $0x1  }
0x93: {  	_ =	swait.eq [sflag:s16], $0x1  }
0x94: {  	[sflag:s16] =	ssyncset.done $0x0  }
0x95: {  	[sflag:s16] =	ssyncadd.s32 $0xFFFFFFFF  }
0x96: {  	s17 =	sld [smem:$0x12];
	(tm) =	ssettm $0x1  }
0x97: {  	s18 =	sld [smem:$0x3FFB];
	_ =	sdelay $0x3  }
0x98: {  	_ =	strace s18  }
0x99: {  	s2 =	sld [smem:$0x3FFC];
	_ =	sdelay $0x3  }
0x9a: {  	_ =	strace s2  }
0x9b: {  	s2 =	sld [smem:$0x3FFD];
	_ =	sdelay $0x3  }
0x9c: {  	_ =	strace s2  }
0x9d: {  	_ =	strace $0x8FFFFFFF  }
0x9e: {  	s19 =	sld [smem:$0x3FDB];
	_ =	sdelay $0x1  }
0x9f: {  	s20 =	simm.s32 $_scs_section_size  }
0xa0: {  	s5 =	simm.s32 $_size__tile_overlayer_lowered;
	s6 =	simm.s32 $_tile_overlayer_lowered  }
0xa1: {  	s7 =	simm.s32 $0x1BFF;
	s21 =	sshll.u32 s6, $0x1;
	s4 =	sadd.s32 s20, s19  }
0xa2: {  	s22 =	simm.s32 $0x0;
	s5 =	sshll.u32 s5, $0x1;
	s6 =	sadd.s32 s21, s4  }
0xa3: {  	[timem:s22], [sflag:s7] =	dma.local [hbm:s6], s5  }
0xa4: {  	_ =	swait.ge [sflag:s7], s5  }
0xa5: {  	s5 =	ssub.s32 $0x0, s5;
	[sflag:s7] =	ssyncset.done $0x0  }
0xa6: {  	[sflag:s7] =	ssyncadd.s32 s5;
	_ =	sdelay $0x1  }
0xa7: {  	s23 =	simm.s32 $0x1B8B  }
0xa8: {  	_ =	swait.ge [sflag:s23], $0x1  }
0xa9: {  	[sflag:s23] =	ssyncset.done $0x0  }
0xaa: {  	[sflag:s23] =	ssyncadd.s32 $0xFFFFFFFF  }
0xab: {  	s5 =	sld [smem:$0x0]  }
0xac: {  	s6 =	sand.u32 $0xFFFFFFFE, s1  }
0xad: {  	p0 =	sne.s32 s1, s6  }
0xae: {  	s6 =	sshll.u32 @p0 s6, $0xE  }
0xaf: {  	s6 =	sadd.s32 @p0 $0x11B8D, s6;
	s7 =	sshll.u32 @p0 s5, $0x11  }
0xb0: {  	s6 =	sor.u32 @p0 s7, s6  }
0xb1: {  	[sflag:s6] =	ssyncadd.remote.s32 @p0 $0x1;
	_ =	sdelay $0x1  }
0xb2: {  	s6 =	simm.s32 @p0 $0x1B8D  }
0xb3: {  	_ =	swait.eq @p0 [sflag:s6], $0x1  }
0xb4: {  	[sflag:s6] =	ssyncadd.s32 @p0 $0xFFFFFFFF  }
0xb5: {  	s7 =	sshll.u32 @!p0 s1, $0xE  }
0xb6: {  	s7 =	sor.u32 @!p0 $0x4000, s7;
	s6 =	simm.s32 @!p0 $0x1B8D  }
0xb7: {  	s5 =	sshll.u32 @!p0 s5, $0x11;
	s7 =	sadd.s32 @!p0 $0x11B8D, s7;
	_ =	swait.eq @!p0 [sflag:s6], $0x1  }
0xb8: {  	s5 =	sor.u32 @!p0 s5, s7;
	[sflag:s6] =	ssyncadd.s32 @!p0 $0xFFFFFFFF  }
0xb9: {  	s25 =	simm.s32 $0x1B8E;
	s24 =	sld [smem:$0x3FFE];
	[sflag:s5] =	ssyncadd.remote.s32 @!p0 $0x1  }
0xba: {  	s26 =	simm.s32 $execute0_lowered;
	[smem:$0x3FD2] =	sst s25  }
0xbb: {  	s6 =	sshll.u32 s26, $0x1;
	_ =	strace $0x80000049;
	[dreg:$0x1] =	wrdreg $0xFFFFFFFF  }
0xbc: {  	s28 =	simm.s32 $_size_execute0_lowered;
	s4 =	sadd.s32 s4, s6;
	[dreg:$0x0] =	wrdreg $0x0  }
0xbd: {  	s6 =	sshll.u32 s28, $0x1;
	[dreg:$0x2] =	wrdreg s4  }
0xbe: {  	[dreg:$0x3] =	wrdreg s6  }
0xbf: {  	[dreg:$0x4] =	wrdreg $0xC0  }
0xc0: {  	_ =	task [dreg:s22], $0x5FFFF  }
0xc1: {  	[dreg:$0x1] =	wrdreg $0xFFFFFFFF  }
0xc2: {  	[dreg:$0x0] =	wrdreg $0x60  }
0xc3: {  	[dreg:$0x2] =	wrdreg s24  }
0xc4: {  	[dreg:$0x3] =	wrdreg s17  }
0xc5: {  	[dreg:$0x4] =	wrdreg $0x2BE80  }
0xc6: {  	[dreg:$0x5] =	wrdreg $0x9  }
0xc7: {  	_ =	task.clear_ibuf [dreg:s22], $0x6FFFF;
	_ =	strace $0x90000049  }
0xc8: {  	s29 =	simm.s32 $0x9;
	_ =	strace $0x8000004B  }
0xc9: {  	_ =	swait.ge [sflag:s29], $0x1  }
0xca: {  	[sflag:s29] =	ssyncadd.s32 $0xFFFFFFFF  }
0xcb: {  	_ =	strace $0x9000004B  }
0xcc: {  	_ =	sfence  }
0xcd: {  	s30 =	sld [smem:$0x0];
	_ =	sdelay $0x2  }
0xce: {  	s31 =	sshll.u32 s1, $0xD;
	s1 =	sshrl.u32 s1, $0x2  }
0xcf: {  	s4 =	sand.u32 $0x4000, s31;
	s1 =	sadd.s32 s1, s30  }
0xd0: {  	s0 =	sor.u32 s4, s0;
	s1 =	sshll.u32 s1, $0x11  }
0xd1: {  	s0 =	sor.u32 s1, s0  }
0xd2: {  	s0 =	sadd.s32 $0x8F2B, s0  }
0xd3: {  	[sflag:s0] =	ssyncadd.remote.s32 $0x1  }
0xd4: {  	_ =	sfence.sel $0xFFFF  }
0xd5: {  	[dreg:$0x0] =	wrdreg $0xFFFFFFFF;
	(pc) =	sbr.abs _section_cstart, $3  }
0xd6: {  	[dreg:$0x1] =	wrdreg $0xFFFFFFFF  }
0xd7: {  	_ =	task.clear_ibuf [dreg:s22], $0x2FFFF;
	_ =	strace $0x9FFFFFFF  }
0xd8: {  	(tm) =	ssettm $0x7FFFFFFF  }
0xd9: {  	_ =	shalt  }
tec
execute0_lowered:
.L_overlay_start_1:
0x0: {  	(tag) =	ssettag $0x1  }
0x1: {  	s6 =	rddreg [dreg:$0x0]  }
0x2: {  	s0 =	srdreg.scid;
	s2 =	rddreg [dreg:$0x1]  }
0x3: {  	s3 =	rddreg [dreg:$0x2];
	s4 =	simm.s32 $0x0;
	s13 =	simm.s32 $0x7D  }
0x4: {  	s14 =	simm.s32 $0x0;
	s5 =	sand.u32 $0x1, s0;
	s0 =	stileid.u32  }
0x5: {  	[smem:$0x7FF] =	sst s4;
	s1 =	sshll.u32 s5, $0x4;
	s8 =	smul.u32 $0x1388, s0  }
0x6: {  	s9 =	smul.u32 $0x13880, s5;
	s5 =	ssub.s32 $0x2, s5;
	s1 =	sor.u32 s0, s1  }
0x7: {  	s31 =	sshll.u32 s0, $0x6;
	s11 =	sshrl.u32 s5, $0x1;
	s7 =	smul.u32 $0x500, s1  }
0x8: {  	s1 =	rddreg [dreg:$0x3];
	_ =	strace $0x8000004A;
	s9 =	sadd.s32 s8, s9  }
0x9: {  	s10 =	sshrl.u32 s8, $0x3;
	s11 =	ssub.s32 s5, s11;
	s12 =	sadd.s32 s8, s3  }
0xa: {  	s9 =	sshrl.u32 s9, $0x3;
	s10 =	sadd.s32 s10, s6;
	s8 =	smax.u32 s11, $0x1  }
0xb: {  	s11 =	sor.u32 $0x1C01, s31;
	s12 =	sshrl.u32 s12, $0x3;
	s7 =	sadd.s32 s7, s6  }
0xc: {  	s9 =	sadd.s32 s9, s6;
	s6 =	sadd.s32 $0x2C400, s10;
	s10 =	simm.s32 $0x2800  }
0xd: {  	s5 =	sadd.s32 $0x4600, s7;
	s7 =	sadd.s32 $0x2EC00, s9;
	s9 =	simm.s32 $0x1  }
.LBB2_1:
0xe: {  	[tilespmem:s4], [sflag:$0x1] =	stream.linear.gather [hbm4b:s5+s4], $0x2800, $0x38;
	[tilespmem:$0x3F70] =	vst v63  }
0xf: {  	_ =	swait.ge [sflag:s9], $0x2800  }
0x10: {  	[sflag:s9] =	ssyncset.done $0x0  }
0x11: {  	[sflag:s9] =	ssyncadd.s32 $0xFFFFD800  }
0x12: {  	[tilespmem:s10], [sflag:$0x1] =	stream.linear.gather [hbm4b:s2+s4], $0x3E8, $0x38;
	[tilespmem:$0x3F70] =	vst v63  }
0x13: {  	_ =	swait.ge [sflag:s9], $0x3E8  }
0x14: {  	[sflag:s9] =	ssyncset.done $0x0  }
0x15: {  	[sflag:s9] =	ssyncadd.s32 $0xFFFFFC18  }
0x16: {  	[spmem:s12], [sflag:s11] =	dma.local [hbm:s6], $0x271  }
0x17: {  	_ =	swait.ge [sflag:s9], $0x271  }
0x18: {  	[sflag:s9] =	ssyncset.done $0x0  }
0x19: {  	[sflag:s9] =	ssyncadd.s32 $0xFFFFFD8F  }
0x1a: {  	s15 =	simm.s32 $0x0;
	[bflag:$0x0] =	sbarrier.arrive $0xFFFF  }
0x1b: {  	[spmem:s3] =	stream.indirect.scatter.add.f32 [tilespmem:s10], [sflag:$0x1], $0x8, s15, s13, $0xb8;
	[tilespmem:$0x3F70] =	vst v63  }
0x1c: {  	_ =	swait.ge [sflag:s9], $0x3E8  }
0x1d: {  	s15 =	simm.s32 $0x200;
	[sflag:s9] =	ssyncset.done $0x0  }
.LBB2_2:
0x1e: {  	s16 =	sshra.s32 s15, $0x2;
	[sflag:s9] =	ssyncadd.s32 $0xFFFFFC18;
	p0 =	sne.s32 s15, $0x9E00  }
0x1f: {  	[spmem:s3] =	stream.indirect.scatter.add.f32 [tilespmem:s10], [sflag:$0x1], $0x8, s16, s13, $0xb8;
	[tilespmem:$0x3F70] =	vst v63  }
.Ltmp0:
0x20: {  	_ = 	snop;
	(pc) =	sbr.rel @p0 .LBB2_2-.Ltmp0, $4  }
0x21: {  	_ = 	snop  }
0x22: {  	s15 =	sadd.s32 $0x200, s15  }
0x23: {  	_ =	swait.ge [sflag:s9], $0x3E8  }
0x24: {  	[sflag:s9] =	ssyncset.done $0x0  }
0x25: {  	s14 =	sadd.s32 $0x1, s14  }
0x26: {  	[sflag:s9] =	ssyncadd.s32 $0xFFFFFC18;
	p0 =	sne.s32 s14, s8  }
.Ltmp1:
0x27: {  	[bflag:$0x0] =	sbarrier.arrive $0xFFFF;
	(pc) =	sbr.rel @p0 .LBB2_1-.Ltmp1, $4  }
0x28: {  	[hbm:s7], [sflag:s11] =	dma.local [spmem:s12], $0x271  }
0x29: {  	_ =	swait.ge [sflag:s9], $0x271  }
0x2a: {  	[sflag:s9] =	ssyncset.done $0x0  }
0x2b: {  	[sflag:s9] =	ssyncadd.s32 $0xFFFFFD8F  }
0x2c: {  	_ =	sfence.sel $0x180000  }
0x2d: {  	[bflag:$0x0] =	sbarrier.arrive $0xFFFF  }
0x2e: {  	p0 =	sne.s32 s0, $0x0;
	_ =	strace $0x9000004A  }
0x2f: {  	s0 =	sadd.s32 @!p0 $0x100000, s1;
	[bflag:$0x2] =	sbarrier.arrive $0xFFFF  }
0x30: {  	[sflag:s0] =	ssyncadd.tile.s32 @!p0 $0x1;
	_ =	shalt  }
.Lfunc_end2:
_tile_overlayer_lowered:
.L_overlay_start_2:
0x31: {  	(tag) =	ssettag $0x2  }
0x32: {  	s0 =	rddreg [dreg:$0x0];
	s2 =	stileid.u32  }
0x33: {  	s1 =	rddreg [dreg:$0x1];
	p0 =	sne.s32 s2, $0x0  }
0x34: {  	s3 =	rddreg [dreg:$0x2];
	[bflag:$0x3] =	sbarrier.arrive $0xFFFF;
	s2 =	simm.s32 @!p0 $0x1C01  }
0x35: {  	[timem:s3], [sflag:s2] =	dma.local @!p0 [hbm:s0], s1  }
0x36: {  	s0 =	simm.s32 @!p0 $0x1  }
0x37: {  	_ =	swait.ge @!p0 [sflag:s0], s1  }
0x38: {  	s1 =	ssub.s32 @!p0 $0x0, s1;
	[sflag:s0] =	ssyncset.done @!p0 $0x0  }
0x39: {  	[sflag:s0] =	ssyncadd.s32 @!p0 s1  }
0x3a: {  	[bflag:$0x3] =	sbarrier.arrive $0xFFFF  }
0x3b: {  	_ =	shalt  }

// kernel: kernel.15.cloned.1.call-start
scs
__scs_entry_jumppad:
0x0: {  	(pc) =	sbr.rel $0x88, $3  }
0x1: {  	(tag) =	ssettag $0x0;
	lr =	simm.s32 $0x1  }
0x2: {  	[smem:$0x3F85] =	sst lr;
	_ =	strace $0xD0000000  }
0x3: {  	_ = 	snop  }
0x4: {  	_ = 	snop  }
0x5: {  	_ = 	snop  }
0x6: {  	_ = 	snop  }
0x7: {  	_ = 	snop  }
__scs_overlays_trampoline_lowered:
0x8: {  	[smem:$0x3F94] =	sst s0  }
0x9: {  	[smem:$0x3F95] =	sst s1  }
0xa: {  	[smem:$0x3F96] =	sst s2  }
0xb: {  	[smem:$0x3F97] =	sst s3  }
0xc: {  	[smem:$0x3F98] =	sst s4  }
0xd: {  	[smem:$0x3F99] =	sst s5  }
0xe: {  	[smem:$0x3F9A] =	sst s6  }
0xf: {  	[smem:$0x3F9B] =	sst s7  }
0x10: {  	[smem:$0x3F9C] =	sst s8  }
0x11: {  	[smem:$0x3F9D] =	sst s9;
	s0 =	simm.s32 @!p0 $0x0  }
0x12: {  	s1 =	sld [smem:$0x3F83];
	s0 =	simm.s32 @p0 $0x1  }
0x13: {  	[smem:$0x3F9E] =	sst s0;
	s0 =	simm.s32 @!p1 $0x0  }
0x14: {  	s2 =	sld [smem:$0x3F82];
	s0 =	simm.s32 @p1 $0x1  }
0x15: {  	[smem:$0x3F9F] =	sst s0;
	s0 =	simm.s32 @!p2 $0x0  }
0x16: {  	s3 =	sld [smem:$0x3FDB];
	s0 =	simm.s32 @p2 $0x1  }
0x17: {  	s4 =	simm.s32 $0x1BF5;
	[smem:$0x3FA1] =	sst s0  }
0x18: {  	s0 =	sld [smem:$0x3F84];
	_ =	swait.ge [sflag:s4], $0x0  }
0x19: {  	s7 =	sld [smem:$0x3F85]  }
0x1a: {  	s8 =	sadd.s32 $0xFFFFE003, lr  }
0x1b: {  	s9 =	sadd.s32 $0xFFFFFEF7, lr;
	s5 =	simm.s32 $0xFFFFFFFF;
	p2 =	slt.u32 s8, $0xFFFFF086  }
0x1c: {  	p1 =	slt.u32 s9, $0xF7A;
	s5 =	simm.s32 @!p2 $0x0  }
0x1d: {  	s5 =	simm.s32 @p1 $0x1;
	p0 =	seq.s32 s7, s2  }
0x1e: {  	s7 =	smul.u32 @!p0 $0xF7A, s2;
	p2 =	seq.s32 @!p0 s5, $0x0  }
0x1f: {  	s9 =	smul.u32 $0xF7A, s1;
	s8 =	simm.s32 @!p0 $0x1BF5;
	p2 =	por !p2, p0  }
0x20: {  	[sflag:s8] =	ssyncset.s32 @!p0 $0xFFFFF086;
	s6 =	sadd.s32 @!p0 s3, s7;
	s7 =	simm.s32 @!p0 $0x108  }
0x21: {  	s3 =	sadd.s32 s3, s9;
	s6 =	sadd.s32 @!p0 $0x88, s6;
	s7 =	simm.s32 @p2 $0x1082  }
0x22: {  	[simem:s7], [sflag:s8] =	dma.local @!p0 [hbm:s6], $0xF7A  }
0x23: {  	s9 =	sor.u32 $0xD0000000, s2;
	s6 =	simm.s32 $0x108;
	_ =	swait.ge @!p0 [sflag:s8], $0x0  }
0x24: {  	s3 =	sadd.s32 $0x88, s3;
	s6 =	simm.s32 @!p1 $0x1082;
	[sflag:s4] =	ssyncset.s32 $0xFFFFF086  }
0x25: {  	[simem:s6], [sflag:s4] =	dma.local [hbm:s3], $0xF7A  }
0x26: {  	[smem:$0x3F85] =	sst s1;
	(tag) =	ssettag s2;
	_ =	strace s9  }
0x27: {  	s1 =	sld [smem:$0x3F95]  }
0x28: {  	s2 =	sld [smem:$0x3F96]  }
0x29: {  	s4 =	sld [smem:$0x3F98]  }
0x2a: {  	p0 =	seq.s32 s5, $0x0;
	s5 =	sld [smem:$0x3F99]  }
0x2b: {  	s6 =	sld [smem:$0x3F9A]  }
0x2c: {  	s7 =	sld [smem:$0x3F9B]  }
0x2d: {  	s3 =	simm.s32 $0x108;
	s8 =	sld [smem:$0x3F9C]  }
0x2e: {  	s3 =	simm.s32 @!p0 $0x1082;
	s9 =	sld [smem:$0x3F9D]  }
0x2f: {  	lr =	sadd.s32 s0, s3;
	s0 =	sld [smem:$0x3F94]  }
0x30: {  	s3 =	sld [smem:$0x3F97]  }
0x31: {  	[smem:$0x3FA0] =	sst s10  }
0x32: {  	s10 =	sld [smem:$0x3F9E];
	_ =	sdelay $0x3  }
0x33: {  	p0 =	seq.s32 s10, $0x1;
	s10 =	sld [smem:$0x3FA0];
	_ =	sdelay $0x3  }
0x34: {  	[smem:$0x3FA0] =	sst s10  }
0x35: {  	s10 =	sld [smem:$0x3F9F];
	_ =	sdelay $0x3  }
0x36: {  	p1 =	seq.s32 s10, $0x1;
	s10 =	sld [smem:$0x3FA0];
	_ =	sdelay $0x3  }
0x37: {  	[smem:$0x3FA0] =	sst s10  }
0x38: {  	s10 =	sld [smem:$0x3FA1]  }
0x39: {  	_ = 	snop;
	(pc) =	sbr.ind lr, $3  }
0x3a: {  	_ = 	snop  }
0x3b: {  	_ = 	snop  }
0x3c: {  	p2 =	seq.s32 s10, $0x1;
	s10 =	sld [smem:$0x3FA0]  }
0x3d: {  	_ =	shalt  }
0x3e: {  	_ =	shalt  }
0x3f: {  	_ =	shalt  }
0x40: {  	_ =	shalt  }
0x41: {  	_ =	shalt  }
0x42: {  	_ =	shalt  }
0x43: {  	_ =	shalt  }
0x44: {  	_ =	shalt  }
0x45: {  	_ =	shalt  }
0x46: {  	_ =	shalt  }
0x47: {  	_ =	shalt  }
0x48: {  	_ =	shalt  }
0x49: {  	_ =	shalt  }
0x4a: {  	_ =	shalt  }
0x4b: {  	_ =	shalt  }
0x4c: {  	_ =	shalt  }
0x4d: {  	_ =	shalt  }
0x4e: {  	_ =	shalt  }
0x4f: {  	_ =	shalt  }
0x50: {  	_ =	shalt  }
0x51: {  	_ =	shalt  }
0x52: {  	_ =	shalt  }
0x53: {  	_ =	shalt  }
0x54: {  	_ =	shalt  }
0x55: {  	_ =	shalt  }
0x56: {  	_ =	shalt  }
0x57: {  	_ =	shalt  }
0x58: {  	_ =	shalt  }
0x59: {  	_ =	shalt  }
0x5a: {  	_ =	shalt  }
0x5b: {  	_ =	shalt  }
0x5c: {  	_ =	shalt  }
0x5d: {  	_ =	shalt  }
0x5e: {  	_ =	shalt  }
0x5f: {  	_ =	shalt  }
0x60: {  	_ =	shalt  }
0x61: {  	_ =	shalt  }
0x62: {  	_ =	shalt  }
0x63: {  	_ =	shalt  }
0x64: {  	_ =	shalt  }
0x65: {  	_ =	shalt  }
0x66: {  	_ =	shalt  }
0x67: {  	_ =	shalt  }
0x68: {  	_ =	shalt  }
0x69: {  	_ =	shalt  }
0x6a: {  	_ =	shalt  }
0x6b: {  	_ =	shalt  }
0x6c: {  	_ =	shalt  }
0x6d: {  	_ =	shalt  }
0x6e: {  	_ =	shalt  }
0x6f: {  	_ =	shalt  }
0x70: {  	_ =	shalt  }
0x71: {  	_ =	shalt  }
0x72: {  	_ =	shalt  }
0x73: {  	_ =	shalt  }
0x74: {  	_ =	shalt  }
0x75: {  	_ =	shalt  }
0x76: {  	_ =	shalt  }
0x77: {  	_ =	shalt  }
0x78: {  	_ =	shalt  }
0x79: {  	_ =	shalt  }
0x7a: {  	_ =	shalt  }
0x7b: {  	_ =	shalt  }
0x7c: {  	_ =	shalt  }
0x7d: {  	_ =	shalt  }
0x7e: {  	_ =	shalt  }
0x7f: {  	_ =	shalt  }
0x80: {  	_ =	shalt  }
0x81: {  	_ =	shalt  }
0x82: {  	_ =	shalt  }
0x83: {  	_ =	shalt  }
0x84: {  	_ =	shalt  }
0x85: {  	_ =	shalt  }
0x86: {  	_ =	shalt  }
0x87: {  	_ =	shalt  }
.Lfunc_end0:
.L_simem_size_0:
called_computation.1_lowered:
.L_overlay_start_0:
0x88: {  	s2 =	sld [smem:$0x3FD9]  }
0x89: {  	s3 =	sld [smem:$0x3FFE];
	_ =	sdelay $0x1  }
0x8a: {  	s1 =	srdreg.scid  }
0x8b: {  	s0 =	sand.u32 $0x1, s1  }
0x8c: {  	s14 =	sshll.u32 s0, $0xA;
	s2 =	sadd.s32 s3, s2  }
0x8d: {  	s2 =	sadd.s32 s2, s14  }
0x8e: {  	[smem:$0x3FAC] =	sst s2  }
0x8f: {  	_ = 	snop  }
0x90: {  	s2 =	sld [smem:$0x3FD0];
	_ =	sdelay $0x2  }
0x91: {  	s15 =	simm.s32 $0xB;
	s4 =	simm.s32 $0x10  }
0x92: {  	[smem:s4], [sflag:s15] =	dma.local [hbm:s2], $0x1  }
0x93: {  	_ =	swait.eq [sflag:s15], $0x1  }
0x94: {  	[sflag:s15] =	ssyncset.done $0x0  }
0x95: {  	s16 =	sld [smem:$0x10];
	[sflag:s15] =	ssyncadd.s32 $0xFFFFFFFF  }
0x96: {  	s17 =	sld [smem:$0x13];
	(tm) =	ssettm $0x1  }
0x97: {  	s18 =	sld [smem:$0x3FFB];
	_ =	sdelay $0x3  }
0x98: {  	_ =	strace s18  }
0x99: {  	s4 =	sld [smem:$0x3FFC];
	_ =	sdelay $0x3  }
0x9a: {  	_ =	strace s4  }
0x9b: {  	s4 =	sld [smem:$0x3FFD];
	_ =	sdelay $0x3  }
0x9c: {  	_ =	strace s4  }
0x9d: {  	_ =	strace $0x8FFFFFFF  }
0x9e: {  	s19 =	sld [smem:$0x3FDB];
	_ =	sdelay $0x1  }
0x9f: {  	s5 =	simm.s32 $_scs_section_size  }
0xa0: {  	s6 =	simm.s32 $_size__tile_overlayer_lowered;
	s7 =	simm.s32 $_tile_overlayer_lowered  }
0xa1: {  	s22 =	simm.s32 $0x1BFF;
	s21 =	sshll.u32 s7, $0x1;
	s4 =	sadd.s32 s5, s19  }
0xa2: {  	s8 =	simm.s32 $0x0;
	s20 =	sshll.u32 s6, $0x1;
	s6 =	sadd.s32 s21, s4  }
0xa3: {  	[timem:s8], [sflag:s22] =	dma.local [hbm:s6], s20  }
0xa4: {  	_ =	swait.ge [sflag:s22], s20  }
0xa5: {  	s5 =	ssub.s32 $0x0, s20;
	[sflag:s22] =	ssyncset.done $0x0  }
0xa6: {  	[sflag:s22] =	ssyncadd.s32 s5;
	_ =	sdelay $0x1  }
0xa7: {  	s23 =	simm.s32 $0x1B8B  }
0xa8: {  	_ =	swait.ge [sflag:s23], $0x1  }
0xa9: {  	[sflag:s23] =	ssyncset.done $0x0  }
0xaa: {  	s25 =	simm.s32 $0x1B8E;
	s24 =	sld [smem:$0x3FFE];
	[sflag:s23] =	ssyncadd.s32 $0xFFFFFFFF  }
0xab: {  	s26 =	simm.s32 $execute0_lowered;
	[smem:$0x3FD2] =	sst s25  }
0xac: {  	s6 =	sshll.u32 s26, $0x1;
	_ =	strace $0x80000046;
	[dreg:$0x1] =	wrdreg $0xFFFFFFFF  }
0xad: {  	s28 =	simm.s32 $_size_execute0_lowered;
	s4 =	sadd.s32 s4, s6;
	[dreg:$0x0] =	wrdreg $0x0  }
0xae: {  	s6 =	sshll.u32 s28, $0x1;
	[dreg:$0x2] =	wrdreg s4  }
0xaf: {  	[dreg:$0x3] =	wrdreg s6  }
0xb0: {  	[dreg:$0x4] =	wrdreg $0xC0  }
0xb1: {  	_ =	task [dreg:s8], $0x5FFFF  }
0xb2: {  	[dreg:$0x1] =	wrdreg $0xFFFFFFFF  }
0xb3: {  	[dreg:$0x0] =	wrdreg $0x60  }
0xb4: {  	[dreg:$0x2] =	wrdreg s16  }
0xb5: {  	[dreg:$0x3] =	wrdreg s24  }
0xb6: {  	[dreg:$0x4] =	wrdreg s17  }
0xb7: {  	[dreg:$0x5] =	wrdreg $0x14B000  }
0xb8: {  	[dreg:$0x6] =	wrdreg $0xA  }
0xb9: {  	_ =	task.clear_ibuf [dreg:s8], $0x7FFFF;
	_ =	strace $0x90000046  }
0xba: {  	s29 =	simm.s32 $0xA;
	_ =	strace $0x80000048  }
0xbb: {  	_ =	swait.ge [sflag:s29], $0x1  }
0xbc: {  	[sflag:s29] =	ssyncadd.s32 $0xFFFFFFFF  }
0xbd: {  	_ =	strace $0x90000048  }
0xbe: {  	_ =	sfence  }
0xbf: {  	s30 =	sld [smem:$0x0];
	_ =	sdelay $0x2  }
0xc0: {  	s31 =	sshll.u32 s1, $0xD;
	s1 =	sshrl.u32 s1, $0x2  }
0xc1: {  	s3 =	sand.u32 $0x4000, s31;
	s1 =	sadd.s32 s1, s30  }
0xc2: {  	s0 =	sor.u32 s3, s0;
	s1 =	sshll.u32 s1, $0x11  }
0xc3: {  	s0 =	sor.u32 s1, s0  }
0xc4: {  	s0 =	sadd.s32 $0x8F2B, s0  }
0xc5: {  	[sflag:s0] =	ssyncadd.remote.s32 $0x1  }
0xc6: {  	_ =	sfence.sel $0xFFFF  }
0xc7: {  	[dreg:$0x0] =	wrdreg $0xFFFFFFFF;
	(pc) =	sbr.abs _section_cstart, $3  }
0xc8: {  	[dreg:$0x1] =	wrdreg $0xFFFFFFFF  }
0xc9: {  	_ =	task.clear_ibuf [dreg:s8], $0x2FFFF;
	_ =	strace $0x9FFFFFFF  }
0xca: {  	(tm) =	ssettm $0x7FFFFFFF  }
0xcb: {  	_ =	shalt  }
tec
execute0_lowered:
.L_overlay_start_1:
0x0: {  	(tag) =	ssettag $0x1  }
0x1: {  	s0 =	rddreg [dreg:$0x0]  }
0x2: {  	s1 =	rddreg [dreg:$0x1]  }
0x3: {  	s2 =	srdreg.scid;
	s4 =	rddreg [dreg:$0x2]  }
0x4: {  	s3 =	rddreg [dreg:$0x3];
	s11 =	stileid.u32  }
0x5: {  	s6 =	simm.s32 $0x0;
	s12 =	simm.s32 $0x11;
	s14 =	simm.s32 $0x7D  }
0x6: {  	s15 =	simm.s32 $0x5100;
	s16 =	simm.s32 $0x7040;
	s17 =	simm.s32 $0x8F80  }
0x7: {  	s18 =	simm.s32 $0xAEC0;
	s19 =	simm.s32 $0xCE00;
	s20 =	simm.s32 $0xED40  }
0x8: {  	s21 =	simm.s32 $0x10C80;
	s28 =	simm.s32 $0x5;
	s29 =	simm.s32 $0x6  }
0x9: {  	s30 =	simm.s32 $0x7;
	s31 =	simm.s32 $0x8;
	s2 =	sand.u32 $0x1, s2  }
0xa: {  	[smem:$0x7FF] =	sst s6;
	s7 =	smul.u32 $0x9C40, s11;
	s26 =	sshll.u32 s11, $0x6  }
0xb: {  	s5 =	sshll.u32 s2, $0x4;
	_ =	strace $0x80000047;
	s8 =	ssub.s32 $0x2, s2  }
0xc: {  	s2 =	smul.u32 $0x9C400, s2;
	s5 =	sor.u32 s11, s5;
	s9 =	sshrl.u32 s7, $0x3  }
0xd: {  	s10 =	sshrl.u32 s8, $0x1;
	s23 =	sadd.s32 s7, s3;
	s22 =	smul.u32 $0x520, s5  }
0xe: {  	s11 =	simm.s32 $0xB;
	s5 =	smul.u32 $0x500, s5;
	s8 =	ssub.s32 s8, s10  }
0xf: {  	s2 =	sadd.s32 s7, s2;
	s10 =	sor.u32 $0x1C11, s26;
	s13 =	sshrl.u32 s23, $0x3  }
0x10: {  	s23 =	simm.s32 $0x1;
	s26 =	simm.s32 $0x4;
	s7 =	simm.s32 $0xF  }
0x11: {  	s24 =	sshrl.u32 s2, $0x3;
	s25 =	smax.u32 s8, $0x1;
	[dreg:$0xa] =	wrdreg s10  }
0x12: {  	[dreg:$0xb] =	wrdreg s13;
	s6 =	sadd.s32 s22, s1;
	s5 =	sadd.s32 s5, s1  }
0x13: {  	s1 =	sadd.s32 s9, s1;
	[dreg:$0x9] =	wrdreg s25;
	s9 =	simm.s32 $0x0  }
0x14: {  	s2 =	simm.s32 $0xA;
	s6 =	sadd.s32 $0xE600, s6;
	[dreg:$0xc] =	wrdreg s9  }
0x15: {  	s8 =	simm.s32 $0x10;
	s5 =	sadd.s32 $0x4600, s5;
	[dreg:$0x5] =	wrdreg s6  }
0x16: {  	s22 =	simm.s32 $0x12BC0;
	s1 =	sadd.s32 $0x18A00, s1;
	[dreg:$0x6] =	wrdreg s5  }
0x17: {  	s25 =	simm.s32 $0x3;
	[dreg:$0x7] =	wrdreg s1;
	s1 =	sadd.s32 s4, s24  }
0x18: {  	s24 =	simm.s32 $0x2;
	s4 =	simm.s32 $0xC;
	s5 =	simm.s32 $0xD  }
0x19: {  	s6 =	simm.s32 $0xE;
	[dreg:$0x8] =	wrdreg s1;
	s1 =	simm.s32 $0x9  }
.LBB2_1:
0x1a: {  	s9 =	simm.s32 $0x0;
	s10 =	rddreg [dreg:$0x5]  }
0x1b: {  	[tilespmem:s9], [sflag:$0x11] =	stream.linear.gather [hbm4b:s10+s9], $0x2900, $0x38;
	[tilespmem:$0x1E740] =	vst v63  }
0x1c: {  	_ =	swait.ge [sflag:s12], $0x2900  }
0x1d: {  	[sflag:s12] =	ssyncset.done $0x0  }
0x1e: {  	s13 =	simm.s32 $0x2900;
	s10 =	rddreg [dreg:$0x6];
	[sflag:s12] =	ssyncadd.s32 $0xFFFFD700  }
0x1f: {  	[tilespmem:s13], [sflag:$0x11] =	stream.linear.gather [hbm4b:s10+s9], $0x2800, $0x38;
	[tilespmem:$0x1E740] =	vst v63  }
0x20: {  	_ =	swait.ge [sflag:s12], $0x2800  }
0x21: {  	s9 =	rddreg [dreg:$0x7]  }
0x22: {  	[sflag:s12] =	ssyncset.done $0x0;
	s10 =	rddreg [dreg:$0xa]  }
0x23: {  	s13 =	rddreg [dreg:$0xb];
	[sflag:s12] =	ssyncadd.s32 $0xFFFFD800  }
0x24: {  	[spmem:s13], [sflag:s10] =	dma.local [hbm:s9], $0x1388  }
0x25: {  	_ =	swait.ge [sflag:s12], $0x1388  }
0x26: {  	[sflag:s12] =	ssyncset.done $0x0  }
0x27: {  	[sflag:s12] =	ssyncadd.s32 $0xFFFFEC78  }
0x28: {  	s13 =	simm.s32 $0x0;
	[bflag:$0x0] =	sbarrier.arrive $0xFFFF  }
0x29: {  	[tilespmem:s15], [sflag:$0x1] =	stream.indirect.gather [hbm4b:s0+s14], $0x40, s13, s14, $0xb8;
	[tilespmem:$0x1E740] =	vst v63  }
0x2a: {  	s10 =	simm.s32 $0x80  }
0x2b: {  	[tilespmem:s16], [sflag:$0x2] =	stream.indirect.gather [hbm4b:s0+s14], $0x40, s10, s14, $0xb8;
	[tilespmem:$0x1E740] =	vst v63  }
0x2c: {  	s12 =	simm.s32 $0x100  }
0x2d: {  	[tilespmem:s17], [sflag:$0x3] =	stream.indirect.gather [hbm4b:s0+s14], $0x40, s12, s14, $0xb8;
	[tilespmem:$0x1E740] =	vst v63  }
0x2e: {  	s13 =	simm.s32 $0x180  }
0x2f: {  	[tilespmem:s18], [sflag:$0x4] =	stream.indirect.gather [hbm4b:s0+s14], $0x40, s13, s14, $0xb8;
	[tilespmem:$0x1E740] =	vst v63  }
0x30: {  	s10 =	simm.s32 $0x200  }
0x31: {  	[tilespmem:s19], [sflag:$0x5] =	stream.indirect.gather [hbm4b:s0+s14], $0x40, s10, s14, $0xb8;
	[tilespmem:$0x1E740] =	vst v63  }
0x32: {  	s12 =	simm.s32 $0x280  }
0x33: {  	[tilespmem:s20], [sflag:$0x6] =	stream.indirect.gather [hbm4b:s0+s14], $0x40, s12, s14, $0xb8;
	[tilespmem:$0x1E740] =	vst v63  }
0x34: {  	s13 =	simm.s32 $0x300  }
0x35: {  	[tilespmem:s21], [sflag:$0x7] =	stream.indirect.gather [hbm4b:s0+s14], $0x40, s13, s14, $0xb8;
	[tilespmem:$0x1E740] =	vst v63  }
0x36: {  	s10 =	simm.s32 $0x380  }
0x37: {  	[tilespmem:s22], [sflag:$0x8] =	stream.indirect.gather [hbm4b:s0+s14], $0x40, s10, s14, $0xb8;
	[tilespmem:$0x1E740] =	vst v63  }
0x38: {  	_ =	swait.ge [sflag:s23], $0x1F40  }
0x39: {  	[sflag:s23] =	ssyncset.done $0x0  }
0x3a: {  	[sflag:s23] =	ssyncadd.s32 $0xFFFFE0C0  }
0x3b: {  	_ =	swait.ge [sflag:s24], $0x1F40  }
0x3c: {  	[sflag:s24] =	ssyncset.done $0x0  }
0x3d: {  	[sflag:s24] =	ssyncadd.s32 $0xFFFFE0C0  }
0x3e: {  	_ =	swait.ge [sflag:s25], $0x1F40  }
0x3f: {  	[sflag:s25] =	ssyncset.done $0x0  }
0x40: {  	[sflag:s25] =	ssyncadd.s32 $0xFFFFE0C0  }
0x41: {  	_ =	swait.ge [sflag:s26], $0x1F40  }
0x42: {  	[sflag:s26] =	ssyncset.done $0x0  }
0x43: {  	[sflag:s26] =	ssyncadd.s32 $0xFFFFE0C0  }
0x44: {  	_ =	swait.ge [sflag:s28], $0x1F40  }
0x45: {  	[sflag:s28] =	ssyncset.done $0x0  }
0x46: {  	[sflag:s28] =	ssyncadd.s32 $0xFFFFE0C0  }
0x47: {  	_ =	swait.ge [sflag:s29], $0x1F40  }
0x48: {  	[sflag:s29] =	ssyncset.done $0x0  }
0x49: {  	[sflag:s29] =	ssyncadd.s32 $0xFFFFE0C0  }
0x4a: {  	_ =	swait.ge [sflag:s30], $0x1F40  }
0x4b: {  	[sflag:s30] =	ssyncset.done $0x0  }
0x4c: {  	[sflag:s30] =	ssyncadd.s32 $0xFFFFE0C0  }
0x4d: {  	_ =	swait.ge [sflag:s31], $0x1F40  }
0x4e: {  	[sflag:s31] =	ssyncset.done $0x0  }
0x4f: {  	s12 =	simm.s32 $0x2900;
	[sflag:s31] =	ssyncadd.s32 $0xFFFFE0C0  }
0x50: {  	[spmem:s3] =	stream.indirect.scatter.add.f32 [tilespmem:s15], [sflag:$0x9], $0x40, s12, s14, $0xb8;
	[tilespmem:$0x1E740] =	vst v63  }
0x51: {  	s13 =	simm.s32 $0x2980  }
0x52: {  	[spmem:s3] =	stream.indirect.scatter.add.f32 [tilespmem:s16], [sflag:$0xA], $0x40, s13, s14, $0xb8;
	[tilespmem:$0x1E740] =	vst v63  }
0x53: {  	s10 =	simm.s32 $0x2A00  }
0x54: {  	[spmem:s3] =	stream.indirect.scatter.add.f32 [tilespmem:s17], [sflag:$0xB], $0x40, s10, s14, $0xb8;
	[tilespmem:$0x1E740] =	vst v63  }
0x55: {  	s12 =	simm.s32 $0x2A80  }
0x56: {  	[spmem:s3] =	stream.indirect.scatter.add.f32 [tilespmem:s18], [sflag:$0xC], $0x40, s12, s14, $0xb8;
	[tilespmem:$0x1E740] =	vst v63  }
0x57: {  	s13 =	simm.s32 $0x2B00  }
0x58: {  	[spmem:s3] =	stream.indirect.scatter.add.f32 [tilespmem:s19], [sflag:$0xD], $0x40, s13, s14, $0xb8;
	[tilespmem:$0x1E740] =	vst v63  }
0x59: {  	s10 =	simm.s32 $0x2B80  }
0x5a: {  	[spmem:s3] =	stream.indirect.scatter.add.f32 [tilespmem:s20], [sflag:$0xE], $0x40, s10, s14, $0xb8;
	[tilespmem:$0x1E740] =	vst v63  }
0x5b: {  	s12 =	simm.s32 $0x2C00  }
0x5c: {  	[spmem:s3] =	stream.indirect.scatter.add.f32 [tilespmem:s21], [sflag:$0xF], $0x40, s12, s14, $0xb8;
	[tilespmem:$0x1E740] =	vst v63  }
0x5d: {  	s13 =	simm.s32 $0x2C80  }
0x5e: {  	[spmem:s3] =	stream.indirect.scatter.add.f32 [tilespmem:s22], [sflag:$0x10], $0x40, s13, s14, $0xb8;
	[tilespmem:$0x1E740] =	vst v63  }
0x5f: {  	_ =	swait.ge [sflag:s1], $0x1F40  }
0x60: {  	[sflag:s1] =	ssyncset.done $0x0  }
0x61: {  	[sflag:s1] =	ssyncadd.s32 $0xFFFFE0C0  }
0x62: {  	_ =	swait.ge [sflag:s2], $0x1F40  }
0x63: {  	[sflag:s2] =	ssyncset.done $0x0  }
0x64: {  	[sflag:s2] =	ssyncadd.s32 $0xFFFFE0C0  }
0x65: {  	_ =	swait.ge [sflag:s11], $0x1F40  }
0x66: {  	[sflag:s11] =	ssyncset.done $0x0  }
0x67: {  	[sflag:s11] =	ssyncadd.s32 $0xFFFFE0C0  }
0x68: {  	_ =	swait.ge [sflag:s4], $0x1F40  }
0x69: {  	[sflag:s4] =	ssyncset.done $0x0  }
0x6a: {  	[sflag:s4] =	ssyncadd.s32 $0xFFFFE0C0  }
0x6b: {  	_ =	swait.ge [sflag:s5], $0x1F40  }
0x6c: {  	[sflag:s5] =	ssyncset.done $0x0  }
0x6d: {  	[sflag:s5] =	ssyncadd.s32 $0xFFFFE0C0  }
0x6e: {  	_ =	swait.ge [sflag:s6], $0x1F40  }
0x6f: {  	[sflag:s6] =	ssyncset.done $0x0  }
0x70: {  	[sflag:s6] =	ssyncadd.s32 $0xFFFFE0C0  }
0x71: {  	_ =	swait.ge [sflag:s7], $0x1F40  }
0x72: {  	[sflag:s7] =	ssyncset.done $0x0  }
0x73: {  	[sflag:s7] =	ssyncadd.s32 $0xFFFFE0C0  }
0x74: {  	_ =	swait.ge [sflag:s8], $0x1F40  }
0x75: {  	s12 =	simm.s32 $0x1000;
	s13 =	simm.s32 $0x2000;
	[sflag:s8] =	ssyncset.done $0x0  }
.LBB2_2:
0x76: {  	s10 =	sshra.s32 s12, $0x2  }
0x77: {  	[sflag:s8] =	ssyncadd.s32 $0xFFFFE0C0;
	s12 =	smov.u32 s13;
	s9 =	sadd.s32 $0x1000, s13  }
0x78: {  	[tilespmem:s15], [sflag:$0x1] =	stream.indirect.gather [hbm4b:s0+s14], $0x40, s10, s14, $0xb8;
	[tilespmem:$0x1E740] =	vst v63  }
0x79: {  	p0 =	sne.s32 s13, $0x9000;
	s13 =	sadd.s32 $0x80, s10  }
0x7a: {  	[tilespmem:s16], [sflag:$0x2] =	stream.indirect.gather [hbm4b:s0+s14], $0x40, s13, s14, $0xb8;
	[tilespmem:$0x1E740] =	vst v63  }
0x7b: {  	s13 =	sadd.s32 $0x100, s10  }
0x7c: {  	[tilespmem:s17], [sflag:$0x3] =	stream.indirect.gather [hbm4b:s0+s14], $0x40, s13, s14, $0xb8;
	[tilespmem:$0x1E740] =	vst v63  }
0x7d: {  	s13 =	sadd.s32 $0x180, s10  }
0x7e: {  	[tilespmem:s18], [sflag:$0x4] =	stream.indirect.gather [hbm4b:s0+s14], $0x40, s13, s14, $0xb8;
	[tilespmem:$0x1E740] =	vst v63  }
0x7f: {  	s13 =	sadd.s32 $0x200, s10  }
0x80: {  	[tilespmem:s19], [sflag:$0x5] =	stream.indirect.gather [hbm4b:s0+s14], $0x40, s13, s14, $0xb8;
	[tilespmem:$0x1E740] =	vst v63  }
0x81: {  	s13 =	sadd.s32 $0x280, s10  }
0x82: {  	[tilespmem:s20], [sflag:$0x6] =	stream.indirect.gather [hbm4b:s0+s14], $0x40, s13, s14, $0xb8;
	[tilespmem:$0x1E740] =	vst v63  }
0x83: {  	s13 =	sadd.s32 $0x300, s10  }
0x84: {  	[tilespmem:s21], [sflag:$0x7] =	stream.indirect.gather [hbm4b:s0+s14], $0x40, s13, s14, $0xb8;
	[tilespmem:$0x1E740] =	vst v63  }
0x85: {  	s13 =	sadd.s32 $0x380, s10  }
0x86: {  	[tilespmem:s22], [sflag:$0x8] =	stream.indirect.gather [hbm4b:s0+s14], $0x40, s13, s14, $0xb8;
	[tilespmem:$0x1E740] =	vst v63  }
0x87: {  	_ =	swait.ge [sflag:s23], $0x1F40  }
0x88: {  	[sflag:s23] =	ssyncset.done $0x0  }
0x89: {  	[sflag:s23] =	ssyncadd.s32 $0xFFFFE0C0  }
0x8a: {  	_ =	swait.ge [sflag:s24], $0x1F40  }
0x8b: {  	[sflag:s24] =	ssyncset.done $0x0  }
0x8c: {  	[sflag:s24] =	ssyncadd.s32 $0xFFFFE0C0  }
0x8d: {  	_ =	swait.ge [sflag:s25], $0x1F40  }
0x8e: {  	[sflag:s25] =	ssyncset.done $0x0  }
0x8f: {  	[sflag:s25] =	ssyncadd.s32 $0xFFFFE0C0  }
0x90: {  	_ =	swait.ge [sflag:s26], $0x1F40  }
0x91: {  	[sflag:s26] =	ssyncset.done $0x0  }
0x92: {  	[sflag:s26] =	ssyncadd.s32 $0xFFFFE0C0  }
0x93: {  	_ =	swait.ge [sflag:s28], $0x1F40  }
0x94: {  	[sflag:s28] =	ssyncset.done $0x0  }
0x95: {  	[sflag:s28] =	ssyncadd.s32 $0xFFFFE0C0  }
0x96: {  	_ =	swait.ge [sflag:s29], $0x1F40  }
0x97: {  	[sflag:s29] =	ssyncset.done $0x0  }
0x98: {  	[sflag:s29] =	ssyncadd.s32 $0xFFFFE0C0  }
0x99: {  	_ =	swait.ge [sflag:s30], $0x1F40  }
0x9a: {  	[sflag:s30] =	ssyncset.done $0x0  }
0x9b: {  	[sflag:s30] =	ssyncadd.s32 $0xFFFFE0C0  }
0x9c: {  	_ =	swait.ge [sflag:s31], $0x1F40  }
0x9d: {  	[sflag:s31] =	ssyncset.done $0x0  }
0x9e: {  	s13 =	sadd.s32 $0x2900, s10;
	[sflag:s31] =	ssyncadd.s32 $0xFFFFE0C0  }
0x9f: {  	[spmem:s3] =	stream.indirect.scatter.add.f32 [tilespmem:s15], [sflag:$0x9], $0x40, s13, s14, $0xb8;
	[tilespmem:$0x1E740] =	vst v63  }
0xa0: {  	s13 =	sadd.s32 $0x2980, s10  }
0xa1: {  	[spmem:s3] =	stream.indirect.scatter.add.f32 [tilespmem:s16], [sflag:$0xA], $0x40, s13, s14, $0xb8;
	[tilespmem:$0x1E740] =	vst v63  }
0xa2: {  	s13 =	sadd.s32 $0x2A00, s10  }
0xa3: {  	[spmem:s3] =	stream.indirect.scatter.add.f32 [tilespmem:s17], [sflag:$0xB], $0x40, s13, s14, $0xb8;
	[tilespmem:$0x1E740] =	vst v63  }
0xa4: {  	s13 =	sadd.s32 $0x2A80, s10  }
0xa5: {  	[spmem:s3] =	stream.indirect.scatter.add.f32 [tilespmem:s18], [sflag:$0xC], $0x40, s13, s14, $0xb8;
	[tilespmem:$0x1E740] =	vst v63  }
0xa6: {  	s13 =	sadd.s32 $0x2B00, s10  }
0xa7: {  	[spmem:s3] =	stream.indirect.scatter.add.f32 [tilespmem:s19], [sflag:$0xD], $0x40, s13, s14, $0xb8;
	[tilespmem:$0x1E740] =	vst v63  }
0xa8: {  	s13 =	sadd.s32 $0x2B80, s10  }
0xa9: {  	[spmem:s3] =	stream.indirect.scatter.add.f32 [tilespmem:s20], [sflag:$0xE], $0x40, s13, s14, $0xb8;
	[tilespmem:$0x1E740] =	vst v63  }
0xaa: {  	s13 =	sadd.s32 $0x2C00, s10  }
0xab: {  	[spmem:s3] =	stream.indirect.scatter.add.f32 [tilespmem:s21], [sflag:$0xF], $0x40, s13, s14, $0xb8;
	[tilespmem:$0x1E740] =	vst v63  }
0xac: {  	s10 =	sadd.s32 $0x2C80, s10  }
0xad: {  	[spmem:s3] =	stream.indirect.scatter.add.f32 [tilespmem:s22], [sflag:$0x10], $0x40, s10, s14, $0xb8;
	[tilespmem:$0x1E740] =	vst v63  }
0xae: {  	_ =	swait.ge [sflag:s1], $0x1F40  }
0xaf: {  	[sflag:s1] =	ssyncset.done $0x0  }
0xb0: {  	[sflag:s1] =	ssyncadd.s32 $0xFFFFE0C0  }
0xb1: {  	_ =	swait.ge [sflag:s2], $0x1F40  }
0xb2: {  	[sflag:s2] =	ssyncset.done $0x0  }
0xb3: {  	[sflag:s2] =	ssyncadd.s32 $0xFFFFE0C0  }
0xb4: {  	_ =	swait.ge [sflag:s11], $0x1F40  }
0xb5: {  	[sflag:s11] =	ssyncset.done $0x0  }
0xb6: {  	[sflag:s11] =	ssyncadd.s32 $0xFFFFE0C0  }
0xb7: {  	_ =	swait.ge [sflag:s4], $0x1F40  }
0xb8: {  	[sflag:s4] =	ssyncset.done $0x0  }
0xb9: {  	[sflag:s4] =	ssyncadd.s32 $0xFFFFE0C0  }
0xba: {  	_ =	swait.ge [sflag:s5], $0x1F40  }
0xbb: {  	[sflag:s5] =	ssyncset.done $0x0  }
0xbc: {  	[sflag:s5] =	ssyncadd.s32 $0xFFFFE0C0  }
0xbd: {  	_ =	swait.ge [sflag:s6], $0x1F40  }
0xbe: {  	[sflag:s6] =	ssyncset.done $0x0  }
0xbf: {  	[sflag:s6] =	ssyncadd.s32 $0xFFFFE0C0  }
.Ltmp0:
0xc0: {  	_ =	swait.ge [sflag:s7], $0x1F40;
	(pc) =	sbr.rel @p0 .LBB2_2-.Ltmp0, $4  }
0xc1: {  	[sflag:s7] =	ssyncset.done $0x0  }
0xc2: {  	[sflag:s7] =	ssyncadd.s32 $0xFFFFE0C0  }
0xc3: {  	_ =	swait.ge [sflag:s8], $0x1F40  }
0xc4: {  	s13 =	smov.u32 s9;
	[sflag:s8] =	ssyncset.done $0x0  }
0xc5: {  	s9 =	sshra.s32 s12, $0x2;
	[sflag:s8] =	ssyncadd.s32 $0xFFFFE0C0  }
0xc6: {  	[tilespmem:s15], [sflag:$0x1] =	stream.indirect.gather [hbm4b:s0+s14], $0x40, s9, s14, $0xb8;
	[tilespmem:$0x1E740] =	vst v63  }
0xc7: {  	s10 =	sadd.s32 $0x80, s9  }
0xc8: {  	[tilespmem:s16], [sflag:$0x2] =	stream.indirect.gather [hbm4b:s0+s14], $0x40, s10, s14, $0xb8;
	[tilespmem:$0x1E740] =	vst v63  }
0xc9: {  	s13 =	sadd.s32 $0x100, s9  }
0xca: {  	[tilespmem:s17], [sflag:$0x3] =	stream.indirect.gather [hbm4b:s0+s14], $0x40, s13, s14, $0xb8;
	[tilespmem:$0x1E740] =	vst v63  }
0xcb: {  	s12 =	sadd.s32 $0x180, s9  }
0xcc: {  	[tilespmem:s18], [sflag:$0x4] =	stream.indirect.gather [hbm4b:s0+s14], $0x40, s12, s14, $0xb8;
	[tilespmem:$0x1E740] =	vst v63  }
0xcd: {  	s13 =	sadd.s32 $0x200, s9  }
0xce: {  	[tilespmem:s19], [sflag:$0x5] =	stream.indirect.gather [hbm4b:s0+s14], $0x40, s13, s14, $0xb8;
	[tilespmem:$0x1E740] =	vst v63  }
0xcf: {  	s12 =	sadd.s32 $0x280, s9  }
0xd0: {  	[tilespmem:s20], [sflag:$0x6] =	stream.indirect.gather [hbm4b:s0+s14], $0x40, s12, s14, $0xb8;
	[tilespmem:$0x1E740] =	vst v63  }
0xd1: {  	s13 =	sadd.s32 $0x300, s9  }
0xd2: {  	[tilespmem:s21], [sflag:$0x7] =	stream.indirect.gather [hbm4b:s0+s14], $0x40, s13, s14, $0xb8;
	[tilespmem:$0x1E740] =	vst v63  }
0xd3: {  	s12 =	sadd.s32 $0x380, s9  }
0xd4: {  	[tilespmem:s22], [sflag:$0x8] =	stream.indirect.gather [hbm4b:s0+s14], $0x40, s12, s14, $0xb8;
	[tilespmem:$0x1E740] =	vst v63  }
0xd5: {  	_ =	swait.ge [sflag:s23], $0x1F40  }
0xd6: {  	[sflag:s23] =	ssyncset.done $0x0  }
0xd7: {  	[sflag:s23] =	ssyncadd.s32 $0xFFFFE0C0  }
0xd8: {  	_ =	swait.ge [sflag:s24], $0x1F40  }
0xd9: {  	[sflag:s24] =	ssyncset.done $0x0  }
0xda: {  	[sflag:s24] =	ssyncadd.s32 $0xFFFFE0C0  }
0xdb: {  	_ =	swait.ge [sflag:s25], $0x1F40  }
0xdc: {  	[sflag:s25] =	ssyncset.done $0x0  }
0xdd: {  	[sflag:s25] =	ssyncadd.s32 $0xFFFFE0C0  }
0xde: {  	_ =	swait.ge [sflag:s26], $0x1F40  }
0xdf: {  	[sflag:s26] =	ssyncset.done $0x0  }
0xe0: {  	[sflag:s26] =	ssyncadd.s32 $0xFFFFE0C0  }
0xe1: {  	_ =	swait.ge [sflag:s28], $0x1F40  }
0xe2: {  	[sflag:s28] =	ssyncset.done $0x0  }
0xe3: {  	[sflag:s28] =	ssyncadd.s32 $0xFFFFE0C0  }
0xe4: {  	_ =	swait.ge [sflag:s29], $0x1F40  }
0xe5: {  	[sflag:s29] =	ssyncset.done $0x0  }
0xe6: {  	[sflag:s29] =	ssyncadd.s32 $0xFFFFE0C0  }
0xe7: {  	_ =	swait.ge [sflag:s30], $0x1F40  }
0xe8: {  	[sflag:s30] =	ssyncset.done $0x0  }
0xe9: {  	[sflag:s30] =	ssyncadd.s32 $0xFFFFE0C0  }
0xea: {  	_ =	swait.ge [sflag:s31], $0x1F40  }
0xeb: {  	[sflag:s31] =	ssyncset.done $0x0  }
0xec: {  	s13 =	sadd.s32 $0x2900, s9;
	[sflag:s31] =	ssyncadd.s32 $0xFFFFE0C0  }
0xed: {  	[spmem:s3] =	stream.indirect.scatter.add.f32 [tilespmem:s15], [sflag:$0x9], $0x40, s13, s14, $0xb8;
	[tilespmem:$0x1E740] =	vst v63  }
0xee: {  	s12 =	sadd.s32 $0x2980, s9  }
0xef: {  	[spmem:s3] =	stream.indirect.scatter.add.f32 [tilespmem:s16], [sflag:$0xA], $0x40, s12, s14, $0xb8;
	[tilespmem:$0x1E740] =	vst v63  }
0xf0: {  	s13 =	sadd.s32 $0x2A00, s9  }
0xf1: {  	[spmem:s3] =	stream.indirect.scatter.add.f32 [tilespmem:s17], [sflag:$0xB], $0x40, s13, s14, $0xb8;
	[tilespmem:$0x1E740] =	vst v63  }
0xf2: {  	s12 =	sadd.s32 $0x2A80, s9  }
0xf3: {  	[spmem:s3] =	stream.indirect.scatter.add.f32 [tilespmem:s18], [sflag:$0xC], $0x40, s12, s14, $0xb8;
	[tilespmem:$0x1E740] =	vst v63  }
0xf4: {  	s13 =	sadd.s32 $0x2B00, s9  }
0xf5: {  	[spmem:s3] =	stream.indirect.scatter.add.f32 [tilespmem:s19], [sflag:$0xD], $0x40, s13, s14, $0xb8;
	[tilespmem:$0x1E740] =	vst v63  }
0xf6: {  	s12 =	sadd.s32 $0x2B80, s9  }
0xf7: {  	[spmem:s3] =	stream.indirect.scatter.add.f32 [tilespmem:s20], [sflag:$0xE], $0x40, s12, s14, $0xb8;
	[tilespmem:$0x1E740] =	vst v63  }
0xf8: {  	s13 =	sadd.s32 $0x2C00, s9  }
0xf9: {  	[spmem:s3] =	stream.indirect.scatter.add.f32 [tilespmem:s21], [sflag:$0xF], $0x40, s13, s14, $0xb8;
	[tilespmem:$0x1E740] =	vst v63  }
0xfa: {  	s9 =	sadd.s32 $0x2C80, s9  }
0xfb: {  	[spmem:s3] =	stream.indirect.scatter.add.f32 [tilespmem:s22], [sflag:$0x10], $0x40, s9, s14, $0xb8;
	[tilespmem:$0x1E740] =	vst v63  }
0xfc: {  	_ =	swait.ge [sflag:s1], $0x1F40  }
0xfd: {  	[sflag:s1] =	ssyncset.done $0x0  }
0xfe: {  	[sflag:s1] =	ssyncadd.s32 $0xFFFFE0C0  }
0xff: {  	_ =	swait.ge [sflag:s2], $0x1F40  }
0x100: {  	[sflag:s2] =	ssyncset.done $0x0  }
0x101: {  	[sflag:s2] =	ssyncadd.s32 $0xFFFFE0C0  }
0x102: {  	_ =	swait.ge [sflag:s11], $0x1F40  }
0x103: {  	[sflag:s11] =	ssyncset.done $0x0  }
0x104: {  	[sflag:s11] =	ssyncadd.s32 $0xFFFFE0C0  }
0x105: {  	_ =	swait.ge [sflag:s4], $0x1F40  }
0x106: {  	[sflag:s4] =	ssyncset.done $0x0  }
0x107: {  	[sflag:s4] =	ssyncadd.s32 $0xFFFFE0C0  }
0x108: {  	_ =	swait.ge [sflag:s5], $0x1F40  }
0x109: {  	[sflag:s5] =	ssyncset.done $0x0  }
0x10a: {  	[sflag:s5] =	ssyncadd.s32 $0xFFFFE0C0  }
0x10b: {  	_ =	swait.ge [sflag:s6], $0x1F40  }
0x10c: {  	[sflag:s6] =	ssyncset.done $0x0  }
0x10d: {  	[sflag:s6] =	ssyncadd.s32 $0xFFFFE0C0  }
0x10e: {  	_ =	swait.ge [sflag:s7], $0x1F40  }
0x10f: {  	[sflag:s7] =	ssyncset.done $0x0  }
0x110: {  	[sflag:s7] =	ssyncadd.s32 $0xFFFFE0C0  }
0x111: {  	_ =	swait.ge [sflag:s8], $0x1F40  }
0x112: {  	[sflag:s8] =	ssyncset.done $0x0  }
0x113: {  	[sflag:s8] =	ssyncadd.s32 $0xFFFFE0C0  }
0x114: {  	[bflag:$0x0] =	sbarrier.arrive $0xFFFF  }
0x115: {  	s12 =	rddreg [dreg:$0x8]  }
0x116: {  	s10 =	rddreg [dreg:$0xa]  }
0x117: {  	s13 =	rddreg [dreg:$0xb]  }
0x118: {  	[hbm:s12], [sflag:s10] =	dma.local [spmem:s13], $0x1388  }
0x119: {  	s12 =	simm.s32 $0x11  }
0x11a: {  	_ =	swait.ge [sflag:s12], $0x1388  }
0x11b: {  	s13 =	rddreg [dreg:$0xc]  }
0x11c: {  	s10 =	rddreg [dreg:$0x9];
	s13 =	sadd.s32 $0x1, s13  }
0x11d: {  	p0 =	sne.s32 s13, s10  }
.Ltmp1:
0x11e: {  	_ = 	snop;
	(pc) =	sbr.rel @p0 .LBB2_1-.Ltmp1, $3  }
0x11f: {  	_ =	sdelay $0x1  }
0x120: {  	[sflag:s12] =	ssyncset.done $0x0  }
0x121: {  	[sflag:s12] =	ssyncadd.s32 $0xFFFFEC78;
	[dreg:$0xc] =	wrdreg s13  }
0x122: {  	_ =	sfence.sel $0x180000  }
0x123: {  	[bflag:$0x0] =	sbarrier.arrive $0xFFFF  }
0x124: {  	_ =	strace $0x90000047  }
0x125: {  	s0 =	stileid.u32;
	[bflag:$0x2] =	sbarrier.arrive $0xFFFF  }
0x126: {  	p0 =	sne.s32 s0, $0x0;
	s0 =	rddreg [dreg:$0x4]  }
0x127: {  	s0 =	sadd.s32 @!p0 $0x100000, s0  }
0x128: {  	[sflag:s0] =	ssyncadd.tile.s32 @!p0 $0x1;
	_ =	shalt  }
.Lfunc_end2:
_tile_overlayer_lowered:
.L_overlay_start_2:
0x129: {  	(tag) =	ssettag $0x2  }
0x12a: {  	s0 =	rddreg [dreg:$0x0];
	s2 =	stileid.u32  }
0x12b: {  	s1 =	rddreg [dreg:$0x1];
	p0 =	sne.s32 s2, $0x0  }
0x12c: {  	s3 =	rddreg [dreg:$0x2];
	[bflag:$0x3] =	sbarrier.arrive $0xFFFF;
	s2 =	simm.s32 @!p0 $0x1C11  }
0x12d: {  	[timem:s3], [sflag:s2] =	dma.local @!p0 [hbm:s0], s1  }
0x12e: {  	s0 =	simm.s32 @!p0 $0x11  }
0x12f: {  	_ =	swait.ge @!p0 [sflag:s0], s1  }
0x130: {  	s1 =	ssub.s32 @!p0 $0x0, s1;
	[sflag:s0] =	ssyncset.done @!p0 $0x0  }
0x131: {  	[sflag:s0] =	ssyncadd.s32 @!p0 s1  }
0x132: {  	[bflag:$0x3] =	sbarrier.arrive $0xFFFF  }
0x133: {  	_ =	shalt  }

// kernel: kernel.18.cloned.1.call-start
scs
__scs_entry_jumppad:
0x0: {  	(pc) =	sbr.rel $0x88, $3  }
0x1: {  	(tag) =	ssettag $0x0;
	lr =	simm.s32 $0x1  }
0x2: {  	[smem:$0x3F85] =	sst lr;
	_ =	strace $0xD0000000  }
0x3: {  	_ = 	snop  }
0x4: {  	_ = 	snop  }
0x5: {  	_ = 	snop  }
0x6: {  	_ = 	snop  }
0x7: {  	_ = 	snop  }
__scs_overlays_trampoline_lowered:
0x8: {  	[smem:$0x3F94] =	sst s0  }
0x9: {  	[smem:$0x3F95] =	sst s1  }
0xa: {  	[smem:$0x3F96] =	sst s2  }
0xb: {  	[smem:$0x3F97] =	sst s3  }
0xc: {  	[smem:$0x3F98] =	sst s4  }
0xd: {  	[smem:$0x3F99] =	sst s5  }
0xe: {  	[smem:$0x3F9A] =	sst s6  }
0xf: {  	[smem:$0x3F9B] =	sst s7  }
0x10: {  	[smem:$0x3F9C] =	sst s8  }
0x11: {  	[smem:$0x3F9D] =	sst s9;
	s0 =	simm.s32 @!p0 $0x0  }
0x12: {  	s1 =	sld [smem:$0x3F83];
	s0 =	simm.s32 @p0 $0x1  }
0x13: {  	[smem:$0x3F9E] =	sst s0;
	s0 =	simm.s32 @!p1 $0x0  }
0x14: {  	s2 =	sld [smem:$0x3F82];
	s0 =	simm.s32 @p1 $0x1  }
0x15: {  	[smem:$0x3F9F] =	sst s0;
	s0 =	simm.s32 @!p2 $0x0  }
0x16: {  	s3 =	sld [smem:$0x3FDB];
	s0 =	simm.s32 @p2 $0x1  }
0x17: {  	s4 =	simm.s32 $0x1BF5;
	[smem:$0x3FA1] =	sst s0  }
0x18: {  	s0 =	sld [smem:$0x3F84];
	_ =	swait.ge [sflag:s4], $0x0  }
0x19: {  	s7 =	sld [smem:$0x3F85]  }
0x1a: {  	s8 =	sadd.s32 $0xFFFFE003, lr  }
0x1b: {  	s9 =	sadd.s32 $0xFFFFFEF7, lr;
	s5 =	simm.s32 $0xFFFFFFFF;
	p2 =	slt.u32 s8, $0xFFFFF086  }
0x1c: {  	p1 =	slt.u32 s9, $0xF7A;
	s5 =	simm.s32 @!p2 $0x0  }
0x1d: {  	s5 =	simm.s32 @p1 $0x1;
	p0 =	seq.s32 s7, s2  }
0x1e: {  	s7 =	smul.u32 @!p0 $0xF7A, s2;
	p2 =	seq.s32 @!p0 s5, $0x0  }
0x1f: {  	s9 =	smul.u32 $0xF7A, s1;
	s8 =	simm.s32 @!p0 $0x1BF5;
	p2 =	por !p2, p0  }
0x20: {  	[sflag:s8] =	ssyncset.s32 @!p0 $0xFFFFF086;
	s6 =	sadd.s32 @!p0 s3, s7;
	s7 =	simm.s32 @!p0 $0x108  }
0x21: {  	s3 =	sadd.s32 s3, s9;
	s6 =	sadd.s32 @!p0 $0x88, s6;
	s7 =	simm.s32 @p2 $0x1082  }
0x22: {  	[simem:s7], [sflag:s8] =	dma.local @!p0 [hbm:s6], $0xF7A  }
0x23: {  	s9 =	sor.u32 $0xD0000000, s2;
	s6 =	simm.s32 $0x108;
	_ =	swait.ge @!p0 [sflag:s8], $0x0  }
0x24: {  	s3 =	sadd.s32 $0x88, s3;
	s6 =	simm.s32 @!p1 $0x1082;
	[sflag:s4] =	ssyncset.s32 $0xFFFFF086  }
0x25: {  	[simem:s6], [sflag:s4] =	dma.local [hbm:s3], $0xF7A  }
0x26: {  	[smem:$0x3F85] =	sst s1;
	(tag) =	ssettag s2;
	_ =	strace s9  }
0x27: {  	s1 =	sld [smem:$0x3F95]  }
0x28: {  	s2 =	sld [smem:$0x3F96]  }
0x29: {  	s4 =	sld [smem:$0x3F98]  }
0x2a: {  	p0 =	seq.s32 s5, $0x0;
	s5 =	sld [smem:$0x3F99]  }
0x2b: {  	s6 =	sld [smem:$0x3F9A]  }
0x2c: {  	s7 =	sld [smem:$0x3F9B]  }
0x2d: {  	s3 =	simm.s32 $0x108;
	s8 =	sld [smem:$0x3F9C]  }
0x2e: {  	s3 =	simm.s32 @!p0 $0x1082;
	s9 =	sld [smem:$0x3F9D]  }
0x2f: {  	lr =	sadd.s32 s0, s3;
	s0 =	sld [smem:$0x3F94]  }
0x30: {  	s3 =	sld [smem:$0x3F97]  }
0x31: {  	[smem:$0x3FA0] =	sst s10  }
0x32: {  	s10 =	sld [smem:$0x3F9E];
	_ =	sdelay $0x3  }
0x33: {  	p0 =	seq.s32 s10, $0x1;
	s10 =	sld [smem:$0x3FA0];
	_ =	sdelay $0x3  }
0x34: {  	[smem:$0x3FA0] =	sst s10  }
0x35: {  	s10 =	sld [smem:$0x3F9F];
	_ =	sdelay $0x3  }
0x36: {  	p1 =	seq.s32 s10, $0x1;
	s10 =	sld [smem:$0x3FA0];
	_ =	sdelay $0x3  }
0x37: {  	[smem:$0x3FA0] =	sst s10  }
0x38: {  	s10 =	sld [smem:$0x3FA1]  }
0x39: {  	_ = 	snop;
	(pc) =	sbr.ind lr, $3  }
0x3a: {  	_ = 	snop  }
0x3b: {  	_ = 	snop  }
0x3c: {  	p2 =	seq.s32 s10, $0x1;
	s10 =	sld [smem:$0x3FA0]  }
0x3d: {  	_ =	shalt  }
0x3e: {  	_ =	shalt  }
0x3f: {  	_ =	shalt  }
0x40: {  	_ =	shalt  }
0x41: {  	_ =	shalt  }
0x42: {  	_ =	shalt  }
0x43: {  	_ =	shalt  }
0x44: {  	_ =	shalt  }
0x45: {  	_ =	shalt  }
0x46: {  	_ =	shalt  }
0x47: {  	_ =	shalt  }
0x48: {  	_ =	shalt  }
0x49: {  	_ =	shalt  }
0x4a: {  	_ =	shalt  }
0x4b: {  	_ =	shalt  }
0x4c: {  	_ =	shalt  }
0x4d: {  	_ =	shalt  }
0x4e: {  	_ =	shalt  }
0x4f: {  	_ =	shalt  }
0x50: {  	_ =	shalt  }
0x51: {  	_ =	shalt  }
0x52: {  	_ =	shalt  }
0x53: {  	_ =	shalt  }
0x54: {  	_ =	shalt  }
0x55: {  	_ =	shalt  }
0x56: {  	_ =	shalt  }
0x57: {  	_ =	shalt  }
0x58: {  	_ =	shalt  }
0x59: {  	_ =	shalt  }
0x5a: {  	_ =	shalt  }
0x5b: {  	_ =	shalt  }
0x5c: {  	_ =	shalt  }
0x5d: {  	_ =	shalt  }
0x5e: {  	_ =	shalt  }
0x5f: {  	_ =	shalt  }
0x60: {  	_ =	shalt  }
0x61: {  	_ =	shalt  }
0x62: {  	_ =	shalt  }
0x63: {  	_ =	shalt  }
0x64: {  	_ =	shalt  }
0x65: {  	_ =	shalt  }
0x66: {  	_ =	shalt  }
0x67: {  	_ =	shalt  }
0x68: {  	_ =	shalt  }
0x69: {  	_ =	shalt  }
0x6a: {  	_ =	shalt  }
0x6b: {  	_ =	shalt  }
0x6c: {  	_ =	shalt  }
0x6d: {  	_ =	shalt  }
0x6e: {  	_ =	shalt  }
0x6f: {  	_ =	shalt  }
0x70: {  	_ =	shalt  }
0x71: {  	_ =	shalt  }
0x72: {  	_ =	shalt  }
0x73: {  	_ =	shalt  }
0x74: {  	_ =	shalt  }
0x75: {  	_ =	shalt  }
0x76: {  	_ =	shalt  }
0x77: {  	_ =	shalt  }
0x78: {  	_ =	shalt  }
0x79: {  	_ =	shalt  }
0x7a: {  	_ =	shalt  }
0x7b: {  	_ =	shalt  }
0x7c: {  	_ =	shalt  }
0x7d: {  	_ =	shalt  }
0x7e: {  	_ =	shalt  }
0x7f: {  	_ =	shalt  }
0x80: {  	_ =	shalt  }
0x81: {  	_ =	shalt  }
0x82: {  	_ =	shalt  }
0x83: {  	_ =	shalt  }
0x84: {  	_ =	shalt  }
0x85: {  	_ =	shalt  }
0x86: {  	_ =	shalt  }
0x87: {  	_ =	shalt  }
.Lfunc_end0:
.L_simem_size_0:
called_computation.2_lowered:
.L_overlay_start_0:
0x88: {  	s2 =	sld [smem:$0x3FD9]  }
0x89: {  	s3 =	sld [smem:$0x3FFE];
	_ =	sdelay $0x1  }
0x8a: {  	s1 =	srdreg.scid  }
0x8b: {  	s0 =	sand.u32 $0x1, s1  }
0x8c: {  	s14 =	sshll.u32 s0, $0xA;
	s2 =	sadd.s32 s3, s2  }
0x8d: {  	s2 =	sadd.s32 s2, s14  }
0x8e: {  	[smem:$0x3FAC] =	sst s2  }
0x8f: {  	_ = 	snop  }
0x90: {  	s2 =	sld [smem:$0x3FD0];
	_ =	sdelay $0x2  }
0x91: {  	s15 =	simm.s32 $0xB;
	s4 =	simm.s32 $0x10  }
0x92: {  	[smem:s4], [sflag:s15] =	dma.local [hbm:s2], $0x1  }
0x93: {  	_ =	swait.eq [sflag:s15], $0x1  }
0x94: {  	[sflag:s15] =	ssyncset.done $0x0  }
0x95: {  	[sflag:s15] =	ssyncadd.s32 $0xFFFFFFFF  }
0x96: {  	s16 =	sld [smem:$0x10];
	(tm) =	ssettm $0x1  }
0x97: {  	s17 =	sld [smem:$0x3FFB];
	_ =	sdelay $0x3  }
0x98: {  	_ =	strace s17  }
0x99: {  	s3 =	sld [smem:$0x3FFC];
	_ =	sdelay $0x3  }
0x9a: {  	_ =	strace s3  }
0x9b: {  	s3 =	sld [smem:$0x3FFD];
	_ =	sdelay $0x3  }
0x9c: {  	_ =	strace s3  }
0x9d: {  	_ =	strace $0x8FFFFFFF  }
0x9e: {  	s18 =	sld [smem:$0x3FDB];
	_ =	sdelay $0x1  }
0x9f: {  	s19 =	simm.s32 $_scs_section_size  }
0xa0: {  	s5 =	simm.s32 $_size__tile_overlayer_lowered;
	s6 =	simm.s32 $_tile_overlayer_lowered  }
0xa1: {  	s22 =	simm.s32 $0x1BFF;
	s21 =	sshll.u32 s6, $0x1;
	s3 =	sadd.s32 s19, s18  }
0xa2: {  	s7 =	simm.s32 $0x0;
	s20 =	sshll.u32 s5, $0x1;
	s5 =	sadd.s32 s21, s3  }
0xa3: {  	[timem:s7], [sflag:s22] =	dma.local [hbm:s5], s20  }
0xa4: {  	_ =	swait.ge [sflag:s22], s20  }
0xa5: {  	s4 =	ssub.s32 $0x0, s20;
	[sflag:s22] =	ssyncset.done $0x0  }
0xa6: {  	[sflag:s22] =	ssyncadd.s32 s4;
	_ =	sdelay $0x1  }
0xa7: {  	s23 =	simm.s32 $0x1B8B  }
0xa8: {  	_ =	swait.ge [sflag:s23], $0x1  }
0xa9: {  	[sflag:s23] =	ssyncset.done $0x0  }
0xaa: {  	s25 =	simm.s32 $0x1B8E;
	s24 =	sld [smem:$0x3FFE];
	[sflag:s23] =	ssyncadd.s32 $0xFFFFFFFF  }
0xab: {  	s26 =	simm.s32 $execute0_lowered;
	[smem:$0x3FD2] =	sst s25  }
0xac: {  	s5 =	sshll.u32 s26, $0x1;
	_ =	strace $0x8000004C;
	[dreg:$0x1] =	wrdreg $0xFFFFFFFF  }
0xad: {  	s28 =	simm.s32 $_size_execute0_lowered;
	s3 =	sadd.s32 s3, s5;
	[dreg:$0x0] =	wrdreg $0x0  }
0xae: {  	s5 =	sshll.u32 s28, $0x1;
	[dreg:$0x2] =	wrdreg s3  }
0xaf: {  	[dreg:$0x3] =	wrdreg s5  }
0xb0: {  	[dreg:$0x4] =	wrdreg $0xC0  }
0xb1: {  	_ =	task [dreg:s7], $0x5FFFF  }
0xb2: {  	[dreg:$0x1] =	wrdreg $0xFFFFFFFF  }
0xb3: {  	[dreg:$0x0] =	wrdreg $0x60  }
0xb4: {  	[dreg:$0x2] =	wrdreg s16  }
0xb5: {  	[dreg:$0x3] =	wrdreg s24  }
0xb6: {  	[dreg:$0x4] =	wrdreg $0x14B000  }
0xb7: {  	[dreg:$0x5] =	wrdreg $0x9  }
0xb8: {  	_ =	task.clear_ibuf [dreg:s7], $0x6FFFF;
	_ =	strace $0x9000004C  }
0xb9: {  	s29 =	simm.s32 $0x9;
	_ =	strace $0x8000004E  }
0xba: {  	_ =	swait.ge [sflag:s29], $0x1  }
0xbb: {  	[sflag:s29] =	ssyncadd.s32 $0xFFFFFFFF  }
0xbc: {  	_ =	strace $0x9000004E  }
0xbd: {  	_ =	sfence  }
0xbe: {  	s30 =	sld [smem:$0x0];
	_ =	sdelay $0x2  }
0xbf: {  	s31 =	sshll.u32 s1, $0xD;
	s1 =	sshrl.u32 s1, $0x2  }
0xc0: {  	s3 =	sand.u32 $0x4000, s31;
	s1 =	sadd.s32 s1, s30  }
0xc1: {  	s0 =	sor.u32 s3, s0;
	s1 =	sshll.u32 s1, $0x11  }
0xc2: {  	s0 =	sor.u32 s1, s0  }
0xc3: {  	s0 =	sadd.s32 $0x8F2B, s0  }
0xc4: {  	[sflag:s0] =	ssyncadd.remote.s32 $0x1  }
0xc5: {  	_ =	sfence.sel $0xFFFF  }
0xc6: {  	[dreg:$0x0] =	wrdreg $0xFFFFFFFF;
	(pc) =	sbr.abs _section_cstart, $3  }
0xc7: {  	[dreg:$0x1] =	wrdreg $0xFFFFFFFF  }
0xc8: {  	_ =	task.clear_ibuf [dreg:s7], $0x2FFFF;
	_ =	strace $0x9FFFFFFF  }
0xc9: {  	(tm) =	ssettm $0x7FFFFFFF  }
tec
execute0_lowered:
.L_overlay_start_1:
0x0: {  	(tag) =	ssettag $0x1  }
0x1: {  	s2 =	rddreg [dreg:$0x0]  }
0x2: {  	s0 =	srdreg.scid;
	s4 =	rddreg [dreg:$0x1]  }
0x3: {  	s10 =	stileid.u32;
	s3 =	rddreg [dreg:$0x2];
	s7 =	simm.s32 $0x0  }
0x4: {  	s12 =	simm.s32 $0x11;
	s14 =	simm.s32 $0x7D;
	s15 =	simm.s32 $0x5100  }
0x5: {  	s16 =	simm.s32 $0x7040;
	s17 =	simm.s32 $0x8F80;
	s18 =	simm.s32 $0xAEC0  }
0x6: {  	s19 =	simm.s32 $0xCE00;
	s20 =	simm.s32 $0xED40;
	s21 =	simm.s32 $0x10C80  }
0x7: {  	s22 =	simm.s32 $0x12BC0;
	s28 =	simm.s32 $0x5;
	s29 =	simm.s32 $0x6  }
0x8: {  	s30 =	simm.s32 $0x7;
	s31 =	simm.s32 $0x8;
	s11 =	simm.s32 $0xB  }
0x9: {  	s0 =	sand.u32 $0x1, s0;
	s6 =	smul.u32 $0x9C40, s10;
	[smem:$0x7FF] =	sst s7  }
0xa: {  	s26 =	sshll.u32 s10, $0x6;
	s1 =	sshll.u32 s0, $0x4;
	s23 =	smul.u32 $0x9C400, s0  }
0xb: {  	_ =	strace $0x8000004D;
	s0 =	ssub.s32 $0x2, s0;
	s1 =	sor.u32 s10, s1  }
0xc: {  	s8 =	sshrl.u32 s6, $0x3;
	s9 =	sshrl.u32 s0, $0x1;
	s24 =	sadd.s32 s6, s3  }
0xd: {  	s10 =	sor.u32 $0x1C11, s26;
	s26 =	simm.s32 $0x4;
	s5 =	smul.u32 $0x520, s1  }
0xe: {  	s1 =	smul.u32 $0x500, s1;
	s7 =	sadd.s32 s6, s23;
	s8 =	sadd.s32 s8, s4  }
0xf: {  	s0 =	ssub.s32 s0, s9;
	s13 =	sshrl.u32 s24, $0x3;
	s23 =	simm.s32 $0x1  }
0x10: {  	s24 =	simm.s32 $0x2;
	s9 =	simm.s32 $0x0;
	[dreg:$0x9] =	wrdreg s10  }
0x11: {  	s6 =	simm.s32 $0xE;
	s7 =	sshrl.u32 s7, $0x3;
	[dreg:$0xb] =	wrdreg s9  }
0x12: {  	s25 =	sadd.s32 $0x18A00, s8;
	s0 =	smax.u32 s0, $0x1;
	[dreg:$0xa] =	wrdreg s13  }
0x13: {  	s8 =	simm.s32 $0x10;
	s5 =	sadd.s32 s5, s4;
	[dreg:$0x6] =	wrdreg s25  }
0x14: {  	s1 =	sadd.s32 s1, s4;
	[dreg:$0x8] =	wrdreg s0;
	s5 =	sadd.s32 $0xE600, s5  }
0x15: {  	s4 =	sadd.s32 s7, s4;
	s1 =	sadd.s32 $0x4600, s1;
	[dreg:$0x4] =	wrdreg s5  }
0x16: {  	s25 =	simm.s32 $0x3;
	s4 =	sadd.s32 $0x2C400, s4;
	[dreg:$0x5] =	wrdreg s1  }
0x17: {  	s0 =	simm.s32 $0xA;
	s7 =	simm.s32 $0xF;
	[dreg:$0x7] =	wrdreg s4  }
0x18: {  	s1 =	simm.s32 $0x9;
	s4 =	simm.s32 $0xC;
	s5 =	simm.s32 $0xD  }
.LBB2_1:
0x19: {  	s9 =	simm.s32 $0x0;
	s10 =	rddreg [dreg:$0x4]  }
0x1a: {  	[tilespmem:s9], [sflag:$0x11] =	stream.linear.gather [hbm4b:s10+s9], $0x2900, $0x38;
	[tilespmem:$0x1E740] =	vst v63  }
0x1b: {  	_ =	swait.ge [sflag:s12], $0x2900  }
0x1c: {  	[sflag:s12] =	ssyncset.done $0x0  }
0x1d: {  	s13 =	simm.s32 $0x2900;
	s10 =	rddreg [dreg:$0x5];
	[sflag:s12] =	ssyncadd.s32 $0xFFFFD700  }
0x1e: {  	[tilespmem:s13], [sflag:$0x11] =	stream.linear.gather [hbm4b:s10+s9], $0x2800, $0x38;
	[tilespmem:$0x1E740] =	vst v63  }
0x1f: {  	_ =	swait.ge [sflag:s12], $0x2800  }
0x20: {  	s9 =	rddreg [dreg:$0x6]  }
0x21: {  	[sflag:s12] =	ssyncset.done $0x0;
	s10 =	rddreg [dreg:$0x9]  }
0x22: {  	s13 =	rddreg [dreg:$0xa];
	[sflag:s12] =	ssyncadd.s32 $0xFFFFD800  }
0x23: {  	[spmem:s13], [sflag:s10] =	dma.local [hbm:s9], $0x1388  }
0x24: {  	_ =	swait.ge [sflag:s12], $0x1388  }
0x25: {  	[sflag:s12] =	ssyncset.done $0x0  }
0x26: {  	[sflag:s12] =	ssyncadd.s32 $0xFFFFEC78  }
0x27: {  	s13 =	simm.s32 $0x0;
	[bflag:$0x0] =	sbarrier.arrive $0xFFFF  }
0x28: {  	[tilespmem:s15], [sflag:$0x1] =	stream.indirect.gather [hbm4b:s2+s14], $0x40, s13, s14, $0xb8;
	[tilespmem:$0x1E740] =	vst v63  }
0x29: {  	s10 =	simm.s32 $0x80  }
0x2a: {  	[tilespmem:s16], [sflag:$0x2] =	stream.indirect.gather [hbm4b:s2+s14], $0x40, s10, s14, $0xb8;
	[tilespmem:$0x1E740] =	vst v63  }
0x2b: {  	s12 =	simm.s32 $0x100  }
0x2c: {  	[tilespmem:s17], [sflag:$0x3] =	stream.indirect.gather [hbm4b:s2+s14], $0x40, s12, s14, $0xb8;
	[tilespmem:$0x1E740] =	vst v63  }
0x2d: {  	s13 =	simm.s32 $0x180  }
0x2e: {  	[tilespmem:s18], [sflag:$0x4] =	stream.indirect.gather [hbm4b:s2+s14], $0x40, s13, s14, $0xb8;
	[tilespmem:$0x1E740] =	vst v63  }
0x2f: {  	s10 =	simm.s32 $0x200  }
0x30: {  	[tilespmem:s19], [sflag:$0x5] =	stream.indirect.gather [hbm4b:s2+s14], $0x40, s10, s14, $0xb8;
	[tilespmem:$0x1E740] =	vst v63  }
0x31: {  	s12 =	simm.s32 $0x280  }
0x32: {  	[tilespmem:s20], [sflag:$0x6] =	stream.indirect.gather [hbm4b:s2+s14], $0x40, s12, s14, $0xb8;
	[tilespmem:$0x1E740] =	vst v63  }
0x33: {  	s13 =	simm.s32 $0x300  }
0x34: {  	[tilespmem:s21], [sflag:$0x7] =	stream.indirect.gather [hbm4b:s2+s14], $0x40, s13, s14, $0xb8;
	[tilespmem:$0x1E740] =	vst v63  }
0x35: {  	s10 =	simm.s32 $0x380  }
0x36: {  	[tilespmem:s22], [sflag:$0x8] =	stream.indirect.gather [hbm4b:s2+s14], $0x40, s10, s14, $0xb8;
	[tilespmem:$0x1E740] =	vst v63  }
0x37: {  	_ =	swait.ge [sflag:s23], $0x1F40  }
0x38: {  	[sflag:s23] =	ssyncset.done $0x0  }
0x39: {  	[sflag:s23] =	ssyncadd.s32 $0xFFFFE0C0  }
0x3a: {  	_ =	swait.ge [sflag:s24], $0x1F40  }
0x3b: {  	[sflag:s24] =	ssyncset.done $0x0  }
0x3c: {  	[sflag:s24] =	ssyncadd.s32 $0xFFFFE0C0  }
0x3d: {  	_ =	swait.ge [sflag:s25], $0x1F40  }
0x3e: {  	[sflag:s25] =	ssyncset.done $0x0  }
0x3f: {  	[sflag:s25] =	ssyncadd.s32 $0xFFFFE0C0  }
0x40: {  	_ =	swait.ge [sflag:s26], $0x1F40  }
0x41: {  	[sflag:s26] =	ssyncset.done $0x0  }
0x42: {  	[sflag:s26] =	ssyncadd.s32 $0xFFFFE0C0  }
0x43: {  	_ =	swait.ge [sflag:s28], $0x1F40  }
0x44: {  	[sflag:s28] =	ssyncset.done $0x0  }
0x45: {  	[sflag:s28] =	ssyncadd.s32 $0xFFFFE0C0  }
0x46: {  	_ =	swait.ge [sflag:s29], $0x1F40  }
0x47: {  	[sflag:s29] =	ssyncset.done $0x0  }
0x48: {  	[sflag:s29] =	ssyncadd.s32 $0xFFFFE0C0  }
0x49: {  	_ =	swait.ge [sflag:s30], $0x1F40  }
0x4a: {  	[sflag:s30] =	ssyncset.done $0x0  }
0x4b: {  	[sflag:s30] =	ssyncadd.s32 $0xFFFFE0C0  }
0x4c: {  	_ =	swait.ge [sflag:s31], $0x1F40  }
0x4d: {  	[sflag:s31] =	ssyncset.done $0x0  }
0x4e: {  	s12 =	simm.s32 $0x2900;
	[sflag:s31] =	ssyncadd.s32 $0xFFFFE0C0  }
0x4f: {  	[spmem:s3] =	stream.indirect.scatter.add.f32 [tilespmem:s15], [sflag:$0x9], $0x40, s12, s14, $0xb8;
	[tilespmem:$0x1E740] =	vst v63  }
0x50: {  	s13 =	simm.s32 $0x2980  }
0x51: {  	[spmem:s3] =	stream.indirect.scatter.add.f32 [tilespmem:s16], [sflag:$0xA], $0x40, s13, s14, $0xb8;
	[tilespmem:$0x1E740] =	vst v63  }
0x52: {  	s10 =	simm.s32 $0x2A00  }
0x53: {  	[spmem:s3] =	stream.indirect.scatter.add.f32 [tilespmem:s17], [sflag:$0xB], $0x40, s10, s14, $0xb8;
	[tilespmem:$0x1E740] =	vst v63  }
0x54: {  	s12 =	simm.s32 $0x2A80  }
0x55: {  	[spmem:s3] =	stream.indirect.scatter.add.f32 [tilespmem:s18], [sflag:$0xC], $0x40, s12, s14, $0xb8;
	[tilespmem:$0x1E740] =	vst v63  }
0x56: {  	s13 =	simm.s32 $0x2B00  }
0x57: {  	[spmem:s3] =	stream.indirect.scatter.add.f32 [tilespmem:s19], [sflag:$0xD], $0x40, s13, s14, $0xb8;
	[tilespmem:$0x1E740] =	vst v63  }
0x58: {  	s10 =	simm.s32 $0x2B80  }
0x59: {  	[spmem:s3] =	stream.indirect.scatter.add.f32 [tilespmem:s20], [sflag:$0xE], $0x40, s10, s14, $0xb8;
	[tilespmem:$0x1E740] =	vst v63  }
0x5a: {  	s12 =	simm.s32 $0x2C00  }
0x5b: {  	[spmem:s3] =	stream.indirect.scatter.add.f32 [tilespmem:s21], [sflag:$0xF], $0x40, s12, s14, $0xb8;
	[tilespmem:$0x1E740] =	vst v63  }
0x5c: {  	s13 =	simm.s32 $0x2C80  }
0x5d: {  	[spmem:s3] =	stream.indirect.scatter.add.f32 [tilespmem:s22], [sflag:$0x10], $0x40, s13, s14, $0xb8;
	[tilespmem:$0x1E740] =	vst v63  }
0x5e: {  	_ =	swait.ge [sflag:s1], $0x1F40  }
0x5f: {  	[sflag:s1] =	ssyncset.done $0x0  }
0x60: {  	[sflag:s1] =	ssyncadd.s32 $0xFFFFE0C0  }
0x61: {  	_ =	swait.ge [sflag:s0], $0x1F40  }
0x62: {  	[sflag:s0] =	ssyncset.done $0x0  }
0x63: {  	[sflag:s0] =	ssyncadd.s32 $0xFFFFE0C0  }
0x64: {  	_ =	swait.ge [sflag:s11], $0x1F40  }
0x65: {  	[sflag:s11] =	ssyncset.done $0x0  }
0x66: {  	[sflag:s11] =	ssyncadd.s32 $0xFFFFE0C0  }
0x67: {  	_ =	swait.ge [sflag:s4], $0x1F40  }
0x68: {  	[sflag:s4] =	ssyncset.done $0x0  }
0x69: {  	[sflag:s4] =	ssyncadd.s32 $0xFFFFE0C0  }
0x6a: {  	_ =	swait.ge [sflag:s5], $0x1F40  }
0x6b: {  	[sflag:s5] =	ssyncset.done $0x0  }
0x6c: {  	[sflag:s5] =	ssyncadd.s32 $0xFFFFE0C0  }
0x6d: {  	_ =	swait.ge [sflag:s6], $0x1F40  }
0x6e: {  	[sflag:s6] =	ssyncset.done $0x0  }
0x6f: {  	[sflag:s6] =	ssyncadd.s32 $0xFFFFE0C0  }
0x70: {  	_ =	swait.ge [sflag:s7], $0x1F40  }
0x71: {  	[sflag:s7] =	ssyncset.done $0x0  }
0x72: {  	[sflag:s7] =	ssyncadd.s32 $0xFFFFE0C0  }
0x73: {  	_ =	swait.ge [sflag:s8], $0x1F40  }
0x74: {  	s12 =	simm.s32 $0x1000;
	s13 =	simm.s32 $0x2000;
	[sflag:s8] =	ssyncset.done $0x0  }
.LBB2_2:
0x75: {  	s10 =	sshra.s32 s12, $0x2  }
0x76: {  	[sflag:s8] =	ssyncadd.s32 $0xFFFFE0C0;
	s12 =	smov.u32 s13;
	s9 =	sadd.s32 $0x1000, s13  }
0x77: {  	[tilespmem:s15], [sflag:$0x1] =	stream.indirect.gather [hbm4b:s2+s14], $0x40, s10, s14, $0xb8;
	[tilespmem:$0x1E740] =	vst v63  }
0x78: {  	p0 =	sne.s32 s13, $0x9000;
	s13 =	sadd.s32 $0x80, s10  }
0x79: {  	[tilespmem:s16], [sflag:$0x2] =	stream.indirect.gather [hbm4b:s2+s14], $0x40, s13, s14, $0xb8;
	[tilespmem:$0x1E740] =	vst v63  }
0x7a: {  	s13 =	sadd.s32 $0x100, s10  }
0x7b: {  	[tilespmem:s17], [sflag:$0x3] =	stream.indirect.gather [hbm4b:s2+s14], $0x40, s13, s14, $0xb8;
	[tilespmem:$0x1E740] =	vst v63  }
0x7c: {  	s13 =	sadd.s32 $0x180, s10  }
0x7d: {  	[tilespmem:s18], [sflag:$0x4] =	stream.indirect.gather [hbm4b:s2+s14], $0x40, s13, s14, $0xb8;
	[tilespmem:$0x1E740] =	vst v63  }
0x7e: {  	s13 =	sadd.s32 $0x200, s10  }
0x7f: {  	[tilespmem:s19], [sflag:$0x5] =	stream.indirect.gather [hbm4b:s2+s14], $0x40, s13, s14, $0xb8;
	[tilespmem:$0x1E740] =	vst v63  }
0x80: {  	s13 =	sadd.s32 $0x280, s10  }
0x81: {  	[tilespmem:s20], [sflag:$0x6] =	stream.indirect.gather [hbm4b:s2+s14], $0x40, s13, s14, $0xb8;
	[tilespmem:$0x1E740] =	vst v63  }
0x82: {  	s13 =	sadd.s32 $0x300, s10  }
0x83: {  	[tilespmem:s21], [sflag:$0x7] =	stream.indirect.gather [hbm4b:s2+s14], $0x40, s13, s14, $0xb8;
	[tilespmem:$0x1E740] =	vst v63  }
0x84: {  	s13 =	sadd.s32 $0x380, s10  }
0x85: {  	[tilespmem:s22], [sflag:$0x8] =	stream.indirect.gather [hbm4b:s2+s14], $0x40, s13, s14, $0xb8;
	[tilespmem:$0x1E740] =	vst v63  }
0x86: {  	_ =	swait.ge [sflag:s23], $0x1F40  }
0x87: {  	[sflag:s23] =	ssyncset.done $0x0  }
0x88: {  	[sflag:s23] =	ssyncadd.s32 $0xFFFFE0C0  }
0x89: {  	_ =	swait.ge [sflag:s24], $0x1F40  }
0x8a: {  	[sflag:s24] =	ssyncset.done $0x0  }
0x8b: {  	[sflag:s24] =	ssyncadd.s32 $0xFFFFE0C0  }
0x8c: {  	_ =	swait.ge [sflag:s25], $0x1F40  }
0x8d: {  	[sflag:s25] =	ssyncset.done $0x0  }
0x8e: {  	[sflag:s25] =	ssyncadd.s32 $0xFFFFE0C0  }
0x8f: {  	_ =	swait.ge [sflag:s26], $0x1F40  }
0x90: {  	[sflag:s26] =	ssyncset.done $0x0  }
0x91: {  	[sflag:s26] =	ssyncadd.s32 $0xFFFFE0C0  }
0x92: {  	_ =	swait.ge [sflag:s28], $0x1F40  }
0x93: {  	[sflag:s28] =	ssyncset.done $0x0  }
0x94: {  	[sflag:s28] =	ssyncadd.s32 $0xFFFFE0C0  }
0x95: {  	_ =	swait.ge [sflag:s29], $0x1F40  }
0x96: {  	[sflag:s29] =	ssyncset.done $0x0  }
0x97: {  	[sflag:s29] =	ssyncadd.s32 $0xFFFFE0C0  }
0x98: {  	_ =	swait.ge [sflag:s30], $0x1F40  }
0x99: {  	[sflag:s30] =	ssyncset.done $0x0  }
0x9a: {  	[sflag:s30] =	ssyncadd.s32 $0xFFFFE0C0  }
0x9b: {  	_ =	swait.ge [sflag:s31], $0x1F40  }
0x9c: {  	[sflag:s31] =	ssyncset.done $0x0  }
0x9d: {  	s13 =	sadd.s32 $0x2900, s10;
	[sflag:s31] =	ssyncadd.s32 $0xFFFFE0C0  }
0x9e: {  	[spmem:s3] =	stream.indirect.scatter.add.f32 [tilespmem:s15], [sflag:$0x9], $0x40, s13, s14, $0xb8;
	[tilespmem:$0x1E740] =	vst v63  }
0x9f: {  	s13 =	sadd.s32 $0x2980, s10  }
0xa0: {  	[spmem:s3] =	stream.indirect.scatter.add.f32 [tilespmem:s16], [sflag:$0xA], $0x40, s13, s14, $0xb8;
	[tilespmem:$0x1E740] =	vst v63  }
0xa1: {  	s13 =	sadd.s32 $0x2A00, s10  }
0xa2: {  	[spmem:s3] =	stream.indirect.scatter.add.f32 [tilespmem:s17], [sflag:$0xB], $0x40, s13, s14, $0xb8;
	[tilespmem:$0x1E740] =	vst v63  }
0xa3: {  	s13 =	sadd.s32 $0x2A80, s10  }
0xa4: {  	[spmem:s3] =	stream.indirect.scatter.add.f32 [tilespmem:s18], [sflag:$0xC], $0x40, s13, s14, $0xb8;
	[tilespmem:$0x1E740] =	vst v63  }
0xa5: {  	s13 =	sadd.s32 $0x2B00, s10  }
0xa6: {  	[spmem:s3] =	stream.indirect.scatter.add.f32 [tilespmem:s19], [sflag:$0xD], $0x40, s13, s14, $0xb8;
	[tilespmem:$0x1E740] =	vst v63  }
0xa7: {  	s13 =	sadd.s32 $0x2B80, s10  }
0xa8: {  	[spmem:s3] =	stream.indirect.scatter.add.f32 [tilespmem:s20], [sflag:$0xE], $0x40, s13, s14, $0xb8;
	[tilespmem:$0x1E740] =	vst v63  }
0xa9: {  	s13 =	sadd.s32 $0x2C00, s10  }
0xaa: {  	[spmem:s3] =	stream.indirect.scatter.add.f32 [tilespmem:s21], [sflag:$0xF], $0x40, s13, s14, $0xb8;
	[tilespmem:$0x1E740] =	vst v63  }
0xab: {  	s10 =	sadd.s32 $0x2C80, s10  }
0xac: {  	[spmem:s3] =	stream.indirect.scatter.add.f32 [tilespmem:s22], [sflag:$0x10], $0x40, s10, s14, $0xb8;
	[tilespmem:$0x1E740] =	vst v63  }
0xad: {  	_ =	swait.ge [sflag:s1], $0x1F40  }
0xae: {  	[sflag:s1] =	ssyncset.done $0x0  }
0xaf: {  	[sflag:s1] =	ssyncadd.s32 $0xFFFFE0C0  }
0xb0: {  	_ =	swait.ge [sflag:s0], $0x1F40  }
0xb1: {  	[sflag:s0] =	ssyncset.done $0x0  }
0xb2: {  	[sflag:s0] =	ssyncadd.s32 $0xFFFFE0C0  }
0xb3: {  	_ =	swait.ge [sflag:s11], $0x1F40  }
0xb4: {  	[sflag:s11] =	ssyncset.done $0x0  }
0xb5: {  	[sflag:s11] =	ssyncadd.s32 $0xFFFFE0C0  }
0xb6: {  	_ =	swait.ge [sflag:s4], $0x1F40  }
0xb7: {  	[sflag:s4] =	ssyncset.done $0x0  }
0xb8: {  	[sflag:s4] =	ssyncadd.s32 $0xFFFFE0C0  }
0xb9: {  	_ =	swait.ge [sflag:s5], $0x1F40  }
0xba: {  	[sflag:s5] =	ssyncset.done $0x0  }
0xbb: {  	[sflag:s5] =	ssyncadd.s32 $0xFFFFE0C0  }
0xbc: {  	_ =	swait.ge [sflag:s6], $0x1F40  }
0xbd: {  	[sflag:s6] =	ssyncset.done $0x0  }
0xbe: {  	[sflag:s6] =	ssyncadd.s32 $0xFFFFE0C0  }
.Ltmp0:
0xbf: {  	_ =	swait.ge [sflag:s7], $0x1F40;
	(pc) =	sbr.rel @p0 .LBB2_2-.Ltmp0, $4  }
0xc0: {  	[sflag:s7] =	ssyncset.done $0x0  }
0xc1: {  	[sflag:s7] =	ssyncadd.s32 $0xFFFFE0C0  }
0xc2: {  	_ =	swait.ge [sflag:s8], $0x1F40  }
0xc3: {  	s13 =	smov.u32 s9;
	[sflag:s8] =	ssyncset.done $0x0  }
0xc4: {  	s9 =	sshra.s32 s12, $0x2;
	[sflag:s8] =	ssyncadd.s32 $0xFFFFE0C0  }
0xc5: {  	[tilespmem:s15], [sflag:$0x1] =	stream.indirect.gather [hbm4b:s2+s14], $0x40, s9, s14, $0xb8;
	[tilespmem:$0x1E740] =	vst v63  }
0xc6: {  	s10 =	sadd.s32 $0x80, s9  }
0xc7: {  	[tilespmem:s16], [sflag:$0x2] =	stream.indirect.gather [hbm4b:s2+s14], $0x40, s10, s14, $0xb8;
	[tilespmem:$0x1E740] =	vst v63  }
0xc8: {  	s13 =	sadd.s32 $0x100, s9  }
0xc9: {  	[tilespmem:s17], [sflag:$0x3] =	stream.indirect.gather [hbm4b:s2+s14], $0x40, s13, s14, $0xb8;
	[tilespmem:$0x1E740] =	vst v63  }
0xca: {  	s12 =	sadd.s32 $0x180, s9  }
0xcb: {  	[tilespmem:s18], [sflag:$0x4] =	stream.indirect.gather [hbm4b:s2+s14], $0x40, s12, s14, $0xb8;
	[tilespmem:$0x1E740] =	vst v63  }
0xcc: {  	s13 =	sadd.s32 $0x200, s9  }
0xcd: {  	[tilespmem:s19], [sflag:$0x5] =	stream.indirect.gather [hbm4b:s2+s14], $0x40, s13, s14, $0xb8;
	[tilespmem:$0x1E740] =	vst v63  }
0xce: {  	s12 =	sadd.s32 $0x280, s9  }
0xcf: {  	[tilespmem:s20], [sflag:$0x6] =	stream.indirect.gather [hbm4b:s2+s14], $0x40, s12, s14, $0xb8;
	[tilespmem:$0x1E740] =	vst v63  }
0xd0: {  	s13 =	sadd.s32 $0x300, s9  }
0xd1: {  	[tilespmem:s21], [sflag:$0x7] =	stream.indirect.gather [hbm4b:s2+s14], $0x40, s13, s14, $0xb8;
	[tilespmem:$0x1E740] =	vst v63  }
0xd2: {  	s12 =	sadd.s32 $0x380, s9  }
0xd3: {  	[tilespmem:s22], [sflag:$0x8] =	stream.indirect.gather [hbm4b:s2+s14], $0x40, s12, s14, $0xb8;
	[tilespmem:$0x1E740] =	vst v63  }
0xd4: {  	_ =	swait.ge [sflag:s23], $0x1F40  }
0xd5: {  	[sflag:s23] =	ssyncset.done $0x0  }
0xd6: {  	[sflag:s23] =	ssyncadd.s32 $0xFFFFE0C0  }
0xd7: {  	_ =	swait.ge [sflag:s24], $0x1F40  }
0xd8: {  	[sflag:s24] =	ssyncset.done $0x0  }
0xd9: {  	[sflag:s24] =	ssyncadd.s32 $0xFFFFE0C0  }
0xda: {  	_ =	swait.ge [sflag:s25], $0x1F40  }
0xdb: {  	[sflag:s25] =	ssyncset.done $0x0  }
0xdc: {  	[sflag:s25] =	ssyncadd.s32 $0xFFFFE0C0  }
0xdd: {  	_ =	swait.ge [sflag:s26], $0x1F40  }
0xde: {  	[sflag:s26] =	ssyncset.done $0x0  }
0xdf: {  	[sflag:s26] =	ssyncadd.s32 $0xFFFFE0C0  }
0xe0: {  	_ =	swait.ge [sflag:s28], $0x1F40  }
0xe1: {  	[sflag:s28] =	ssyncset.done $0x0  }
0xe2: {  	[sflag:s28] =	ssyncadd.s32 $0xFFFFE0C0  }
0xe3: {  	_ =	swait.ge [sflag:s29], $0x1F40  }
0xe4: {  	[sflag:s29] =	ssyncset.done $0x0  }
0xe5: {  	[sflag:s29] =	ssyncadd.s32 $0xFFFFE0C0  }
0xe6: {  	_ =	swait.ge [sflag:s30], $0x1F40  }
0xe7: {  	[sflag:s30] =	ssyncset.done $0x0  }
0xe8: {  	[sflag:s30] =	ssyncadd.s32 $0xFFFFE0C0  }
0xe9: {  	_ =	swait.ge [sflag:s31], $0x1F40  }
0xea: {  	[sflag:s31] =	ssyncset.done $0x0  }
0xeb: {  	s13 =	sadd.s32 $0x2900, s9;
	[sflag:s31] =	ssyncadd.s32 $0xFFFFE0C0  }
0xec: {  	[spmem:s3] =	stream.indirect.scatter.add.f32 [tilespmem:s15], [sflag:$0x9], $0x40, s13, s14, $0xb8;
	[tilespmem:$0x1E740] =	vst v63  }
0xed: {  	s12 =	sadd.s32 $0x2980, s9  }
0xee: {  	[spmem:s3] =	stream.indirect.scatter.add.f32 [tilespmem:s16], [sflag:$0xA], $0x40, s12, s14, $0xb8;
	[tilespmem:$0x1E740] =	vst v63  }
0xef: {  	s13 =	sadd.s32 $0x2A00, s9  }
0xf0: {  	[spmem:s3] =	stream.indirect.scatter.add.f32 [tilespmem:s17], [sflag:$0xB], $0x40, s13, s14, $0xb8;
	[tilespmem:$0x1E740] =	vst v63  }
0xf1: {  	s12 =	sadd.s32 $0x2A80, s9  }
0xf2: {  	[spmem:s3] =	stream.indirect.scatter.add.f32 [tilespmem:s18], [sflag:$0xC], $0x40, s12, s14, $0xb8;
	[tilespmem:$0x1E740] =	vst v63  }
0xf3: {  	s13 =	sadd.s32 $0x2B00, s9  }
0xf4: {  	[spmem:s3] =	stream.indirect.scatter.add.f32 [tilespmem:s19], [sflag:$0xD], $0x40, s13, s14, $0xb8;
	[tilespmem:$0x1E740] =	vst v63  }
0xf5: {  	s12 =	sadd.s32 $0x2B80, s9  }
0xf6: {  	[spmem:s3] =	stream.indirect.scatter.add.f32 [tilespmem:s20], [sflag:$0xE], $0x40, s12, s14, $0xb8;
	[tilespmem:$0x1E740] =	vst v63  }
0xf7: {  	s13 =	sadd.s32 $0x2C00, s9  }
0xf8: {  	[spmem:s3] =	stream.indirect.scatter.add.f32 [tilespmem:s21], [sflag:$0xF], $0x40, s13, s14, $0xb8;
	[tilespmem:$0x1E740] =	vst v63  }
0xf9: {  	s9 =	sadd.s32 $0x2C80, s9  }
0xfa: {  	[spmem:s3] =	stream.indirect.scatter.add.f32 [tilespmem:s22], [sflag:$0x10], $0x40, s9, s14, $0xb8;
	[tilespmem:$0x1E740] =	vst v63  }
0xfb: {  	_ =	swait.ge [sflag:s1], $0x1F40  }
0xfc: {  	[sflag:s1] =	ssyncset.done $0x0  }
0xfd: {  	[sflag:s1] =	ssyncadd.s32 $0xFFFFE0C0  }
0xfe: {  	_ =	swait.ge [sflag:s0], $0x1F40  }
0xff: {  	[sflag:s0] =	ssyncset.done $0x0  }
0x100: {  	[sflag:s0] =	ssyncadd.s32 $0xFFFFE0C0  }
0x101: {  	_ =	swait.ge [sflag:s11], $0x1F40  }
0x102: {  	[sflag:s11] =	ssyncset.done $0x0  }
0x103: {  	[sflag:s11] =	ssyncadd.s32 $0xFFFFE0C0  }
0x104: {  	_ =	swait.ge [sflag:s4], $0x1F40  }
0x105: {  	[sflag:s4] =	ssyncset.done $0x0  }
0x106: {  	[sflag:s4] =	ssyncadd.s32 $0xFFFFE0C0  }
0x107: {  	_ =	swait.ge [sflag:s5], $0x1F40  }
0x108: {  	[sflag:s5] =	ssyncset.done $0x0  }
0x109: {  	[sflag:s5] =	ssyncadd.s32 $0xFFFFE0C0  }
0x10a: {  	_ =	swait.ge [sflag:s6], $0x1F40  }
0x10b: {  	[sflag:s6] =	ssyncset.done $0x0  }
0x10c: {  	[sflag:s6] =	ssyncadd.s32 $0xFFFFE0C0  }
0x10d: {  	_ =	swait.ge [sflag:s7], $0x1F40  }
0x10e: {  	[sflag:s7] =	ssyncset.done $0x0  }
0x10f: {  	[sflag:s7] =	ssyncadd.s32 $0xFFFFE0C0  }
0x110: {  	_ =	swait.ge [sflag:s8], $0x1F40  }
0x111: {  	[sflag:s8] =	ssyncset.done $0x0  }
0x112: {  	[sflag:s8] =	ssyncadd.s32 $0xFFFFE0C0  }
0x113: {  	[bflag:$0x0] =	sbarrier.arrive $0xFFFF  }
0x114: {  	s12 =	rddreg [dreg:$0x7]  }
0x115: {  	s10 =	rddreg [dreg:$0x9]  }
0x116: {  	s13 =	rddreg [dreg:$0xa]  }
0x117: {  	[hbm:s12], [sflag:s10] =	dma.local [spmem:s13], $0x1388  }
0x118: {  	s12 =	simm.s32 $0x11  }
0x119: {  	_ =	swait.ge [sflag:s12], $0x1388  }
0x11a: {  	s13 =	rddreg [dreg:$0xb]  }
0x11b: {  	s10 =	rddreg [dreg:$0x8];
	s13 =	sadd.s32 $0x1, s13  }
0x11c: {  	p0 =	sne.s32 s13, s10  }
.Ltmp1:
0x11d: {  	_ = 	snop;
	(pc) =	sbr.rel @p0 .LBB2_1-.Ltmp1, $3  }
0x11e: {  	_ =	sdelay $0x1  }
0x11f: {  	[sflag:s12] =	ssyncset.done $0x0  }
0x120: {  	[sflag:s12] =	ssyncadd.s32 $0xFFFFEC78;
	[dreg:$0xb] =	wrdreg s13  }
0x121: {  	_ =	sfence.sel $0x180000  }
0x122: {  	[bflag:$0x0] =	sbarrier.arrive $0xFFFF  }
0x123: {  	_ =	strace $0x9000004D  }
0x124: {  	s0 =	stileid.u32;
	[bflag:$0x2] =	sbarrier.arrive $0xFFFF  }
0x125: {  	p0 =	sne.s32 s0, $0x0;
	s0 =	rddreg [dreg:$0x3]  }
0x126: {  	s0 =	sadd.s32 @!p0 $0x100000, s0  }
0x127: {  	[sflag:s0] =	ssyncadd.tile.s32 @!p0 $0x1;
	_ =	shalt  }
.Lfunc_end2:
_tile_overlayer_lowered:
.L_overlay_start_2:
0x128: {  	(tag) =	ssettag $0x2  }
0x129: {  	s0 =	rddreg [dreg:$0x0];
	s2 =	stileid.u32  }
0x12a: {  	s1 =	rddreg [dreg:$0x1];
	p0 =	sne.s32 s2, $0x0  }
0x12b: {  	s3 =	rddreg [dreg:$0x2];
	[bflag:$0x3] =	sbarrier.arrive $0xFFFF;
	s2 =	simm.s32 @!p0 $0x1C11  }
0x12c: {  	[timem:s3], [sflag:s2] =	dma.local @!p0 [hbm:s0], s1  }
0x12d: {  	s0 =	simm.s32 @!p0 $0x11  }
0x12e: {  	_ =	swait.ge @!p0 [sflag:s0], s1  }
0x12f: {  	s1 =	ssub.s32 @!p0 $0x0, s1;
	[sflag:s0] =	ssyncset.done @!p0 $0x0  }
0x130: {  	[sflag:s0] =	ssyncadd.s32 @!p0 s1  }
0x131: {  	[bflag:$0x3] =	sbarrier.arrive $0xFFFF  }
0x132: {  	_ =	shalt  }

// kernel: kernel.21.cloned.1.call-start
scs
__scs_entry_jumppad:
0x0: {  	(pc) =	sbr.rel $0x88, $3  }
0x1: {  	(tag) =	ssettag $0x0;
	lr =	simm.s32 $0x1  }
0x2: {  	[smem:$0x3F85] =	sst lr;
	_ =	strace $0xD0000000  }
0x3: {  	_ = 	snop  }
0x4: {  	_ = 	snop  }
0x5: {  	_ = 	snop  }
0x6: {  	_ = 	snop  }
0x7: {  	_ = 	snop  }
__scs_overlays_trampoline_lowered:
0x8: {  	[smem:$0x3F94] =	sst s0  }
0x9: {  	[smem:$0x3F95] =	sst s1  }
0xa: {  	[smem:$0x3F96] =	sst s2  }
0xb: {  	[smem:$0x3F97] =	sst s3  }
0xc: {  	[smem:$0x3F98] =	sst s4  }
0xd: {  	[smem:$0x3F99] =	sst s5  }
0xe: {  	[smem:$0x3F9A] =	sst s6  }
0xf: {  	[smem:$0x3F9B] =	sst s7  }
0x10: {  	[smem:$0x3F9C] =	sst s8  }
0x11: {  	[smem:$0x3F9D] =	sst s9;
	s0 =	simm.s32 @!p0 $0x0  }
0x12: {  	s1 =	sld [smem:$0x3F83];
	s0 =	simm.s32 @p0 $0x1  }
0x13: {  	[smem:$0x3F9E] =	sst s0;
	s0 =	simm.s32 @!p1 $0x0  }
0x14: {  	s2 =	sld [smem:$0x3F82];
	s0 =	simm.s32 @p1 $0x1  }
0x15: {  	[smem:$0x3F9F] =	sst s0;
	s0 =	simm.s32 @!p2 $0x0  }
0x16: {  	s3 =	sld [smem:$0x3FDB];
	s0 =	simm.s32 @p2 $0x1  }
0x17: {  	s4 =	simm.s32 $0x1BF5;
	[smem:$0x3FA1] =	sst s0  }
0x18: {  	s0 =	sld [smem:$0x3F84];
	_ =	swait.ge [sflag:s4], $0x0  }
0x19: {  	s7 =	sld [smem:$0x3F85]  }
0x1a: {  	s8 =	sadd.s32 $0xFFFFE003, lr  }
0x1b: {  	s9 =	sadd.s32 $0xFFFFFEF7, lr;
	s5 =	simm.s32 $0xFFFFFFFF;
	p2 =	slt.u32 s8, $0xFFFFF086  }
0x1c: {  	p1 =	slt.u32 s9, $0xF7A;
	s5 =	simm.s32 @!p2 $0x0  }
0x1d: {  	s5 =	simm.s32 @p1 $0x1;
	p0 =	seq.s32 s7, s2  }
0x1e: {  	s7 =	smul.u32 @!p0 $0xF7A, s2;
	p2 =	seq.s32 @!p0 s5, $0x0  }
0x1f: {  	s9 =	smul.u32 $0xF7A, s1;
	s8 =	simm.s32 @!p0 $0x1BF5;
	p2 =	por !p2, p0  }
0x20: {  	[sflag:s8] =	ssyncset.s32 @!p0 $0xFFFFF086;
	s6 =	sadd.s32 @!p0 s3, s7;
	s7 =	simm.s32 @!p0 $0x108  }
0x21: {  	s3 =	sadd.s32 s3, s9;
	s6 =	sadd.s32 @!p0 $0x88, s6;
	s7 =	simm.s32 @p2 $0x1082  }
0x22: {  	[simem:s7], [sflag:s8] =	dma.local @!p0 [hbm:s6], $0xF7A  }
0x23: {  	s9 =	sor.u32 $0xD0000000, s2;
	s6 =	simm.s32 $0x108;
	_ =	swait.ge @!p0 [sflag:s8], $0x0  }
0x24: {  	s3 =	sadd.s32 $0x88, s3;
	s6 =	simm.s32 @!p1 $0x1082;
	[sflag:s4] =	ssyncset.s32 $0xFFFFF086  }
0x25: {  	[simem:s6], [sflag:s4] =	dma.local [hbm:s3], $0xF7A  }
0x26: {  	[smem:$0x3F85] =	sst s1;
	(tag) =	ssettag s2;
	_ =	strace s9  }
0x27: {  	s1 =	sld [smem:$0x3F95]  }
0x28: {  	s2 =	sld [smem:$0x3F96]  }
0x29: {  	s4 =	sld [smem:$0x3F98]  }
0x2a: {  	p0 =	seq.s32 s5, $0x0;
	s5 =	sld [smem:$0x3F99]  }
0x2b: {  	s6 =	sld [smem:$0x3F9A]  }
0x2c: {  	s7 =	sld [smem:$0x3F9B]  }
0x2d: {  	s3 =	simm.s32 $0x108;
	s8 =	sld [smem:$0x3F9C]  }
0x2e: {  	s3 =	simm.s32 @!p0 $0x1082;
	s9 =	sld [smem:$0x3F9D]  }
0x2f: {  	lr =	sadd.s32 s0, s3;
	s0 =	sld [smem:$0x3F94]  }
0x30: {  	s3 =	sld [smem:$0x3F97]  }
0x31: {  	[smem:$0x3FA0] =	sst s10  }
0x32: {  	s10 =	sld [smem:$0x3F9E];
	_ =	sdelay $0x3  }
0x33: {  	p0 =	seq.s32 s10, $0x1;
	s10 =	sld [smem:$0x3FA0];
	_ =	sdelay $0x3  }
0x34: {  	[smem:$0x3FA0] =	sst s10  }
0x35: {  	s10 =	sld [smem:$0x3F9F];
	_ =	sdelay $0x3  }
0x36: {  	p1 =	seq.s32 s10, $0x1;
	s10 =	sld [smem:$0x3FA0];
	_ =	sdelay $0x3  }
0x37: {  	[smem:$0x3FA0] =	sst s10  }
0x38: {  	s10 =	sld [smem:$0x3FA1]  }
0x39: {  	_ = 	snop;
	(pc) =	sbr.ind lr, $3  }
0x3a: {  	_ = 	snop  }
0x3b: {  	_ = 	snop  }
0x3c: {  	p2 =	seq.s32 s10, $0x1;
	s10 =	sld [smem:$0x3FA0]  }
0x3d: {  	_ =	shalt  }
0x3e: {  	_ =	shalt  }
0x3f: {  	_ =	shalt  }
0x40: {  	_ =	shalt  }
0x41: {  	_ =	shalt  }
0x42: {  	_ =	shalt  }
0x43: {  	_ =	shalt  }
0x44: {  	_ =	shalt  }
0x45: {  	_ =	shalt  }
0x46: {  	_ =	shalt  }
0x47: {  	_ =	shalt  }
0x48: {  	_ =	shalt  }
0x49: {  	_ =	shalt  }
0x4a: {  	_ =	shalt  }
0x4b: {  	_ =	shalt  }
0x4c: {  	_ =	shalt  }
0x4d: {  	_ =	shalt  }
0x4e: {  	_ =	shalt  }
0x4f: {  	_ =	shalt  }
0x50: {  	_ =	shalt  }
0x51: {  	_ =	shalt  }
0x52: {  	_ =	shalt  }
0x53: {  	_ =	shalt  }
0x54: {  	_ =	shalt  }
0x55: {  	_ =	shalt  }
0x56: {  	_ =	shalt  }
0x57: {  	_ =	shalt  }
0x58: {  	_ =	shalt  }
0x59: {  	_ =	shalt  }
0x5a: {  	_ =	shalt  }
0x5b: {  	_ =	shalt  }
0x5c: {  	_ =	shalt  }
0x5d: {  	_ =	shalt  }
0x5e: {  	_ =	shalt  }
0x5f: {  	_ =	shalt  }
0x60: {  	_ =	shalt  }
0x61: {  	_ =	shalt  }
0x62: {  	_ =	shalt  }
0x63: {  	_ =	shalt  }
0x64: {  	_ =	shalt  }
0x65: {  	_ =	shalt  }
0x66: {  	_ =	shalt  }
0x67: {  	_ =	shalt  }
0x68: {  	_ =	shalt  }
0x69: {  	_ =	shalt  }
0x6a: {  	_ =	shalt  }
0x6b: {  	_ =	shalt  }
0x6c: {  	_ =	shalt  }
0x6d: {  	_ =	shalt  }
0x6e: {  	_ =	shalt  }
0x6f: {  	_ =	shalt  }
0x70: {  	_ =	shalt  }
0x71: {  	_ =	shalt  }
0x72: {  	_ =	shalt  }
0x73: {  	_ =	shalt  }
0x74: {  	_ =	shalt  }
0x75: {  	_ =	shalt  }
0x76: {  	_ =	shalt  }
0x77: {  	_ =	shalt  }
0x78: {  	_ =	shalt  }
0x79: {  	_ =	shalt  }
0x7a: {  	_ =	shalt  }
0x7b: {  	_ =	shalt  }
0x7c: {  	_ =	shalt  }
0x7d: {  	_ =	shalt  }
0x7e: {  	_ =	shalt  }
0x7f: {  	_ =	shalt  }
0x80: {  	_ =	shalt  }
0x81: {  	_ =	shalt  }
0x82: {  	_ =	shalt  }
0x83: {  	_ =	shalt  }
0x84: {  	_ =	shalt  }
0x85: {  	_ =	shalt  }
0x86: {  	_ =	shalt  }
0x87: {  	_ =	shalt  }
.Lfunc_end0:
.L_simem_size_0:
called_computation.3_lowered:
.L_overlay_start_0:
0x88: {  	s2 =	sld [smem:$0x3FD9]  }
0x89: {  	s3 =	sld [smem:$0x3FFE];
	_ =	sdelay $0x1  }
0x8a: {  	s1 =	srdreg.scid  }
0x8b: {  	s0 =	sand.u32 $0x1, s1  }
0x8c: {  	s14 =	sshll.u32 s0, $0xA;
	s2 =	sadd.s32 s3, s2  }
0x8d: {  	s2 =	sadd.s32 s2, s14  }
0x8e: {  	[smem:$0x3FAC] =	sst s2  }
0x8f: {  	_ = 	snop  }
0x90: {  	s2 =	sld [smem:$0x3FD0];
	_ =	sdelay $0x2  }
0x91: {  	s15 =	simm.s32 $0xB;
	s4 =	simm.s32 $0x10  }
0x92: {  	[smem:s4], [sflag:s15] =	dma.local [hbm:s2], $0x1  }
0x93: {  	_ =	swait.eq [sflag:s15], $0x1  }
0x94: {  	[sflag:s15] =	ssyncset.done $0x0  }
0x95: {  	[sflag:s15] =	ssyncadd.s32 $0xFFFFFFFF  }
0x96: {  	s16 =	sld [smem:$0x10];
	(tm) =	ssettm $0x1  }
0x97: {  	s17 =	sld [smem:$0x3FFB];
	_ =	sdelay $0x3  }
0x98: {  	_ =	strace s17  }
0x99: {  	s3 =	sld [smem:$0x3FFC];
	_ =	sdelay $0x3  }
0x9a: {  	_ =	strace s3  }
0x9b: {  	s3 =	sld [smem:$0x3FFD];
	_ =	sdelay $0x3  }
0x9c: {  	_ =	strace s3  }
0x9d: {  	_ =	strace $0x8FFFFFFF  }
0x9e: {  	s18 =	sld [smem:$0x3FDB];
	_ =	sdelay $0x1  }
0x9f: {  	s19 =	simm.s32 $_scs_section_size  }
0xa0: {  	s5 =	simm.s32 $_size__tile_overlayer_lowered;
	s6 =	simm.s32 $_tile_overlayer_lowered  }
0xa1: {  	s22 =	simm.s32 $0x1BFF;
	s21 =	sshll.u32 s6, $0x1;
	s3 =	sadd.s32 s19, s18  }
0xa2: {  	s7 =	simm.s32 $0x0;
	s20 =	sshll.u32 s5, $0x1;
	s5 =	sadd.s32 s21, s3  }
0xa3: {  	[timem:s7], [sflag:s22] =	dma.local [hbm:s5], s20  }
0xa4: {  	_ =	swait.ge [sflag:s22], s20  }
0xa5: {  	s4 =	ssub.s32 $0x0, s20;
	[sflag:s22] =	ssyncset.done $0x0  }
0xa6: {  	[sflag:s22] =	ssyncadd.s32 s4;
	_ =	sdelay $0x1  }
0xa7: {  	s23 =	simm.s32 $0x1B8B  }
0xa8: {  	_ =	swait.ge [sflag:s23], $0x1  }
0xa9: {  	[sflag:s23] =	ssyncset.done $0x0  }
0xaa: {  	s25 =	simm.s32 $0x1B8E;
	s24 =	sld [smem:$0x3FFE];
	[sflag:s23] =	ssyncadd.s32 $0xFFFFFFFF  }
0xab: {  	s26 =	simm.s32 $execute0_lowered;
	[smem:$0x3FD2] =	sst s25  }
0xac: {  	s5 =	sshll.u32 s26, $0x1;
	_ =	strace $0x8000004F;
	[dreg:$0x1] =	wrdreg $0xFFFFFFFF  }
0xad: {  	s28 =	simm.s32 $_size_execute0_lowered;
	s3 =	sadd.s32 s3, s5;
	[dreg:$0x0] =	wrdreg $0x0  }
0xae: {  	s5 =	sshll.u32 s28, $0x1;
	[dreg:$0x2] =	wrdreg s3  }
0xaf: {  	[dreg:$0x3] =	wrdreg s5  }
0xb0: {  	[dreg:$0x4] =	wrdreg $0xC0  }
0xb1: {  	_ =	task [dreg:s7], $0x5FFFF  }
0xb2: {  	[dreg:$0x1] =	wrdreg $0xFFFFFFFF  }
0xb3: {  	[dreg:$0x0] =	wrdreg $0x60  }
0xb4: {  	[dreg:$0x2] =	wrdreg s16  }
0xb5: {  	[dreg:$0x3] =	wrdreg s24  }
0xb6: {  	[dreg:$0x4] =	wrdreg $0x14B000  }
0xb7: {  	[dreg:$0x5] =	wrdreg $0x9  }
0xb8: {  	_ =	task.clear_ibuf [dreg:s7], $0x6FFFF;
	_ =	strace $0x9000004F  }
0xb9: {  	s29 =	simm.s32 $0x9;
	_ =	strace $0x80000051  }
0xba: {  	_ =	swait.ge [sflag:s29], $0x1  }
0xbb: {  	[sflag:s29] =	ssyncadd.s32 $0xFFFFFFFF  }
0xbc: {  	_ =	strace $0x90000051  }
0xbd: {  	_ =	sfence  }
0xbe: {  	s30 =	sld [smem:$0x0];
	_ =	sdelay $0x2  }
0xbf: {  	s31 =	sshll.u32 s1, $0xD;
	s1 =	sshrl.u32 s1, $0x2  }
0xc0: {  	s3 =	sand.u32 $0x4000, s31;
	s1 =	sadd.s32 s1, s30  }
0xc1: {  	s0 =	sor.u32 s3, s0;
	s1 =	sshll.u32 s1, $0x11  }
0xc2: {  	s0 =	sor.u32 s1, s0  }
0xc3: {  	s0 =	sadd.s32 $0x8F2B, s0  }
0xc4: {  	[sflag:s0] =	ssyncadd.remote.s32 $0x1  }
0xc5: {  	_ =	sfence.sel $0xFFFF  }
0xc6: {  	[dreg:$0x0] =	wrdreg $0xFFFFFFFF;
	(pc) =	sbr.abs _section_cstart, $3  }
0xc7: {  	[dreg:$0x1] =	wrdreg $0xFFFFFFFF  }
0xc8: {  	_ =	task.clear_ibuf [dreg:s7], $0x2FFFF;
	_ =	strace $0x9FFFFFFF  }
0xc9: {  	(tm) =	ssettm $0x7FFFFFFF  }
tec
execute0_lowered:
.L_overlay_start_1:
0x0: {  	(tag) =	ssettag $0x1  }
0x1: {  	s2 =	rddreg [dreg:$0x0]  }
0x2: {  	s0 =	srdreg.scid;
	s4 =	rddreg [dreg:$0x1]  }
0x3: {  	s10 =	stileid.u32;
	s3 =	rddreg [dreg:$0x2];
	s7 =	simm.s32 $0x0  }
0x4: {  	s12 =	simm.s32 $0x11;
	s14 =	simm.s32 $0x7D;
	s15 =	simm.s32 $0x5100  }
0x5: {  	s16 =	simm.s32 $0x7040;
	s17 =	simm.s32 $0x8F80;
	s18 =	simm.s32 $0xAEC0  }
0x6: {  	s19 =	simm.s32 $0xCE00;
	s20 =	simm.s32 $0xED40;
	s21 =	simm.s32 $0x10C80  }
0x7: {  	s22 =	simm.s32 $0x12BC0;
	s28 =	simm.s32 $0x5;
	s29 =	simm.s32 $0x6  }
0x8: {  	s30 =	simm.s32 $0x7;
	s31 =	simm.s32 $0x8;
	s11 =	simm.s32 $0xB  }
0x9: {  	s0 =	sand.u32 $0x1, s0;
	s6 =	smul.u32 $0x9C40, s10;
	[smem:$0x7FF] =	sst s7  }
0xa: {  	s26 =	sshll.u32 s10, $0x6;
	s1 =	sshll.u32 s0, $0x4;
	s23 =	smul.u32 $0x9C400, s0  }
0xb: {  	_ =	strace $0x80000050;
	s0 =	ssub.s32 $0x2, s0;
	s1 =	sor.u32 s10, s1  }
0xc: {  	s8 =	sshrl.u32 s6, $0x3;
	s9 =	sshrl.u32 s0, $0x1;
	s24 =	sadd.s32 s6, s3  }
0xd: {  	s10 =	sor.u32 $0x1C11, s26;
	s26 =	simm.s32 $0x4;
	s5 =	smul.u32 $0x520, s1  }
0xe: {  	s1 =	smul.u32 $0x500, s1;
	s7 =	sadd.s32 s6, s23;
	s8 =	sadd.s32 s8, s4  }
0xf: {  	s0 =	ssub.s32 s0, s9;
	s13 =	sshrl.u32 s24, $0x3;
	s23 =	simm.s32 $0x1  }
0x10: {  	s24 =	simm.s32 $0x2;
	s9 =	simm.s32 $0x0;
	[dreg:$0x9] =	wrdreg s10  }
0x11: {  	s6 =	simm.s32 $0xE;
	s7 =	sshrl.u32 s7, $0x3;
	[dreg:$0xb] =	wrdreg s9  }
0x12: {  	s25 =	sadd.s32 $0x18A00, s8;
	s0 =	smax.u32 s0, $0x1;
	[dreg:$0xa] =	wrdreg s13  }
0x13: {  	s8 =	simm.s32 $0x10;
	s5 =	sadd.s32 s5, s4;
	[dreg:$0x6] =	wrdreg s25  }
0x14: {  	s1 =	sadd.s32 s1, s4;
	[dreg:$0x8] =	wrdreg s0;
	s5 =	sadd.s32 $0xE600, s5  }
0x15: {  	s4 =	sadd.s32 s7, s4;
	s1 =	sadd.s32 $0x4600, s1;
	[dreg:$0x4] =	wrdreg s5  }
0x16: {  	s25 =	simm.s32 $0x3;
	s4 =	sadd.s32 $0x2C400, s4;
	[dreg:$0x5] =	wrdreg s1  }
0x17: {  	s0 =	simm.s32 $0xA;
	s7 =	simm.s32 $0xF;
	[dreg:$0x7] =	wrdreg s4  }
0x18: {  	s1 =	simm.s32 $0x9;
	s4 =	simm.s32 $0xC;
	s5 =	simm.s32 $0xD  }
.LBB2_1:
0x19: {  	s9 =	simm.s32 $0x0;
	s10 =	rddreg [dreg:$0x4]  }
0x1a: {  	[tilespmem:s9], [sflag:$0x11] =	stream.linear.gather [hbm4b:s10+s9], $0x2900, $0x38;
	[tilespmem:$0x1E740] =	vst v63  }
0x1b: {  	_ =	swait.ge [sflag:s12], $0x2900  }
0x1c: {  	[sflag:s12] =	ssyncset.done $0x0  }
0x1d: {  	s13 =	simm.s32 $0x2900;
	s10 =	rddreg [dreg:$0x5];
	[sflag:s12] =	ssyncadd.s32 $0xFFFFD700  }
0x1e: {  	[tilespmem:s13], [sflag:$0x11] =	stream.linear.gather [hbm4b:s10+s9], $0x2800, $0x38;
	[tilespmem:$0x1E740] =	vst v63  }
0x1f: {  	_ =	swait.ge [sflag:s12], $0x2800  }
0x20: {  	s9 =	rddreg [dreg:$0x6]  }
0x21: {  	[sflag:s12] =	ssyncset.done $0x0;
	s10 =	rddreg [dreg:$0x9]  }
0x22: {  	s13 =	rddreg [dreg:$0xa];
	[sflag:s12] =	ssyncadd.s32 $0xFFFFD800  }
0x23: {  	[spmem:s13], [sflag:s10] =	dma.local [hbm:s9], $0x1388  }
0x24: {  	_ =	swait.ge [sflag:s12], $0x1388  }
0x25: {  	[sflag:s12] =	ssyncset.done $0x0  }
0x26: {  	[sflag:s12] =	ssyncadd.s32 $0xFFFFEC78  }
0x27: {  	s13 =	simm.s32 $0x0;
	[bflag:$0x0] =	sbarrier.arrive $0xFFFF  }
0x28: {  	[tilespmem:s15], [sflag:$0x1] =	stream.indirect.gather [hbm4b:s2+s14], $0x40, s13, s14, $0xb8;
	[tilespmem:$0x1E740] =	vst v63  }
0x29: {  	s10 =	simm.s32 $0x80  }
0x2a: {  	[tilespmem:s16], [sflag:$0x2] =	stream.indirect.gather [hbm4b:s2+s14], $0x40, s10, s14, $0xb8;
	[tilespmem:$0x1E740] =	vst v63  }
0x2b: {  	s12 =	simm.s32 $0x100  }
0x2c: {  	[tilespmem:s17], [sflag:$0x3] =	stream.indirect.gather [hbm4b:s2+s14], $0x40, s12, s14, $0xb8;
	[tilespmem:$0x1E740] =	vst v63  }
0x2d: {  	s13 =	simm.s32 $0x180  }
0x2e: {  	[tilespmem:s18], [sflag:$0x4] =	stream.indirect.gather [hbm4b:s2+s14], $0x40, s13, s14, $0xb8;
	[tilespmem:$0x1E740] =	vst v63  }
0x2f: {  	s10 =	simm.s32 $0x200  }
0x30: {  	[tilespmem:s19], [sflag:$0x5] =	stream.indirect.gather [hbm4b:s2+s14], $0x40, s10, s14, $0xb8;
	[tilespmem:$0x1E740] =	vst v63  }
0x31: {  	s12 =	simm.s32 $0x280  }
0x32: {  	[tilespmem:s20], [sflag:$0x6] =	stream.indirect.gather [hbm4b:s2+s14], $0x40, s12, s14, $0xb8;
	[tilespmem:$0x1E740] =	vst v63  }
0x33: {  	s13 =	simm.s32 $0x300  }
0x34: {  	[tilespmem:s21], [sflag:$0x7] =	stream.indirect.gather [hbm4b:s2+s14], $0x40, s13, s14, $0xb8;
	[tilespmem:$0x1E740] =	vst v63  }
0x35: {  	s10 =	simm.s32 $0x380  }
0x36: {  	[tilespmem:s22], [sflag:$0x8] =	stream.indirect.gather [hbm4b:s2+s14], $0x40, s10, s14, $0xb8;
	[tilespmem:$0x1E740] =	vst v63  }
0x37: {  	_ =	swait.ge [sflag:s23], $0x1F40  }
0x38: {  	[sflag:s23] =	ssyncset.done $0x0  }
0x39: {  	[sflag:s23] =	ssyncadd.s32 $0xFFFFE0C0  }
0x3a: {  	_ =	swait.ge [sflag:s24], $0x1F40  }
0x3b: {  	[sflag:s24] =	ssyncset.done $0x0  }
0x3c: {  	[sflag:s24] =	ssyncadd.s32 $0xFFFFE0C0  }
0x3d: {  	_ =	swait.ge [sflag:s25], $0x1F40  }
0x3e: {  	[sflag:s25] =	ssyncset.done $0x0  }
0x3f: {  	[sflag:s25] =	ssyncadd.s32 $0xFFFFE0C0  }
0x40: {  	_ =	swait.ge [sflag:s26], $0x1F40  }
0x41: {  	[sflag:s26] =	ssyncset.done $0x0  }
0x42: {  	[sflag:s26] =	ssyncadd.s32 $0xFFFFE0C0  }
0x43: {  	_ =	swait.ge [sflag:s28], $0x1F40  }
0x44: {  	[sflag:s28] =	ssyncset.done $0x0  }
0x45: {  	[sflag:s28] =	ssyncadd.s32 $0xFFFFE0C0  }
0x46: {  	_ =	swait.ge [sflag:s29], $0x1F40  }
0x47: {  	[sflag:s29] =	ssyncset.done $0x0  }
0x48: {  	[sflag:s29] =	ssyncadd.s32 $0xFFFFE0C0  }
0x49: {  	_ =	swait.ge [sflag:s30], $0x1F40  }
0x4a: {  	[sflag:s30] =	ssyncset.done $0x0  }
0x4b: {  	[sflag:s30] =	ssyncadd.s32 $0xFFFFE0C0  }
0x4c: {  	_ =	swait.ge [sflag:s31], $0x1F40  }
0x4d: {  	[sflag:s31] =	ssyncset.done $0x0  }
0x4e: {  	s12 =	simm.s32 $0x2900;
	[sflag:s31] =	ssyncadd.s32 $0xFFFFE0C0  }
0x4f: {  	[spmem:s3] =	stream.indirect.scatter.add.f32 [tilespmem:s15], [sflag:$0x9], $0x40, s12, s14, $0xb8;
	[tilespmem:$0x1E740] =	vst v63  }
0x50: {  	s13 =	simm.s32 $0x2980  }
0x51: {  	[spmem:s3] =	stream.indirect.scatter.add.f32 [tilespmem:s16], [sflag:$0xA], $0x40, s13, s14, $0xb8;
	[tilespmem:$0x1E740] =	vst v63  }
0x52: {  	s10 =	simm.s32 $0x2A00  }
0x53: {  	[spmem:s3] =	stream.indirect.scatter.add.f32 [tilespmem:s17], [sflag:$0xB], $0x40, s10, s14, $0xb8;
	[tilespmem:$0x1E740] =	vst v63  }
0x54: {  	s12 =	simm.s32 $0x2A80  }
0x55: {  	[spmem:s3] =	stream.indirect.scatter.add.f32 [tilespmem:s18], [sflag:$0xC], $0x40, s12, s14, $0xb8;
	[tilespmem:$0x1E740] =	vst v63  }
0x56: {  	s13 =	simm.s32 $0x2B00  }
0x57: {  	[spmem:s3] =	stream.indirect.scatter.add.f32 [tilespmem:s19], [sflag:$0xD], $0x40, s13, s14, $0xb8;
	[tilespmem:$0x1E740] =	vst v63  }
0x58: {  	s10 =	simm.s32 $0x2B80  }
0x59: {  	[spmem:s3] =	stream.indirect.scatter.add.f32 [tilespmem:s20], [sflag:$0xE], $0x40, s10, s14, $0xb8;
	[tilespmem:$0x1E740] =	vst v63  }
0x5a: {  	s12 =	simm.s32 $0x2C00  }
0x5b: {  	[spmem:s3] =	stream.indirect.scatter.add.f32 [tilespmem:s21], [sflag:$0xF], $0x40, s12, s14, $0xb8;
	[tilespmem:$0x1E740] =	vst v63  }
0x5c: {  	s13 =	simm.s32 $0x2C80  }
0x5d: {  	[spmem:s3] =	stream.indirect.scatter.add.f32 [tilespmem:s22], [sflag:$0x10], $0x40, s13, s14, $0xb8;
	[tilespmem:$0x1E740] =	vst v63  }
0x5e: {  	_ =	swait.ge [sflag:s1], $0x1F40  }
0x5f: {  	[sflag:s1] =	ssyncset.done $0x0  }
0x60: {  	[sflag:s1] =	ssyncadd.s32 $0xFFFFE0C0  }
0x61: {  	_ =	swait.ge [sflag:s0], $0x1F40  }
0x62: {  	[sflag:s0] =	ssyncset.done $0x0  }
0x63: {  	[sflag:s0] =	ssyncadd.s32 $0xFFFFE0C0  }
0x64: {  	_ =	swait.ge [sflag:s11], $0x1F40  }
0x65: {  	[sflag:s11] =	ssyncset.done $0x0  }
0x66: {  	[sflag:s11] =	ssyncadd.s32 $0xFFFFE0C0  }
0x67: {  	_ =	swait.ge [sflag:s4], $0x1F40  }
0x68: {  	[sflag:s4] =	ssyncset.done $0x0  }
0x69: {  	[sflag:s4] =	ssyncadd.s32 $0xFFFFE0C0  }
0x6a: {  	_ =	swait.ge [sflag:s5], $0x1F40  }
0x6b: {  	[sflag:s5] =	ssyncset.done $0x0  }
0x6c: {  	[sflag:s5] =	ssyncadd.s32 $0xFFFFE0C0  }
0x6d: {  	_ =	swait.ge [sflag:s6], $0x1F40  }
0x6e: {  	[sflag:s6] =	ssyncset.done $0x0  }
0x6f: {  	[sflag:s6] =	ssyncadd.s32 $0xFFFFE0C0  }
0x70: {  	_ =	swait.ge [sflag:s7], $0x1F40  }
0x71: {  	[sflag:s7] =	ssyncset.done $0x0  }
0x72: {  	[sflag:s7] =	ssyncadd.s32 $0xFFFFE0C0  }
0x73: {  	_ =	swait.ge [sflag:s8], $0x1F40  }
0x74: {  	s12 =	simm.s32 $0x1000;
	s13 =	simm.s32 $0x2000;
	[sflag:s8] =	ssyncset.done $0x0  }
.LBB2_2:
0x75: {  	s10 =	sshra.s32 s12, $0x2  }
0x76: {  	[sflag:s8] =	ssyncadd.s32 $0xFFFFE0C0;
	s12 =	smov.u32 s13;
	s9 =	sadd.s32 $0x1000, s13  }
0x77: {  	[tilespmem:s15], [sflag:$0x1] =	stream.indirect.gather [hbm4b:s2+s14], $0x40, s10, s14, $0xb8;
	[tilespmem:$0x1E740] =	vst v63  }
0x78: {  	p0 =	sne.s32 s13, $0x9000;
	s13 =	sadd.s32 $0x80, s10  }
0x79: {  	[tilespmem:s16], [sflag:$0x2] =	stream.indirect.gather [hbm4b:s2+s14], $0x40, s13, s14, $0xb8;
	[tilespmem:$0x1E740] =	vst v63  }
0x7a: {  	s13 =	sadd.s32 $0x100, s10  }
0x7b: {  	[tilespmem:s17], [sflag:$0x3] =	stream.indirect.gather [hbm4b:s2+s14], $0x40, s13, s14, $0xb8;
	[tilespmem:$0x1E740] =	vst v63  }
0x7c: {  	s13 =	sadd.s32 $0x180, s10  }
0x7d: {  	[tilespmem:s18], [sflag:$0x4] =	stream.indirect.gather [hbm4b:s2+s14], $0x40, s13, s14, $0xb8;
	[tilespmem:$0x1E740] =	vst v63  }
0x7e: {  	s13 =	sadd.s32 $0x200, s10  }
0x7f: {  	[tilespmem:s19], [sflag:$0x5] =	stream.indirect.gather [hbm4b:s2+s14], $0x40, s13, s14, $0xb8;
	[tilespmem:$0x1E740] =	vst v63  }
0x80: {  	s13 =	sadd.s32 $0x280, s10  }
0x81: {  	[tilespmem:s20], [sflag:$0x6] =	stream.indirect.gather [hbm4b:s2+s14], $0x40, s13, s14, $0xb8;
	[tilespmem:$0x1E740] =	vst v63  }
0x82: {  	s13 =	sadd.s32 $0x300, s10  }
0x83: {  	[tilespmem:s21], [sflag:$0x7] =	stream.indirect.gather [hbm4b:s2+s14], $0x40, s13, s14, $0xb8;
	[tilespmem:$0x1E740] =	vst v63  }
0x84: {  	s13 =	sadd.s32 $0x380, s10  }
0x85: {  	[tilespmem:s22], [sflag:$0x8] =	stream.indirect.gather [hbm4b:s2+s14], $0x40, s13, s14, $0xb8;
	[tilespmem:$0x1E740] =	vst v63  }
0x86: {  	_ =	swait.ge [sflag:s23], $0x1F40  }
0x87: {  	[sflag:s23] =	ssyncset.done $0x0  }
0x88: {  	[sflag:s23] =	ssyncadd.s32 $0xFFFFE0C0  }
0x89: {  	_ =	swait.ge [sflag:s24], $0x1F40  }
0x8a: {  	[sflag:s24] =	ssyncset.done $0x0  }
0x8b: {  	[sflag:s24] =	ssyncadd.s32 $0xFFFFE0C0  }
0x8c: {  	_ =	swait.ge [sflag:s25], $0x1F40  }
0x8d: {  	[sflag:s25] =	ssyncset.done $0x0  }
0x8e: {  	[sflag:s25] =	ssyncadd.s32 $0xFFFFE0C0  }
0x8f: {  	_ =	swait.ge [sflag:s26], $0x1F40  }
0x90: {  	[sflag:s26] =	ssyncset.done $0x0  }
0x91: {  	[sflag:s26] =	ssyncadd.s32 $0xFFFFE0C0  }
0x92: {  	_ =	swait.ge [sflag:s28], $0x1F40  }
0x93: {  	[sflag:s28] =	ssyncset.done $0x0  }
0x94: {  	[sflag:s28] =	ssyncadd.s32 $0xFFFFE0C0  }
0x95: {  	_ =	swait.ge [sflag:s29], $0x1F40  }
0x96: {  	[sflag:s29] =	ssyncset.done $0x0  }
0x97: {  	[sflag:s29] =	ssyncadd.s32 $0xFFFFE0C0  }
0x98: {  	_ =	swait.ge [sflag:s30], $0x1F40  }
0x99: {  	[sflag:s30] =	ssyncset.done $0x0  }
0x9a: {  	[sflag:s30] =	ssyncadd.s32 $0xFFFFE0C0  }
0x9b: {  	_ =	swait.ge [sflag:s31], $0x1F40  }
0x9c: {  	[sflag:s31] =	ssyncset.done $0x0  }
0x9d: {  	s13 =	sadd.s32 $0x2900, s10;
	[sflag:s31] =	ssyncadd.s32 $0xFFFFE0C0  }
0x9e: {  	[spmem:s3] =	stream.indirect.scatter.add.f32 [tilespmem:s15], [sflag:$0x9], $0x40, s13, s14, $0xb8;
	[tilespmem:$0x1E740] =	vst v63  }
0x9f: {  	s13 =	sadd.s32 $0x2980, s10  }
0xa0: {  	[spmem:s3] =	stream.indirect.scatter.add.f32 [tilespmem:s16], [sflag:$0xA], $0x40, s13, s14, $0xb8;
	[tilespmem:$0x1E740] =	vst v63  }
0xa1: {  	s13 =	sadd.s32 $0x2A00, s10  }
0xa2: {  	[spmem:s3] =	stream.indirect.scatter.add.f32 [tilespmem:s17], [sflag:$0xB], $0x40, s13, s14, $0xb8;
	[tilespmem:$0x1E740] =	vst v63  }
0xa3: {  	s13 =	sadd.s32 $0x2A80, s10  }
0xa4: {  	[spmem:s3] =	stream.indirect.scatter.add.f32 [tilespmem:s18], [sflag:$0xC], $0x40, s13, s14, $0xb8;
	[tilespmem:$0x1E740] =	vst v63  }
0xa5: {  	s13 =	sadd.s32 $0x2B00, s10  }
0xa6: {  	[spmem:s3] =	stream.indirect.scatter.add.f32 [tilespmem:s19], [sflag:$0xD], $0x40, s13, s14, $0xb8;
	[tilespmem:$0x1E740] =	vst v63  }
0xa7: {  	s13 =	sadd.s32 $0x2B80, s10  }
0xa8: {  	[spmem:s3] =	stream.indirect.scatter.add.f32 [tilespmem:s20], [sflag:$0xE], $0x40, s13, s14, $0xb8;
	[tilespmem:$0x1E740] =	vst v63  }
0xa9: {  	s13 =	sadd.s32 $0x2C00, s10  }
0xaa: {  	[spmem:s3] =	stream.indirect.scatter.add.f32 [tilespmem:s21], [sflag:$0xF], $0x40, s13, s14, $0xb8;
	[tilespmem:$0x1E740] =	vst v63  }
0xab: {  	s10 =	sadd.s32 $0x2C80, s10  }
0xac: {  	[spmem:s3] =	stream.indirect.scatter.add.f32 [tilespmem:s22], [sflag:$0x10], $0x40, s10, s14, $0xb8;
	[tilespmem:$0x1E740] =	vst v63  }
0xad: {  	_ =	swait.ge [sflag:s1], $0x1F40  }
0xae: {  	[sflag:s1] =	ssyncset.done $0x0  }
0xaf: {  	[sflag:s1] =	ssyncadd.s32 $0xFFFFE0C0  }
0xb0: {  	_ =	swait.ge [sflag:s0], $0x1F40  }
0xb1: {  	[sflag:s0] =	ssyncset.done $0x0  }
0xb2: {  	[sflag:s0] =	ssyncadd.s32 $0xFFFFE0C0  }
0xb3: {  	_ =	swait.ge [sflag:s11], $0x1F40  }
0xb4: {  	[sflag:s11] =	ssyncset.done $0x0  }
0xb5: {  	[sflag:s11] =	ssyncadd.s32 $0xFFFFE0C0  }
0xb6: {  	_ =	swait.ge [sflag:s4], $0x1F40  }
0xb7: {  	[sflag:s4] =	ssyncset.done $0x0  }
0xb8: {  	[sflag:s4] =	ssyncadd.s32 $0xFFFFE0C0  }
0xb9: {  	_ =	swait.ge [sflag:s5], $0x1F40  }
0xba: {  	[sflag:s5] =	ssyncset.done $0x0  }
0xbb: {  	[sflag:s5] =	ssyncadd.s32 $0xFFFFE0C0  }
0xbc: {  	_ =	swait.ge [sflag:s6], $0x1F40  }
0xbd: {  	[sflag:s6] =	ssyncset.done $0x0  }
0xbe: {  	[sflag:s6] =	ssyncadd.s32 $0xFFFFE0C0  }
.Ltmp0:
0xbf: {  	_ =	swait.ge [sflag:s7], $0x1F40;
	(pc) =	sbr.rel @p0 .LBB2_2-.Ltmp0, $4  }
0xc0: {  	[sflag:s7] =	ssyncset.done $0x0  }
0xc1: {  	[sflag:s7] =	ssyncadd.s32 $0xFFFFE0C0  }
0xc2: {  	_ =	swait.ge [sflag:s8], $0x1F40  }
0xc3: {  	s13 =	smov.u32 s9;
	[sflag:s8] =	ssyncset.done $0x0  }
0xc4: {  	s9 =	sshra.s32 s12, $0x2;
	[sflag:s8] =	ssyncadd.s32 $0xFFFFE0C0  }
0xc5: {  	[tilespmem:s15], [sflag:$0x1] =	stream.indirect.gather [hbm4b:s2+s14], $0x40, s9, s14, $0xb8;
	[tilespmem:$0x1E740] =	vst v63  }
0xc6: {  	s10 =	sadd.s32 $0x80, s9  }
0xc7: {  	[tilespmem:s16], [sflag:$0x2] =	stream.indirect.gather [hbm4b:s2+s14], $0x40, s10, s14, $0xb8;
	[tilespmem:$0x1E740] =	vst v63  }
0xc8: {  	s13 =	sadd.s32 $0x100, s9  }
0xc9: {  	[tilespmem:s17], [sflag:$0x3] =	stream.indirect.gather [hbm4b:s2+s14], $0x40, s13, s14, $0xb8;
	[tilespmem:$0x1E740] =	vst v63  }
0xca: {  	s12 =	sadd.s32 $0x180, s9  }
0xcb: {  	[tilespmem:s18], [sflag:$0x4] =	stream.indirect.gather [hbm4b:s2+s14], $0x40, s12, s14, $0xb8;
	[tilespmem:$0x1E740] =	vst v63  }
0xcc: {  	s13 =	sadd.s32 $0x200, s9  }
0xcd: {  	[tilespmem:s19], [sflag:$0x5] =	stream.indirect.gather [hbm4b:s2+s14], $0x40, s13, s14, $0xb8;
	[tilespmem:$0x1E740] =	vst v63  }
0xce: {  	s12 =	sadd.s32 $0x280, s9  }
0xcf: {  	[tilespmem:s20], [sflag:$0x6] =	stream.indirect.gather [hbm4b:s2+s14], $0x40, s12, s14, $0xb8;
	[tilespmem:$0x1E740] =	vst v63  }
0xd0: {  	s13 =	sadd.s32 $0x300, s9  }
0xd1: {  	[tilespmem:s21], [sflag:$0x7] =	stream.indirect.gather [hbm4b:s2+s14], $0x40, s13, s14, $0xb8;
	[tilespmem:$0x1E740] =	vst v63  }
0xd2: {  	s12 =	sadd.s32 $0x380, s9  }
0xd3: {  	[tilespmem:s22], [sflag:$0x8] =	stream.indirect.gather [hbm4b:s2+s14], $0x40, s12, s14, $0xb8;
	[tilespmem:$0x1E740] =	vst v63  }
0xd4: {  	_ =	swait.ge [sflag:s23], $0x1F40  }
0xd5: {  	[sflag:s23] =	ssyncset.done $0x0  }
0xd6: {  	[sflag:s23] =	ssyncadd.s32 $0xFFFFE0C0  }
0xd7: {  	_ =	swait.ge [sflag:s24], $0x1F40  }
0xd8: {  	[sflag:s24] =	ssyncset.done $0x0  }
0xd9: {  	[sflag:s24] =	ssyncadd.s32 $0xFFFFE0C0  }
0xda: {  	_ =	swait.ge [sflag:s25], $0x1F40  }
0xdb: {  	[sflag:s25] =	ssyncset.done $0x0  }
0xdc: {  	[sflag:s25] =	ssyncadd.s32 $0xFFFFE0C0  }
0xdd: {  	_ =	swait.ge [sflag:s26], $0x1F40  }
0xde: {  	[sflag:s26] =	ssyncset.done $0x0  }
0xdf: {  	[sflag:s26] =	ssyncadd.s32 $0xFFFFE0C0  }
0xe0: {  	_ =	swait.ge [sflag:s28], $0x1F40  }
0xe1: {  	[sflag:s28] =	ssyncset.done $0x0  }
0xe2: {  	[sflag:s28] =	ssyncadd.s32 $0xFFFFE0C0  }
0xe3: {  	_ =	swait.ge [sflag:s29], $0x1F40  }
0xe4: {  	[sflag:s29] =	ssyncset.done $0x0  }
0xe5: {  	[sflag:s29] =	ssyncadd.s32 $0xFFFFE0C0  }
0xe6: {  	_ =	swait.ge [sflag:s30], $0x1F40  }
0xe7: {  	[sflag:s30] =	ssyncset.done $0x0  }
0xe8: {  	[sflag:s30] =	ssyncadd.s32 $0xFFFFE0C0  }
0xe9: {  	_ =	swait.ge [sflag:s31], $0x1F40  }
0xea: {  	[sflag:s31] =	ssyncset.done $0x0  }
0xeb: {  	s13 =	sadd.s32 $0x2900, s9;
	[sflag:s31] =	ssyncadd.s32 $0xFFFFE0C0  }
0xec: {  	[spmem:s3] =	stream.indirect.scatter.add.f32 [tilespmem:s15], [sflag:$0x9], $0x40, s13, s14, $0xb8;
	[tilespmem:$0x1E740] =	vst v63  }
0xed: {  	s12 =	sadd.s32 $0x2980, s9  }
0xee: {  	[spmem:s3] =	stream.indirect.scatter.add.f32 [tilespmem:s16], [sflag:$0xA], $0x40, s12, s14, $0xb8;
	[tilespmem:$0x1E740] =	vst v63  }
0xef: {  	s13 =	sadd.s32 $0x2A00, s9  }
0xf0: {  	[spmem:s3] =	stream.indirect.scatter.add.f32 [tilespmem:s17], [sflag:$0xB], $0x40, s13, s14, $0xb8;
	[tilespmem:$0x1E740] =	vst v63  }
0xf1: {  	s12 =	sadd.s32 $0x2A80, s9  }
0xf2: {  	[spmem:s3] =	stream.indirect.scatter.add.f32 [tilespmem:s18], [sflag:$0xC], $0x40, s12, s14, $0xb8;
	[tilespmem:$0x1E740] =	vst v63  }
0xf3: {  	s13 =	sadd.s32 $0x2B00, s9  }
0xf4: {  	[spmem:s3] =	stream.indirect.scatter.add.f32 [tilespmem:s19], [sflag:$0xD], $0x40, s13, s14, $0xb8;
	[tilespmem:$0x1E740] =	vst v63  }
0xf5: {  	s12 =	sadd.s32 $0x2B80, s9  }
0xf6: {  	[spmem:s3] =	stream.indirect.scatter.add.f32 [tilespmem:s20], [sflag:$0xE], $0x40, s12, s14, $0xb8;
	[tilespmem:$0x1E740] =	vst v63  }
0xf7: {  	s13 =	sadd.s32 $0x2C00, s9  }
0xf8: {  	[spmem:s3] =	stream.indirect.scatter.add.f32 [tilespmem:s21], [sflag:$0xF], $0x40, s13, s14, $0xb8;
	[tilespmem:$0x1E740] =	vst v63  }
0xf9: {  	s9 =	sadd.s32 $0x2C80, s9  }
0xfa: {  	[spmem:s3] =	stream.indirect.scatter.add.f32 [tilespmem:s22], [sflag:$0x10], $0x40, s9, s14, $0xb8;
	[tilespmem:$0x1E740] =	vst v63  }
0xfb: {  	_ =	swait.ge [sflag:s1], $0x1F40  }
0xfc: {  	[sflag:s1] =	ssyncset.done $0x0  }
0xfd: {  	[sflag:s1] =	ssyncadd.s32 $0xFFFFE0C0  }
0xfe: {  	_ =	swait.ge [sflag:s0], $0x1F40  }
0xff: {  	[sflag:s0] =	ssyncset.done $0x0  }
0x100: {  	[sflag:s0] =	ssyncadd.s32 $0xFFFFE0C0  }
0x101: {  	_ =	swait.ge [sflag:s11], $0x1F40  }
0x102: {  	[sflag:s11] =	ssyncset.done $0x0  }
0x103: {  	[sflag:s11] =	ssyncadd.s32 $0xFFFFE0C0  }
0x104: {  	_ =	swait.ge [sflag:s4], $0x1F40  }
0x105: {  	[sflag:s4] =	ssyncset.done $0x0  }
0x106: {  	[sflag:s4] =	ssyncadd.s32 $0xFFFFE0C0  }
0x107: {  	_ =	swait.ge [sflag:s5], $0x1F40  }
0x108: {  	[sflag:s5] =	ssyncset.done $0x0  }
0x109: {  	[sflag:s5] =	ssyncadd.s32 $0xFFFFE0C0  }
0x10a: {  	_ =	swait.ge [sflag:s6], $0x1F40  }
0x10b: {  	[sflag:s6] =	ssyncset.done $0x0  }
0x10c: {  	[sflag:s6] =	ssyncadd.s32 $0xFFFFE0C0  }
0x10d: {  	_ =	swait.ge [sflag:s7], $0x1F40  }
0x10e: {  	[sflag:s7] =	ssyncset.done $0x0  }
0x10f: {  	[sflag:s7] =	ssyncadd.s32 $0xFFFFE0C0  }
0x110: {  	_ =	swait.ge [sflag:s8], $0x1F40  }
0x111: {  	[sflag:s8] =	ssyncset.done $0x0  }
0x112: {  	[sflag:s8] =	ssyncadd.s32 $0xFFFFE0C0  }
0x113: {  	[bflag:$0x0] =	sbarrier.arrive $0xFFFF  }
0x114: {  	s12 =	rddreg [dreg:$0x7]  }
0x115: {  	s10 =	rddreg [dreg:$0x9]  }
0x116: {  	s13 =	rddreg [dreg:$0xa]  }
0x117: {  	[hbm:s12], [sflag:s10] =	dma.local [spmem:s13], $0x1388  }
0x118: {  	s12 =	simm.s32 $0x11  }
0x119: {  	_ =	swait.ge [sflag:s12], $0x1388  }
0x11a: {  	s13 =	rddreg [dreg:$0xb]  }
0x11b: {  	s10 =	rddreg [dreg:$0x8];
	s13 =	sadd.s32 $0x1, s13  }
0x11c: {  	p0 =	sne.s32 s13, s10  }
.Ltmp1:
0x11d: {  	_ = 	snop;
	(pc) =	sbr.rel @p0 .LBB2_1-.Ltmp1, $3  }
0x11e: {  	_ =	sdelay $0x1  }
0x11f: {  	[sflag:s12] =	ssyncset.done $0x0  }
0x120: {  	[sflag:s12] =	ssyncadd.s32 $0xFFFFEC78;
	[dreg:$0xb] =	wrdreg s13  }
0x121: {  	_ =	sfence.sel $0x180000  }
0x122: {  	[bflag:$0x0] =	sbarrier.arrive $0xFFFF  }
0x123: {  	_ =	strace $0x90000050  }
0x124: {  	s0 =	stileid.u32;
	[bflag:$0x2] =	sbarrier.arrive $0xFFFF  }
0x125: {  	p0 =	sne.s32 s0, $0x0;
	s0 =	rddreg [dreg:$0x3]  }
0x126: {  	s0 =	sadd.s32 @!p0 $0x100000, s0  }
0x127: {  	[sflag:s0] =	ssyncadd.tile.s32 @!p0 $0x1;
	_ =	shalt  }
.Lfunc_end2:
_tile_overlayer_lowered:
.L_overlay_start_2:
0x128: {  	(tag) =	ssettag $0x2  }
0x129: {  	s0 =	rddreg [dreg:$0x0];
	s2 =	stileid.u32  }
0x12a: {  	s1 =	rddreg [dreg:$0x1];
	p0 =	sne.s32 s2, $0x0  }
0x12b: {  	s3 =	rddreg [dreg:$0x2];
	[bflag:$0x3] =	sbarrier.arrive $0xFFFF;
	s2 =	simm.s32 @!p0 $0x1C11  }
0x12c: {  	[timem:s3], [sflag:s2] =	dma.local @!p0 [hbm:s0], s1  }
0x12d: {  	s0 =	simm.s32 @!p0 $0x11  }
0x12e: {  	_ =	swait.ge @!p0 [sflag:s0], s1  }
0x12f: {  	s1 =	ssub.s32 @!p0 $0x0, s1;
	[sflag:s0] =	ssyncset.done @!p0 $0x0  }
0x130: {  	[sflag:s0] =	ssyncadd.s32 @!p0 s1  }
0x131: {  	[bflag:$0x3] =	sbarrier.arrive $0xFFFF  }
0x132: {  	_ =	shalt  }

// kernel: kernel.24.cloned.1.call-start
scs
__scs_entry_jumppad:
0x0: {  	(pc) =	sbr.rel $0x88, $3  }
0x1: {  	(tag) =	ssettag $0x0;
	lr =	simm.s32 $0x1  }
0x2: {  	[smem:$0x3F85] =	sst lr;
	_ =	strace $0xD0000000  }
0x3: {  	_ = 	snop  }
0x4: {  	_ = 	snop  }
0x5: {  	_ = 	snop  }
0x6: {  	_ = 	snop  }
0x7: {  	_ = 	snop  }
__scs_overlays_trampoline_lowered:
0x8: {  	[smem:$0x3F94] =	sst s0  }
0x9: {  	[smem:$0x3F95] =	sst s1  }
0xa: {  	[smem:$0x3F96] =	sst s2  }
0xb: {  	[smem:$0x3F97] =	sst s3  }
0xc: {  	[smem:$0x3F98] =	sst s4  }
0xd: {  	[smem:$0x3F99] =	sst s5  }
0xe: {  	[smem:$0x3F9A] =	sst s6  }
0xf: {  	[smem:$0x3F9B] =	sst s7  }
0x10: {  	[smem:$0x3F9C] =	sst s8  }
0x11: {  	[smem:$0x3F9D] =	sst s9;
	s0 =	simm.s32 @!p0 $0x0  }
0x12: {  	s1 =	sld [smem:$0x3F83];
	s0 =	simm.s32 @p0 $0x1  }
0x13: {  	[smem:$0x3F9E] =	sst s0;
	s0 =	simm.s32 @!p1 $0x0  }
0x14: {  	s2 =	sld [smem:$0x3F82];
	s0 =	simm.s32 @p1 $0x1  }
0x15: {  	[smem:$0x3F9F] =	sst s0;
	s0 =	simm.s32 @!p2 $0x0  }
0x16: {  	s3 =	sld [smem:$0x3FDB];
	s0 =	simm.s32 @p2 $0x1  }
0x17: {  	s4 =	simm.s32 $0x1BF5;
	[smem:$0x3FA1] =	sst s0  }
0x18: {  	s0 =	sld [smem:$0x3F84];
	_ =	swait.ge [sflag:s4], $0x0  }
0x19: {  	s7 =	sld [smem:$0x3F85]  }
0x1a: {  	s8 =	sadd.s32 $0xFFFFE003, lr  }
0x1b: {  	s9 =	sadd.s32 $0xFFFFFEF7, lr;
	s5 =	simm.s32 $0xFFFFFFFF;
	p2 =	slt.u32 s8, $0xFFFFF086  }
0x1c: {  	p1 =	slt.u32 s9, $0xF7A;
	s5 =	simm.s32 @!p2 $0x0  }
0x1d: {  	s5 =	simm.s32 @p1 $0x1;
	p0 =	seq.s32 s7, s2  }
0x1e: {  	s7 =	smul.u32 @!p0 $0xF7A, s2;
	p2 =	seq.s32 @!p0 s5, $0x0  }
0x1f: {  	s9 =	smul.u32 $0xF7A, s1;
	s8 =	simm.s32 @!p0 $0x1BF5;
	p2 =	por !p2, p0  }
0x20: {  	[sflag:s8] =	ssyncset.s32 @!p0 $0xFFFFF086;
	s6 =	sadd.s32 @!p0 s3, s7;
	s7 =	simm.s32 @!p0 $0x108  }
0x21: {  	s3 =	sadd.s32 s3, s9;
	s6 =	sadd.s32 @!p0 $0x88, s6;
	s7 =	simm.s32 @p2 $0x1082  }
0x22: {  	[simem:s7], [sflag:s8] =	dma.local @!p0 [hbm:s6], $0xF7A  }
0x23: {  	s9 =	sor.u32 $0xD0000000, s2;
	s6 =	simm.s32 $0x108;
	_ =	swait.ge @!p0 [sflag:s8], $0x0  }
0x24: {  	s3 =	sadd.s32 $0x88, s3;
	s6 =	simm.s32 @!p1 $0x1082;
	[sflag:s4] =	ssyncset.s32 $0xFFFFF086  }
0x25: {  	[simem:s6], [sflag:s4] =	dma.local [hbm:s3], $0xF7A  }
0x26: {  	[smem:$0x3F85] =	sst s1;
	(tag) =	ssettag s2;
	_ =	strace s9  }
0x27: {  	s1 =	sld [smem:$0x3F95]  }
0x28: {  	s2 =	sld [smem:$0x3F96]  }
0x29: {  	s4 =	sld [smem:$0x3F98]  }
0x2a: {  	p0 =	seq.s32 s5, $0x0;
	s5 =	sld [smem:$0x3F99]  }
0x2b: {  	s6 =	sld [smem:$0x3F9A]  }
0x2c: {  	s7 =	sld [smem:$0x3F9B]  }
0x2d: {  	s3 =	simm.s32 $0x108;
	s8 =	sld [smem:$0x3F9C]  }
0x2e: {  	s3 =	simm.s32 @!p0 $0x1082;
	s9 =	sld [smem:$0x3F9D]  }
0x2f: {  	lr =	sadd.s32 s0, s3;
	s0 =	sld [smem:$0x3F94]  }
0x30: {  	s3 =	sld [smem:$0x3F97]  }
0x31: {  	[smem:$0x3FA0] =	sst s10  }
0x32: {  	s10 =	sld [smem:$0x3F9E];
	_ =	sdelay $0x3  }
0x33: {  	p0 =	seq.s32 s10, $0x1;
	s10 =	sld [smem:$0x3FA0];
	_ =	sdelay $0x3  }
0x34: {  	[smem:$0x3FA0] =	sst s10  }
0x35: {  	s10 =	sld [smem:$0x3F9F];
	_ =	sdelay $0x3  }
0x36: {  	p1 =	seq.s32 s10, $0x1;
	s10 =	sld [smem:$0x3FA0];
	_ =	sdelay $0x3  }
0x37: {  	[smem:$0x3FA0] =	sst s10  }
0x38: {  	s10 =	sld [smem:$0x3FA1]  }
0x39: {  	_ = 	snop;
	(pc) =	sbr.ind lr, $3  }
0x3a: {  	_ = 	snop  }
0x3b: {  	_ = 	snop  }
0x3c: {  	p2 =	seq.s32 s10, $0x1;
	s10 =	sld [smem:$0x3FA0]  }
0x3d: {  	_ =	shalt  }
0x3e: {  	_ =	shalt  }
0x3f: {  	_ =	shalt  }
0x40: {  	_ =	shalt  }
0x41: {  	_ =	shalt  }
0x42: {  	_ =	shalt  }
0x43: {  	_ =	shalt  }
0x44: {  	_ =	shalt  }
0x45: {  	_ =	shalt  }
0x46: {  	_ =	shalt  }
0x47: {  	_ =	shalt  }
0x48: {  	_ =	shalt  }
0x49: {  	_ =	shalt  }
0x4a: {  	_ =	shalt  }
0x4b: {  	_ =	shalt  }
0x4c: {  	_ =	shalt  }
0x4d: {  	_ =	shalt  }
0x4e: {  	_ =	shalt  }
0x4f: {  	_ =	shalt  }
0x50: {  	_ =	shalt  }
0x51: {  	_ =	shalt  }
0x52: {  	_ =	shalt  }
0x53: {  	_ =	shalt  }
0x54: {  	_ =	shalt  }
0x55: {  	_ =	shalt  }
0x56: {  	_ =	shalt  }
0x57: {  	_ =	shalt  }
0x58: {  	_ =	shalt  }
0x59: {  	_ =	shalt  }
0x5a: {  	_ =	shalt  }
0x5b: {  	_ =	shalt  }
0x5c: {  	_ =	shalt  }
0x5d: {  	_ =	shalt  }
0x5e: {  	_ =	shalt  }
0x5f: {  	_ =	shalt  }
0x60: {  	_ =	shalt  }
0x61: {  	_ =	shalt  }
0x62: {  	_ =	shalt  }
0x63: {  	_ =	shalt  }
0x64: {  	_ =	shalt  }
0x65: {  	_ =	shalt  }
0x66: {  	_ =	shalt  }
0x67: {  	_ =	shalt  }
0x68: {  	_ =	shalt  }
0x69: {  	_ =	shalt  }
0x6a: {  	_ =	shalt  }
0x6b: {  	_ =	shalt  }
0x6c: {  	_ =	shalt  }
0x6d: {  	_ =	shalt  }
0x6e: {  	_ =	shalt  }
0x6f: {  	_ =	shalt  }
0x70: {  	_ =	shalt  }
0x71: {  	_ =	shalt  }
0x72: {  	_ =	shalt  }
0x73: {  	_ =	shalt  }
0x74: {  	_ =	shalt  }
0x75: {  	_ =	shalt  }
0x76: {  	_ =	shalt  }
0x77: {  	_ =	shalt  }
0x78: {  	_ =	shalt  }
0x79: {  	_ =	shalt  }
0x7a: {  	_ =	shalt  }
0x7b: {  	_ =	shalt  }
0x7c: {  	_ =	shalt  }
0x7d: {  	_ =	shalt  }
0x7e: {  	_ =	shalt  }
0x7f: {  	_ =	shalt  }
0x80: {  	_ =	shalt  }
0x81: {  	_ =	shalt  }
0x82: {  	_ =	shalt  }
0x83: {  	_ =	shalt  }
0x84: {  	_ =	shalt  }
0x85: {  	_ =	shalt  }
0x86: {  	_ =	shalt  }
0x87: {  	_ =	shalt  }
.Lfunc_end0:
.L_simem_size_0:
called_computation.4_lowered:
.L_overlay_start_0:
0x88: {  	s2 =	sld [smem:$0x3FD9]  }
0x89: {  	s3 =	sld [smem:$0x3FFE];
	_ =	sdelay $0x1  }
0x8a: {  	s1 =	srdreg.scid  }
0x8b: {  	s0 =	sand.u32 $0x1, s1  }
0x8c: {  	s14 =	sshll.u32 s0, $0xA;
	s2 =	sadd.s32 s3, s2  }
0x8d: {  	s2 =	sadd.s32 s2, s14  }
0x8e: {  	[smem:$0x3FAC] =	sst s2  }
0x8f: {  	_ = 	snop  }
0x90: {  	s2 =	sld [smem:$0x3FD0];
	_ =	sdelay $0x2  }
0x91: {  	s15 =	simm.s32 $0xB;
	s4 =	simm.s32 $0x10  }
0x92: {  	[smem:s4], [sflag:s15] =	dma.local [hbm:s2], $0x1  }
0x93: {  	_ =	swait.eq [sflag:s15], $0x1  }
0x94: {  	[sflag:s15] =	ssyncset.done $0x0  }
0x95: {  	[sflag:s15] =	ssyncadd.s32 $0xFFFFFFFF  }
0x96: {  	s16 =	sld [smem:$0x13];
	(tm) =	ssettm $0x1  }
0x97: {  	s17 =	sld [smem:$0x3FFB];
	_ =	sdelay $0x3  }
0x98: {  	_ =	strace s17  }
0x99: {  	s3 =	sld [smem:$0x3FFC];
	_ =	sdelay $0x3  }
0x9a: {  	_ =	strace s3  }
0x9b: {  	s3 =	sld [smem:$0x3FFD];
	_ =	sdelay $0x3  }
0x9c: {  	_ =	strace s3  }
0x9d: {  	_ =	strace $0x8FFFFFFF  }
0x9e: {  	s18 =	sld [smem:$0x3FDB];
	_ =	sdelay $0x1  }
0x9f: {  	s19 =	simm.s32 $_scs_section_size  }
0xa0: {  	s5 =	simm.s32 $_size__tile_overlayer_lowered;
	s6 =	simm.s32 $_tile_overlayer_lowered  }
0xa1: {  	s22 =	simm.s32 $0x1BFF;
	s21 =	sshll.u32 s6, $0x1;
	s3 =	sadd.s32 s19, s18  }
0xa2: {  	s7 =	simm.s32 $0x0;
	s20 =	sshll.u32 s5, $0x1;
	s5 =	sadd.s32 s21, s3  }
0xa3: {  	[timem:s7], [sflag:s22] =	dma.local [hbm:s5], s20  }
0xa4: {  	_ =	swait.ge [sflag:s22], s20  }
0xa5: {  	s4 =	ssub.s32 $0x0, s20;
	[sflag:s22] =	ssyncset.done $0x0  }
0xa6: {  	[sflag:s22] =	ssyncadd.s32 s4;
	_ =	sdelay $0x1  }
0xa7: {  	s23 =	simm.s32 $0x1B8B  }
0xa8: {  	_ =	swait.ge [sflag:s23], $0x1  }
0xa9: {  	[sflag:s23] =	ssyncset.done $0x0  }
0xaa: {  	s25 =	simm.s32 $0x1B8E;
	s24 =	sld [smem:$0x3FFE];
	[sflag:s23] =	ssyncadd.s32 $0xFFFFFFFF  }
0xab: {  	s26 =	simm.s32 $execute0_lowered;
	[smem:$0x3FD2] =	sst s25  }
0xac: {  	s5 =	sshll.u32 s26, $0x1;
	_ =	strace $0x80000052;
	[dreg:$0x1] =	wrdreg $0xFFFFFFFF  }
0xad: {  	s28 =	simm.s32 $_size_execute0_lowered;
	s3 =	sadd.s32 s3, s5;
	[dreg:$0x0] =	wrdreg $0x0  }
0xae: {  	s5 =	sshll.u32 s28, $0x1;
	[dreg:$0x2] =	wrdreg s3  }
0xaf: {  	[dreg:$0x3] =	wrdreg s5  }
0xb0: {  	[dreg:$0x4] =	wrdreg $0xC0  }
0xb1: {  	_ =	task [dreg:s7], $0x5FFFF  }
0xb2: {  	[dreg:$0x1] =	wrdreg $0xFFFFFFFF  }
0xb3: {  	[dreg:$0x0] =	wrdreg $0x60  }
0xb4: {  	[dreg:$0x2] =	wrdreg s24  }
0xb5: {  	[dreg:$0x3] =	wrdreg s16  }
0xb6: {  	[dreg:$0x4] =	wrdreg $0x9  }
0xb7: {  	_ =	task.clear_ibuf [dreg:s7], $0x5FFFF;
	_ =	strace $0x90000052  }
0xb8: {  	s29 =	simm.s32 $0x9;
	_ =	strace $0x80000054  }
0xb9: {  	_ =	swait.ge [sflag:s29], $0x1  }
0xba: {  	[sflag:s29] =	ssyncadd.s32 $0xFFFFFFFF  }
0xbb: {  	_ =	strace $0x90000054  }
0xbc: {  	_ =	sfence  }
0xbd: {  	s30 =	sld [smem:$0x0];
	_ =	sdelay $0x2  }
0xbe: {  	s31 =	sshll.u32 s1, $0xD;
	s1 =	sshrl.u32 s1, $0x2  }
0xbf: {  	s3 =	sand.u32 $0x4000, s31;
	s1 =	sadd.s32 s1, s30  }
0xc0: {  	s0 =	sor.u32 s3, s0;
	s1 =	sshll.u32 s1, $0x11  }
0xc1: {  	s0 =	sor.u32 s1, s0  }
0xc2: {  	s0 =	sadd.s32 $0x8F2B, s0  }
0xc3: {  	[sflag:s0] =	ssyncadd.remote.s32 $0x1  }
0xc4: {  	_ =	sfence.sel $0xFFFF  }
0xc5: {  	[dreg:$0x0] =	wrdreg $0xFFFFFFFF;
	(pc) =	sbr.abs _section_cstart, $3  }
0xc6: {  	[dreg:$0x1] =	wrdreg $0xFFFFFFFF  }
0xc7: {  	_ =	task.clear_ibuf [dreg:s7], $0x2FFFF;
	_ =	strace $0x9FFFFFFF  }
0xc8: {  	(tm) =	ssettm $0x7FFFFFFF  }
0xc9: {  	_ =	shalt  }
tec
execute0_lowered:
.L_overlay_start_1:
0x0: {  	(tag) =	ssettag $0x1  }
0x1: {  	s1 =	rddreg [dreg:$0x0]  }
0x2: {  	s0 =	srdreg.scid;
	s5 =	rddreg [dreg:$0x1]  }
0x3: {  	s13 =	stileid.u32;
	s2 =	simm.s32 $0x0;
	s14 =	simm.s32 $0x7D  }
0x4: {  	s15 =	simm.s32 $0xD00;
	s16 =	simm.s32 $0x4B80;
	s28 =	simm.s32 $0x7  }
0x5: {  	s29 =	simm.s32 $0x8;
	s30 =	simm.s32 $0x9;
	s31 =	simm.s32 $0xA  }
0x6: {  	s0 =	sand.u32 $0x1, s0;
	[smem:$0x7FF] =	sst s2;
	s17 =	smul.u32 $0x659, s13  }
0x7: {  	s4 =	sadd.s32 $0x56A00, s1;
	s8 =	sadd.s32 $0x59200, s1;
	s20 =	smul.u32 $0x32C8, s13  }
0x8: {  	s3 =	sshll.u32 s0, $0x4;
	_ =	strace $0x80000053;
	s11 =	smul.u32 $0x6590, s0  }
0x9: {  	s9 =	ssub.s32 $0x2, s0;
	s0 =	smul.u32 $0x32C80, s0;
	s6 =	sor.u32 s13, s3  }
0xa: {  	s3 =	sadd.s32 $0x4600, s1;
	s10 =	sshrl.u32 s9, $0x1;
	s7 =	smul.u32 $0xD0, s6  }
0xb: {  	s6 =	smul.u32 $0x659, s6;
	s9 =	ssub.s32 s9, s10;
	s11 =	sadd.s32 s17, s11  }
0xc: {  	s21 =	sadd.s32 s0, s8;
	s0 =	sadd.s32 s0, s5;
	s17 =	simm.s32 $0x8A00  }
0xd: {  	s10 =	sadd.s32 s20, s21;
	s22 =	sshll.u32 s11, $0x3;
	s0 =	sadd.s32 s20, s0  }
0xe: {  	s25 =	smax.u32 s9, $0x1;
	s20 =	simm.s32 $0x3;
	s21 =	simm.s32 $0x2C40  }
0xf: {  	s7 =	sadd.s32 s7, s1;
	s1 =	sadd.s32 $0x18000, s1;
	[dreg:$0x3] =	wrdreg s10  }
0x10: {  	s6 =	sadd.s32 $0x5DC, s6;
	s23 =	sadd.s32 $0x3E8, s22;
	[dreg:$0x4] =	wrdreg s0  }
0x11: {  	[dreg:$0xc] =	wrdreg s25;
	s22 =	simm.s32 $0x6AC0;
	s25 =	simm.s32 $0x5  }
0x12: {  	s0 =	simm.s32 $0xB;
	s12 =	sadd.s32 $0x53600, s7;
	s18 =	sshll.u32 s6, $0x3  }
0x13: {  	s7 =	sadd.s32 $0x55000, s7;
	s6 =	sadd.s32 s1, s6;
	[dreg:$0x7] =	wrdreg s12  }
0x14: {  	s24 =	sadd.s32 s23, s5;
	s26 =	sadd.s32 s23, s8;
	[dreg:$0x8] =	wrdreg s7  }
0x15: {  	s23 =	simm.s32 $0x8DE8;
	s19 =	sadd.s32 s5, s18;
	[dreg:$0xb] =	wrdreg s6  }
0x16: {  	s12 =	sadd.s32 s8, s18;
	[dreg:$0x5] =	wrdreg s24;
	s7 =	sadd.s32 s1, s11  }
0x17: {  	[dreg:$0x6] =	wrdreg s26;
	s18 =	simm.s32 $0x1;
	s24 =	simm.s32 $0x4  }
0x18: {  	s26 =	simm.s32 $0x6;
	s1 =	simm.s32 $0xC;
	[dreg:$0x9] =	wrdreg s19  }
0x19: {  	s5 =	simm.s32 $0x0;
	[dreg:$0xa] =	wrdreg s12;
	s19 =	simm.s32 $0x2  }
.LBB2_1:
0x1a: {  	s6 =	rddreg [dreg:$0x7];
	s8 =	simm.s32 $0xD  }
0x1b: {  	[tilespmem:s2], [sflag:$0xD] =	stream.linear.gather [hbm4b:s6+s2], $0x680, $0x38;
	[tilespmem:$0x91D0] =	vst v63  }
0x1c: {  	_ =	swait.ge [sflag:s8], $0x680  }
0x1d: {  	[sflag:s8] =	ssyncset.done $0x0  }
0x1e: {  	s9 =	simm.s32 $0x680;
	s13 =	rddreg [dreg:$0x8];
	[sflag:s8] =	ssyncadd.s32 $0xFFFFF980  }
0x1f: {  	[tilespmem:s9], [sflag:$0xD] =	stream.linear.gather [hbm4b:s13+s2], $0x680, $0x38;
	[tilespmem:$0x91D0] =	vst v63  }
0x20: {  	_ =	swait.ge [sflag:s8], $0x680  }
0x21: {  	[sflag:s8] =	ssyncset.done $0x0  }
0x22: {  	[sflag:s8] =	ssyncadd.s32 $0xFFFFF980  }
0x23: {  	[tilespmem:s15], [sflag:$0x1] =	stream.indirect.gather [hbm4b:s3+s14], $0x40, s2, s14, $0xb8;
	[tilespmem:$0x91D0] =	vst v63  }
0x24: {  	_ = 	snop  }
0x25: {  	[tilespmem:s16], [sflag:$0x2] =	stream.indirect.gather [hbm4b:s3+s14], $0x40, s9, s14, $0xb8;
	[tilespmem:$0x91D0] =	vst v63  }
0x26: {  	_ = 	snop  }
0x27: {  	[tilespmem:s17], [sflag:$0x3] =	stream.indirect.gather [hbm4b:s4+s14], $0x8, s2, s14, $0xb8;
	[tilespmem:$0x91D0] =	vst v63  }
0x28: {  	_ =	swait.ge [sflag:s18], $0x1F40  }
0x29: {  	[sflag:s18] =	ssyncset.done $0x0  }
0x2a: {  	[sflag:s18] =	ssyncadd.s32 $0xFFFFE0C0  }
0x2b: {  	_ =	swait.ge [sflag:s19], $0x1F40  }
0x2c: {  	[sflag:s19] =	ssyncset.done $0x0  }
0x2d: {  	[sflag:s19] =	ssyncadd.s32 $0xFFFFE0C0  }
0x2e: {  	_ =	swait.ge [sflag:s20], $0x3E8  }
0x2f: {  	[sflag:s20] =	ssyncset.done $0x0  }
0x30: {  	s10 =	simm.s32 $0x80;
	[sflag:s20] =	ssyncadd.s32 $0xFFFFFC18  }
0x31: {  	[tilespmem:s21], [sflag:$0x4] =	stream.indirect.gather [hbm4b:s3+s14], $0x40, s10, s14, $0xb8;
	[tilespmem:$0x91D0] =	vst v63  }
0x32: {  	s11 =	simm.s32 $0x700  }
0x33: {  	[tilespmem:s22], [sflag:$0x5] =	stream.indirect.gather [hbm4b:s3+s14], $0x40, s11, s14, $0xb8;
	[tilespmem:$0x91D0] =	vst v63  }
0x34: {  	s12 =	rddreg [dreg:$0x4]  }
0x35: {  	[tilespmem:s23], [sflag:$0x6] =	stream.indirect.gather [hbm4b:s4+s14], $0x8, s10, s14, $0xb8;
	[tilespmem:$0x91D0] =	vst v63  }
0x36: {  	s13 =	rddreg [dreg:$0x3];
	s9 =	sadd.s32 $0x0, s12  }
0x37: {  	[hbm4b:s9+s2] =	stream.linear.scatter [tilespmem:s15], [sflag:$0x7], $0x1F40, $0x38;
	[tilespmem:$0x91D0] =	vst v63  }
0x38: {  	s10 =	sadd.s32 $0x0, s13  }
0x39: {  	[hbm4b:s10+s2] =	stream.linear.scatter [tilespmem:s16], [sflag:$0x8], $0x1F40, $0x38;
	[tilespmem:$0x91D0] =	vst v63  }
0x3a: {  	_ = 	snop  }
0x3b: {  	[hbm4b:s7+s2] =	stream.linear.scatter [tilespmem:s17], [sflag:$0x9], $0x3E8, $0x38;
	[tilespmem:$0x91D0] =	vst v63  }
0x3c: {  	_ =	swait.ge [sflag:s24], $0x1F40  }
0x3d: {  	[sflag:s24] =	ssyncset.done $0x0  }
0x3e: {  	[sflag:s24] =	ssyncadd.s32 $0xFFFFE0C0  }
0x3f: {  	_ =	swait.ge [sflag:s25], $0x1F40  }
0x40: {  	[sflag:s25] =	ssyncset.done $0x0  }
0x41: {  	[sflag:s25] =	ssyncadd.s32 $0xFFFFE0C0  }
0x42: {  	_ =	swait.ge [sflag:s26], $0x3E8  }
0x43: {  	[sflag:s26] =	ssyncset.done $0x0  }
0x44: {  	[sflag:s26] =	ssyncadd.s32 $0xFFFFFC18  }
0x45: {  	_ =	swait.ge [sflag:s28], $0x1F40  }
0x46: {  	[sflag:s28] =	ssyncset.done $0x0  }
0x47: {  	[sflag:s28] =	ssyncadd.s32 $0xFFFFE0C0  }
0x48: {  	_ =	swait.ge [sflag:s29], $0x1F40  }
0x49: {  	[sflag:s29] =	ssyncset.done $0x0  }
0x4a: {  	[sflag:s29] =	ssyncadd.s32 $0xFFFFE0C0  }
0x4b: {  	_ =	swait.ge [sflag:s30], $0x3E8  }
0x4c: {  	[sflag:s30] =	ssyncset.done $0x0  }
0x4d: {  	s11 =	simm.s32 $0x100;
	[sflag:s30] =	ssyncadd.s32 $0xFFFFFC18  }
0x4e: {  	[tilespmem:s15], [sflag:$0x1] =	stream.indirect.gather [hbm4b:s3+s14], $0x40, s11, s14, $0xb8;
	[tilespmem:$0x91D0] =	vst v63  }
0x4f: {  	s12 =	simm.s32 $0x780  }
0x50: {  	[tilespmem:s16], [sflag:$0x2] =	stream.indirect.gather [hbm4b:s3+s14], $0x40, s12, s14, $0xb8;
	[tilespmem:$0x91D0] =	vst v63  }
0x51: {  	s13 =	rddreg [dreg:$0x5]  }
0x52: {  	[tilespmem:s17], [sflag:$0x3] =	stream.indirect.gather [hbm4b:s4+s14], $0x8, s11, s14, $0xb8;
	[tilespmem:$0x91D0] =	vst v63  }
0x53: {  	s10 =	rddreg [dreg:$0x6];
	s11 =	sadd.s32 $0x0, s13  }
0x54: {  	[hbm4b:s11+s2] =	stream.linear.scatter [tilespmem:s21], [sflag:$0xA], $0x1F40, $0x38;
	[tilespmem:$0x91D0] =	vst v63  }
0x55: {  	s12 =	sadd.s32 $0x0, s10  }
0x56: {  	[hbm4b:s12+s2] =	stream.linear.scatter [tilespmem:s22], [sflag:$0xB], $0x1F40, $0x38;
	[tilespmem:$0x91D0] =	vst v63  }
0x57: {  	s13 =	sadd.s32 $0x7D, s7  }
0x58: {  	[hbm4b:s13+s2] =	stream.linear.scatter [tilespmem:s23], [sflag:$0xC], $0x3E8, $0x38;
	[tilespmem:$0x91D0] =	vst v63  }
0x59: {  	_ =	swait.ge [sflag:s31], $0x1F40  }
0x5a: {  	[sflag:s31] =	ssyncset.done $0x0  }
0x5b: {  	[sflag:s31] =	ssyncadd.s32 $0xFFFFE0C0  }
0x5c: {  	_ =	swait.ge [sflag:s0], $0x1F40  }
0x5d: {  	[sflag:s0] =	ssyncset.done $0x0  }
0x5e: {  	[sflag:s0] =	ssyncadd.s32 $0xFFFFE0C0  }
0x5f: {  	s6 =	simm.s32 $0x400;
	_ =	swait.ge [sflag:s1], $0x3E8  }
0x60: {  	s8 =	simm.s32 $0x0;
	s11 =	smov.u32 s7;
	[sflag:s1] =	ssyncset.done $0x0  }
.LBB2_2:
0x61: {  	[sflag:s1] =	ssyncadd.s32 $0xFFFFFC18  }
0x62: {  	_ =	swait.ge [sflag:s18], $0x1F40  }
0x63: {  	[sflag:s18] =	ssyncset.done $0x0  }
0x64: {  	[sflag:s18] =	ssyncadd.s32 $0xFFFFE0C0  }
0x65: {  	_ =	swait.ge [sflag:s19], $0x1F40  }
0x66: {  	[sflag:s19] =	ssyncset.done $0x0  }
0x67: {  	[sflag:s19] =	ssyncadd.s32 $0xFFFFE0C0  }
0x68: {  	s9 =	smov.u32 s6;
	_ =	swait.ge [sflag:s20], $0x3E8  }
0x69: {  	s9 =	sshra.s32 s9, $0x2;
	[sflag:s20] =	ssyncset.done $0x0  }
0x6a: {  	s10 =	sadd.s32 $0x80, s9;
	[sflag:s20] =	ssyncadd.s32 $0xFFFFFC18  }
0x6b: {  	[tilespmem:s21], [sflag:$0x4] =	stream.indirect.gather [hbm4b:s3+s14], $0x40, s10, s14, $0xb8;
	[tilespmem:$0x91D0] =	vst v63  }
0x6c: {  	s13 =	sadd.s32 $0x700, s9  }
0x6d: {  	[tilespmem:s22], [sflag:$0x5] =	stream.indirect.gather [hbm4b:s3+s14], $0x40, s13, s14, $0xb8;
	[tilespmem:$0x91D0] =	vst v63  }
0x6e: {  	s8 =	sadd.s32 $0x7D0, s8;
	s12 =	rddreg [dreg:$0x4]  }
0x6f: {  	[tilespmem:s23], [sflag:$0x6] =	stream.indirect.gather [hbm4b:s4+s14], $0x8, s10, s14, $0xb8;
	[tilespmem:$0x91D0] =	vst v63  }
0x70: {  	s12 =	sadd.s32 s8, s12;
	s13 =	rddreg [dreg:$0x3]  }
0x71: {  	[hbm4b:s12+s2] =	stream.linear.scatter [tilespmem:s15], [sflag:$0x7], $0x1F40, $0x38;
	[tilespmem:$0x91D0] =	vst v63  }
0x72: {  	s12 =	sadd.s32 s8, s13  }
0x73: {  	[hbm4b:s12+s2] =	stream.linear.scatter [tilespmem:s16], [sflag:$0x8], $0x1F40, $0x38;
	[tilespmem:$0x91D0] =	vst v63  }
0x74: {  	s11 =	sadd.s32 $0xFA, s11  }
0x75: {  	[hbm4b:s11+s2] =	stream.linear.scatter [tilespmem:s17], [sflag:$0x9], $0x3E8, $0x38;
	[tilespmem:$0x91D0] =	vst v63  }
0x76: {  	_ =	swait.ge [sflag:s24], $0x1F40  }
0x77: {  	[sflag:s24] =	ssyncset.done $0x0  }
0x78: {  	[sflag:s24] =	ssyncadd.s32 $0xFFFFE0C0  }
0x79: {  	_ =	swait.ge [sflag:s25], $0x1F40  }
0x7a: {  	[sflag:s25] =	ssyncset.done $0x0  }
0x7b: {  	[sflag:s25] =	ssyncadd.s32 $0xFFFFE0C0  }
0x7c: {  	_ =	swait.ge [sflag:s26], $0x3E8  }
0x7d: {  	[sflag:s26] =	ssyncset.done $0x0  }
0x7e: {  	[sflag:s26] =	ssyncadd.s32 $0xFFFFFC18  }
0x7f: {  	_ =	swait.ge [sflag:s28], $0x1F40  }
0x80: {  	[sflag:s28] =	ssyncset.done $0x0  }
0x81: {  	[sflag:s28] =	ssyncadd.s32 $0xFFFFE0C0  }
0x82: {  	_ =	swait.ge [sflag:s29], $0x1F40  }
0x83: {  	[sflag:s29] =	ssyncset.done $0x0  }
0x84: {  	[sflag:s29] =	ssyncadd.s32 $0xFFFFE0C0  }
0x85: {  	_ =	swait.ge [sflag:s30], $0x3E8  }
0x86: {  	[sflag:s30] =	ssyncset.done $0x0  }
0x87: {  	s10 =	sadd.s32 $0x100, s9;
	[sflag:s30] =	ssyncadd.s32 $0xFFFFFC18  }
0x88: {  	[tilespmem:s15], [sflag:$0x1] =	stream.indirect.gather [hbm4b:s3+s14], $0x40, s10, s14, $0xb8;
	[tilespmem:$0x91D0] =	vst v63  }
0x89: {  	s9 =	sadd.s32 $0x780, s9  }
0x8a: {  	[tilespmem:s16], [sflag:$0x2] =	stream.indirect.gather [hbm4b:s3+s14], $0x40, s9, s14, $0xb8;
	[tilespmem:$0x91D0] =	vst v63  }
0x8b: {  	s12 =	rddreg [dreg:$0x5]  }
0x8c: {  	[tilespmem:s17], [sflag:$0x3] =	stream.indirect.gather [hbm4b:s4+s14], $0x8, s10, s14, $0xb8;
	[tilespmem:$0x91D0] =	vst v63  }
0x8d: {  	s13 =	rddreg [dreg:$0x6];
	s12 =	sadd.s32 s8, s12  }
0x8e: {  	[hbm4b:s12+s2] =	stream.linear.scatter [tilespmem:s21], [sflag:$0xA], $0x1F40, $0x38;
	[tilespmem:$0x91D0] =	vst v63  }
0x8f: {  	s9 =	sadd.s32 s8, s13  }
0x90: {  	[hbm4b:s9+s2] =	stream.linear.scatter [tilespmem:s22], [sflag:$0xB], $0x1F40, $0x38;
	[tilespmem:$0x91D0] =	vst v63  }
0x91: {  	s13 =	sadd.s32 $0x7D, s11  }
0x92: {  	[hbm4b:s13+s2] =	stream.linear.scatter [tilespmem:s23], [sflag:$0xC], $0x3E8, $0x38;
	[tilespmem:$0x91D0] =	vst v63  }
0x93: {  	_ =	swait.ge [sflag:s31], $0x1F40  }
0x94: {  	[sflag:s31] =	ssyncset.done $0x0  }
0x95: {  	p0 =	sne.s32 s6, $0x1400;
	[sflag:s31] =	ssyncadd.s32 $0xFFFFE0C0  }
.Ltmp0:
0x96: {  	_ =	swait.ge [sflag:s0], $0x1F40;
	(pc) =	sbr.rel @p0 .LBB2_2-.Ltmp0, $4  }
0x97: {  	[sflag:s0] =	ssyncset.done $0x0  }
0x98: {  	[sflag:s0] =	ssyncadd.s32 $0xFFFFE0C0  }
0x99: {  	_ =	swait.ge [sflag:s1], $0x3E8  }
0x9a: {  	s6 =	sadd.s32 $0x400, s6;
	[sflag:s1] =	ssyncset.done $0x0  }
0x9b: {  	[sflag:s1] =	ssyncadd.s32 $0xFFFFFC18  }
0x9c: {  	_ =	swait.ge [sflag:s18], $0x1F40  }
0x9d: {  	[sflag:s18] =	ssyncset.done $0x0  }
0x9e: {  	[sflag:s18] =	ssyncadd.s32 $0xFFFFE0C0  }
0x9f: {  	_ =	swait.ge [sflag:s19], $0x1F40  }
0xa0: {  	[sflag:s19] =	ssyncset.done $0x0  }
0xa1: {  	[sflag:s19] =	ssyncadd.s32 $0xFFFFE0C0  }
0xa2: {  	_ =	swait.ge [sflag:s20], $0x3E8  }
0xa3: {  	[sflag:s20] =	ssyncset.done $0x0  }
0xa4: {  	s6 =	rddreg [dreg:$0x9];
	[sflag:s20] =	ssyncadd.s32 $0xFFFFFC18  }
0xa5: {  	[hbm4b:s6+s2] =	stream.linear.scatter [tilespmem:s15], [sflag:$0x7], $0x1F40, $0x38;
	[tilespmem:$0x91D0] =	vst v63  }
0xa6: {  	s11 =	rddreg [dreg:$0xa]  }
0xa7: {  	[hbm4b:s11+s2] =	stream.linear.scatter [tilespmem:s16], [sflag:$0x8], $0x1F40, $0x38;
	[tilespmem:$0x91D0] =	vst v63  }
0xa8: {  	s12 =	rddreg [dreg:$0xb]  }
0xa9: {  	[hbm4b:s12+s2] =	stream.linear.scatter [tilespmem:s17], [sflag:$0x9], $0x3E8, $0x38;
	[tilespmem:$0x91D0] =	vst v63  }
0xaa: {  	_ =	swait.ge [sflag:s28], $0x1F40  }
0xab: {  	[sflag:s28] =	ssyncset.done $0x0  }
0xac: {  	[sflag:s28] =	ssyncadd.s32 $0xFFFFE0C0  }
0xad: {  	_ =	swait.ge [sflag:s29], $0x1F40  }
0xae: {  	[sflag:s29] =	ssyncset.done $0x0  }
0xaf: {  	[sflag:s29] =	ssyncadd.s32 $0xFFFFE0C0  }
0xb0: {  	_ =	swait.ge [sflag:s30], $0x3E8  }
0xb1: {  	s5 =	sadd.s32 $0x1, s5;
	s13 =	rddreg [dreg:$0xc]  }
0xb2: {  	p0 =	sne.s32 s5, s13  }
.Ltmp1:
0xb3: {  	_ = 	snop;
	(pc) =	sbr.rel @p0 .LBB2_1-.Ltmp1, $3  }
0xb4: {  	_ =	sdelay $0x1  }
0xb5: {  	[sflag:s30] =	ssyncset.done $0x0  }
0xb6: {  	[sflag:s30] =	ssyncadd.s32 $0xFFFFFC18  }
0xb7: {  	_ =	sfence.sel $0x180000  }
0xb8: {  	[bflag:$0x0] =	sbarrier.arrive $0xFFFF  }
0xb9: {  	_ =	strace $0x90000053  }
0xba: {  	s0 =	stileid.u32;
	[bflag:$0x2] =	sbarrier.arrive $0xFFFF  }
0xbb: {  	p0 =	sne.s32 s0, $0x0;
	s0 =	rddreg [dreg:$0x2]  }
0xbc: {  	s0 =	sadd.s32 @!p0 $0x100000, s0  }
0xbd: {  	[sflag:s0] =	ssyncadd.tile.s32 @!p0 $0x1;
	_ =	shalt  }
.Lfunc_end2:
_tile_overlayer_lowered:
.L_overlay_start_2:
0xbe: {  	(tag) =	ssettag $0x2  }
0xbf: {  	s0 =	rddreg [dreg:$0x0];
	s2 =	stileid.u32  }
0xc0: {  	s1 =	rddreg [dreg:$0x1];
	p0 =	sne.s32 s2, $0x0  }
0xc1: {  	s3 =	rddreg [dreg:$0x2];
	[bflag:$0x3] =	sbarrier.arrive $0xFFFF;
	s2 =	simm.s32 @!p0 $0x1C0D  }
0xc2: {  	[timem:s3], [sflag:s2] =	dma.local @!p0 [hbm:s0], s1  }
0xc3: {  	s0 =	simm.s32 @!p0 $0xD  }
0xc4: {  	_ =	swait.ge @!p0 [sflag:s0], s1  }
0xc5: {  	s1 =	ssub.s32 @!p0 $0x0, s1;
	[sflag:s0] =	ssyncset.done @!p0 $0x0  }
0xc6: {  	[sflag:s0] =	ssyncadd.s32 @!p0 s1  }
0xc7: {  	[bflag:$0x3] =	sbarrier.arrive $0xFFFF  }
0xc8: {  	_ =	shalt  }

</sc_bundles>
